<compile_context>
chip_gen: v7x
topology: tpu7x:2x2x1
jax: 0.10.2.dev20260603
libtpu: 0.0.44.dev20260713+nightly
codegen_flags: <defaults>
</compile_context>

<pallas_src>
import functools

import jax
import jax.numpy as jnp
from jax import lax
from jax.experimental import pallas as pl
from jax.experimental.pallas import tpu as pltpu
from jax.experimental.pallas import tpu_sc as plsc

N = 10000
DIN = 128
H1 = 8
C1 = 16
D1 = 128
D2 = 64
E_RAW = 320000
E2 = E_RAW + N
CH = 96
NWORK = 32
K_CH = 2 * (-(-E2 // (NWORK * CH * 2)))
TOT = NWORK * K_CH * CH
RPT = 8 * (-(-(N + 1) // (16 * 8)))
ROWS = RPT * 16
BN = 1000


def _k1_body(x_ref, w_ref, ai_ref, aj_ref, x1_out, ai_out, aj_out):
    x1 = jnp.dot(x_ref[...], w_ref[...], preferred_element_type=jnp.float32)
    x1_out[...] = x1
    ai_out[...] = jnp.dot(x1, ai_ref[...], preferred_element_type=jnp.float32)
    aj_out[...] = jnp.dot(x1, aj_ref[...], preferred_element_type=jnp.float32)


def _tc_stage1(x, W1, Ai, Aj):
    grid = (N // BN,)
    return pl.pallas_call(
        _k1_body,
        grid=grid,
        in_specs=[
            pl.BlockSpec((BN, DIN), lambda i: (i, 0)),
            pl.BlockSpec((DIN, D1), lambda i: (0, 0)),
            pl.BlockSpec((D1, 16), lambda i: (0, 0)),
            pl.BlockSpec((D1, 16), lambda i: (0, 0)),
        ],
        out_specs=[
            pl.BlockSpec((BN, D1), lambda i: (i, 0)),
            pl.BlockSpec((BN, 16), lambda i: (i, 0)),
            pl.BlockSpec((BN, 16), lambda i: (i, 0)),
        ],
        out_shape=[
            jax.ShapeDtypeStruct((N, D1), jnp.float32),
            jax.ShapeDtypeStruct((N, 16), jnp.float32),
            jax.ShapeDtypeStruct((N, 16), jnp.float32),
        ],
    )(x, W1, Ai, Aj)


def _k2_body(num_ref, den_ref, b1_ref, w2_ref, a2i_ref, a2j_ref, sel_ref,
             x2_out, ai2_out, aj2_out):
    num = num_ref[0] + num_ref[1]
    den = den_ref[0] + den_ref[1]
    denb = jnp.dot(den, sel_ref[...], preferred_element_type=jnp.float32)
    h = num / (denb + 1e-16) + b1_ref[...]
    h = jnp.where(h > 0, h, jnp.exp(jnp.minimum(h, 0.0)) - 1.0)
    x2 = jnp.dot(h, w2_ref[...], preferred_element_type=jnp.float32)
    x2_out[...] = x2
    ai2_out[...] = jnp.dot(x2, a2i_ref[...], preferred_element_type=jnp.float32)
    aj2_out[...] = jnp.dot(x2, a2j_ref[...], preferred_element_type=jnp.float32)


def _tc_stage2(num_parts, den_parts, b1, W2, A2i, A2j, SEL):
    grid = (N // BN,)
    return pl.pallas_call(
        _k2_body,
        grid=grid,
        in_specs=[
            pl.BlockSpec((2, BN, D1), lambda i: (0, i, 0)),
            pl.BlockSpec((2, BN, 16), lambda i: (0, i, 0)),
            pl.BlockSpec((1, D1), lambda i: (0, 0)),
            pl.BlockSpec((D1, D2), lambda i: (0, 0)),
            pl.BlockSpec((D2, 16), lambda i: (0, 0)),
            pl.BlockSpec((D2, 16), lambda i: (0, 0)),
            pl.BlockSpec((16, D1), lambda i: (0, 0)),
        ],
        out_specs=[
            pl.BlockSpec((BN, D2), lambda i: (i, 0)),
            pl.BlockSpec((BN, 16), lambda i: (i, 0)),
            pl.BlockSpec((BN, 16), lambda i: (i, 0)),
        ],
        out_shape=[
            jax.ShapeDtypeStruct((N, D2), jnp.float32),
            jax.ShapeDtypeStruct((N, 16), jnp.float32),
            jax.ShapeDtypeStruct((N, 16), jnp.float32),
        ],
    )(num_parts, den_parts, b1, W2, A2i, A2j, SEL)


def _k3_body(num_ref, den_ref, b2_ref, out_ref):
    num = num_ref[0] + num_ref[1]
    den = den_ref[0] + den_ref[1]
    out_ref[...] = num / (den[:, 0:1] + 1e-16) + b2_ref[...]


def _tc_stage3(num_parts, den_parts, b2):
    grid = (N // BN,)
    return pl.pallas_call(
        _k3_body,
        grid=grid,
        in_specs=[
            pl.BlockSpec((2, BN, D2), lambda i: (0, i, 0)),
            pl.BlockSpec((2, BN, 16), lambda i: (0, i, 0)),
            pl.BlockSpec((1, D2), lambda i: (0, 0)),
        ],
        out_specs=pl.BlockSpec((BN, D2), lambda i: (i, 0)),
        out_shape=jax.ShapeDtypeStruct((N, D2), jnp.float32),
    )(num_parts, den_parts, b2)


def _make_edge_kernel(D, heads_for_blocks):
    blocks = D // 16
    mesh = plsc.VectorSubcoreMesh(core_axis_name="c", subcore_axis_name="s")

    @functools.partial(
        pl.kernel,
        mesh=mesh,
        compiler_params=pltpu.CompilerParams(use_tc_tiling_on_sc=False),
        out_type=(
            jax.ShapeDtypeStruct((2, ROWS, D), jnp.float32),
            jax.ShapeDtypeStruct((2, ROWS, 16), jnp.float32),
        ),
        scratch_types=(
            [pltpu.VMEM((CH,), jnp.int32)] * 6
            + [pltpu.VMEM((CH, 16), jnp.float32)] * 4
            + [pltpu.VMEM((CH, D), jnp.float32)] * 2
            + [pltpu.VMEM((CH, 16), jnp.float32)] * 2
            + [
                pltpu.VMEM_SHARED((ROWS, D), jnp.float32),
                pltpu.VMEM_SHARED((ROWS, 16), jnp.float32),
                pltpu.SemaphoreType.DMA,
                pltpu.SemaphoreType.DMA,
                pltpu.SemaphoreType.DMA,
                pltpu.SemaphoreType.DMA,
            ]
        ),
    )
    def edge_kernel(src_hbm, dsts_hbm, dstg_hbm, xtab, aitab, ajtab,
                    zd_hbm, z16_hbm, num_out, den_out,
                    src0, src1, dsts0, dsts1, dstg0, dstg1,
                    ai0, ai1, aj0, aj1, x0, x1, w0, w1,
                    num_sh, den_sh, semi0, semi1, semg0, semg1):
        c = lax.axis_index("c")
        s = lax.axis_index("s")
        wid = c * 16 + s
        bufs = (
            (src0, dsts0, dstg0, ai0, aj0, x0, w0, semi0, semg0),
            (src1, dsts1, dstg1, ai1, aj1, x1, w1, semi1, semg1),
        )

        pltpu.sync_copy(zd_hbm, num_sh.at[pl.ds(s * RPT, RPT)])
        pltpu.sync_copy(z16_hbm, den_sh.at[pl.ds(s * RPT, RPT)])
        plsc.subcore_barrier()

        def fire_idx(k, buf):
            src_v, dsts_v, dstg_v = buf[0], buf[1], buf[2]
            semi = buf[7]
            base = (wid * K_CH + k) * CH
            pltpu.async_copy(src_hbm.at[pl.ds(base, CH)], src_v, semi)
            pltpu.async_copy(dsts_hbm.at[pl.ds(base, CH)], dsts_v, semi)
            pltpu.async_copy(dstg_hbm.at[pl.ds(base, CH)], dstg_v, semi)

        def fire_gathers(k, buf):
            src_v, dsts_v, dstg_v, ai_v, aj_v, x_v, _, semi, semg = buf
            base = (wid * K_CH + k) * CH
            pltpu.make_async_copy(src_hbm.at[pl.ds(base, CH)], src_v, semi).wait()
            pltpu.make_async_copy(dsts_hbm.at[pl.ds(base, CH)], dsts_v, semi).wait()
            pltpu.make_async_copy(dstg_hbm.at[pl.ds(base, CH)], dstg_v, semi).wait()
            pltpu.async_copy(aitab.at[dstg_v], ai_v, semg)
            pltpu.async_copy(ajtab.at[src_v], aj_v, semg)
            pltpu.async_copy(xtab.at[src_v], x_v, semg)

        def consume(buf):
            src_v, dsts_v, dstg_v, ai_v, aj_v, x_v, w_v, semi, semg = buf
            pltpu.make_async_copy(aitab.at[dstg_v], ai_v, semg).wait()
            pltpu.make_async_copy(ajtab.at[src_v], aj_v, semg).wait()
            pltpu.make_async_copy(xtab.at[src_v], x_v, semg).wait()

            @plsc.parallel_loop(0, CH, unroll=32)
            def _edge(e):
                sv = ai_v[e, :] + aj_v[e, :]
                sv = jnp.where(sv > 0, sv, 0.2 * sv)
                wv = jnp.exp(sv)
                w_v[e, :] = wv
                for b in range(blocks):
                    ws = wv[heads_for_blocks[b]]
                    x_v[e, pl.ds(16 * b, 16)] = x_v[e, pl.ds(16 * b, 16)] * ws
            pltpu.sync_copy(x_v, num_sh.at[dsts_v], add=True)
            pltpu.sync_copy(w_v, den_sh.at[dsts_v], add=True)

        fire_idx(0, bufs[0])
        fire_gathers(0, bufs[0])

        def pair(i, carry):
            k2 = i * 2
            for b in (0, 1):
                k = k2 + b

                @pl.when(k + 1 < K_CH)
                def _prefetch():
                    fire_idx(k + 1, bufs[1 - b])
                    fire_gathers(k + 1, bufs[1 - b])

                consume(bufs[b])
            return carry

        lax.fori_loop(0, K_CH // 2, pair, 0)
        plsc.subcore_barrier()

        pltpu.sync_copy(num_sh.at[pl.ds(s * RPT, RPT)],
                        num_out.at[c, pl.ds(s * RPT, RPT)])
        pltpu.sync_copy(den_sh.at[pl.ds(s * RPT, RPT)],
                        den_out.at[c, pl.ds(s * RPT, RPT)])

    return edge_kernel


_make_edge_kernel = functools.lru_cache(maxsize=None)(_make_edge_kernel)


def kernel(x, edge_index, W1, att1, b1, W2, att2, b2):
    f32 = jnp.float32
    i32 = jnp.int32

    src, dst = edge_index[0], edge_index[1]
    keep = src != dst
    dst = jnp.where(keep, dst, N)
    loop = jnp.arange(N, dtype=i32)
    src_all = jnp.concatenate([src, loop])
    dst_all = jnp.concatenate([dst, loop])
    pad = TOT - E2
    src_all = jnp.concatenate([src_all, jnp.zeros((pad,), i32)])
    dst_scat = jnp.concatenate([dst_all, jnp.full((pad,), N, i32)])
    dst_gath = jnp.minimum(dst_scat, N - 1)

    atti = att1[0, :, :C1]
    attj = att1[0, :, C1:]
    eye = jnp.eye(H1, dtype=f32)
    Ai = (eye[:, None, :] * atti[:, :, None]).reshape(D1, H1)
    Aj = (eye[:, None, :] * attj[:, :, None]).reshape(D1, H1)
    Ai = jnp.pad(Ai, ((0, 0), (0, 16 - H1)))
    Aj = jnp.pad(Aj, ((0, 0), (0, 16 - H1)))
    A2i = jnp.broadcast_to(att2[0, 0, :D2][:, None], (D2, 16)).astype(f32)
    A2j = jnp.broadcast_to(att2[0, 0, D2:][:, None], (D2, 16)).astype(f32)
    SEL = jnp.kron(jnp.eye(H1, dtype=f32), jnp.ones((1, C1), f32))
    SEL = jnp.pad(SEL, ((0, 16 - H1), (0, 0)))

    z128 = jnp.zeros((RPT, D1), f32)
    z64 = jnp.zeros((RPT, D2), f32)
    z16 = jnp.zeros((RPT, 16), f32)

    x1, ai, aj = _tc_stage1(x, W1, Ai, Aj)
    num1, den1 = _make_edge_kernel(D1, tuple(range(H1)))(
        src_all, dst_scat, dst_gath, x1, ai, aj, z128, z16)
    x2, ai2, aj2 = _tc_stage2(num1, den1, b1.reshape(1, D1),
                              W2, A2i, A2j, SEL)
    num2, den2 = _make_edge_kernel(D2, (0, 0, 0, 0))(
        src_all, dst_scat, dst_gath, x2, ai2, aj2, z64, z16)
    return _tc_stage3(num2, den2, b2.reshape(1, D2))

# --- scband reference (transcript-rebuilt; emitter-appended) ---
"""Pipeline reference for scband-gat-69106023793064 (READ-ONLY COPY).

The authoritative reference and input builder live on the scoring server;
editing this copy changes nothing except your own understanding.
"""

import jax, jax.numpy as jnp
import numpy as np


def glorot(key, shape):
    stdv = float(np.sqrt(6.0 / (shape[-2] + shape[-1])))
    return jax.random.uniform(key, shape, minval=-stdv, maxval=stdv, dtype=jnp.float32)


def setup_inputs(seed: int = 0) -> dict:
    key = jax.random.key(seed)
    ks = jax.random.split(key, 8)
    N, d_in, hidden, d_out = 10000, 128, 128, 64
    H1, C1 = 8, hidden // 8
    E = 320000
    x = jax.random.normal(ks[0], (N, d_in), dtype=jnp.float32)
    edge_index = jax.random.randint(ks[1], (2, E), 0, N, dtype=jnp.int32)
    W1 = glorot(ks[2], (d_in, H1 * C1))            # [128, 128]
    att1 = glorot(ks[3], (1, H1, 2 * C1))          # [1, 8, 32]
    b1 = jnp.zeros((H1 * C1,), dtype=jnp.float32)  # [128]
    W2 = glorot(ks[4], (hidden, d_out))            # [128, 64]
    att2 = glorot(ks[5], (1, 1, 2 * d_out))        # [1, 1, 128]
    b2 = jnp.zeros((d_out,), dtype=jnp.float32)    # [64]
    return {"x": x, "edge_index": edge_index, "W1": W1, "att1": att1, "b1": b1,
            "W2": W2, "att2": att2, "b2": b2}


def _add_self_loops(edge_index, N):
    src, dst = edge_index[0], edge_index[1]
    mask = src != dst
    dst = jnp.where(mask, dst, jnp.asarray(N, dtype=edge_index.dtype))
    loop = jnp.arange(N, dtype=edge_index.dtype)
    return jnp.stack([jnp.concatenate([src, loop]), jnp.concatenate([dst, loop])])


def _gat_conv(x, edge_index, W, att, b, heads, out_ch, concat, N):
    x = x @ W                                     # [N, heads*out_ch]
    src, dst = edge_index[0], edge_index[1]
    xj = jnp.take(x, src, axis=0).reshape(-1, heads, out_ch)
    xi = jnp.take(x, dst, axis=0).reshape(-1, heads, out_ch)
    alpha = (jnp.concatenate([xi, xj], axis=-1) * att).sum(axis=-1)   # [E, heads]
    alpha = jax.nn.leaky_relu(alpha, 0.2)
    amax = jax.lax.stop_gradient(jax.ops.segment_max(alpha, dst, num_segments=N))
    alpha = jnp.exp(alpha - amax[dst])
    denom = jax.ops.segment_sum(alpha, dst, num_segments=N)
    alpha = alpha / (denom[dst] + 1e-16)
    # dropout on alpha disabled (eval mode)
    msg = xj * alpha[..., None]                   # [E, heads, out_ch]
    out = jax.ops.segment_sum(msg, dst, num_segments=N)   # [N, heads, out_ch]
    if concat:
        out = out.reshape(N, heads * out_ch)
    else:
        out = out.mean(axis=1)
    return out + b


def reference(x, edge_index, W1, att1, b1, W2, att2, b2):
    N = x.shape[0]
    ei = _add_self_loops(edge_index, N)
    # input dropout disabled (eval mode)
    h = _gat_conv(x, ei, W1, att1, b1, 8, 16, True, N)
    h = jax.nn.elu(h)
    out = _gat_conv(h, ei, W2, att2, b2, 1, 64, False, N)
    return out

if __name__ == "__main__":
    import jax
    _d = setup_inputs()
    print(jax.jit(kernel)(*tuple(_d.values())))

</pallas_src>

<mosaic_0001>
#map = affine_map<(d0, d1) -> (0)>
#map1 = affine_map<(d0, d1) -> (0, 0)>
#map2 = affine_map<(d0, d1) -> (0, 0, 0)>
module attributes {stable_mosaic.version = 14 : i64} {
  func.func @edge_kernel(%arg0: i32, %arg1: i32, %arg2: memref<331776xi32, #tpu.memory_space<hbm>>, %arg3: memref<331776xi32, #tpu.memory_space<hbm>>, %arg4: memref<331776xi32, #tpu.memory_space<hbm>>, %arg5: memref<10000x128xf32, #tpu.memory_space<hbm>>, %arg6: memref<10000x16xf32, #tpu.memory_space<hbm>>, %arg7: memref<10000x16xf32, #tpu.memory_space<hbm>>, %arg8: memref<632x128xf32, #tpu.memory_space<hbm>>, %arg9: memref<632x16xf32, #tpu.memory_space<hbm>>, %arg10: memref<2x10112x128xf32, #tpu.memory_space<hbm>>, %arg11: memref<2x10112x16xf32, #tpu.memory_space<hbm>>, %arg12: memref<96xi32, #tpu.memory_space<vmem>>, %arg13: memref<96xi32, #tpu.memory_space<vmem>>, %arg14: memref<96xi32, #tpu.memory_space<vmem>>, %arg15: memref<96xi32, #tpu.memory_space<vmem>>, %arg16: memref<96xi32, #tpu.memory_space<vmem>>, %arg17: memref<96xi32, #tpu.memory_space<vmem>>, %arg18: memref<96x16xf32, #tpu.memory_space<vmem>>, %arg19: memref<96x16xf32, #tpu.memory_space<vmem>>, %arg20: memref<96x16xf32, #tpu.memory_space<vmem>>, %arg21: memref<96x16xf32, #tpu.memory_space<vmem>>, %arg22: memref<96x128xf32, #tpu.memory_space<vmem>>, %arg23: memref<96x128xf32, #tpu.memory_space<vmem>>, %arg24: memref<96x16xf32, #tpu.memory_space<vmem>>, %arg25: memref<96x16xf32, #tpu.memory_space<vmem>>, %arg26: memref<10112x128xf32, #tpu.memory_space<vmem_shared>>, %arg27: memref<10112x16xf32, #tpu.memory_space<vmem_shared>>, %arg28: memref<!tpu.dma_semaphore, #tpu.memory_space<semaphore_mem>>, %arg29: memref<!tpu.dma_semaphore, #tpu.memory_space<semaphore_mem>>, %arg30: memref<!tpu.dma_semaphore, #tpu.memory_space<semaphore_mem>>, %arg31: memref<!tpu.dma_semaphore, #tpu.memory_space<semaphore_mem>>) attributes {dimension_semantics = [#tpu.dimension_semantics<core_parallel>, #tpu.dimension_semantics<subcore_parallel>], iteration_bounds = array<i64: 2, 16>, scalar_prefetch = 0 : i64, scratch_operands = 20 : i64, tpu.core_type = #tpu.core_type<sc_vector_subcore>, window_params = [{transform_indices = #map}, {transform_indices = #map}, {transform_indices = #map}, {transform_indices = #map1}, {transform_indices = #map1}, {transform_indices = #map1}, {transform_indices = #map1}, {transform_indices = #map1}, {transform_indices = #map2}, {transform_indices = #map2}]} {
    %mul3A = arith.constant 16 : i32
    %mul3A_0 = arith.muli %arg0, %mul3A : i32
    %add3A = arith.addi %mul3A_0, %arg1 : i32
    %mul3A_1 = arith.constant 632 : i32
    %mul3A_2 = arith.muli %arg1, %mul3A_1 : i32
    "tpu.region"() ({
      %run_scoped3A = tpu.sem_alloc : memref<!tpu.dma_semaphore, #tpu.memory_space<semaphore_mem>>
      %dma_start3A_50 = arith.constant 0 : i32
      %dma_start3A_51 = tpu.memref_slice %arg26[%mul3A_2, %dma_start3A_50] : memref<10112x128xf32, #tpu.memory_space<vmem_shared>> -> memref<632x128xf32, #tpu.memory_space<vmem_shared>>
      tpu.enqueue_dma source(%arg8 : memref<632x128xf32, #tpu.memory_space<hbm>>) target(%dma_start3A_51 : memref<632x128xf32, #tpu.memory_space<vmem_shared>>) target_semaphore(%run_scoped3A : memref<!tpu.dma_semaphore, #tpu.memory_space<semaphore_mem>>)
      %dma_wait3A_52 = arith.constant 0 : i32
      %dma_wait3A_53 = tpu.memref_slice %arg26[%mul3A_2, %dma_wait3A_52] : memref<10112x128xf32, #tpu.memory_space<vmem_shared>> -> memref<632x128xf32, #tpu.memory_space<vmem_shared>>
      tpu.wait_dma2 semaphore(%run_scoped3A : memref<!tpu.dma_semaphore, #tpu.memory_space<semaphore_mem>>) src(%arg8 : memref<632x128xf32, #tpu.memory_space<hbm>>) dst(%dma_wait3A_53 : memref<632x128xf32, #tpu.memory_space<vmem_shared>>)
      tpu.yield
    }) : () -> ()
    %mul3A_3 = arith.constant 632 : i32
    %mul3A_4 = arith.muli %arg1, %mul3A_3 : i32
    "tpu.region"() ({
      %run_scoped3A = tpu.sem_alloc : memref<!tpu.dma_semaphore, #tpu.memory_space<semaphore_mem>>
      %dma_start3A_50 = arith.constant 0 : i32
      %dma_start3A_51 = tpu.memref_slice %arg27[%mul3A_4, %dma_start3A_50] : memref<10112x16xf32, #tpu.memory_space<vmem_shared>> -> memref<632x16xf32, #tpu.memory_space<vmem_shared>>
      tpu.enqueue_dma source(%arg9 : memref<632x16xf32, #tpu.memory_space<hbm>>) target(%dma_start3A_51 : memref<632x16xf32, #tpu.memory_space<vmem_shared>>) target_semaphore(%run_scoped3A : memref<!tpu.dma_semaphore, #tpu.memory_space<semaphore_mem>>)
      %dma_wait3A_52 = arith.constant 0 : i32
      %dma_wait3A_53 = tpu.memref_slice %arg27[%mul3A_4, %dma_wait3A_52] : memref<10112x16xf32, #tpu.memory_space<vmem_shared>> -> memref<632x16xf32, #tpu.memory_space<vmem_shared>>
      tpu.wait_dma2 semaphore(%run_scoped3A : memref<!tpu.dma_semaphore, #tpu.memory_space<semaphore_mem>>) src(%arg9 : memref<632x16xf32, #tpu.memory_space<hbm>>) dst(%dma_wait3A_53 : memref<632x16xf32, #tpu.memory_space<vmem_shared>>)
      tpu.yield
    }) : () -> ()
    %barrier3A = arith.constant 0 : index
    tpu.barrier barrier_id(%barrier3A)
    %mul3A_5 = arith.constant 108 : i32
    %mul3A_6 = arith.muli %add3A, %mul3A_5 : i32
    %add3A_7 = arith.constant 0 : i32
    %add3A_8 = arith.addi %mul3A_6, %add3A_7 : i32
    %mul3A_9 = arith.constant 96 : i32
    %mul3A_10 = arith.muli %add3A_8, %mul3A_9 : i32
    %dma_start3A = tpu.memref_slice %arg2[%mul3A_10] : memref<331776xi32, #tpu.memory_space<hbm>> -> memref<96xi32, #tpu.memory_space<hbm>>
    %dma_start3A_11 = tpu.memref_slice %arg2[%mul3A_10] : memref<331776xi32, #tpu.memory_space<hbm>> -> memref<96xi32, #tpu.memory_space<hbm>>
    tpu.enqueue_dma source(%dma_start3A_11 : memref<96xi32, #tpu.memory_space<hbm>>) target(%arg12 : memref<96xi32, #tpu.memory_space<vmem>>) target_semaphore(%arg28 : memref<!tpu.dma_semaphore, #tpu.memory_space<semaphore_mem>>)
    %dma_start3A_12 = tpu.memref_slice %arg3[%mul3A_10] : memref<331776xi32, #tpu.memory_space<hbm>> -> memref<96xi32, #tpu.memory_space<hbm>>
    %dma_start3A_13 = tpu.memref_slice %arg3[%mul3A_10] : memref<331776xi32, #tpu.memory_space<hbm>> -> memref<96xi32, #tpu.memory_space<hbm>>
    tpu.enqueue_dma source(%dma_start3A_13 : memref<96xi32, #tpu.memory_space<hbm>>) target(%arg14 : memref<96xi32, #tpu.memory_space<vmem>>) target_semaphore(%arg28 : memref<!tpu.dma_semaphore, #tpu.memory_space<semaphore_mem>>)
    %dma_start3A_14 = tpu.memref_slice %arg4[%mul3A_10] : memref<331776xi32, #tpu.memory_space<hbm>> -> memref<96xi32, #tpu.memory_space<hbm>>
    %dma_start3A_15 = tpu.memref_slice %arg4[%mul3A_10] : memref<331776xi32, #tpu.memory_space<hbm>> -> memref<96xi32, #tpu.memory_space<hbm>>
    tpu.enqueue_dma source(%dma_start3A_15 : memref<96xi32, #tpu.memory_space<hbm>>) target(%arg16 : memref<96xi32, #tpu.memory_space<vmem>>) target_semaphore(%arg28 : memref<!tpu.dma_semaphore, #tpu.memory_space<semaphore_mem>>)
    %mul3A_16 = arith.constant 108 : i32
    %mul3A_17 = arith.muli %add3A, %mul3A_16 : i32
    %add3A_18 = arith.constant 0 : i32
    %add3A_19 = arith.addi %mul3A_17, %add3A_18 : i32
    %mul3A_20 = arith.constant 96 : i32
    %mul3A_21 = arith.muli %add3A_19, %mul3A_20 : i32
    %dma_wait3A = tpu.memref_slice %arg2[%mul3A_21] : memref<331776xi32, #tpu.memory_space<hbm>> -> memref<96xi32, #tpu.memory_space<hbm>>
    %dma_wait3A_22 = tpu.memref_slice %arg2[%mul3A_21] : memref<331776xi32, #tpu.memory_space<hbm>> -> memref<96xi32, #tpu.memory_space<hbm>>
    tpu.wait_dma2 semaphore(%arg28 : memref<!tpu.dma_semaphore, #tpu.memory_space<semaphore_mem>>) src(%dma_wait3A_22 : memref<96xi32, #tpu.memory_space<hbm>>) dst(%arg12 : memref<96xi32, #tpu.memory_space<vmem>>)
    %dma_wait3A_23 = tpu.memref_slice %arg3[%mul3A_21] : memref<331776xi32, #tpu.memory_space<hbm>> -> memref<96xi32, #tpu.memory_space<hbm>>
    %dma_wait3A_24 = tpu.memref_slice %arg3[%mul3A_21] : memref<331776xi32, #tpu.memory_space<hbm>> -> memref<96xi32, #tpu.memory_space<hbm>>
    tpu.wait_dma2 semaphore(%arg28 : memref<!tpu.dma_semaphore, #tpu.memory_space<semaphore_mem>>) src(%dma_wait3A_24 : memref<96xi32, #tpu.memory_space<hbm>>) dst(%arg14 : memref<96xi32, #tpu.memory_space<vmem>>)
    %dma_wait3A_25 = tpu.memref_slice %arg4[%mul3A_21] : memref<331776xi32, #tpu.memory_space<hbm>> -> memref<96xi32, #tpu.memory_space<hbm>>
    %dma_wait3A_26 = tpu.memref_slice %arg4[%mul3A_21] : memref<331776xi32, #tpu.memory_space<hbm>> -> memref<96xi32, #tpu.memory_space<hbm>>
    tpu.wait_dma2 semaphore(%arg28 : memref<!tpu.dma_semaphore, #tpu.memory_space<semaphore_mem>>) src(%dma_wait3A_26 : memref<96xi32, #tpu.memory_space<hbm>>) dst(%arg16 : memref<96xi32, #tpu.memory_space<vmem>>)
    %dma_start3A_27 = arith.constant 0 : i32
    %dma_start3A_28 = arith.constant 0 : i32
    %dma_start3A_29 = tpu.memref_slice %arg6[%dma_start3A_27, %dma_start3A_28] : memref<10000x16xf32, #tpu.memory_space<hbm>> -> memref<10000x16xf32, #tpu.memory_space<hbm>>
    tpu.enqueue_indirect_dma source(%dma_start3A_29 : memref<10000x16xf32, #tpu.memory_space<hbm>>) target(%arg18 : memref<96x16xf32, #tpu.memory_space<vmem>>) offsets(%arg16 : memref<96xi32, #tpu.memory_space<vmem>>) semaphore(%arg30 : memref<!tpu.dma_semaphore, #tpu.memory_space<semaphore_mem>>)
    %dma_start3A_30 = arith.constant 0 : i32
    %dma_start3A_31 = arith.constant 0 : i32
    %dma_start3A_32 = tpu.memref_slice %arg7[%dma_start3A_30, %dma_start3A_31] : memref<10000x16xf32, #tpu.memory_space<hbm>> -> memref<10000x16xf32, #tpu.memory_space<hbm>>
    tpu.enqueue_indirect_dma source(%dma_start3A_32 : memref<10000x16xf32, #tpu.memory_space<hbm>>) target(%arg20 : memref<96x16xf32, #tpu.memory_space<vmem>>) offsets(%arg12 : memref<96xi32, #tpu.memory_space<vmem>>) semaphore(%arg30 : memref<!tpu.dma_semaphore, #tpu.memory_space<semaphore_mem>>)
    %dma_start3A_33 = arith.constant 0 : i32
    %dma_start3A_34 = arith.constant 0 : i32
    %dma_start3A_35 = tpu.memref_slice %arg5[%dma_start3A_33, %dma_start3A_34] : memref<10000x128xf32, #tpu.memory_space<hbm>> -> memref<10000x128xf32, #tpu.memory_space<hbm>>
    tpu.enqueue_indirect_dma source(%dma_start3A_35 : memref<10000x128xf32, #tpu.memory_space<hbm>>) target(%arg22 : memref<96x128xf32, #tpu.memory_space<vmem>>) offsets(%arg12 : memref<96xi32, #tpu.memory_space<vmem>>) semaphore(%arg30 : memref<!tpu.dma_semaphore, #tpu.memory_space<semaphore_mem>>)
    %scan3A = arith.constant 0 : i32
    %scan3A_36 = arith.constant 0 : i32
    %scan3A_37 = arith.constant 54 : i32
    %scan3A_38 = arith.addi %scan3A_36, %scan3A_37 : i32
    %scan3A_39 = arith.constant 1 : i32
    scf.for %scan3A_50 = %scan3A_36 to %scan3A_38 step %scan3A_39  : i32 {
      %mul3A_51 = arith.constant 2 : i32
      %mul3A_52 = arith.muli %scan3A_50, %mul3A_51 : i32
      %add3A_53 = arith.constant 0 : i32
      %add3A_54 = arith.addi %mul3A_52, %add3A_53 : i32
      %add3A_55 = arith.constant 1 : i32
      %add3A_56 = arith.addi %add3A_54, %add3A_55 : i32
      %lt3A = arith.constant 108 : i32
      %lt3A_57 = arith.cmpi slt, %add3A_56, %lt3A : i32
      %convert_element_type3A = arith.extui %lt3A_57 : i1 to i32
      %cond3A = arith.constant 0 : i32
      %cond3A_58 = arith.cmpi ne, %convert_element_type3A, %cond3A : i32
      scf.if %cond3A_58 {
        %add3A_91 = arith.constant 1 : i32
        %add3A_92 = arith.addi %add3A_54, %add3A_91 : i32
        %mul3A_93 = arith.constant 108 : i32
        %mul3A_94 = arith.muli %add3A, %mul3A_93 : i32
        %add3A_95 = arith.addi %mul3A_94, %add3A_92 : i32
        %mul3A_96 = arith.constant 96 : i32
        %mul3A_97 = arith.muli %add3A_95, %mul3A_96 : i32
        %dma_start3A_98 = tpu.memref_slice %arg2[%mul3A_97] : memref<331776xi32, #tpu.memory_space<hbm>> -> memref<96xi32, #tpu.memory_space<hbm>>
        %dma_start3A_99 = tpu.memref_slice %arg2[%mul3A_97] : memref<331776xi32, #tpu.memory_space<hbm>> -> memref<96xi32, #tpu.memory_space<hbm>>
        tpu.enqueue_dma source(%dma_start3A_99 : memref<96xi32, #tpu.memory_space<hbm>>) target(%arg13 : memref<96xi32, #tpu.memory_space<vmem>>) target_semaphore(%arg29 : memref<!tpu.dma_semaphore, #tpu.memory_space<semaphore_mem>>)
        %dma_start3A_100 = tpu.memref_slice %arg3[%mul3A_97] : memref<331776xi32, #tpu.memory_space<hbm>> -> memref<96xi32, #tpu.memory_space<hbm>>
        %dma_start3A_101 = tpu.memref_slice %arg3[%mul3A_97] : memref<331776xi32, #tpu.memory_space<hbm>> -> memref<96xi32, #tpu.memory_space<hbm>>
        tpu.enqueue_dma source(%dma_start3A_101 : memref<96xi32, #tpu.memory_space<hbm>>) target(%arg15 : memref<96xi32, #tpu.memory_space<vmem>>) target_semaphore(%arg29 : memref<!tpu.dma_semaphore, #tpu.memory_space<semaphore_mem>>)
        %dma_start3A_102 = tpu.memref_slice %arg4[%mul3A_97] : memref<331776xi32, #tpu.memory_space<hbm>> -> memref<96xi32, #tpu.memory_space<hbm>>
        %dma_start3A_103 = tpu.memref_slice %arg4[%mul3A_97] : memref<331776xi32, #tpu.memory_space<hbm>> -> memref<96xi32, #tpu.memory_space<hbm>>
        tpu.enqueue_dma source(%dma_start3A_103 : memref<96xi32, #tpu.memory_space<hbm>>) target(%arg17 : memref<96xi32, #tpu.memory_space<vmem>>) target_semaphore(%arg29 : memref<!tpu.dma_semaphore, #tpu.memory_space<semaphore_mem>>)
        %add3A_104 = arith.constant 1 : i32
        %add3A_105 = arith.addi %add3A_54, %add3A_104 : i32
        %mul3A_106 = arith.constant 108 : i32
        %mul3A_107 = arith.muli %add3A, %mul3A_106 : i32
        %add3A_108 = arith.addi %mul3A_107, %add3A_105 : i32
        %mul3A_109 = arith.constant 96 : i32
        %mul3A_110 = arith.muli %add3A_108, %mul3A_109 : i32
        %dma_wait3A_111 = tpu.memref_slice %arg2[%mul3A_110] : memref<331776xi32, #tpu.memory_space<hbm>> -> memref<96xi32, #tpu.memory_space<hbm>>
        %dma_wait3A_112 = tpu.memref_slice %arg2[%mul3A_110] : memref<331776xi32, #tpu.memory_space<hbm>> -> memref<96xi32, #tpu.memory_space<hbm>>
        tpu.wait_dma2 semaphore(%arg29 : memref<!tpu.dma_semaphore, #tpu.memory_space<semaphore_mem>>) src(%dma_wait3A_112 : memref<96xi32, #tpu.memory_space<hbm>>) dst(%arg13 : memref<96xi32, #tpu.memory_space<vmem>>)
        %dma_wait3A_113 = tpu.memref_slice %arg3[%mul3A_110] : memref<331776xi32, #tpu.memory_space<hbm>> -> memref<96xi32, #tpu.memory_space<hbm>>
        %dma_wait3A_114 = tpu.memref_slice %arg3[%mul3A_110] : memref<331776xi32, #tpu.memory_space<hbm>> -> memref<96xi32, #tpu.memory_space<hbm>>
        tpu.wait_dma2 semaphore(%arg29 : memref<!tpu.dma_semaphore, #tpu.memory_space<semaphore_mem>>) src(%dma_wait3A_114 : memref<96xi32, #tpu.memory_space<hbm>>) dst(%arg15 : memref<96xi32, #tpu.memory_space<vmem>>)
        %dma_wait3A_115 = tpu.memref_slice %arg4[%mul3A_110] : memref<331776xi32, #tpu.memory_space<hbm>> -> memref<96xi32, #tpu.memory_space<hbm>>
        %dma_wait3A_116 = tpu.memref_slice %arg4[%mul3A_110] : memref<331776xi32, #tpu.memory_space<hbm>> -> memref<96xi32, #tpu.memory_space<hbm>>
        tpu.wait_dma2 semaphore(%arg29 : memref<!tpu.dma_semaphore, #tpu.memory_space<semaphore_mem>>) src(%dma_wait3A_116 : memref<96xi32, #tpu.memory_space<hbm>>) dst(%arg17 : memref<96xi32, #tpu.memory_space<vmem>>)
        %dma_start3A_117 = arith.constant 0 : i32
        %dma_start3A_118 = arith.constant 0 : i32
        %dma_start3A_119 = tpu.memref_slice %arg6[%dma_start3A_117, %dma_start3A_118] : memref<10000x16xf32, #tpu.memory_space<hbm>> -> memref<10000x16xf32, #tpu.memory_space<hbm>>
        tpu.enqueue_indirect_dma source(%dma_start3A_119 : memref<10000x16xf32, #tpu.memory_space<hbm>>) target(%arg19 : memref<96x16xf32, #tpu.memory_space<vmem>>) offsets(%arg17 : memref<96xi32, #tpu.memory_space<vmem>>) semaphore(%arg31 : memref<!tpu.dma_semaphore, #tpu.memory_space<semaphore_mem>>)
        %dma_start3A_120 = arith.constant 0 : i32
        %dma_start3A_121 = arith.constant 0 : i32
        %dma_start3A_122 = tpu.memref_slice %arg7[%dma_start3A_120, %dma_start3A_121] : memref<10000x16xf32, #tpu.memory_space<hbm>> -> memref<10000x16xf32, #tpu.memory_space<hbm>>
        tpu.enqueue_indirect_dma source(%dma_start3A_122 : memref<10000x16xf32, #tpu.memory_space<hbm>>) target(%arg21 : memref<96x16xf32, #tpu.memory_space<vmem>>) offsets(%arg13 : memref<96xi32, #tpu.memory_space<vmem>>) semaphore(%arg31 : memref<!tpu.dma_semaphore, #tpu.memory_space<semaphore_mem>>)
        %dma_start3A_123 = arith.constant 0 : i32
        %dma_start3A_124 = arith.constant 0 : i32
        %dma_start3A_125 = tpu.memref_slice %arg5[%dma_start3A_123, %dma_start3A_124] : memref<10000x128xf32, #tpu.memory_space<hbm>> -> memref<10000x128xf32, #tpu.memory_space<hbm>>
        tpu.enqueue_indirect_dma source(%dma_start3A_125 : memref<10000x128xf32, #tpu.memory_space<hbm>>) target(%arg23 : memref<96x128xf32, #tpu.memory_space<vmem>>) offsets(%arg13 : memref<96xi32, #tpu.memory_space<vmem>>) semaphore(%arg31 : memref<!tpu.dma_semaphore, #tpu.memory_space<semaphore_mem>>)
      } else {
      }
      %dma_wait3A_59 = arith.constant 0 : i32
      %dma_wait3A_60 = arith.constant 0 : i32
      %dma_wait3A_61 = tpu.memref_slice %arg6[%dma_wait3A_59, %dma_wait3A_60] : memref<10000x16xf32, #tpu.memory_space<hbm>> -> memref<10000x16xf32, #tpu.memory_space<hbm>>
      tpu.wait_indirect_dma semaphore(%arg30 : memref<!tpu.dma_semaphore, #tpu.memory_space<semaphore_mem>>) src(%dma_wait3A_61 : memref<10000x16xf32, #tpu.memory_space<hbm>>) dst(%arg18 : memref<96x16xf32, #tpu.memory_space<vmem>>)
      %dma_wait3A_62 = arith.constant 0 : i32
      %dma_wait3A_63 = arith.constant 0 : i32
      %dma_wait3A_64 = tpu.memref_slice %arg7[%dma_wait3A_62, %dma_wait3A_63] : memref<10000x16xf32, #tpu.memory_space<hbm>> -> memref<10000x16xf32, #tpu.memory_space<hbm>>
      tpu.wait_indirect_dma semaphore(%arg30 : memref<!tpu.dma_semaphore, #tpu.memory_space<semaphore_mem>>) src(%dma_wait3A_64 : memref<10000x16xf32, #tpu.memory_space<hbm>>) dst(%arg20 : memref<96x16xf32, #tpu.memory_space<vmem>>)
      %dma_wait3A_65 = arith.constant 0 : i32
      %dma_wait3A_66 = arith.constant 0 : i32
      %dma_wait3A_67 = tpu.memref_slice %arg5[%dma_wait3A_65, %dma_wait3A_66] : memref<10000x128xf32, #tpu.memory_space<hbm>> -> memref<10000x128xf32, #tpu.memory_space<hbm>>
      tpu.wait_indirect_dma semaphore(%arg30 : memref<!tpu.dma_semaphore, #tpu.memory_space<semaphore_mem>>) src(%dma_wait3A_67 : memref<10000x128xf32, #tpu.memory_space<hbm>>) dst(%arg22 : memref<96x128xf32, #tpu.memory_space<vmem>>)
      %parallel_loop3A = arith.constant 0 : i32
      %parallel_loop3A_68 = arith.constant 96 : i32
      %parallel_loop3A_69 = arith.constant 1 : i32
      scf.for %parallel_loop3A_91 = %parallel_loop3A to %parallel_loop3A_68 step %parallel_loop3A_69  : i32 {
        %parallel_loop3A_92 = arith.index_cast %parallel_loop3A_91 : i32 to index
        %parallel_loop3A_93 = arith.constant 0 : index
        %parallel_loop3A_94 = tpu.vector_load %arg18[%parallel_loop3A_92, %parallel_loop3A_93] {strides = array<i32>} : memref<96x16xf32, #tpu.memory_space<vmem>>, vector<1x16xf32>,
        %parallel_loop3A_95 = vector.shape_cast %parallel_loop3A_94 : vector<1x16xf32> to vector<16xf32>
        %parallel_loop3A_96 = arith.index_cast %parallel_loop3A_91 : i32 to index
        %parallel_loop3A_97 = arith.constant 0 : index
        %parallel_loop3A_98 = tpu.vector_load %arg20[%parallel_loop3A_96, %parallel_loop3A_97] {strides = array<i32>} : memref<96x16xf32, #tpu.memory_space<vmem>>, vector<1x16xf32>,
        %parallel_loop3A_99 = vector.shape_cast %parallel_loop3A_98 : vector<1x16xf32> to vector<16xf32>
        %parallel_loop3A_100 = arith.addf %parallel_loop3A_95, %parallel_loop3A_99 : vector<16xf32>
        %parallel_loop3A_101 = arith.constant 0.000000e+00 : f32
        %parallel_loop3A_102 = vector.broadcast %parallel_loop3A_101 : f32 to vector<16xf32>
        %parallel_loop3A_103 = arith.cmpf ogt, %parallel_loop3A_100, %parallel_loop3A_102 : vector<16xf32>
        %parallel_loop3A_104 = arith.constant 2.000000e-01 : f32
        %parallel_loop3A_105 = vector.broadcast %parallel_loop3A_104 : f32 to vector<16xf32>
        %parallel_loop3A_106 = arith.mulf %parallel_loop3A_105, %parallel_loop3A_100 : vector<16xf32>
        %parallel_loop3A_107 = arith.select %parallel_loop3A_103, %parallel_loop3A_100, %parallel_loop3A_106 : vector<16xi1>, vector<16xf32>
        %parallel_loop3A_108 = math.exp %parallel_loop3A_107 : vector<16xf32>
        %parallel_loop3A_109 = arith.index_cast %parallel_loop3A_91 : i32 to index
        %parallel_loop3A_110 = arith.constant 0 : index
        %parallel_loop3A_111 = tpu.vector_load %arg24[%parallel_loop3A_109, %parallel_loop3A_110] {strides = array<i32>} : memref<96x16xf32, #tpu.memory_space<vmem>>, vector<1x16xf32>,
        %parallel_loop3A_112 = vector.shape_cast %parallel_loop3A_111 : vector<1x16xf32> to vector<16xf32>
        %parallel_loop3A_113 = vector.shape_cast %parallel_loop3A_108 : vector<16xf32> to vector<1x16xf32>
        tpu.vector_store %arg24[%parallel_loop3A_109, %parallel_loop3A_110], %parallel_loop3A_113 {strides = array<i32>} : memref<96x16xf32, #tpu.memory_space<vmem>>, vector<1x16xf32>,
        %parallel_loop3A_114 = vector.extract_strided_slice %parallel_loop3A_108 {offsets = [0], sizes = [1], strides = [1]} : vector<16xf32> to vector<1xf32>
        %parallel_loop3A_115 = vector.extract %parallel_loop3A_114[0] : f32 from vector<1xf32>
        %parallel_loop3A_116 = arith.index_cast %parallel_loop3A_91 : i32 to index
        %parallel_loop3A_117 = arith.constant 0 : index
        %parallel_loop3A_118 = tpu.vector_load %arg22[%parallel_loop3A_116, %parallel_loop3A_117] {strides = array<i32>} : memref<96x128xf32, #tpu.memory_space<vmem>>, vector<1x16xf32>,
        %parallel_loop3A_119 = vector.shape_cast %parallel_loop3A_118 : vector<1x16xf32> to vector<16xf32>
        %parallel_loop3A_120 = vector.broadcast %parallel_loop3A_115 : f32 to vector<16xf32>
        %parallel_loop3A_121 = arith.mulf %parallel_loop3A_119, %parallel_loop3A_120 : vector<16xf32>
        %parallel_loop3A_122 = arith.index_cast %parallel_loop3A_91 : i32 to index
        %parallel_loop3A_123 = arith.constant 0 : index
        %parallel_loop3A_124 = tpu.vector_load %arg22[%parallel_loop3A_122, %parallel_loop3A_123] {strides = array<i32>} : memref<96x128xf32, #tpu.memory_space<vmem>>, vector<1x16xf32>,
        %parallel_loop3A_125 = vector.shape_cast %parallel_loop3A_124 : vector<1x16xf32> to vector<16xf32>
        %parallel_loop3A_126 = vector.shape_cast %parallel_loop3A_121 : vector<16xf32> to vector<1x16xf32>
        tpu.vector_store %arg22[%parallel_loop3A_122, %parallel_loop3A_123], %parallel_loop3A_126 {strides = array<i32>} : memref<96x128xf32, #tpu.memory_space<vmem>>, vector<1x16xf32>,
        %parallel_loop3A_127 = vector.extract_strided_slice %parallel_loop3A_108 {offsets = [1], sizes = [1], strides = [1]} : vector<16xf32> to vector<1xf32>
        %parallel_loop3A_128 = vector.extract %parallel_loop3A_127[0] : f32 from vector<1xf32>
        %parallel_loop3A_129 = arith.index_cast %parallel_loop3A_91 : i32 to index
        %parallel_loop3A_130 = arith.constant 16 : index
        %parallel_loop3A_131 = tpu.vector_load %arg22[%parallel_loop3A_129, %parallel_loop3A_130] {strides = array<i32>} : memref<96x128xf32, #tpu.memory_space<vmem>>, vector<1x16xf32>,
        %parallel_loop3A_132 = vector.shape_cast %parallel_loop3A_131 : vector<1x16xf32> to vector<16xf32>
        %parallel_loop3A_133 = vector.broadcast %parallel_loop3A_128 : f32 to vector<16xf32>
        %parallel_loop3A_134 = arith.mulf %parallel_loop3A_132, %parallel_loop3A_133 : vector<16xf32>
        %parallel_loop3A_135 = arith.index_cast %parallel_loop3A_91 : i32 to index
        %parallel_loop3A_136 = arith.constant 16 : index
        %parallel_loop3A_137 = tpu.vector_load %arg22[%parallel_loop3A_135, %parallel_loop3A_136] {strides = array<i32>} : memref<96x128xf32, #tpu.memory_space<vmem>>, vector<1x16xf32>,
        %parallel_loop3A_138 = vector.shape_cast %parallel_loop3A_137 : vector<1x16xf32> to vector<16xf32>
        %parallel_loop3A_139 = vector.shape_cast %parallel_loop3A_134 : vector<16xf32> to vector<1x16xf32>
        tpu.vector_store %arg22[%parallel_loop3A_135, %parallel_loop3A_136], %parallel_loop3A_139 {strides = array<i32>} : memref<96x128xf32, #tpu.memory_space<vmem>>, vector<1x16xf32>,
        %parallel_loop3A_140 = vector.extract_strided_slice %parallel_loop3A_108 {offsets = [2], sizes = [1], strides = [1]} : vector<16xf32> to vector<1xf32>
        %parallel_loop3A_141 = vector.extract %parallel_loop3A_140[0] : f32 from vector<1xf32>
        %parallel_loop3A_142 = arith.index_cast %parallel_loop3A_91 : i32 to index
        %parallel_loop3A_143 = arith.constant 32 : index
        %parallel_loop3A_144 = tpu.vector_load %arg22[%parallel_loop3A_142, %parallel_loop3A_143] {strides = array<i32>} : memref<96x128xf32, #tpu.memory_space<vmem>>, vector<1x16xf32>,
        %parallel_loop3A_145 = vector.shape_cast %parallel_loop3A_144 : vector<1x16xf32> to vector<16xf32>
        %parallel_loop3A_146 = vector.broadcast %parallel_loop3A_141 : f32 to vector<16xf32>
        %parallel_loop3A_147 = arith.mulf %parallel_loop3A_145, %parallel_loop3A_146 : vector<16xf32>
        %parallel_loop3A_148 = arith.index_cast %parallel_loop3A_91 : i32 to index
        %parallel_loop3A_149 = arith.constant 32 : index
        %parallel_loop3A_150 = tpu.vector_load %arg22[%parallel_loop3A_148, %parallel_loop3A_149] {strides = array<i32>} : memref<96x128xf32, #tpu.memory_space<vmem>>, vector<1x16xf32>,
        %parallel_loop3A_151 = vector.shape_cast %parallel_loop3A_150 : vector<1x16xf32> to vector<16xf32>
        %parallel_loop3A_152 = vector.shape_cast %parallel_loop3A_147 : vector<16xf32> to vector<1x16xf32>
        tpu.vector_store %arg22[%parallel_loop3A_148, %parallel_loop3A_149], %parallel_loop3A_152 {strides = array<i32>} : memref<96x128xf32, #tpu.memory_space<vmem>>, vector<1x16xf32>,
        %parallel_loop3A_153 = vector.extract_strided_slice %parallel_loop3A_108 {offsets = [3], sizes = [1], strides = [1]} : vector<16xf32> to vector<1xf32>
        %parallel_loop3A_154 = vector.extract %parallel_loop3A_153[0] : f32 from vector<1xf32>
        %parallel_loop3A_155 = arith.index_cast %parallel_loop3A_91 : i32 to index
        %parallel_loop3A_156 = arith.constant 48 : index
        %parallel_loop3A_157 = tpu.vector_load %arg22[%parallel_loop3A_155, %parallel_loop3A_156] {strides = array<i32>} : memref<96x128xf32, #tpu.memory_space<vmem>>, vector<1x16xf32>,
        %parallel_loop3A_158 = vector.shape_cast %parallel_loop3A_157 : vector<1x16xf32> to vector<16xf32>
        %parallel_loop3A_159 = vector.broadcast %parallel_loop3A_154 : f32 to vector<16xf32>
        %parallel_loop3A_160 = arith.mulf %parallel_loop3A_158, %parallel_loop3A_159 : vector<16xf32>
        %parallel_loop3A_161 = arith.index_cast %parallel_loop3A_91 : i32 to index
        %parallel_loop3A_162 = arith.constant 48 : index
        %parallel_loop3A_163 = tpu.vector_load %arg22[%parallel_loop3A_161, %parallel_loop3A_162] {strides = array<i32>} : memref<96x128xf32, #tpu.memory_space<vmem>>, vector<1x16xf32>,
        %parallel_loop3A_164 = vector.shape_cast %parallel_loop3A_163 : vector<1x16xf32> to vector<16xf32>
        %parallel_loop3A_165 = vector.shape_cast %parallel_loop3A_160 : vector<16xf32> to vector<1x16xf32>
        tpu.vector_store %arg22[%parallel_loop3A_161, %parallel_loop3A_162], %parallel_loop3A_165 {strides = array<i32>} : memref<96x128xf32, #tpu.memory_space<vmem>>, vector<1x16xf32>,
        %parallel_loop3A_166 = vector.extract_strided_slice %parallel_loop3A_108 {offsets = [4], sizes = [1], strides = [1]} : vector<16xf32> to vector<1xf32>
        %parallel_loop3A_167 = vector.extract %parallel_loop3A_166[0] : f32 from vector<1xf32>
        %parallel_loop3A_168 = arith.index_cast %parallel_loop3A_91 : i32 to index
        %parallel_loop3A_169 = arith.constant 64 : index
        %parallel_loop3A_170 = tpu.vector_load %arg22[%parallel_loop3A_168, %parallel_loop3A_169] {strides = array<i32>} : memref<96x128xf32, #tpu.memory_space<vmem>>, vector<1x16xf32>,
        %parallel_loop3A_171 = vector.shape_cast %parallel_loop3A_170 : vector<1x16xf32> to vector<16xf32>
        %parallel_loop3A_172 = vector.broadcast %parallel_loop3A_167 : f32 to vector<16xf32>
        %parallel_loop3A_173 = arith.mulf %parallel_loop3A_171, %parallel_loop3A_172 : vector<16xf32>
        %parallel_loop3A_174 = arith.index_cast %parallel_loop3A_91 : i32 to index
        %parallel_loop3A_175 = arith.constant 64 : index
        %parallel_loop3A_176 = tpu.vector_load %arg22[%parallel_loop3A_174, %parallel_loop3A_175] {strides = array<i32>} : memref<96x128xf32, #tpu.memory_space<vmem>>, vector<1x16xf32>,
        %parallel_loop3A_177 = vector.shape_cast %parallel_loop3A_176 : vector<1x16xf32> to vector<16xf32>
        %parallel_loop3A_178 = vector.shape_cast %parallel_loop3A_173 : vector<16xf32> to vector<1x16xf32>
        tpu.vector_store %arg22[%parallel_loop3A_174, %parallel_loop3A_175], %parallel_loop3A_178 {strides = array<i32>} : memref<96x128xf32, #tpu.memory_space<vmem>>, vector<1x16xf32>,
        %parallel_loop3A_179 = vector.extract_strided_slice %parallel_loop3A_108 {offsets = [5], sizes = [1], strides = [1]} : vector<16xf32> to vector<1xf32>
        %parallel_loop3A_180 = vector.extract %parallel_loop3A_179[0] : f32 from vector<1xf32>
        %parallel_loop3A_181 = arith.index_cast %parallel_loop3A_91 : i32 to index
        %parallel_loop3A_182 = arith.constant 80 : index
        %parallel_loop3A_183 = tpu.vector_load %arg22[%parallel_loop3A_181, %parallel_loop3A_182] {strides = array<i32>} : memref<96x128xf32, #tpu.memory_space<vmem>>, vector<1x16xf32>,
        %parallel_loop3A_184 = vector.shape_cast %parallel_loop3A_183 : vector<1x16xf32> to vector<16xf32>
        %parallel_loop3A_185 = vector.broadcast %parallel_loop3A_180 : f32 to vector<16xf32>
        %parallel_loop3A_186 = arith.mulf %parallel_loop3A_184, %parallel_loop3A_185 : vector<16xf32>
        %parallel_loop3A_187 = arith.index_cast %parallel_loop3A_91 : i32 to index
        %parallel_loop3A_188 = arith.constant 80 : index
        %parallel_loop3A_189 = tpu.vector_load %arg22[%parallel_loop3A_187, %parallel_loop3A_188] {strides = array<i32>} : memref<96x128xf32, #tpu.memory_space<vmem>>, vector<1x16xf32>,
        %parallel_loop3A_190 = vector.shape_cast %parallel_loop3A_189 : vector<1x16xf32> to vector<16xf32>
        %parallel_loop3A_191 = vector.shape_cast %parallel_loop3A_186 : vector<16xf32> to vector<1x16xf32>
        tpu.vector_store %arg22[%parallel_loop3A_187, %parallel_loop3A_188], %parallel_loop3A_191 {strides = array<i32>} : memref<96x128xf32, #tpu.memory_space<vmem>>, vector<1x16xf32>,
        %parallel_loop3A_192 = vector.extract_strided_slice %parallel_loop3A_108 {offsets = [6], sizes = [1], strides = [1]} : vector<16xf32> to vector<1xf32>
        %parallel_loop3A_193 = vector.extract %parallel_loop3A_192[0] : f32 from vector<1xf32>
        %parallel_loop3A_194 = arith.index_cast %parallel_loop3A_91 : i32 to index
        %parallel_loop3A_195 = arith.constant 96 : index
        %parallel_loop3A_196 = tpu.vector_load %arg22[%parallel_loop3A_194, %parallel_loop3A_195] {strides = array<i32>} : memref<96x128xf32, #tpu.memory_space<vmem>>, vector<1x16xf32>,
        %parallel_loop3A_197 = vector.shape_cast %parallel_loop3A_196 : vector<1x16xf32> to vector<16xf32>
        %parallel_loop3A_198 = vector.broadcast %parallel_loop3A_193 : f32 to vector<16xf32>
        %parallel_loop3A_199 = arith.mulf %parallel_loop3A_197, %parallel_loop3A_198 : vector<16xf32>
        %parallel_loop3A_200 = arith.index_cast %parallel_loop3A_91 : i32 to index
        %parallel_loop3A_201 = arith.constant 96 : index
        %parallel_loop3A_202 = tpu.vector_load %arg22[%parallel_loop3A_200, %parallel_loop3A_201] {strides = array<i32>} : memref<96x128xf32, #tpu.memory_space<vmem>>, vector<1x16xf32>,
        %parallel_loop3A_203 = vector.shape_cast %parallel_loop3A_202 : vector<1x16xf32> to vector<16xf32>
        %parallel_loop3A_204 = vector.shape_cast %parallel_loop3A_199 : vector<16xf32> to vector<1x16xf32>
        tpu.vector_store %arg22[%parallel_loop3A_200, %parallel_loop3A_201], %parallel_loop3A_204 {strides = array<i32>} : memref<96x128xf32, #tpu.memory_space<vmem>>, vector<1x16xf32>,
        %parallel_loop3A_205 = vector.extract_strided_slice %parallel_loop3A_108 {offsets = [7], sizes = [1], strides = [1]} : vector<16xf32> to vector<1xf32>
        %parallel_loop3A_206 = vector.extract %parallel_loop3A_205[0] : f32 from vector<1xf32>
        %parallel_loop3A_207 = arith.index_cast %parallel_loop3A_91 : i32 to index
        %parallel_loop3A_208 = arith.constant 112 : index
        %parallel_loop3A_209 = tpu.vector_load %arg22[%parallel_loop3A_207, %parallel_loop3A_208] {strides = array<i32>} : memref<96x128xf32, #tpu.memory_space<vmem>>, vector<1x16xf32>,
        %parallel_loop3A_210 = vector.shape_cast %parallel_loop3A_209 : vector<1x16xf32> to vector<16xf32>
        %parallel_loop3A_211 = vector.broadcast %parallel_loop3A_206 : f32 to vector<16xf32>
        %parallel_loop3A_212 = arith.mulf %parallel_loop3A_210, %parallel_loop3A_211 : vector<16xf32>
        %parallel_loop3A_213 = arith.index_cast %parallel_loop3A_91 : i32 to index
        %parallel_loop3A_214 = arith.constant 112 : index
        %parallel_loop3A_215 = tpu.vector_load %arg22[%parallel_loop3A_213, %parallel_loop3A_214] {strides = array<i32>} : memref<96x128xf32, #tpu.memory_space<vmem>>, vector<1x16xf32>,
        %parallel_loop3A_216 = vector.shape_cast %parallel_loop3A_215 : vector<1x16xf32> to vector<16xf32>
        %parallel_loop3A_217 = vector.shape_cast %parallel_loop3A_212 : vector<16xf32> to vector<1x16xf32>
        tpu.vector_store %arg22[%parallel_loop3A_213, %parallel_loop3A_214], %parallel_loop3A_217 {strides = array<i32>} : memref<96x128xf32, #tpu.memory_space<vmem>>, vector<1x16xf32>,
      } {sc.loop_unroll_factor = 32 : i64, sc.parallel_access}
      "tpu.region"() ({
        %run_scoped3A = tpu.sem_alloc : memref<!tpu.dma_semaphore, #tpu.memory_space<semaphore_mem>>
        %dma_start3A_91 = arith.constant 0 : i32
        %dma_start3A_92 = arith.constant 0 : i32
        %dma_start3A_93 = tpu.memref_slice %arg26[%dma_start3A_91, %dma_start3A_92] : memref<10112x128xf32, #tpu.memory_space<vmem_shared>> -> memref<10112x128xf32, #tpu.memory_space<vmem_shared>>
        tpu.enqueue_indirect_dma source(%arg22 : memref<96x128xf32, #tpu.memory_space<vmem>>) target(%dma_start3A_93 : memref<10112x128xf32, #tpu.memory_space<vmem_shared>>) offsets(%arg14 : memref<96xi32, #tpu.memory_space<vmem>>) semaphore(%run_scoped3A : memref<!tpu.dma_semaphore, #tpu.memory_space<semaphore_mem>>) {add = true}
        %dma_wait3A_94 = arith.constant 0 : i32
        %dma_wait3A_95 = arith.constant 0 : i32
        %dma_wait3A_96 = tpu.memref_slice %arg26[%dma_wait3A_94, %dma_wait3A_95] : memref<10112x128xf32, #tpu.memory_space<vmem_shared>> -> memref<10112x128xf32, #tpu.memory_space<vmem_shared>>
        tpu.wait_indirect_dma semaphore(%run_scoped3A : memref<!tpu.dma_semaphore, #tpu.memory_space<semaphore_mem>>) src(%arg22 : memref<96x128xf32, #tpu.memory_space<vmem>>) dst(%dma_wait3A_96 : memref<10112x128xf32, #tpu.memory_space<vmem_shared>>)
        tpu.yield
      }) : () -> ()
      "tpu.region"() ({
        %run_scoped3A = tpu.sem_alloc : memref<!tpu.dma_semaphore, #tpu.memory_space<semaphore_mem>>
        %dma_start3A_91 = arith.constant 0 : i32
        %dma_start3A_92 = arith.constant 0 : i32
        %dma_start3A_93 = tpu.memref_slice %arg27[%dma_start3A_91, %dma_start3A_92] : memref<10112x16xf32, #tpu.memory_space<vmem_shared>> -> memref<10112x16xf32, #tpu.memory_space<vmem_shared>>
        tpu.enqueue_indirect_dma source(%arg24 : memref<96x16xf32, #tpu.memory_space<vmem>>) target(%dma_start3A_93 : memref<10112x16xf32, #tpu.memory_space<vmem_shared>>) offsets(%arg14 : memref<96xi32, #tpu.memory_space<vmem>>) semaphore(%run_scoped3A : memref<!tpu.dma_semaphore, #tpu.memory_space<semaphore_mem>>) {add = true}
        %dma_wait3A_94 = arith.constant 0 : i32
        %dma_wait3A_95 = arith.constant 0 : i32
        %dma_wait3A_96 = tpu.memref_slice %arg27[%dma_wait3A_94, %dma_wait3A_95] : memref<10112x16xf32, #tpu.memory_space<vmem_shared>> -> memref<10112x16xf32, #tpu.memory_space<vmem_shared>>
        tpu.wait_indirect_dma semaphore(%run_scoped3A : memref<!tpu.dma_semaphore, #tpu.memory_space<semaphore_mem>>) src(%arg24 : memref<96x16xf32, #tpu.memory_space<vmem>>) dst(%dma_wait3A_96 : memref<10112x16xf32, #tpu.memory_space<vmem_shared>>)
        tpu.yield
      }) : () -> ()
      %add3A_70 = arith.constant 1 : i32
      %add3A_71 = arith.addi %mul3A_52, %add3A_70 : i32
      %add3A_72 = arith.constant 1 : i32
      %add3A_73 = arith.addi %add3A_71, %add3A_72 : i32
      %lt3A_74 = arith.constant 108 : i32
      %lt3A_75 = arith.cmpi slt, %add3A_73, %lt3A_74 : i32
      %convert_element_type3A_76 = arith.extui %lt3A_75 : i1 to i32
      %cond3A_77 = arith.constant 0 : i32
      %cond3A_78 = arith.cmpi ne, %convert_element_type3A_76, %cond3A_77 : i32
      scf.if %cond3A_78 {
        %add3A_91 = arith.constant 1 : i32
        %add3A_92 = arith.addi %add3A_71, %add3A_91 : i32
        %mul3A_93 = arith.constant 108 : i32
        %mul3A_94 = arith.muli %add3A, %mul3A_93 : i32
        %add3A_95 = arith.addi %mul3A_94, %add3A_92 : i32
        %mul3A_96 = arith.constant 96 : i32
        %mul3A_97 = arith.muli %add3A_95, %mul3A_96 : i32
        %dma_start3A_98 = tpu.memref_slice %arg2[%mul3A_97] : memref<331776xi32, #tpu.memory_space<hbm>> -> memref<96xi32, #tpu.memory_space<hbm>>
        %dma_start3A_99 = tpu.memref_slice %arg2[%mul3A_97] : memref<331776xi32, #tpu.memory_space<hbm>> -> memref<96xi32, #tpu.memory_space<hbm>>
        tpu.enqueue_dma source(%dma_start3A_99 : memref<96xi32, #tpu.memory_space<hbm>>) target(%arg12 : memref<96xi32, #tpu.memory_space<vmem>>) target_semaphore(%arg28 : memref<!tpu.dma_semaphore, #tpu.memory_space<semaphore_mem>>)
        %dma_start3A_100 = tpu.memref_slice %arg3[%mul3A_97] : memref<331776xi32, #tpu.memory_space<hbm>> -> memref<96xi32, #tpu.memory_space<hbm>>
        %dma_start3A_101 = tpu.memref_slice %arg3[%mul3A_97] : memref<331776xi32, #tpu.memory_space<hbm>> -> memref<96xi32, #tpu.memory_space<hbm>>
        tpu.enqueue_dma source(%dma_start3A_101 : memref<96xi32, #tpu.memory_space<hbm>>) target(%arg14 : memref<96xi32, #tpu.memory_space<vmem>>) target_semaphore(%arg28 : memref<!tpu.dma_semaphore, #tpu.memory_space<semaphore_mem>>)
        %dma_start3A_102 = tpu.memref_slice %arg4[%mul3A_97] : memref<331776xi32, #tpu.memory_space<hbm>> -> memref<96xi32, #tpu.memory_space<hbm>>
        %dma_start3A_103 = tpu.memref_slice %arg4[%mul3A_97] : memref<331776xi32, #tpu.memory_space<hbm>> -> memref<96xi32, #tpu.memory_space<hbm>>
        tpu.enqueue_dma source(%dma_start3A_103 : memref<96xi32, #tpu.memory_space<hbm>>) target(%arg16 : memref<96xi32, #tpu.memory_space<vmem>>) target_semaphore(%arg28 : memref<!tpu.dma_semaphore, #tpu.memory_space<semaphore_mem>>)
        %add3A_104 = arith.constant 1 : i32
        %add3A_105 = arith.addi %add3A_71, %add3A_104 : i32
        %mul3A_106 = arith.constant 108 : i32
        %mul3A_107 = arith.muli %add3A, %mul3A_106 : i32
        %add3A_108 = arith.addi %mul3A_107, %add3A_105 : i32
        %mul3A_109 = arith.constant 96 : i32
        %mul3A_110 = arith.muli %add3A_108, %mul3A_109 : i32
        %dma_wait3A_111 = tpu.memref_slice %arg2[%mul3A_110] : memref<331776xi32, #tpu.memory_space<hbm>> -> memref<96xi32, #tpu.memory_space<hbm>>
        %dma_wait3A_112 = tpu.memref_slice %arg2[%mul3A_110] : memref<331776xi32, #tpu.memory_space<hbm>> -> memref<96xi32, #tpu.memory_space<hbm>>
        tpu.wait_dma2 semaphore(%arg28 : memref<!tpu.dma_semaphore, #tpu.memory_space<semaphore_mem>>) src(%dma_wait3A_112 : memref<96xi32, #tpu.memory_space<hbm>>) dst(%arg12 : memref<96xi32, #tpu.memory_space<vmem>>)
        %dma_wait3A_113 = tpu.memref_slice %arg3[%mul3A_110] : memref<331776xi32, #tpu.memory_space<hbm>> -> memref<96xi32, #tpu.memory_space<hbm>>
        %dma_wait3A_114 = tpu.memref_slice %arg3[%mul3A_110] : memref<331776xi32, #tpu.memory_space<hbm>> -> memref<96xi32, #tpu.memory_space<hbm>>
        tpu.wait_dma2 semaphore(%arg28 : memref<!tpu.dma_semaphore, #tpu.memory_space<semaphore_mem>>) src(%dma_wait3A_114 : memref<96xi32, #tpu.memory_space<hbm>>) dst(%arg14 : memref<96xi32, #tpu.memory_space<vmem>>)
        %dma_wait3A_115 = tpu.memref_slice %arg4[%mul3A_110] : memref<331776xi32, #tpu.memory_space<hbm>> -> memref<96xi32, #tpu.memory_space<hbm>>
        %dma_wait3A_116 = tpu.memref_slice %arg4[%mul3A_110] : memref<331776xi32, #tpu.memory_space<hbm>> -> memref<96xi32, #tpu.memory_space<hbm>>
        tpu.wait_dma2 semaphore(%arg28 : memref<!tpu.dma_semaphore, #tpu.memory_space<semaphore_mem>>) src(%dma_wait3A_116 : memref<96xi32, #tpu.memory_space<hbm>>) dst(%arg16 : memref<96xi32, #tpu.memory_space<vmem>>)
        %dma_start3A_117 = arith.constant 0 : i32
        %dma_start3A_118 = arith.constant 0 : i32
        %dma_start3A_119 = tpu.memref_slice %arg6[%dma_start3A_117, %dma_start3A_118] : memref<10000x16xf32, #tpu.memory_space<hbm>> -> memref<10000x16xf32, #tpu.memory_space<hbm>>
        tpu.enqueue_indirect_dma source(%dma_start3A_119 : memref<10000x16xf32, #tpu.memory_space<hbm>>) target(%arg18 : memref<96x16xf32, #tpu.memory_space<vmem>>) offsets(%arg16 : memref<96xi32, #tpu.memory_space<vmem>>) semaphore(%arg30 : memref<!tpu.dma_semaphore, #tpu.memory_space<semaphore_mem>>)
        %dma_start3A_120 = arith.constant 0 : i32
        %dma_start3A_121 = arith.constant 0 : i32
        %dma_start3A_122 = tpu.memref_slice %arg7[%dma_start3A_120, %dma_start3A_121] : memref<10000x16xf32, #tpu.memory_space<hbm>> -> memref<10000x16xf32, #tpu.memory_space<hbm>>
        tpu.enqueue_indirect_dma source(%dma_start3A_122 : memref<10000x16xf32, #tpu.memory_space<hbm>>) target(%arg20 : memref<96x16xf32, #tpu.memory_space<vmem>>) offsets(%arg12 : memref<96xi32, #tpu.memory_space<vmem>>) semaphore(%arg30 : memref<!tpu.dma_semaphore, #tpu.memory_space<semaphore_mem>>)
        %dma_start3A_123 = arith.constant 0 : i32
        %dma_start3A_124 = arith.constant 0 : i32
        %dma_start3A_125 = tpu.memref_slice %arg5[%dma_start3A_123, %dma_start3A_124] : memref<10000x128xf32, #tpu.memory_space<hbm>> -> memref<10000x128xf32, #tpu.memory_space<hbm>>
        tpu.enqueue_indirect_dma source(%dma_start3A_125 : memref<10000x128xf32, #tpu.memory_space<hbm>>) target(%arg22 : memref<96x128xf32, #tpu.memory_space<vmem>>) offsets(%arg12 : memref<96xi32, #tpu.memory_space<vmem>>) semaphore(%arg30 : memref<!tpu.dma_semaphore, #tpu.memory_space<semaphore_mem>>)
      } else {
      }
      %dma_wait3A_79 = arith.constant 0 : i32
      %dma_wait3A_80 = arith.constant 0 : i32
      %dma_wait3A_81 = tpu.memref_slice %arg6[%dma_wait3A_79, %dma_wait3A_80] : memref<10000x16xf32, #tpu.memory_space<hbm>> -> memref<10000x16xf32, #tpu.memory_space<hbm>>
      tpu.wait_indirect_dma semaphore(%arg31 : memref<!tpu.dma_semaphore, #tpu.memory_space<semaphore_mem>>) src(%dma_wait3A_81 : memref<10000x16xf32, #tpu.memory_space<hbm>>) dst(%arg19 : memref<96x16xf32, #tpu.memory_space<vmem>>)
      %dma_wait3A_82 = arith.constant 0 : i32
      %dma_wait3A_83 = arith.constant 0 : i32
      %dma_wait3A_84 = tpu.memref_slice %arg7[%dma_wait3A_82, %dma_wait3A_83] : memref<10000x16xf32, #tpu.memory_space<hbm>> -> memref<10000x16xf32, #tpu.memory_space<hbm>>
      tpu.wait_indirect_dma semaphore(%arg31 : memref<!tpu.dma_semaphore, #tpu.memory_space<semaphore_mem>>) src(%dma_wait3A_84 : memref<10000x16xf32, #tpu.memory_space<hbm>>) dst(%arg21 : memref<96x16xf32, #tpu.memory_space<vmem>>)
      %dma_wait3A_85 = arith.constant 0 : i32
      %dma_wait3A_86 = arith.constant 0 : i32
      %dma_wait3A_87 = tpu.memref_slice %arg5[%dma_wait3A_85, %dma_wait3A_86] : memref<10000x128xf32, #tpu.memory_space<hbm>> -> memref<10000x128xf32, #tpu.memory_space<hbm>>
      tpu.wait_indirect_dma semaphore(%arg31 : memref<!tpu.dma_semaphore, #tpu.memory_space<semaphore_mem>>) src(%dma_wait3A_87 : memref<10000x128xf32, #tpu.memory_space<hbm>>) dst(%arg23 : memref<96x128xf32, #tpu.memory_space<vmem>>)
      %parallel_loop3A_88 = arith.constant 0 : i32
      %parallel_loop3A_89 = arith.constant 96 : i32
      %parallel_loop3A_90 = arith.constant 1 : i32
      scf.for %parallel_loop3A_91 = %parallel_loop3A_88 to %parallel_loop3A_89 step %parallel_loop3A_90  : i32 {
        %parallel_loop3A_92 = arith.index_cast %parallel_loop3A_91 : i32 to index
        %parallel_loop3A_93 = arith.constant 0 : index
        %parallel_loop3A_94 = tpu.vector_load %arg19[%parallel_loop3A_92, %parallel_loop3A_93] {strides = array<i32>} : memref<96x16xf32, #tpu.memory_space<vmem>>, vector<1x16xf32>,
        %parallel_loop3A_95 = vector.shape_cast %parallel_loop3A_94 : vector<1x16xf32> to vector<16xf32>
        %parallel_loop3A_96 = arith.index_cast %parallel_loop3A_91 : i32 to index
        %parallel_loop3A_97 = arith.constant 0 : index
        %parallel_loop3A_98 = tpu.vector_load %arg21[%parallel_loop3A_96, %parallel_loop3A_97] {strides = array<i32>} : memref<96x16xf32, #tpu.memory_space<vmem>>, vector<1x16xf32>,
        %parallel_loop3A_99 = vector.shape_cast %parallel_loop3A_98 : vector<1x16xf32> to vector<16xf32>
        %parallel_loop3A_100 = arith.addf %parallel_loop3A_95, %parallel_loop3A_99 : vector<16xf32>
        %parallel_loop3A_101 = arith.constant 0.000000e+00 : f32
        %parallel_loop3A_102 = vector.broadcast %parallel_loop3A_101 : f32 to vector<16xf32>
        %parallel_loop3A_103 = arith.cmpf ogt, %parallel_loop3A_100, %parallel_loop3A_102 : vector<16xf32>
        %parallel_loop3A_104 = arith.constant 2.000000e-01 : f32
        %parallel_loop3A_105 = vector.broadcast %parallel_loop3A_104 : f32 to vector<16xf32>
        %parallel_loop3A_106 = arith.mulf %parallel_loop3A_105, %parallel_loop3A_100 : vector<16xf32>
        %parallel_loop3A_107 = arith.select %parallel_loop3A_103, %parallel_loop3A_100, %parallel_loop3A_106 : vector<16xi1>, vector<16xf32>
        %parallel_loop3A_108 = math.exp %parallel_loop3A_107 : vector<16xf32>
        %parallel_loop3A_109 = arith.index_cast %parallel_loop3A_91 : i32 to index
        %parallel_loop3A_110 = arith.constant 0 : index
        %parallel_loop3A_111 = tpu.vector_load %arg25[%parallel_loop3A_109, %parallel_loop3A_110] {strides = array<i32>} : memref<96x16xf32, #tpu.memory_space<vmem>>, vector<1x16xf32>,
        %parallel_loop3A_112 = vector.shape_cast %parallel_loop3A_111 : vector<1x16xf32> to vector<16xf32>
        %parallel_loop3A_113 = vector.shape_cast %parallel_loop3A_108 : vector<16xf32> to vector<1x16xf32>
        tpu.vector_store %arg25[%parallel_loop3A_109, %parallel_loop3A_110], %parallel_loop3A_113 {strides = array<i32>} : memref<96x16xf32, #tpu.memory_space<vmem>>, vector<1x16xf32>,
        %parallel_loop3A_114 = vector.extract_strided_slice %parallel_loop3A_108 {offsets = [0], sizes = [1], strides = [1]} : vector<16xf32> to vector<1xf32>
        %parallel_loop3A_115 = vector.extract %parallel_loop3A_114[0] : f32 from vector<1xf32>
        %parallel_loop3A_116 = arith.index_cast %parallel_loop3A_91 : i32 to index
        %parallel_loop3A_117 = arith.constant 0 : index
        %parallel_loop3A_118 = tpu.vector_load %arg23[%parallel_loop3A_116, %parallel_loop3A_117] {strides = array<i32>} : memref<96x128xf32, #tpu.memory_space<vmem>>, vector<1x16xf32>,
        %parallel_loop3A_119 = vector.shape_cast %parallel_loop3A_118 : vector<1x16xf32> to vector<16xf32>
        %parallel_loop3A_120 = vector.broadcast %parallel_loop3A_115 : f32 to vector<16xf32>
        %parallel_loop3A_121 = arith.mulf %parallel_loop3A_119, %parallel_loop3A_120 : vector<16xf32>
        %parallel_loop3A_122 = arith.index_cast %parallel_loop3A_91 : i32 to index
        %parallel_loop3A_123 = arith.constant 0 : index
        %parallel_loop3A_124 = tpu.vector_load %arg23[%parallel_loop3A_122, %parallel_loop3A_123] {strides = array<i32>} : memref<96x128xf32, #tpu.memory_space<vmem>>, vector<1x16xf32>,
        %parallel_loop3A_125 = vector.shape_cast %parallel_loop3A_124 : vector<1x16xf32> to vector<16xf32>
        %parallel_loop3A_126 = vector.shape_cast %parallel_loop3A_121 : vector<16xf32> to vector<1x16xf32>
        tpu.vector_store %arg23[%parallel_loop3A_122, %parallel_loop3A_123], %parallel_loop3A_126 {strides = array<i32>} : memref<96x128xf32, #tpu.memory_space<vmem>>, vector<1x16xf32>,
        %parallel_loop3A_127 = vector.extract_strided_slice %parallel_loop3A_108 {offsets = [1], sizes = [1], strides = [1]} : vector<16xf32> to vector<1xf32>
        %parallel_loop3A_128 = vector.extract %parallel_loop3A_127[0] : f32 from vector<1xf32>
        %parallel_loop3A_129 = arith.index_cast %parallel_loop3A_91 : i32 to index
        %parallel_loop3A_130 = arith.constant 16 : index
        %parallel_loop3A_131 = tpu.vector_load %arg23[%parallel_loop3A_129, %parallel_loop3A_130] {strides = array<i32>} : memref<96x128xf32, #tpu.memory_space<vmem>>, vector<1x16xf32>,
        %parallel_loop3A_132 = vector.shape_cast %parallel_loop3A_131 : vector<1x16xf32> to vector<16xf32>
        %parallel_loop3A_133 = vector.broadcast %parallel_loop3A_128 : f32 to vector<16xf32>
        %parallel_loop3A_134 = arith.mulf %parallel_loop3A_132, %parallel_loop3A_133 : vector<16xf32>
        %parallel_loop3A_135 = arith.index_cast %parallel_loop3A_91 : i32 to index
        %parallel_loop3A_136 = arith.constant 16 : index
        %parallel_loop3A_137 = tpu.vector_load %arg23[%parallel_loop3A_135, %parallel_loop3A_136] {strides = array<i32>} : memref<96x128xf32, #tpu.memory_space<vmem>>, vector<1x16xf32>,
        %parallel_loop3A_138 = vector.shape_cast %parallel_loop3A_137 : vector<1x16xf32> to vector<16xf32>
        %parallel_loop3A_139 = vector.shape_cast %parallel_loop3A_134 : vector<16xf32> to vector<1x16xf32>
        tpu.vector_store %arg23[%parallel_loop3A_135, %parallel_loop3A_136], %parallel_loop3A_139 {strides = array<i32>} : memref<96x128xf32, #tpu.memory_space<vmem>>, vector<1x16xf32>,
        %parallel_loop3A_140 = vector.extract_strided_slice %parallel_loop3A_108 {offsets = [2], sizes = [1], strides = [1]} : vector<16xf32> to vector<1xf32>
        %parallel_loop3A_141 = vector.extract %parallel_loop3A_140[0] : f32 from vector<1xf32>
        %parallel_loop3A_142 = arith.index_cast %parallel_loop3A_91 : i32 to index
        %parallel_loop3A_143 = arith.constant 32 : index
        %parallel_loop3A_144 = tpu.vector_load %arg23[%parallel_loop3A_142, %parallel_loop3A_143] {strides = array<i32>} : memref<96x128xf32, #tpu.memory_space<vmem>>, vector<1x16xf32>,
        %parallel_loop3A_145 = vector.shape_cast %parallel_loop3A_144 : vector<1x16xf32> to vector<16xf32>
        %parallel_loop3A_146 = vector.broadcast %parallel_loop3A_141 : f32 to vector<16xf32>
        %parallel_loop3A_147 = arith.mulf %parallel_loop3A_145, %parallel_loop3A_146 : vector<16xf32>
        %parallel_loop3A_148 = arith.index_cast %parallel_loop3A_91 : i32 to index
        %parallel_loop3A_149 = arith.constant 32 : index
        %parallel_loop3A_150 = tpu.vector_load %arg23[%parallel_loop3A_148, %parallel_loop3A_149] {strides = array<i32>} : memref<96x128xf32, #tpu.memory_space<vmem>>, vector<1x16xf32>,
        %parallel_loop3A_151 = vector.shape_cast %parallel_loop3A_150 : vector<1x16xf32> to vector<16xf32>
        %parallel_loop3A_152 = vector.shape_cast %parallel_loop3A_147 : vector<16xf32> to vector<1x16xf32>
        tpu.vector_store %arg23[%parallel_loop3A_148, %parallel_loop3A_149], %parallel_loop3A_152 {strides = array<i32>} : memref<96x128xf32, #tpu.memory_space<vmem>>, vector<1x16xf32>,
        %parallel_loop3A_153 = vector.extract_strided_slice %parallel_loop3A_108 {offsets = [3], sizes = [1], strides = [1]} : vector<16xf32> to vector<1xf32>
        %parallel_loop3A_154 = vector.extract %parallel_loop3A_153[0] : f32 from vector<1xf32>
        %parallel_loop3A_155 = arith.index_cast %parallel_loop3A_91 : i32 to index
        %parallel_loop3A_156 = arith.constant 48 : index
        %parallel_loop3A_157 = tpu.vector_load %arg23[%parallel_loop3A_155, %parallel_loop3A_156] {strides = array<i32>} : memref<96x128xf32, #tpu.memory_space<vmem>>, vector<1x16xf32>,
        %parallel_loop3A_158 = vector.shape_cast %parallel_loop3A_157 : vector<1x16xf32> to vector<16xf32>
        %parallel_loop3A_159 = vector.broadcast %parallel_loop3A_154 : f32 to vector<16xf32>
        %parallel_loop3A_160 = arith.mulf %parallel_loop3A_158, %parallel_loop3A_159 : vector<16xf32>
        %parallel_loop3A_161 = arith.index_cast %parallel_loop3A_91 : i32 to index
        %parallel_loop3A_162 = arith.constant 48 : index
        %parallel_loop3A_163 = tpu.vector_load %arg23[%parallel_loop3A_161, %parallel_loop3A_162] {strides = array<i32>} : memref<96x128xf32, #tpu.memory_space<vmem>>, vector<1x16xf32>,
        %parallel_loop3A_164 = vector.shape_cast %parallel_loop3A_163 : vector<1x16xf32> to vector<16xf32>
        %parallel_loop3A_165 = vector.shape_cast %parallel_loop3A_160 : vector<16xf32> to vector<1x16xf32>
        tpu.vector_store %arg23[%parallel_loop3A_161, %parallel_loop3A_162], %parallel_loop3A_165 {strides = array<i32>} : memref<96x128xf32, #tpu.memory_space<vmem>>, vector<1x16xf32>,
        %parallel_loop3A_166 = vector.extract_strided_slice %parallel_loop3A_108 {offsets = [4], sizes = [1], strides = [1]} : vector<16xf32> to vector<1xf32>
        %parallel_loop3A_167 = vector.extract %parallel_loop3A_166[0] : f32 from vector<1xf32>
        %parallel_loop3A_168 = arith.index_cast %parallel_loop3A_91 : i32 to index
        %parallel_loop3A_169 = arith.constant 64 : index
        %parallel_loop3A_170 = tpu.vector_load %arg23[%parallel_loop3A_168, %parallel_loop3A_169] {strides = array<i32>} : memref<96x128xf32, #tpu.memory_space<vmem>>, vector<1x16xf32>,
        %parallel_loop3A_171 = vector.shape_cast %parallel_loop3A_170 : vector<1x16xf32> to vector<16xf32>
        %parallel_loop3A_172 = vector.broadcast %parallel_loop3A_167 : f32 to vector<16xf32>
        %parallel_loop3A_173 = arith.mulf %parallel_loop3A_171, %parallel_loop3A_172 : vector<16xf32>
        %parallel_loop3A_174 = arith.index_cast %parallel_loop3A_91 : i32 to index
        %parallel_loop3A_175 = arith.constant 64 : index
        %parallel_loop3A_176 = tpu.vector_load %arg23[%parallel_loop3A_174, %parallel_loop3A_175] {strides = array<i32>} : memref<96x128xf32, #tpu.memory_space<vmem>>, vector<1x16xf32>,
        %parallel_loop3A_177 = vector.shape_cast %parallel_loop3A_176 : vector<1x16xf32> to vector<16xf32>
        %parallel_loop3A_178 = vector.shape_cast %parallel_loop3A_173 : vector<16xf32> to vector<1x16xf32>
        tpu.vector_store %arg23[%parallel_loop3A_174, %parallel_loop3A_175], %parallel_loop3A_178 {strides = array<i32>} : memref<96x128xf32, #tpu.memory_space<vmem>>, vector<1x16xf32>,
        %parallel_loop3A_179 = vector.extract_strided_slice %parallel_loop3A_108 {offsets = [5], sizes = [1], strides = [1]} : vector<16xf32> to vector<1xf32>
        %parallel_loop3A_180 = vector.extract %parallel_loop3A_179[0] : f32 from vector<1xf32>
        %parallel_loop3A_181 = arith.index_cast %parallel_loop3A_91 : i32 to index
        %parallel_loop3A_182 = arith.constant 80 : index
        %parallel_loop3A_183 = tpu.vector_load %arg23[%parallel_loop3A_181, %parallel_loop3A_182] {strides = array<i32>} : memref<96x128xf32, #tpu.memory_space<vmem>>, vector<1x16xf32>,
        %parallel_loop3A_184 = vector.shape_cast %parallel_loop3A_183 : vector<1x16xf32> to vector<16xf32>
        %parallel_loop3A_185 = vector.broadcast %parallel_loop3A_180 : f32 to vector<16xf32>
        %parallel_loop3A_186 = arith.mulf %parallel_loop3A_184, %parallel_loop3A_185 : vector<16xf32>
        %parallel_loop3A_187 = arith.index_cast %parallel_loop3A_91 : i32 to index
        %parallel_loop3A_188 = arith.constant 80 : index
        %parallel_loop3A_189 = tpu.vector_load %arg23[%parallel_loop3A_187, %parallel_loop3A_188] {strides = array<i32>} : memref<96x128xf32, #tpu.memory_space<vmem>>, vector<1x16xf32>,
        %parallel_loop3A_190 = vector.shape_cast %parallel_loop3A_189 : vector<1x16xf32> to vector<16xf32>
        %parallel_loop3A_191 = vector.shape_cast %parallel_loop3A_186 : vector<16xf32> to vector<1x16xf32>
        tpu.vector_store %arg23[%parallel_loop3A_187, %parallel_loop3A_188], %parallel_loop3A_191 {strides = array<i32>} : memref<96x128xf32, #tpu.memory_space<vmem>>, vector<1x16xf32>,
        %parallel_loop3A_192 = vector.extract_strided_slice %parallel_loop3A_108 {offsets = [6], sizes = [1], strides = [1]} : vector<16xf32> to vector<1xf32>
        %parallel_loop3A_193 = vector.extract %parallel_loop3A_192[0] : f32 from vector<1xf32>
        %parallel_loop3A_194 = arith.index_cast %parallel_loop3A_91 : i32 to index
        %parallel_loop3A_195 = arith.constant 96 : index
        %parallel_loop3A_196 = tpu.vector_load %arg23[%parallel_loop3A_194, %parallel_loop3A_195] {strides = array<i32>} : memref<96x128xf32, #tpu.memory_space<vmem>>, vector<1x16xf32>,
        %parallel_loop3A_197 = vector.shape_cast %parallel_loop3A_196 : vector<1x16xf32> to vector<16xf32>
        %parallel_loop3A_198 = vector.broadcast %parallel_loop3A_193 : f32 to vector<16xf32>
        %parallel_loop3A_199 = arith.mulf %parallel_loop3A_197, %parallel_loop3A_198 : vector<16xf32>
        %parallel_loop3A_200 = arith.index_cast %parallel_loop3A_91 : i32 to index
        %parallel_loop3A_201 = arith.constant 96 : index
        %parallel_loop3A_202 = tpu.vector_load %arg23[%parallel_loop3A_200, %parallel_loop3A_201] {strides = array<i32>} : memref<96x128xf32, #tpu.memory_space<vmem>>, vector<1x16xf32>,
        %parallel_loop3A_203 = vector.shape_cast %parallel_loop3A_202 : vector<1x16xf32> to vector<16xf32>
        %parallel_loop3A_204 = vector.shape_cast %parallel_loop3A_199 : vector<16xf32> to vector<1x16xf32>
        tpu.vector_store %arg23[%parallel_loop3A_200, %parallel_loop3A_201], %parallel_loop3A_204 {strides = array<i32>} : memref<96x128xf32, #tpu.memory_space<vmem>>, vector<1x16xf32>,
        %parallel_loop3A_205 = vector.extract_strided_slice %parallel_loop3A_108 {offsets = [7], sizes = [1], strides = [1]} : vector<16xf32> to vector<1xf32>
        %parallel_loop3A_206 = vector.extract %parallel_loop3A_205[0] : f32 from vector<1xf32>
        %parallel_loop3A_207 = arith.index_cast %parallel_loop3A_91 : i32 to index
        %parallel_loop3A_208 = arith.constant 112 : index
        %parallel_loop3A_209 = tpu.vector_load %arg23[%parallel_loop3A_207, %parallel_loop3A_208] {strides = array<i32>} : memref<96x128xf32, #tpu.memory_space<vmem>>, vector<1x16xf32>,
        %parallel_loop3A_210 = vector.shape_cast %parallel_loop3A_209 : vector<1x16xf32> to vector<16xf32>
        %parallel_loop3A_211 = vector.broadcast %parallel_loop3A_206 : f32 to vector<16xf32>
        %parallel_loop3A_212 = arith.mulf %parallel_loop3A_210, %parallel_loop3A_211 : vector<16xf32>
        %parallel_loop3A_213 = arith.index_cast %parallel_loop3A_91 : i32 to index
        %parallel_loop3A_214 = arith.constant 112 : index
        %parallel_loop3A_215 = tpu.vector_load %arg23[%parallel_loop3A_213, %parallel_loop3A_214] {strides = array<i32>} : memref<96x128xf32, #tpu.memory_space<vmem>>, vector<1x16xf32>,
        %parallel_loop3A_216 = vector.shape_cast %parallel_loop3A_215 : vector<1x16xf32> to vector<16xf32>
        %parallel_loop3A_217 = vector.shape_cast %parallel_loop3A_212 : vector<16xf32> to vector<1x16xf32>
        tpu.vector_store %arg23[%parallel_loop3A_213, %parallel_loop3A_214], %parallel_loop3A_217 {strides = array<i32>} : memref<96x128xf32, #tpu.memory_space<vmem>>, vector<1x16xf32>,
      } {sc.loop_unroll_factor = 32 : i64, sc.parallel_access}
      "tpu.region"() ({
        %run_scoped3A = tpu.sem_alloc : memref<!tpu.dma_semaphore, #tpu.memory_space<semaphore_mem>>
        %dma_start3A_91 = arith.constant 0 : i32
        %dma_start3A_92 = arith.constant 0 : i32
        %dma_start3A_93 = tpu.memref_slice %arg26[%dma_start3A_91, %dma_start3A_92] : memref<10112x128xf32, #tpu.memory_space<vmem_shared>> -> memref<10112x128xf32, #tpu.memory_space<vmem_shared>>
        tpu.enqueue_indirect_dma source(%arg23 : memref<96x128xf32, #tpu.memory_space<vmem>>) target(%dma_start3A_93 : memref<10112x128xf32, #tpu.memory_space<vmem_shared>>) offsets(%arg15 : memref<96xi32, #tpu.memory_space<vmem>>) semaphore(%run_scoped3A : memref<!tpu.dma_semaphore, #tpu.memory_space<semaphore_mem>>) {add = true}
        %dma_wait3A_94 = arith.constant 0 : i32
        %dma_wait3A_95 = arith.constant 0 : i32
        %dma_wait3A_96 = tpu.memref_slice %arg26[%dma_wait3A_94, %dma_wait3A_95] : memref<10112x128xf32, #tpu.memory_space<vmem_shared>> -> memref<10112x128xf32, #tpu.memory_space<vmem_shared>>
        tpu.wait_indirect_dma semaphore(%run_scoped3A : memref<!tpu.dma_semaphore, #tpu.memory_space<semaphore_mem>>) src(%arg23 : memref<96x128xf32, #tpu.memory_space<vmem>>) dst(%dma_wait3A_96 : memref<10112x128xf32, #tpu.memory_space<vmem_shared>>)
        tpu.yield
      }) : () -> ()
      "tpu.region"() ({
        %run_scoped3A = tpu.sem_alloc : memref<!tpu.dma_semaphore, #tpu.memory_space<semaphore_mem>>
        %dma_start3A_91 = arith.constant 0 : i32
        %dma_start3A_92 = arith.constant 0 : i32
        %dma_start3A_93 = tpu.memref_slice %arg27[%dma_start3A_91, %dma_start3A_92] : memref<10112x16xf32, #tpu.memory_space<vmem_shared>> -> memref<10112x16xf32, #tpu.memory_space<vmem_shared>>
        tpu.enqueue_indirect_dma source(%arg25 : memref<96x16xf32, #tpu.memory_space<vmem>>) target(%dma_start3A_93 : memref<10112x16xf32, #tpu.memory_space<vmem_shared>>) offsets(%arg15 : memref<96xi32, #tpu.memory_space<vmem>>) semaphore(%run_scoped3A : memref<!tpu.dma_semaphore, #tpu.memory_space<semaphore_mem>>) {add = true}
        %dma_wait3A_94 = arith.constant 0 : i32
        %dma_wait3A_95 = arith.constant 0 : i32
        %dma_wait3A_96 = tpu.memref_slice %arg27[%dma_wait3A_94, %dma_wait3A_95] : memref<10112x16xf32, #tpu.memory_space<vmem_shared>> -> memref<10112x16xf32, #tpu.memory_space<vmem_shared>>
        tpu.wait_indirect_dma semaphore(%run_scoped3A : memref<!tpu.dma_semaphore, #tpu.memory_space<semaphore_mem>>) src(%arg25 : memref<96x16xf32, #tpu.memory_space<vmem>>) dst(%dma_wait3A_96 : memref<10112x16xf32, #tpu.memory_space<vmem_shared>>)
        tpu.yield
      }) : () -> ()
    }
    %scan3A_40 = arith.constant 54 : i32
    %barrier3A_41 = arith.constant 0 : index
    tpu.barrier barrier_id(%barrier3A_41)
    %mul3A_42 = arith.constant 632 : i32
    %mul3A_43 = arith.muli %arg1, %mul3A_42 : i32
    %mul3A_44 = arith.constant 632 : i32
    %mul3A_45 = arith.muli %arg1, %mul3A_44 : i32
    "tpu.region"() ({
      %run_scoped3A = tpu.sem_alloc : memref<!tpu.dma_semaphore, #tpu.memory_space<semaphore_mem>>
      %dma_start3A_50 = arith.constant 0 : i32
      %dma_start3A_51 = tpu.memref_slice %arg10[%arg0, %mul3A_45, %dma_start3A_50] : memref<2x10112x128xf32, #tpu.memory_space<hbm>> -> memref<1x632x128xf32, #tpu.memory_space<hbm>>
      %dma_start3A_52 = tpu.memref_squeeze %dma_start3A_51 : memref<1x632x128xf32, #tpu.memory_space<hbm>> -> memref<632x128xf32, #tpu.memory_space<hbm>>
      %dma_start3A_53 = arith.constant 0 : i32
      %dma_start3A_54 = tpu.memref_slice %arg26[%mul3A_43, %dma_start3A_53] : memref<10112x128xf32, #tpu.memory_space<vmem_shared>> -> memref<632x128xf32, #tpu.memory_space<vmem_shared>>
      tpu.enqueue_dma source(%dma_start3A_54 : memref<632x128xf32, #tpu.memory_space<vmem_shared>>) target(%dma_start3A_52 : memref<632x128xf32, #tpu.memory_space<hbm>>) target_semaphore(%run_scoped3A : memref<!tpu.dma_semaphore, #tpu.memory_space<semaphore_mem>>)
      %dma_wait3A_55 = arith.constant 0 : i32
      %dma_wait3A_56 = tpu.memref_slice %arg10[%arg0, %mul3A_45, %dma_wait3A_55] : memref<2x10112x128xf32, #tpu.memory_space<hbm>> -> memref<1x632x128xf32, #tpu.memory_space<hbm>>
      %dma_wait3A_57 = tpu.memref_squeeze %dma_wait3A_56 : memref<1x632x128xf32, #tpu.memory_space<hbm>> -> memref<632x128xf32, #tpu.memory_space<hbm>>
      %dma_wait3A_58 = arith.constant 0 : i32
      %dma_wait3A_59 = tpu.memref_slice %arg26[%mul3A_43, %dma_wait3A_58] : memref<10112x128xf32, #tpu.memory_space<vmem_shared>> -> memref<632x128xf32, #tpu.memory_space<vmem_shared>>
      tpu.wait_dma2 semaphore(%run_scoped3A : memref<!tpu.dma_semaphore, #tpu.memory_space<semaphore_mem>>) src(%dma_wait3A_59 : memref<632x128xf32, #tpu.memory_space<vmem_shared>>) dst(%dma_wait3A_57 : memref<632x128xf32, #tpu.memory_space<hbm>>)
      tpu.yield
    }) : () -> ()
    %mul3A_46 = arith.constant 632 : i32
    %mul3A_47 = arith.muli %arg1, %mul3A_46 : i32
    %mul3A_48 = arith.constant 632 : i32
    %mul3A_49 = arith.muli %arg1, %mul3A_48 : i32
    "tpu.region"() ({
      %run_scoped3A = tpu.sem_alloc : memref<!tpu.dma_semaphore, #tpu.memory_space<semaphore_mem>>
      %dma_start3A_50 = arith.constant 0 : i32
      %dma_start3A_51 = tpu.memref_slice %arg11[%arg0, %mul3A_49, %dma_start3A_50] : memref<2x10112x16xf32, #tpu.memory_space<hbm>> -> memref<1x632x16xf32, #tpu.memory_space<hbm>>
      %dma_start3A_52 = tpu.memref_squeeze %dma_start3A_51 : memref<1x632x16xf32, #tpu.memory_space<hbm>> -> memref<632x16xf32, #tpu.memory_space<hbm>>
      %dma_start3A_53 = arith.constant 0 : i32
      %dma_start3A_54 = tpu.memref_slice %arg27[%mul3A_47, %dma_start3A_53] : memref<10112x16xf32, #tpu.memory_space<vmem_shared>> -> memref<632x16xf32, #tpu.memory_space<vmem_shared>>
      tpu.enqueue_dma source(%dma_start3A_54 : memref<632x16xf32, #tpu.memory_space<vmem_shared>>) target(%dma_start3A_52 : memref<632x16xf32, #tpu.memory_space<hbm>>) target_semaphore(%run_scoped3A : memref<!tpu.dma_semaphore, #tpu.memory_space<semaphore_mem>>)
      %dma_wait3A_55 = arith.constant 0 : i32
      %dma_wait3A_56 = tpu.memref_slice %arg11[%arg0, %mul3A_49, %dma_wait3A_55] : memref<2x10112x16xf32, #tpu.memory_space<hbm>> -> memref<1x632x16xf32, #tpu.memory_space<hbm>>
      %dma_wait3A_57 = tpu.memref_squeeze %dma_wait3A_56 : memref<1x632x16xf32, #tpu.memory_space<hbm>> -> memref<632x16xf32, #tpu.memory_space<hbm>>
      %dma_wait3A_58 = arith.constant 0 : i32
      %dma_wait3A_59 = tpu.memref_slice %arg27[%mul3A_47, %dma_wait3A_58] : memref<10112x16xf32, #tpu.memory_space<vmem_shared>> -> memref<632x16xf32, #tpu.memory_space<vmem_shared>>
      tpu.wait_dma2 semaphore(%run_scoped3A : memref<!tpu.dma_semaphore, #tpu.memory_space<semaphore_mem>>) src(%dma_wait3A_59 : memref<632x16xf32, #tpu.memory_space<vmem_shared>>) dst(%dma_wait3A_57 : memref<632x16xf32, #tpu.memory_space<hbm>>)
      tpu.yield
    }) : () -> ()
    return
  }
}

#map = affine_map<(d0, d1) -> (0)>
#map1 = affine_map<(d0, d1) -> (0, 0)>
#map2 = affine_map<(d0, d1) -> (0, 0, 0)>
module attributes {stable_mosaic.version = 14 : i64} {
  func.func @edge_kernel(%arg0: i32, %arg1: i32, %arg2: memref<331776xi32, #tpu.memory_space<hbm>>, %arg3: memref<331776xi32, #tpu.memory_space<hbm>>, %arg4: memref<331776xi32, #tpu.memory_space<hbm>>, %arg5: memref<10000x64xf32, #tpu.memory_space<hbm>>, %arg6: memref<10000x16xf32, #tpu.memory_space<hbm>>, %arg7: memref<10000x16xf32, #tpu.memory_space<hbm>>, %arg8: memref<632x64xf32, #tpu.memory_space<hbm>>, %arg9: memref<632x16xf32, #tpu.memory_space<hbm>>, %arg10: memref<2x10112x64xf32, #tpu.memory_space<hbm>>, %arg11: memref<2x10112x16xf32, #tpu.memory_space<hbm>>, %arg12: memref<96xi32, #tpu.memory_space<vmem>>, %arg13: memref<96xi32, #tpu.memory_space<vmem>>, %arg14: memref<96xi32, #tpu.memory_space<vmem>>, %arg15: memref<96xi32, #tpu.memory_space<vmem>>, %arg16: memref<96xi32, #tpu.memory_space<vmem>>, %arg17: memref<96xi32, #tpu.memory_space<vmem>>, %arg18: memref<96x16xf32, #tpu.memory_space<vmem>>, %arg19: memref<96x16xf32, #tpu.memory_space<vmem>>, %arg20: memref<96x16xf32, #tpu.memory_space<vmem>>, %arg21: memref<96x16xf32, #tpu.memory_space<vmem>>, %arg22: memref<96x64xf32, #tpu.memory_space<vmem>>, %arg23: memref<96x64xf32, #tpu.memory_space<vmem>>, %arg24: memref<96x16xf32, #tpu.memory_space<vmem>>, %arg25: memref<96x16xf32, #tpu.memory_space<vmem>>, %arg26: memref<10112x64xf32, #tpu.memory_space<vmem_shared>>, %arg27: memref<10112x16xf32, #tpu.memory_space<vmem_shared>>, %arg28: memref<!tpu.dma_semaphore, #tpu.memory_space<semaphore_mem>>, %arg29: memref<!tpu.dma_semaphore, #tpu.memory_space<semaphore_mem>>, %arg30: memref<!tpu.dma_semaphore, #tpu.memory_space<semaphore_mem>>, %arg31: memref<!tpu.dma_semaphore, #tpu.memory_space<semaphore_mem>>) attributes {dimension_semantics = [#tpu.dimension_semantics<core_parallel>, #tpu.dimension_semantics<subcore_parallel>], iteration_bounds = array<i64: 2, 16>, scalar_prefetch = 0 : i64, scratch_operands = 20 : i64, tpu.core_type = #tpu.core_type<sc_vector_subcore>, window_params = [{transform_indices = #map}, {transform_indices = #map}, {transform_indices = #map}, {transform_indices = #map1}, {transform_indices = #map1}, {transform_indices = #map1}, {transform_indices = #map1}, {transform_indices = #map1}, {transform_indices = #map2}, {transform_indices = #map2}]} {
    %mul3A = arith.constant 16 : i32
    %mul3A_0 = arith.muli %arg0, %mul3A : i32
    %add3A = arith.addi %mul3A_0, %arg1 : i32
    %mul3A_1 = arith.constant 632 : i32
    %mul3A_2 = arith.muli %arg1, %mul3A_1 : i32
    "tpu.region"() ({
      %run_scoped3A = tpu.sem_alloc : memref<!tpu.dma_semaphore, #tpu.memory_space<semaphore_mem>>
      %dma_start3A_50 = arith.constant 0 : i32
      %dma_start3A_51 = tpu.memref_slice %arg26[%mul3A_2, %dma_start3A_50] : memref<10112x64xf32, #tpu.memory_space<vmem_shared>> -> memref<632x64xf32, #tpu.memory_space<vmem_shared>>
      tpu.enqueue_dma source(%arg8 : memref<632x64xf32, #tpu.memory_space<hbm>>) target(%dma_start3A_51 : memref<632x64xf32, #tpu.memory_space<vmem_shared>>) target_semaphore(%run_scoped3A : memref<!tpu.dma_semaphore, #tpu.memory_space<semaphore_mem>>)
      %dma_wait3A_52 = arith.constant 0 : i32
      %dma_wait3A_53 = tpu.memref_slice %arg26[%mul3A_2, %dma_wait3A_52] : memref<10112x64xf32, #tpu.memory_space<vmem_shared>> -> memref<632x64xf32, #tpu.memory_space<vmem_shared>>
      tpu.wait_dma2 semaphore(%run_scoped3A : memref<!tpu.dma_semaphore, #tpu.memory_space<semaphore_mem>>) src(%arg8 : memref<632x64xf32, #tpu.memory_space<hbm>>) dst(%dma_wait3A_53 : memref<632x64xf32, #tpu.memory_space<vmem_shared>>)
      tpu.yield
    }) : () -> ()
    %mul3A_3 = arith.constant 632 : i32
    %mul3A_4 = arith.muli %arg1, %mul3A_3 : i32
    "tpu.region"() ({
      %run_scoped3A = tpu.sem_alloc : memref<!tpu.dma_semaphore, #tpu.memory_space<semaphore_mem>>
      %dma_start3A_50 = arith.constant 0 : i32
      %dma_start3A_51 = tpu.memref_slice %arg27[%mul3A_4, %dma_start3A_50] : memref<10112x16xf32, #tpu.memory_space<vmem_shared>> -> memref<632x16xf32, #tpu.memory_space<vmem_shared>>
      tpu.enqueue_dma source(%arg9 : memref<632x16xf32, #tpu.memory_space<hbm>>) target(%dma_start3A_51 : memref<632x16xf32, #tpu.memory_space<vmem_shared>>) target_semaphore(%run_scoped3A : memref<!tpu.dma_semaphore, #tpu.memory_space<semaphore_mem>>)
      %dma_wait3A_52 = arith.constant 0 : i32
      %dma_wait3A_53 = tpu.memref_slice %arg27[%mul3A_4, %dma_wait3A_52] : memref<10112x16xf32, #tpu.memory_space<vmem_shared>> -> memref<632x16xf32, #tpu.memory_space<vmem_shared>>
      tpu.wait_dma2 semaphore(%run_scoped3A : memref<!tpu.dma_semaphore, #tpu.memory_space<semaphore_mem>>) src(%arg9 : memref<632x16xf32, #tpu.memory_space<hbm>>) dst(%dma_wait3A_53 : memref<632x16xf32, #tpu.memory_space<vmem_shared>>)
      tpu.yield
    }) : () -> ()
    %barrier3A = arith.constant 0 : index
    tpu.barrier barrier_id(%barrier3A)
    %mul3A_5 = arith.constant 108 : i32
    %mul3A_6 = arith.muli %add3A, %mul3A_5 : i32
    %add3A_7 = arith.constant 0 : i32
    %add3A_8 = arith.addi %mul3A_6, %add3A_7 : i32
    %mul3A_9 = arith.constant 96 : i32
    %mul3A_10 = arith.muli %add3A_8, %mul3A_9 : i32
    %dma_start3A = tpu.memref_slice %arg2[%mul3A_10] : memref<331776xi32, #tpu.memory_space<hbm>> -> memref<96xi32, #tpu.memory_space<hbm>>
    %dma_start3A_11 = tpu.memref_slice %arg2[%mul3A_10] : memref<331776xi32, #tpu.memory_space<hbm>> -> memref<96xi32, #tpu.memory_space<hbm>>
    tpu.enqueue_dma source(%dma_start3A_11 : memref<96xi32, #tpu.memory_space<hbm>>) target(%arg12 : memref<96xi32, #tpu.memory_space<vmem>>) target_semaphore(%arg28 : memref<!tpu.dma_semaphore, #tpu.memory_space<semaphore_mem>>)
    %dma_start3A_12 = tpu.memref_slice %arg3[%mul3A_10] : memref<331776xi32, #tpu.memory_space<hbm>> -> memref<96xi32, #tpu.memory_space<hbm>>
    %dma_start3A_13 = tpu.memref_slice %arg3[%mul3A_10] : memref<331776xi32, #tpu.memory_space<hbm>> -> memref<96xi32, #tpu.memory_space<hbm>>
    tpu.enqueue_dma source(%dma_start3A_13 : memref<96xi32, #tpu.memory_space<hbm>>) target(%arg14 : memref<96xi32, #tpu.memory_space<vmem>>) target_semaphore(%arg28 : memref<!tpu.dma_semaphore, #tpu.memory_space<semaphore_mem>>)
    %dma_start3A_14 = tpu.memref_slice %arg4[%mul3A_10] : memref<331776xi32, #tpu.memory_space<hbm>> -> memref<96xi32, #tpu.memory_space<hbm>>
    %dma_start3A_15 = tpu.memref_slice %arg4[%mul3A_10] : memref<331776xi32, #tpu.memory_space<hbm>> -> memref<96xi32, #tpu.memory_space<hbm>>
    tpu.enqueue_dma source(%dma_start3A_15 : memref<96xi32, #tpu.memory_space<hbm>>) target(%arg16 : memref<96xi32, #tpu.memory_space<vmem>>) target_semaphore(%arg28 : memref<!tpu.dma_semaphore, #tpu.memory_space<semaphore_mem>>)
    %mul3A_16 = arith.constant 108 : i32
    %mul3A_17 = arith.muli %add3A, %mul3A_16 : i32
    %add3A_18 = arith.constant 0 : i32
    %add3A_19 = arith.addi %mul3A_17, %add3A_18 : i32
    %mul3A_20 = arith.constant 96 : i32
    %mul3A_21 = arith.muli %add3A_19, %mul3A_20 : i32
    %dma_wait3A = tpu.memref_slice %arg2[%mul3A_21] : memref<331776xi32, #tpu.memory_space<hbm>> -> memref<96xi32, #tpu.memory_space<hbm>>
    %dma_wait3A_22 = tpu.memref_slice %arg2[%mul3A_21] : memref<331776xi32, #tpu.memory_space<hbm>> -> memref<96xi32, #tpu.memory_space<hbm>>
    tpu.wait_dma2 semaphore(%arg28 : memref<!tpu.dma_semaphore, #tpu.memory_space<semaphore_mem>>) src(%dma_wait3A_22 : memref<96xi32, #tpu.memory_space<hbm>>) dst(%arg12 : memref<96xi32, #tpu.memory_space<vmem>>)
    %dma_wait3A_23 = tpu.memref_slice %arg3[%mul3A_21] : memref<331776xi32, #tpu.memory_space<hbm>> -> memref<96xi32, #tpu.memory_space<hbm>>
    %dma_wait3A_24 = tpu.memref_slice %arg3[%mul3A_21] : memref<331776xi32, #tpu.memory_space<hbm>> -> memref<96xi32, #tpu.memory_space<hbm>>
    tpu.wait_dma2 semaphore(%arg28 : memref<!tpu.dma_semaphore, #tpu.memory_space<semaphore_mem>>) src(%dma_wait3A_24 : memref<96xi32, #tpu.memory_space<hbm>>) dst(%arg14 : memref<96xi32, #tpu.memory_space<vmem>>)
    %dma_wait3A_25 = tpu.memref_slice %arg4[%mul3A_21] : memref<331776xi32, #tpu.memory_space<hbm>> -> memref<96xi32, #tpu.memory_space<hbm>>
    %dma_wait3A_26 = tpu.memref_slice %arg4[%mul3A_21] : memref<331776xi32, #tpu.memory_space<hbm>> -> memref<96xi32, #tpu.memory_space<hbm>>
    tpu.wait_dma2 semaphore(%arg28 : memref<!tpu.dma_semaphore, #tpu.memory_space<semaphore_mem>>) src(%dma_wait3A_26 : memref<96xi32, #tpu.memory_space<hbm>>) dst(%arg16 : memref<96xi32, #tpu.memory_space<vmem>>)
    %dma_start3A_27 = arith.constant 0 : i32
    %dma_start3A_28 = arith.constant 0 : i32
    %dma_start3A_29 = tpu.memref_slice %arg6[%dma_start3A_27, %dma_start3A_28] : memref<10000x16xf32, #tpu.memory_space<hbm>> -> memref<10000x16xf32, #tpu.memory_space<hbm>>
    tpu.enqueue_indirect_dma source(%dma_start3A_29 : memref<10000x16xf32, #tpu.memory_space<hbm>>) target(%arg18 : memref<96x16xf32, #tpu.memory_space<vmem>>) offsets(%arg16 : memref<96xi32, #tpu.memory_space<vmem>>) semaphore(%arg30 : memref<!tpu.dma_semaphore, #tpu.memory_space<semaphore_mem>>)
    %dma_start3A_30 = arith.constant 0 : i32
    %dma_start3A_31 = arith.constant 0 : i32
    %dma_start3A_32 = tpu.memref_slice %arg7[%dma_start3A_30, %dma_start3A_31] : memref<10000x16xf32, #tpu.memory_space<hbm>> -> memref<10000x16xf32, #tpu.memory_space<hbm>>
    tpu.enqueue_indirect_dma source(%dma_start3A_32 : memref<10000x16xf32, #tpu.memory_space<hbm>>) target(%arg20 : memref<96x16xf32, #tpu.memory_space<vmem>>) offsets(%arg12 : memref<96xi32, #tpu.memory_space<vmem>>) semaphore(%arg30 : memref<!tpu.dma_semaphore, #tpu.memory_space<semaphore_mem>>)
    %dma_start3A_33 = arith.constant 0 : i32
    %dma_start3A_34 = arith.constant 0 : i32
    %dma_start3A_35 = tpu.memref_slice %arg5[%dma_start3A_33, %dma_start3A_34] : memref<10000x64xf32, #tpu.memory_space<hbm>> -> memref<10000x64xf32, #tpu.memory_space<hbm>>
    tpu.enqueue_indirect_dma source(%dma_start3A_35 : memref<10000x64xf32, #tpu.memory_space<hbm>>) target(%arg22 : memref<96x64xf32, #tpu.memory_space<vmem>>) offsets(%arg12 : memref<96xi32, #tpu.memory_space<vmem>>) semaphore(%arg30 : memref<!tpu.dma_semaphore, #tpu.memory_space<semaphore_mem>>)
    %scan3A = arith.constant 0 : i32
    %scan3A_36 = arith.constant 0 : i32
    %scan3A_37 = arith.constant 54 : i32
    %scan3A_38 = arith.addi %scan3A_36, %scan3A_37 : i32
    %scan3A_39 = arith.constant 1 : i32
    scf.for %scan3A_50 = %scan3A_36 to %scan3A_38 step %scan3A_39  : i32 {
      %mul3A_51 = arith.constant 2 : i32
      %mul3A_52 = arith.muli %scan3A_50, %mul3A_51 : i32
      %add3A_53 = arith.constant 0 : i32
      %add3A_54 = arith.addi %mul3A_52, %add3A_53 : i32
      %add3A_55 = arith.constant 1 : i32
      %add3A_56 = arith.addi %add3A_54, %add3A_55 : i32
      %lt3A = arith.constant 108 : i32
      %lt3A_57 = arith.cmpi slt, %add3A_56, %lt3A : i32
      %convert_element_type3A = arith.extui %lt3A_57 : i1 to i32
      %cond3A = arith.constant 0 : i32
      %cond3A_58 = arith.cmpi ne, %convert_element_type3A, %cond3A : i32
      scf.if %cond3A_58 {
        %add3A_91 = arith.constant 1 : i32
        %add3A_92 = arith.addi %add3A_54, %add3A_91 : i32
        %mul3A_93 = arith.constant 108 : i32
        %mul3A_94 = arith.muli %add3A, %mul3A_93 : i32
        %add3A_95 = arith.addi %mul3A_94, %add3A_92 : i32
        %mul3A_96 = arith.constant 96 : i32
        %mul3A_97 = arith.muli %add3A_95, %mul3A_96 : i32
        %dma_start3A_98 = tpu.memref_slice %arg2[%mul3A_97] : memref<331776xi32, #tpu.memory_space<hbm>> -> memref<96xi32, #tpu.memory_space<hbm>>
        %dma_start3A_99 = tpu.memref_slice %arg2[%mul3A_97] : memref<331776xi32, #tpu.memory_space<hbm>> -> memref<96xi32, #tpu.memory_space<hbm>>
        tpu.enqueue_dma source(%dma_start3A_99 : memref<96xi32, #tpu.memory_space<hbm>>) target(%arg13 : memref<96xi32, #tpu.memory_space<vmem>>) target_semaphore(%arg29 : memref<!tpu.dma_semaphore, #tpu.memory_space<semaphore_mem>>)
        %dma_start3A_100 = tpu.memref_slice %arg3[%mul3A_97] : memref<331776xi32, #tpu.memory_space<hbm>> -> memref<96xi32, #tpu.memory_space<hbm>>
        %dma_start3A_101 = tpu.memref_slice %arg3[%mul3A_97] : memref<331776xi32, #tpu.memory_space<hbm>> -> memref<96xi32, #tpu.memory_space<hbm>>
        tpu.enqueue_dma source(%dma_start3A_101 : memref<96xi32, #tpu.memory_space<hbm>>) target(%arg15 : memref<96xi32, #tpu.memory_space<vmem>>) target_semaphore(%arg29 : memref<!tpu.dma_semaphore, #tpu.memory_space<semaphore_mem>>)
        %dma_start3A_102 = tpu.memref_slice %arg4[%mul3A_97] : memref<331776xi32, #tpu.memory_space<hbm>> -> memref<96xi32, #tpu.memory_space<hbm>>
        %dma_start3A_103 = tpu.memref_slice %arg4[%mul3A_97] : memref<331776xi32, #tpu.memory_space<hbm>> -> memref<96xi32, #tpu.memory_space<hbm>>
        tpu.enqueue_dma source(%dma_start3A_103 : memref<96xi32, #tpu.memory_space<hbm>>) target(%arg17 : memref<96xi32, #tpu.memory_space<vmem>>) target_semaphore(%arg29 : memref<!tpu.dma_semaphore, #tpu.memory_space<semaphore_mem>>)
        %add3A_104 = arith.constant 1 : i32
        %add3A_105 = arith.addi %add3A_54, %add3A_104 : i32
        %mul3A_106 = arith.constant 108 : i32
        %mul3A_107 = arith.muli %add3A, %mul3A_106 : i32
        %add3A_108 = arith.addi %mul3A_107, %add3A_105 : i32
        %mul3A_109 = arith.constant 96 : i32
        %mul3A_110 = arith.muli %add3A_108, %mul3A_109 : i32
        %dma_wait3A_111 = tpu.memref_slice %arg2[%mul3A_110] : memref<331776xi32, #tpu.memory_space<hbm>> -> memref<96xi32, #tpu.memory_space<hbm>>
        %dma_wait3A_112 = tpu.memref_slice %arg2[%mul3A_110] : memref<331776xi32, #tpu.memory_space<hbm>> -> memref<96xi32, #tpu.memory_space<hbm>>
        tpu.wait_dma2 semaphore(%arg29 : memref<!tpu.dma_semaphore, #tpu.memory_space<semaphore_mem>>) src(%dma_wait3A_112 : memref<96xi32, #tpu.memory_space<hbm>>) dst(%arg13 : memref<96xi32, #tpu.memory_space<vmem>>)
        %dma_wait3A_113 = tpu.memref_slice %arg3[%mul3A_110] : memref<331776xi32, #tpu.memory_space<hbm>> -> memref<96xi32, #tpu.memory_space<hbm>>
        %dma_wait3A_114 = tpu.memref_slice %arg3[%mul3A_110] : memref<331776xi32, #tpu.memory_space<hbm>> -> memref<96xi32, #tpu.memory_space<hbm>>
        tpu.wait_dma2 semaphore(%arg29 : memref<!tpu.dma_semaphore, #tpu.memory_space<semaphore_mem>>) src(%dma_wait3A_114 : memref<96xi32, #tpu.memory_space<hbm>>) dst(%arg15 : memref<96xi32, #tpu.memory_space<vmem>>)
        %dma_wait3A_115 = tpu.memref_slice %arg4[%mul3A_110] : memref<331776xi32, #tpu.memory_space<hbm>> -> memref<96xi32, #tpu.memory_space<hbm>>
        %dma_wait3A_116 = tpu.memref_slice %arg4[%mul3A_110] : memref<331776xi32, #tpu.memory_space<hbm>> -> memref<96xi32, #tpu.memory_space<hbm>>
        tpu.wait_dma2 semaphore(%arg29 : memref<!tpu.dma_semaphore, #tpu.memory_space<semaphore_mem>>) src(%dma_wait3A_116 : memref<96xi32, #tpu.memory_space<hbm>>) dst(%arg17 : memref<96xi32, #tpu.memory_space<vmem>>)
        %dma_start3A_117 = arith.constant 0 : i32
        %dma_start3A_118 = arith.constant 0 : i32
        %dma_start3A_119 = tpu.memref_slice %arg6[%dma_start3A_117, %dma_start3A_118] : memref<10000x16xf32, #tpu.memory_space<hbm>> -> memref<10000x16xf32, #tpu.memory_space<hbm>>
        tpu.enqueue_indirect_dma source(%dma_start3A_119 : memref<10000x16xf32, #tpu.memory_space<hbm>>) target(%arg19 : memref<96x16xf32, #tpu.memory_space<vmem>>) offsets(%arg17 : memref<96xi32, #tpu.memory_space<vmem>>) semaphore(%arg31 : memref<!tpu.dma_semaphore, #tpu.memory_space<semaphore_mem>>)
        %dma_start3A_120 = arith.constant 0 : i32
        %dma_start3A_121 = arith.constant 0 : i32
        %dma_start3A_122 = tpu.memref_slice %arg7[%dma_start3A_120, %dma_start3A_121] : memref<10000x16xf32, #tpu.memory_space<hbm>> -> memref<10000x16xf32, #tpu.memory_space<hbm>>
        tpu.enqueue_indirect_dma source(%dma_start3A_122 : memref<10000x16xf32, #tpu.memory_space<hbm>>) target(%arg21 : memref<96x16xf32, #tpu.memory_space<vmem>>) offsets(%arg13 : memref<96xi32, #tpu.memory_space<vmem>>) semaphore(%arg31 : memref<!tpu.dma_semaphore, #tpu.memory_space<semaphore_mem>>)
        %dma_start3A_123 = arith.constant 0 : i32
        %dma_start3A_124 = arith.constant 0 : i32
        %dma_start3A_125 = tpu.memref_slice %arg5[%dma_start3A_123, %dma_start3A_124] : memref<10000x64xf32, #tpu.memory_space<hbm>> -> memref<10000x64xf32, #tpu.memory_space<hbm>>
        tpu.enqueue_indirect_dma source(%dma_start3A_125 : memref<10000x64xf32, #tpu.memory_space<hbm>>) target(%arg23 : memref<96x64xf32, #tpu.memory_space<vmem>>) offsets(%arg13 : memref<96xi32, #tpu.memory_space<vmem>>) semaphore(%arg31 : memref<!tpu.dma_semaphore, #tpu.memory_space<semaphore_mem>>)
      } else {
      }
      %dma_wait3A_59 = arith.constant 0 : i32
      %dma_wait3A_60 = arith.constant 0 : i32
      %dma_wait3A_61 = tpu.memref_slice %arg6[%dma_wait3A_59, %dma_wait3A_60] : memref<10000x16xf32, #tpu.memory_space<hbm>> -> memref<10000x16xf32, #tpu.memory_space<hbm>>
      tpu.wait_indirect_dma semaphore(%arg30 : memref<!tpu.dma_semaphore, #tpu.memory_space<semaphore_mem>>) src(%dma_wait3A_61 : memref<10000x16xf32, #tpu.memory_space<hbm>>) dst(%arg18 : memref<96x16xf32, #tpu.memory_space<vmem>>)
      %dma_wait3A_62 = arith.constant 0 : i32
      %dma_wait3A_63 = arith.constant 0 : i32
      %dma_wait3A_64 = tpu.memref_slice %arg7[%dma_wait3A_62, %dma_wait3A_63] : memref<10000x16xf32, #tpu.memory_space<hbm>> -> memref<10000x16xf32, #tpu.memory_space<hbm>>
      tpu.wait_indirect_dma semaphore(%arg30 : memref<!tpu.dma_semaphore, #tpu.memory_space<semaphore_mem>>) src(%dma_wait3A_64 : memref<10000x16xf32, #tpu.memory_space<hbm>>) dst(%arg20 : memref<96x16xf32, #tpu.memory_space<vmem>>)
      %dma_wait3A_65 = arith.constant 0 : i32
      %dma_wait3A_66 = arith.constant 0 : i32
      %dma_wait3A_67 = tpu.memref_slice %arg5[%dma_wait3A_65, %dma_wait3A_66] : memref<10000x64xf32, #tpu.memory_space<hbm>> -> memref<10000x64xf32, #tpu.memory_space<hbm>>
      tpu.wait_indirect_dma semaphore(%arg30 : memref<!tpu.dma_semaphore, #tpu.memory_space<semaphore_mem>>) src(%dma_wait3A_67 : memref<10000x64xf32, #tpu.memory_space<hbm>>) dst(%arg22 : memref<96x64xf32, #tpu.memory_space<vmem>>)
      %parallel_loop3A = arith.constant 0 : i32
      %parallel_loop3A_68 = arith.constant 96 : i32
      %parallel_loop3A_69 = arith.constant 1 : i32
      scf.for %parallel_loop3A_91 = %parallel_loop3A to %parallel_loop3A_68 step %parallel_loop3A_69  : i32 {
        %parallel_loop3A_92 = arith.index_cast %parallel_loop3A_91 : i32 to index
        %parallel_loop3A_93 = arith.constant 0 : index
        %parallel_loop3A_94 = tpu.vector_load %arg18[%parallel_loop3A_92, %parallel_loop3A_93] {strides = array<i32>} : memref<96x16xf32, #tpu.memory_space<vmem>>, vector<1x16xf32>,
        %parallel_loop3A_95 = vector.shape_cast %parallel_loop3A_94 : vector<1x16xf32> to vector<16xf32>
        %parallel_loop3A_96 = arith.index_cast %parallel_loop3A_91 : i32 to index
        %parallel_loop3A_97 = arith.constant 0 : index
        %parallel_loop3A_98 = tpu.vector_load %arg20[%parallel_loop3A_96, %parallel_loop3A_97] {strides = array<i32>} : memref<96x16xf32, #tpu.memory_space<vmem>>, vector<1x16xf32>,
        %parallel_loop3A_99 = vector.shape_cast %parallel_loop3A_98 : vector<1x16xf32> to vector<16xf32>
        %parallel_loop3A_100 = arith.addf %parallel_loop3A_95, %parallel_loop3A_99 : vector<16xf32>
        %parallel_loop3A_101 = arith.constant 0.000000e+00 : f32
        %parallel_loop3A_102 = vector.broadcast %parallel_loop3A_101 : f32 to vector<16xf32>
        %parallel_loop3A_103 = arith.cmpf ogt, %parallel_loop3A_100, %parallel_loop3A_102 : vector<16xf32>
        %parallel_loop3A_104 = arith.constant 2.000000e-01 : f32
        %parallel_loop3A_105 = vector.broadcast %parallel_loop3A_104 : f32 to vector<16xf32>
        %parallel_loop3A_106 = arith.mulf %parallel_loop3A_105, %parallel_loop3A_100 : vector<16xf32>
        %parallel_loop3A_107 = arith.select %parallel_loop3A_103, %parallel_loop3A_100, %parallel_loop3A_106 : vector<16xi1>, vector<16xf32>
        %parallel_loop3A_108 = math.exp %parallel_loop3A_107 : vector<16xf32>
        %parallel_loop3A_109 = arith.index_cast %parallel_loop3A_91 : i32 to index
        %parallel_loop3A_110 = arith.constant 0 : index
        %parallel_loop3A_111 = tpu.vector_load %arg24[%parallel_loop3A_109, %parallel_loop3A_110] {strides = array<i32>} : memref<96x16xf32, #tpu.memory_space<vmem>>, vector<1x16xf32>,
        %parallel_loop3A_112 = vector.shape_cast %parallel_loop3A_111 : vector<1x16xf32> to vector<16xf32>
        %parallel_loop3A_113 = vector.shape_cast %parallel_loop3A_108 : vector<16xf32> to vector<1x16xf32>
        tpu.vector_store %arg24[%parallel_loop3A_109, %parallel_loop3A_110], %parallel_loop3A_113 {strides = array<i32>} : memref<96x16xf32, #tpu.memory_space<vmem>>, vector<1x16xf32>,
        %parallel_loop3A_114 = vector.extract_strided_slice %parallel_loop3A_108 {offsets = [0], sizes = [1], strides = [1]} : vector<16xf32> to vector<1xf32>
        %parallel_loop3A_115 = vector.extract %parallel_loop3A_114[0] : f32 from vector<1xf32>
        %parallel_loop3A_116 = arith.index_cast %parallel_loop3A_91 : i32 to index
        %parallel_loop3A_117 = arith.constant 0 : index
        %parallel_loop3A_118 = tpu.vector_load %arg22[%parallel_loop3A_116, %parallel_loop3A_117] {strides = array<i32>} : memref<96x64xf32, #tpu.memory_space<vmem>>, vector<1x16xf32>,
        %parallel_loop3A_119 = vector.shape_cast %parallel_loop3A_118 : vector<1x16xf32> to vector<16xf32>
        %parallel_loop3A_120 = vector.broadcast %parallel_loop3A_115 : f32 to vector<16xf32>
        %parallel_loop3A_121 = arith.mulf %parallel_loop3A_119, %parallel_loop3A_120 : vector<16xf32>
        %parallel_loop3A_122 = arith.index_cast %parallel_loop3A_91 : i32 to index
        %parallel_loop3A_123 = arith.constant 0 : index
        %parallel_loop3A_124 = tpu.vector_load %arg22[%parallel_loop3A_122, %parallel_loop3A_123] {strides = array<i32>} : memref<96x64xf32, #tpu.memory_space<vmem>>, vector<1x16xf32>,
        %parallel_loop3A_125 = vector.shape_cast %parallel_loop3A_124 : vector<1x16xf32> to vector<16xf32>
        %parallel_loop3A_126 = vector.shape_cast %parallel_loop3A_121 : vector<16xf32> to vector<1x16xf32>
        tpu.vector_store %arg22[%parallel_loop3A_122, %parallel_loop3A_123], %parallel_loop3A_126 {strides = array<i32>} : memref<96x64xf32, #tpu.memory_space<vmem>>, vector<1x16xf32>,
        %parallel_loop3A_127 = vector.extract_strided_slice %parallel_loop3A_108 {offsets = [0], sizes = [1], strides = [1]} : vector<16xf32> to vector<1xf32>
        %parallel_loop3A_128 = vector.extract %parallel_loop3A_127[0] : f32 from vector<1xf32>
        %parallel_loop3A_129 = arith.index_cast %parallel_loop3A_91 : i32 to index
        %parallel_loop3A_130 = arith.constant 16 : index
        %parallel_loop3A_131 = tpu.vector_load %arg22[%parallel_loop3A_129, %parallel_loop3A_130] {strides = array<i32>} : memref<96x64xf32, #tpu.memory_space<vmem>>, vector<1x16xf32>,
        %parallel_loop3A_132 = vector.shape_cast %parallel_loop3A_131 : vector<1x16xf32> to vector<16xf32>
        %parallel_loop3A_133 = vector.broadcast %parallel_loop3A_128 : f32 to vector<16xf32>
        %parallel_loop3A_134 = arith.mulf %parallel_loop3A_132, %parallel_loop3A_133 : vector<16xf32>
        %parallel_loop3A_135 = arith.index_cast %parallel_loop3A_91 : i32 to index
        %parallel_loop3A_136 = arith.constant 16 : index
        %parallel_loop3A_137 = tpu.vector_load %arg22[%parallel_loop3A_135, %parallel_loop3A_136] {strides = array<i32>} : memref<96x64xf32, #tpu.memory_space<vmem>>, vector<1x16xf32>,
        %parallel_loop3A_138 = vector.shape_cast %parallel_loop3A_137 : vector<1x16xf32> to vector<16xf32>
        %parallel_loop3A_139 = vector.shape_cast %parallel_loop3A_134 : vector<16xf32> to vector<1x16xf32>
        tpu.vector_store %arg22[%parallel_loop3A_135, %parallel_loop3A_136], %parallel_loop3A_139 {strides = array<i32>} : memref<96x64xf32, #tpu.memory_space<vmem>>, vector<1x16xf32>,
        %parallel_loop3A_140 = vector.extract_strided_slice %parallel_loop3A_108 {offsets = [0], sizes = [1], strides = [1]} : vector<16xf32> to vector<1xf32>
        %parallel_loop3A_141 = vector.extract %parallel_loop3A_140[0] : f32 from vector<1xf32>
        %parallel_loop3A_142 = arith.index_cast %parallel_loop3A_91 : i32 to index
        %parallel_loop3A_143 = arith.constant 32 : index
        %parallel_loop3A_144 = tpu.vector_load %arg22[%parallel_loop3A_142, %parallel_loop3A_143] {strides = array<i32>} : memref<96x64xf32, #tpu.memory_space<vmem>>, vector<1x16xf32>,
        %parallel_loop3A_145 = vector.shape_cast %parallel_loop3A_144 : vector<1x16xf32> to vector<16xf32>
        %parallel_loop3A_146 = vector.broadcast %parallel_loop3A_141 : f32 to vector<16xf32>
        %parallel_loop3A_147 = arith.mulf %parallel_loop3A_145, %parallel_loop3A_146 : vector<16xf32>
        %parallel_loop3A_148 = arith.index_cast %parallel_loop3A_91 : i32 to index
        %parallel_loop3A_149 = arith.constant 32 : index
        %parallel_loop3A_150 = tpu.vector_load %arg22[%parallel_loop3A_148, %parallel_loop3A_149] {strides = array<i32>} : memref<96x64xf32, #tpu.memory_space<vmem>>, vector<1x16xf32>,
        %parallel_loop3A_151 = vector.shape_cast %parallel_loop3A_150 : vector<1x16xf32> to vector<16xf32>
        %parallel_loop3A_152 = vector.shape_cast %parallel_loop3A_147 : vector<16xf32> to vector<1x16xf32>
        tpu.vector_store %arg22[%parallel_loop3A_148, %parallel_loop3A_149], %parallel_loop3A_152 {strides = array<i32>} : memref<96x64xf32, #tpu.memory_space<vmem>>, vector<1x16xf32>,
        %parallel_loop3A_153 = vector.extract_strided_slice %parallel_loop3A_108 {offsets = [0], sizes = [1], strides = [1]} : vector<16xf32> to vector<1xf32>
        %parallel_loop3A_154 = vector.extract %parallel_loop3A_153[0] : f32 from vector<1xf32>
        %parallel_loop3A_155 = arith.index_cast %parallel_loop3A_91 : i32 to index
        %parallel_loop3A_156 = arith.constant 48 : index
        %parallel_loop3A_157 = tpu.vector_load %arg22[%parallel_loop3A_155, %parallel_loop3A_156] {strides = array<i32>} : memref<96x64xf32, #tpu.memory_space<vmem>>, vector<1x16xf32>,
        %parallel_loop3A_158 = vector.shape_cast %parallel_loop3A_157 : vector<1x16xf32> to vector<16xf32>
        %parallel_loop3A_159 = vector.broadcast %parallel_loop3A_154 : f32 to vector<16xf32>
        %parallel_loop3A_160 = arith.mulf %parallel_loop3A_158, %parallel_loop3A_159 : vector<16xf32>
        %parallel_loop3A_161 = arith.index_cast %parallel_loop3A_91 : i32 to index
        %parallel_loop3A_162 = arith.constant 48 : index
        %parallel_loop3A_163 = tpu.vector_load %arg22[%parallel_loop3A_161, %parallel_loop3A_162] {strides = array<i32>} : memref<96x64xf32, #tpu.memory_space<vmem>>, vector<1x16xf32>,
        %parallel_loop3A_164 = vector.shape_cast %parallel_loop3A_163 : vector<1x16xf32> to vector<16xf32>
        %parallel_loop3A_165 = vector.shape_cast %parallel_loop3A_160 : vector<16xf32> to vector<1x16xf32>
        tpu.vector_store %arg22[%parallel_loop3A_161, %parallel_loop3A_162], %parallel_loop3A_165 {strides = array<i32>} : memref<96x64xf32, #tpu.memory_space<vmem>>, vector<1x16xf32>,
      } {sc.loop_unroll_factor = 32 : i64, sc.parallel_access}
      "tpu.region"() ({
        %run_scoped3A = tpu.sem_alloc : memref<!tpu.dma_semaphore, #tpu.memory_space<semaphore_mem>>
        %dma_start3A_91 = arith.constant 0 : i32
        %dma_start3A_92 = arith.constant 0 : i32
        %dma_start3A_93 = tpu.memref_slice %arg26[%dma_start3A_91, %dma_start3A_92] : memref<10112x64xf32, #tpu.memory_space<vmem_shared>> -> memref<10112x64xf32, #tpu.memory_space<vmem_shared>>
        tpu.enqueue_indirect_dma source(%arg22 : memref<96x64xf32, #tpu.memory_space<vmem>>) target(%dma_start3A_93 : memref<10112x64xf32, #tpu.memory_space<vmem_shared>>) offsets(%arg14 : memref<96xi32, #tpu.memory_space<vmem>>) semaphore(%run_scoped3A : memref<!tpu.dma_semaphore, #tpu.memory_space<semaphore_mem>>) {add = true}
        %dma_wait3A_94 = arith.constant 0 : i32
        %dma_wait3A_95 = arith.constant 0 : i32
        %dma_wait3A_96 = tpu.memref_slice %arg26[%dma_wait3A_94, %dma_wait3A_95] : memref<10112x64xf32, #tpu.memory_space<vmem_shared>> -> memref<10112x64xf32, #tpu.memory_space<vmem_shared>>
        tpu.wait_indirect_dma semaphore(%run_scoped3A : memref<!tpu.dma_semaphore, #tpu.memory_space<semaphore_mem>>) src(%arg22 : memref<96x64xf32, #tpu.memory_space<vmem>>) dst(%dma_wait3A_96 : memref<10112x64xf32, #tpu.memory_space<vmem_shared>>)
        tpu.yield
      }) : () -> ()
      "tpu.region"() ({
        %run_scoped3A = tpu.sem_alloc : memref<!tpu.dma_semaphore, #tpu.memory_space<semaphore_mem>>
        %dma_start3A_91 = arith.constant 0 : i32
        %dma_start3A_92 = arith.constant 0 : i32
        %dma_start3A_93 = tpu.memref_slice %arg27[%dma_start3A_91, %dma_start3A_92] : memref<10112x16xf32, #tpu.memory_space<vmem_shared>> -> memref<10112x16xf32, #tpu.memory_space<vmem_shared>>
        tpu.enqueue_indirect_dma source(%arg24 : memref<96x16xf32, #tpu.memory_space<vmem>>) target(%dma_start3A_93 : memref<10112x16xf32, #tpu.memory_space<vmem_shared>>) offsets(%arg14 : memref<96xi32, #tpu.memory_space<vmem>>) semaphore(%run_scoped3A : memref<!tpu.dma_semaphore, #tpu.memory_space<semaphore_mem>>) {add = true}
        %dma_wait3A_94 = arith.constant 0 : i32
        %dma_wait3A_95 = arith.constant 0 : i32
        %dma_wait3A_96 = tpu.memref_slice %arg27[%dma_wait3A_94, %dma_wait3A_95] : memref<10112x16xf32, #tpu.memory_space<vmem_shared>> -> memref<10112x16xf32, #tpu.memory_space<vmem_shared>>
        tpu.wait_indirect_dma semaphore(%run_scoped3A : memref<!tpu.dma_semaphore, #tpu.memory_space<semaphore_mem>>) src(%arg24 : memref<96x16xf32, #tpu.memory_space<vmem>>) dst(%dma_wait3A_96 : memref<10112x16xf32, #tpu.memory_space<vmem_shared>>)
        tpu.yield
      }) : () -> ()
      %add3A_70 = arith.constant 1 : i32
      %add3A_71 = arith.addi %mul3A_52, %add3A_70 : i32
      %add3A_72 = arith.constant 1 : i32
      %add3A_73 = arith.addi %add3A_71, %add3A_72 : i32
      %lt3A_74 = arith.constant 108 : i32
      %lt3A_75 = arith.cmpi slt, %add3A_73, %lt3A_74 : i32
      %convert_element_type3A_76 = arith.extui %lt3A_75 : i1 to i32
      %cond3A_77 = arith.constant 0 : i32
      %cond3A_78 = arith.cmpi ne, %convert_element_type3A_76, %cond3A_77 : i32
      scf.if %cond3A_78 {
        %add3A_91 = arith.constant 1 : i32
        %add3A_92 = arith.addi %add3A_71, %add3A_91 : i32
        %mul3A_93 = arith.constant 108 : i32
        %mul3A_94 = arith.muli %add3A, %mul3A_93 : i32
        %add3A_95 = arith.addi %mul3A_94, %add3A_92 : i32
        %mul3A_96 = arith.constant 96 : i32
        %mul3A_97 = arith.muli %add3A_95, %mul3A_96 : i32
        %dma_start3A_98 = tpu.memref_slice %arg2[%mul3A_97] : memref<331776xi32, #tpu.memory_space<hbm>> -> memref<96xi32, #tpu.memory_space<hbm>>
        %dma_start3A_99 = tpu.memref_slice %arg2[%mul3A_97] : memref<331776xi32, #tpu.memory_space<hbm>> -> memref<96xi32, #tpu.memory_space<hbm>>
        tpu.enqueue_dma source(%dma_start3A_99 : memref<96xi32, #tpu.memory_space<hbm>>) target(%arg12 : memref<96xi32, #tpu.memory_space<vmem>>) target_semaphore(%arg28 : memref<!tpu.dma_semaphore, #tpu.memory_space<semaphore_mem>>)
        %dma_start3A_100 = tpu.memref_slice %arg3[%mul3A_97] : memref<331776xi32, #tpu.memory_space<hbm>> -> memref<96xi32, #tpu.memory_space<hbm>>
        %dma_start3A_101 = tpu.memref_slice %arg3[%mul3A_97] : memref<331776xi32, #tpu.memory_space<hbm>> -> memref<96xi32, #tpu.memory_space<hbm>>
        tpu.enqueue_dma source(%dma_start3A_101 : memref<96xi32, #tpu.memory_space<hbm>>) target(%arg14 : memref<96xi32, #tpu.memory_space<vmem>>) target_semaphore(%arg28 : memref<!tpu.dma_semaphore, #tpu.memory_space<semaphore_mem>>)
        %dma_start3A_102 = tpu.memref_slice %arg4[%mul3A_97] : memref<331776xi32, #tpu.memory_space<hbm>> -> memref<96xi32, #tpu.memory_space<hbm>>
        %dma_start3A_103 = tpu.memref_slice %arg4[%mul3A_97] : memref<331776xi32, #tpu.memory_space<hbm>> -> memref<96xi32, #tpu.memory_space<hbm>>
        tpu.enqueue_dma source(%dma_start3A_103 : memref<96xi32, #tpu.memory_space<hbm>>) target(%arg16 : memref<96xi32, #tpu.memory_space<vmem>>) target_semaphore(%arg28 : memref<!tpu.dma_semaphore, #tpu.memory_space<semaphore_mem>>)
        %add3A_104 = arith.constant 1 : i32
        %add3A_105 = arith.addi %add3A_71, %add3A_104 : i32
        %mul3A_106 = arith.constant 108 : i32
        %mul3A_107 = arith.muli %add3A, %mul3A_106 : i32
        %add3A_108 = arith.addi %mul3A_107, %add3A_105 : i32
        %mul3A_109 = arith.constant 96 : i32
        %mul3A_110 = arith.muli %add3A_108, %mul3A_109 : i32
        %dma_wait3A_111 = tpu.memref_slice %arg2[%mul3A_110] : memref<331776xi32, #tpu.memory_space<hbm>> -> memref<96xi32, #tpu.memory_space<hbm>>
        %dma_wait3A_112 = tpu.memref_slice %arg2[%mul3A_110] : memref<331776xi32, #tpu.memory_space<hbm>> -> memref<96xi32, #tpu.memory_space<hbm>>
        tpu.wait_dma2 semaphore(%arg28 : memref<!tpu.dma_semaphore, #tpu.memory_space<semaphore_mem>>) src(%dma_wait3A_112 : memref<96xi32, #tpu.memory_space<hbm>>) dst(%arg12 : memref<96xi32, #tpu.memory_space<vmem>>)
        %dma_wait3A_113 = tpu.memref_slice %arg3[%mul3A_110] : memref<331776xi32, #tpu.memory_space<hbm>> -> memref<96xi32, #tpu.memory_space<hbm>>
        %dma_wait3A_114 = tpu.memref_slice %arg3[%mul3A_110] : memref<331776xi32, #tpu.memory_space<hbm>> -> memref<96xi32, #tpu.memory_space<hbm>>
        tpu.wait_dma2 semaphore(%arg28 : memref<!tpu.dma_semaphore, #tpu.memory_space<semaphore_mem>>) src(%dma_wait3A_114 : memref<96xi32, #tpu.memory_space<hbm>>) dst(%arg14 : memref<96xi32, #tpu.memory_space<vmem>>)
        %dma_wait3A_115 = tpu.memref_slice %arg4[%mul3A_110] : memref<331776xi32, #tpu.memory_space<hbm>> -> memref<96xi32, #tpu.memory_space<hbm>>
        %dma_wait3A_116 = tpu.memref_slice %arg4[%mul3A_110] : memref<331776xi32, #tpu.memory_space<hbm>> -> memref<96xi32, #tpu.memory_space<hbm>>
        tpu.wait_dma2 semaphore(%arg28 : memref<!tpu.dma_semaphore, #tpu.memory_space<semaphore_mem>>) src(%dma_wait3A_116 : memref<96xi32, #tpu.memory_space<hbm>>) dst(%arg16 : memref<96xi32, #tpu.memory_space<vmem>>)
        %dma_start3A_117 = arith.constant 0 : i32
        %dma_start3A_118 = arith.constant 0 : i32
        %dma_start3A_119 = tpu.memref_slice %arg6[%dma_start3A_117, %dma_start3A_118] : memref<10000x16xf32, #tpu.memory_space<hbm>> -> memref<10000x16xf32, #tpu.memory_space<hbm>>
        tpu.enqueue_indirect_dma source(%dma_start3A_119 : memref<10000x16xf32, #tpu.memory_space<hbm>>) target(%arg18 : memref<96x16xf32, #tpu.memory_space<vmem>>) offsets(%arg16 : memref<96xi32, #tpu.memory_space<vmem>>) semaphore(%arg30 : memref<!tpu.dma_semaphore, #tpu.memory_space<semaphore_mem>>)
        %dma_start3A_120 = arith.constant 0 : i32
        %dma_start3A_121 = arith.constant 0 : i32
        %dma_start3A_122 = tpu.memref_slice %arg7[%dma_start3A_120, %dma_start3A_121] : memref<10000x16xf32, #tpu.memory_space<hbm>> -> memref<10000x16xf32, #tpu.memory_space<hbm>>
        tpu.enqueue_indirect_dma source(%dma_start3A_122 : memref<10000x16xf32, #tpu.memory_space<hbm>>) target(%arg20 : memref<96x16xf32, #tpu.memory_space<vmem>>) offsets(%arg12 : memref<96xi32, #tpu.memory_space<vmem>>) semaphore(%arg30 : memref<!tpu.dma_semaphore, #tpu.memory_space<semaphore_mem>>)
        %dma_start3A_123 = arith.constant 0 : i32
        %dma_start3A_124 = arith.constant 0 : i32
        %dma_start3A_125 = tpu.memref_slice %arg5[%dma_start3A_123, %dma_start3A_124] : memref<10000x64xf32, #tpu.memory_space<hbm>> -> memref<10000x64xf32, #tpu.memory_space<hbm>>
        tpu.enqueue_indirect_dma source(%dma_start3A_125 : memref<10000x64xf32, #tpu.memory_space<hbm>>) target(%arg22 : memref<96x64xf32, #tpu.memory_space<vmem>>) offsets(%arg12 : memref<96xi32, #tpu.memory_space<vmem>>) semaphore(%arg30 : memref<!tpu.dma_semaphore, #tpu.memory_space<semaphore_mem>>)
      } else {
      }
      %dma_wait3A_79 = arith.constant 0 : i32
      %dma_wait3A_80 = arith.constant 0 : i32
      %dma_wait3A_81 = tpu.memref_slice %arg6[%dma_wait3A_79, %dma_wait3A_80] : memref<10000x16xf32, #tpu.memory_space<hbm>> -> memref<10000x16xf32, #tpu.memory_space<hbm>>
      tpu.wait_indirect_dma semaphore(%arg31 : memref<!tpu.dma_semaphore, #tpu.memory_space<semaphore_mem>>) src(%dma_wait3A_81 : memref<10000x16xf32, #tpu.memory_space<hbm>>) dst(%arg19 : memref<96x16xf32, #tpu.memory_space<vmem>>)
      %dma_wait3A_82 = arith.constant 0 : i32
      %dma_wait3A_83 = arith.constant 0 : i32
      %dma_wait3A_84 = tpu.memref_slice %arg7[%dma_wait3A_82, %dma_wait3A_83] : memref<10000x16xf32, #tpu.memory_space<hbm>> -> memref<10000x16xf32, #tpu.memory_space<hbm>>
      tpu.wait_indirect_dma semaphore(%arg31 : memref<!tpu.dma_semaphore, #tpu.memory_space<semaphore_mem>>) src(%dma_wait3A_84 : memref<10000x16xf32, #tpu.memory_space<hbm>>) dst(%arg21 : memref<96x16xf32, #tpu.memory_space<vmem>>)
      %dma_wait3A_85 = arith.constant 0 : i32
      %dma_wait3A_86 = arith.constant 0 : i32
      %dma_wait3A_87 = tpu.memref_slice %arg5[%dma_wait3A_85, %dma_wait3A_86] : memref<10000x64xf32, #tpu.memory_space<hbm>> -> memref<10000x64xf32, #tpu.memory_space<hbm>>
      tpu.wait_indirect_dma semaphore(%arg31 : memref<!tpu.dma_semaphore, #tpu.memory_space<semaphore_mem>>) src(%dma_wait3A_87 : memref<10000x64xf32, #tpu.memory_space<hbm>>) dst(%arg23 : memref<96x64xf32, #tpu.memory_space<vmem>>)
      %parallel_loop3A_88 = arith.constant 0 : i32
      %parallel_loop3A_89 = arith.constant 96 : i32
      %parallel_loop3A_90 = arith.constant 1 : i32
      scf.for %parallel_loop3A_91 = %parallel_loop3A_88 to %parallel_loop3A_89 step %parallel_loop3A_90  : i32 {
        %parallel_loop3A_92 = arith.index_cast %parallel_loop3A_91 : i32 to index
        %parallel_loop3A_93 = arith.constant 0 : index
        %parallel_loop3A_94 = tpu.vector_load %arg19[%parallel_loop3A_92, %parallel_loop3A_93] {strides = array<i32>} : memref<96x16xf32, #tpu.memory_space<vmem>>, vector<1x16xf32>,
        %parallel_loop3A_95 = vector.shape_cast %parallel_loop3A_94 : vector<1x16xf32> to vector<16xf32>
        %parallel_loop3A_96 = arith.index_cast %parallel_loop3A_91 : i32 to index
        %parallel_loop3A_97 = arith.constant 0 : index
        %parallel_loop3A_98 = tpu.vector_load %arg21[%parallel_loop3A_96, %parallel_loop3A_97] {strides = array<i32>} : memref<96x16xf32, #tpu.memory_space<vmem>>, vector<1x16xf32>,
        %parallel_loop3A_99 = vector.shape_cast %parallel_loop3A_98 : vector<1x16xf32> to vector<16xf32>
        %parallel_loop3A_100 = arith.addf %parallel_loop3A_95, %parallel_loop3A_99 : vector<16xf32>
        %parallel_loop3A_101 = arith.constant 0.000000e+00 : f32
        %parallel_loop3A_102 = vector.broadcast %parallel_loop3A_101 : f32 to vector<16xf32>
        %parallel_loop3A_103 = arith.cmpf ogt, %parallel_loop3A_100, %parallel_loop3A_102 : vector<16xf32>
        %parallel_loop3A_104 = arith.constant 2.000000e-01 : f32
        %parallel_loop3A_105 = vector.broadcast %parallel_loop3A_104 : f32 to vector<16xf32>
        %parallel_loop3A_106 = arith.mulf %parallel_loop3A_105, %parallel_loop3A_100 : vector<16xf32>
        %parallel_loop3A_107 = arith.select %parallel_loop3A_103, %parallel_loop3A_100, %parallel_loop3A_106 : vector<16xi1>, vector<16xf32>
        %parallel_loop3A_108 = math.exp %parallel_loop3A_107 : vector<16xf32>
        %parallel_loop3A_109 = arith.index_cast %parallel_loop3A_91 : i32 to index
        %parallel_loop3A_110 = arith.constant 0 : index
        %parallel_loop3A_111 = tpu.vector_load %arg25[%parallel_loop3A_109, %parallel_loop3A_110] {strides = array<i32>} : memref<96x16xf32, #tpu.memory_space<vmem>>, vector<1x16xf32>,
        %parallel_loop3A_112 = vector.shape_cast %parallel_loop3A_111 : vector<1x16xf32> to vector<16xf32>
        %parallel_loop3A_113 = vector.shape_cast %parallel_loop3A_108 : vector<16xf32> to vector<1x16xf32>
        tpu.vector_store %arg25[%parallel_loop3A_109, %parallel_loop3A_110], %parallel_loop3A_113 {strides = array<i32>} : memref<96x16xf32, #tpu.memory_space<vmem>>, vector<1x16xf32>,
        %parallel_loop3A_114 = vector.extract_strided_slice %parallel_loop3A_108 {offsets = [0], sizes = [1], strides = [1]} : vector<16xf32> to vector<1xf32>
        %parallel_loop3A_115 = vector.extract %parallel_loop3A_114[0] : f32 from vector<1xf32>
        %parallel_loop3A_116 = arith.index_cast %parallel_loop3A_91 : i32 to index
        %parallel_loop3A_117 = arith.constant 0 : index
        %parallel_loop3A_118 = tpu.vector_load %arg23[%parallel_loop3A_116, %parallel_loop3A_117] {strides = array<i32>} : memref<96x64xf32, #tpu.memory_space<vmem>>, vector<1x16xf32>,
        %parallel_loop3A_119 = vector.shape_cast %parallel_loop3A_118 : vector<1x16xf32> to vector<16xf32>
        %parallel_loop3A_120 = vector.broadcast %parallel_loop3A_115 : f32 to vector<16xf32>
        %parallel_loop3A_121 = arith.mulf %parallel_loop3A_119, %parallel_loop3A_120 : vector<16xf32>
        %parallel_loop3A_122 = arith.index_cast %parallel_loop3A_91 : i32 to index
        %parallel_loop3A_123 = arith.constant 0 : index
        %parallel_loop3A_124 = tpu.vector_load %arg23[%parallel_loop3A_122, %parallel_loop3A_123] {strides = array<i32>} : memref<96x64xf32, #tpu.memory_space<vmem>>, vector<1x16xf32>,
        %parallel_loop3A_125 = vector.shape_cast %parallel_loop3A_124 : vector<1x16xf32> to vector<16xf32>
        %parallel_loop3A_126 = vector.shape_cast %parallel_loop3A_121 : vector<16xf32> to vector<1x16xf32>
        tpu.vector_store %arg23[%parallel_loop3A_122, %parallel_loop3A_123], %parallel_loop3A_126 {strides = array<i32>} : memref<96x64xf32, #tpu.memory_space<vmem>>, vector<1x16xf32>,
        %parallel_loop3A_127 = vector.extract_strided_slice %parallel_loop3A_108 {offsets = [0], sizes = [1], strides = [1]} : vector<16xf32> to vector<1xf32>
        %parallel_loop3A_128 = vector.extract %parallel_loop3A_127[0] : f32 from vector<1xf32>
        %parallel_loop3A_129 = arith.index_cast %parallel_loop3A_91 : i32 to index
        %parallel_loop3A_130 = arith.constant 16 : index
        %parallel_loop3A_131 = tpu.vector_load %arg23[%parallel_loop3A_129, %parallel_loop3A_130] {strides = array<i32>} : memref<96x64xf32, #tpu.memory_space<vmem>>, vector<1x16xf32>,
        %parallel_loop3A_132 = vector.shape_cast %parallel_loop3A_131 : vector<1x16xf32> to vector<16xf32>
        %parallel_loop3A_133 = vector.broadcast %parallel_loop3A_128 : f32 to vector<16xf32>
        %parallel_loop3A_134 = arith.mulf %parallel_loop3A_132, %parallel_loop3A_133 : vector<16xf32>
        %parallel_loop3A_135 = arith.index_cast %parallel_loop3A_91 : i32 to index
        %parallel_loop3A_136 = arith.constant 16 : index
        %parallel_loop3A_137 = tpu.vector_load %arg23[%parallel_loop3A_135, %parallel_loop3A_136] {strides = array<i32>} : memref<96x64xf32, #tpu.memory_space<vmem>>, vector<1x16xf32>,
        %parallel_loop3A_138 = vector.shape_cast %parallel_loop3A_137 : vector<1x16xf32> to vector<16xf32>
        %parallel_loop3A_139 = vector.shape_cast %parallel_loop3A_134 : vector<16xf32> to vector<1x16xf32>
        tpu.vector_store %arg23[%parallel_loop3A_135, %parallel_loop3A_136], %parallel_loop3A_139 {strides = array<i32>} : memref<96x64xf32, #tpu.memory_space<vmem>>, vector<1x16xf32>,
        %parallel_loop3A_140 = vector.extract_strided_slice %parallel_loop3A_108 {offsets = [0], sizes = [1], strides = [1]} : vector<16xf32> to vector<1xf32>
        %parallel_loop3A_141 = vector.extract %parallel_loop3A_140[0] : f32 from vector<1xf32>
        %parallel_loop3A_142 = arith.index_cast %parallel_loop3A_91 : i32 to index
        %parallel_loop3A_143 = arith.constant 32 : index
        %parallel_loop3A_144 = tpu.vector_load %arg23[%parallel_loop3A_142, %parallel_loop3A_143] {strides = array<i32>} : memref<96x64xf32, #tpu.memory_space<vmem>>, vector<1x16xf32>,
        %parallel_loop3A_145 = vector.shape_cast %parallel_loop3A_144 : vector<1x16xf32> to vector<16xf32>
        %parallel_loop3A_146 = vector.broadcast %parallel_loop3A_141 : f32 to vector<16xf32>
        %parallel_loop3A_147 = arith.mulf %parallel_loop3A_145, %parallel_loop3A_146 : vector<16xf32>
        %parallel_loop3A_148 = arith.index_cast %parallel_loop3A_91 : i32 to index
        %parallel_loop3A_149 = arith.constant 32 : index
        %parallel_loop3A_150 = tpu.vector_load %arg23[%parallel_loop3A_148, %parallel_loop3A_149] {strides = array<i32>} : memref<96x64xf32, #tpu.memory_space<vmem>>, vector<1x16xf32>,
        %parallel_loop3A_151 = vector.shape_cast %parallel_loop3A_150 : vector<1x16xf32> to vector<16xf32>
        %parallel_loop3A_152 = vector.shape_cast %parallel_loop3A_147 : vector<16xf32> to vector<1x16xf32>
        tpu.vector_store %arg23[%parallel_loop3A_148, %parallel_loop3A_149], %parallel_loop3A_152 {strides = array<i32>} : memref<96x64xf32, #tpu.memory_space<vmem>>, vector<1x16xf32>,
        %parallel_loop3A_153 = vector.extract_strided_slice %parallel_loop3A_108 {offsets = [0], sizes = [1], strides = [1]} : vector<16xf32> to vector<1xf32>
        %parallel_loop3A_154 = vector.extract %parallel_loop3A_153[0] : f32 from vector<1xf32>
        %parallel_loop3A_155 = arith.index_cast %parallel_loop3A_91 : i32 to index
        %parallel_loop3A_156 = arith.constant 48 : index
        %parallel_loop3A_157 = tpu.vector_load %arg23[%parallel_loop3A_155, %parallel_loop3A_156] {strides = array<i32>} : memref<96x64xf32, #tpu.memory_space<vmem>>, vector<1x16xf32>,
        %parallel_loop3A_158 = vector.shape_cast %parallel_loop3A_157 : vector<1x16xf32> to vector<16xf32>
        %parallel_loop3A_159 = vector.broadcast %parallel_loop3A_154 : f32 to vector<16xf32>
        %parallel_loop3A_160 = arith.mulf %parallel_loop3A_158, %parallel_loop3A_159 : vector<16xf32>
        %parallel_loop3A_161 = arith.index_cast %parallel_loop3A_91 : i32 to index
        %parallel_loop3A_162 = arith.constant 48 : index
        %parallel_loop3A_163 = tpu.vector_load %arg23[%parallel_loop3A_161, %parallel_loop3A_162] {strides = array<i32>} : memref<96x64xf32, #tpu.memory_space<vmem>>, vector<1x16xf32>,
        %parallel_loop3A_164 = vector.shape_cast %parallel_loop3A_163 : vector<1x16xf32> to vector<16xf32>
        %parallel_loop3A_165 = vector.shape_cast %parallel_loop3A_160 : vector<16xf32> to vector<1x16xf32>
        tpu.vector_store %arg23[%parallel_loop3A_161, %parallel_loop3A_162], %parallel_loop3A_165 {strides = array<i32>} : memref<96x64xf32, #tpu.memory_space<vmem>>, vector<1x16xf32>,
      } {sc.loop_unroll_factor = 32 : i64, sc.parallel_access}
      "tpu.region"() ({
        %run_scoped3A = tpu.sem_alloc : memref<!tpu.dma_semaphore, #tpu.memory_space<semaphore_mem>>
        %dma_start3A_91 = arith.constant 0 : i32
        %dma_start3A_92 = arith.constant 0 : i32
        %dma_start3A_93 = tpu.memref_slice %arg26[%dma_start3A_91, %dma_start3A_92] : memref<10112x64xf32, #tpu.memory_space<vmem_shared>> -> memref<10112x64xf32, #tpu.memory_space<vmem_shared>>
        tpu.enqueue_indirect_dma source(%arg23 : memref<96x64xf32, #tpu.memory_space<vmem>>) target(%dma_start3A_93 : memref<10112x64xf32, #tpu.memory_space<vmem_shared>>) offsets(%arg15 : memref<96xi32, #tpu.memory_space<vmem>>) semaphore(%run_scoped3A : memref<!tpu.dma_semaphore, #tpu.memory_space<semaphore_mem>>) {add = true}
        %dma_wait3A_94 = arith.constant 0 : i32
        %dma_wait3A_95 = arith.constant 0 : i32
        %dma_wait3A_96 = tpu.memref_slice %arg26[%dma_wait3A_94, %dma_wait3A_95] : memref<10112x64xf32, #tpu.memory_space<vmem_shared>> -> memref<10112x64xf32, #tpu.memory_space<vmem_shared>>
        tpu.wait_indirect_dma semaphore(%run_scoped3A : memref<!tpu.dma_semaphore, #tpu.memory_space<semaphore_mem>>) src(%arg23 : memref<96x64xf32, #tpu.memory_space<vmem>>) dst(%dma_wait3A_96 : memref<10112x64xf32, #tpu.memory_space<vmem_shared>>)
        tpu.yield
      }) : () -> ()
      "tpu.region"() ({
        %run_scoped3A = tpu.sem_alloc : memref<!tpu.dma_semaphore, #tpu.memory_space<semaphore_mem>>
        %dma_start3A_91 = arith.constant 0 : i32
        %dma_start3A_92 = arith.constant 0 : i32
        %dma_start3A_93 = tpu.memref_slice %arg27[%dma_start3A_91, %dma_start3A_92] : memref<10112x16xf32, #tpu.memory_space<vmem_shared>> -> memref<10112x16xf32, #tpu.memory_space<vmem_shared>>
        tpu.enqueue_indirect_dma source(%arg25 : memref<96x16xf32, #tpu.memory_space<vmem>>) target(%dma_start3A_93 : memref<10112x16xf32, #tpu.memory_space<vmem_shared>>) offsets(%arg15 : memref<96xi32, #tpu.memory_space<vmem>>) semaphore(%run_scoped3A : memref<!tpu.dma_semaphore, #tpu.memory_space<semaphore_mem>>) {add = true}
        %dma_wait3A_94 = arith.constant 0 : i32
        %dma_wait3A_95 = arith.constant 0 : i32
        %dma_wait3A_96 = tpu.memref_slice %arg27[%dma_wait3A_94, %dma_wait3A_95] : memref<10112x16xf32, #tpu.memory_space<vmem_shared>> -> memref<10112x16xf32, #tpu.memory_space<vmem_shared>>
        tpu.wait_indirect_dma semaphore(%run_scoped3A : memref<!tpu.dma_semaphore, #tpu.memory_space<semaphore_mem>>) src(%arg25 : memref<96x16xf32, #tpu.memory_space<vmem>>) dst(%dma_wait3A_96 : memref<10112x16xf32, #tpu.memory_space<vmem_shared>>)
        tpu.yield
      }) : () -> ()
    }
    %scan3A_40 = arith.constant 54 : i32
    %barrier3A_41 = arith.constant 0 : index
    tpu.barrier barrier_id(%barrier3A_41)
    %mul3A_42 = arith.constant 632 : i32
    %mul3A_43 = arith.muli %arg1, %mul3A_42 : i32
    %mul3A_44 = arith.constant 632 : i32
    %mul3A_45 = arith.muli %arg1, %mul3A_44 : i32
    "tpu.region"() ({
      %run_scoped3A = tpu.sem_alloc : memref<!tpu.dma_semaphore, #tpu.memory_space<semaphore_mem>>
      %dma_start3A_50 = arith.constant 0 : i32
      %dma_start3A_51 = tpu.memref_slice %arg10[%arg0, %mul3A_45, %dma_start3A_50] : memref<2x10112x64xf32, #tpu.memory_space<hbm>> -> memref<1x632x64xf32, #tpu.memory_space<hbm>>
      %dma_start3A_52 = tpu.memref_squeeze %dma_start3A_51 : memref<1x632x64xf32, #tpu.memory_space<hbm>> -> memref<632x64xf32, #tpu.memory_space<hbm>>
      %dma_start3A_53 = arith.constant 0 : i32
      %dma_start3A_54 = tpu.memref_slice %arg26[%mul3A_43, %dma_start3A_53] : memref<10112x64xf32, #tpu.memory_space<vmem_shared>> -> memref<632x64xf32, #tpu.memory_space<vmem_shared>>
      tpu.enqueue_dma source(%dma_start3A_54 : memref<632x64xf32, #tpu.memory_space<vmem_shared>>) target(%dma_start3A_52 : memref<632x64xf32, #tpu.memory_space<hbm>>) target_semaphore(%run_scoped3A : memref<!tpu.dma_semaphore, #tpu.memory_space<semaphore_mem>>)
      %dma_wait3A_55 = arith.constant 0 : i32
      %dma_wait3A_56 = tpu.memref_slice %arg10[%arg0, %mul3A_45, %dma_wait3A_55] : memref<2x10112x64xf32, #tpu.memory_space<hbm>> -> memref<1x632x64xf32, #tpu.memory_space<hbm>>
      %dma_wait3A_57 = tpu.memref_squeeze %dma_wait3A_56 : memref<1x632x64xf32, #tpu.memory_space<hbm>> -> memref<632x64xf32, #tpu.memory_space<hbm>>
      %dma_wait3A_58 = arith.constant 0 : i32
      %dma_wait3A_59 = tpu.memref_slice %arg26[%mul3A_43, %dma_wait3A_58] : memref<10112x64xf32, #tpu.memory_space<vmem_shared>> -> memref<632x64xf32, #tpu.memory_space<vmem_shared>>
      tpu.wait_dma2 semaphore(%run_scoped3A : memref<!tpu.dma_semaphore, #tpu.memory_space<semaphore_mem>>) src(%dma_wait3A_59 : memref<632x64xf32, #tpu.memory_space<vmem_shared>>) dst(%dma_wait3A_57 : memref<632x64xf32, #tpu.memory_space<hbm>>)
      tpu.yield
    }) : () -> ()
    %mul3A_46 = arith.constant 632 : i32
    %mul3A_47 = arith.muli %arg1, %mul3A_46 : i32
    %mul3A_48 = arith.constant 632 : i32
    %mul3A_49 = arith.muli %arg1, %mul3A_48 : i32
    "tpu.region"() ({
      %run_scoped3A = tpu.sem_alloc : memref<!tpu.dma_semaphore, #tpu.memory_space<semaphore_mem>>
      %dma_start3A_50 = arith.constant 0 : i32
      %dma_start3A_51 = tpu.memref_slice %arg11[%arg0, %mul3A_49, %dma_start3A_50] : memref<2x10112x16xf32, #tpu.memory_space<hbm>> -> memref<1x632x16xf32, #tpu.memory_space<hbm>>
      %dma_start3A_52 = tpu.memref_squeeze %dma_start3A_51 : memref<1x632x16xf32, #tpu.memory_space<hbm>> -> memref<632x16xf32, #tpu.memory_space<hbm>>
      %dma_start3A_53 = arith.constant 0 : i32
      %dma_start3A_54 = tpu.memref_slice %arg27[%mul3A_47, %dma_start3A_53] : memref<10112x16xf32, #tpu.memory_space<vmem_shared>> -> memref<632x16xf32, #tpu.memory_space<vmem_shared>>
      tpu.enqueue_dma source(%dma_start3A_54 : memref<632x16xf32, #tpu.memory_space<vmem_shared>>) target(%dma_start3A_52 : memref<632x16xf32, #tpu.memory_space<hbm>>) target_semaphore(%run_scoped3A : memref<!tpu.dma_semaphore, #tpu.memory_space<semaphore_mem>>)
      %dma_wait3A_55 = arith.constant 0 : i32
      %dma_wait3A_56 = tpu.memref_slice %arg11[%arg0, %mul3A_49, %dma_wait3A_55] : memref<2x10112x16xf32, #tpu.memory_space<hbm>> -> memref<1x632x16xf32, #tpu.memory_space<hbm>>
      %dma_wait3A_57 = tpu.memref_squeeze %dma_wait3A_56 : memref<1x632x16xf32, #tpu.memory_space<hbm>> -> memref<632x16xf32, #tpu.memory_space<hbm>>
      %dma_wait3A_58 = arith.constant 0 : i32
      %dma_wait3A_59 = tpu.memref_slice %arg27[%mul3A_47, %dma_wait3A_58] : memref<10112x16xf32, #tpu.memory_space<vmem_shared>> -> memref<632x16xf32, #tpu.memory_space<vmem_shared>>
      tpu.wait_dma2 semaphore(%run_scoped3A : memref<!tpu.dma_semaphore, #tpu.memory_space<semaphore_mem>>) src(%dma_wait3A_59 : memref<632x16xf32, #tpu.memory_space<vmem_shared>>) dst(%dma_wait3A_57 : memref<632x16xf32, #tpu.memory_space<hbm>>)
      tpu.yield
    }) : () -> ()
    return
  }
}

module attributes {stable_mosaic.version = 14 : i64} {
  func.func @_k1_body(%arg0: i32, %arg1: memref<1000x128xf32, #tpu.memory_space<vmem>>, %arg2: memref<128x128xf32, #tpu.memory_space<vmem>>, %arg3: memref<128x16xf32, #tpu.memory_space<vmem>>, %arg4: memref<128x16xf32, #tpu.memory_space<vmem>>, %arg5: memref<1000x128xf32, #tpu.memory_space<vmem>>, %arg6: memref<1000x16xf32, #tpu.memory_space<vmem>>, %arg7: memref<1000x16xf32, #tpu.memory_space<vmem>>) attributes {dimension_semantics = [#tpu.dimension_semantics<arbitrary>], iteration_bounds = array<i64: 10>, scalar_prefetch = 0 : i64, scratch_operands = 0 : i64, tpu.core_type = #tpu.core_type<tc>, window_params = [{transform_indices = @transform_0, window_bounds = array<i64: 1000, 128>}, {pipeline_mode = #tpu.pipeline_mode<synchronous>, transform_indices = @transform_1, window_bounds = array<i64: 128, 128>}, {pipeline_mode = #tpu.pipeline_mode<synchronous>, transform_indices = @transform_2, window_bounds = array<i64: 128, 16>}, {pipeline_mode = #tpu.pipeline_mode<synchronous>, transform_indices = @transform_3, window_bounds = array<i64: 128, 16>}, {transform_indices = @transform_4, window_bounds = array<i64: 1000, 128>}, {transform_indices = @transform_5, window_bounds = array<i64: 1000, 16>}, {transform_indices = @transform_6, window_bounds = array<i64: 1000, 16>}]} {
    %get3A = arith.constant 0 : index
    %get3A_0 = arith.constant 0 : index
    %get3A_1 = vector.load %arg1[%get3A, %get3A_0] : memref<1000x128xf32, #tpu.memory_space<vmem>>, vector<1000x128xf32>
    %get3A_2 = arith.constant 0 : index
    %get3A_3 = arith.constant 0 : index
    %get3A_4 = vector.load %arg2[%get3A_2, %get3A_3] : memref<128x128xf32, #tpu.memory_space<vmem>>, vector<128x128xf32>
    %dot_general3A = arith.constant dense<0.000000e+00> : vector<1000x128xf32>
    %dot_general3A_5 = tpu.matmul %get3A_1, %get3A_4, %dot_general3A {dimension_numbers = #tpu.dot_dimension_numbers<[1], [0], [0], [1], [0, 0, 1, 1], [], []>, transpose_lhs_hint = false} : vector<1000x128xf32>, vector<128x128xf32>, vector<1000x128xf32> -> vector<1000x128xf32>
    %swap3A = arith.constant 0 : index
    %swap3A_6 = arith.constant 0 : index
    %swap3A_7 = vector.load %arg5[%swap3A, %swap3A_6] : memref<1000x128xf32, #tpu.memory_space<vmem>>, vector<1000x128xf32>
    tpu.vector_store %arg5[%swap3A, %swap3A_6], %dot_general3A_5 {strides = array<i32>} : memref<1000x128xf32, #tpu.memory_space<vmem>>, vector<1000x128xf32>,
    %get3A_8 = arith.constant 0 : index
    %get3A_9 = arith.constant 0 : index
    %get3A_10 = vector.load %arg3[%get3A_8, %get3A_9] : memref<128x16xf32, #tpu.memory_space<vmem>>, vector<128x16xf32>
    %dot_general3A_11 = arith.constant dense<0.000000e+00> : vector<1000x16xf32>
    %dot_general3A_12 = tpu.matmul %dot_general3A_5, %get3A_10, %dot_general3A_11 {dimension_numbers = #tpu.dot_dimension_numbers<[1], [0], [0], [1], [0, 0, 1, 1], [], []>, transpose_lhs_hint = false} : vector<1000x128xf32>, vector<128x16xf32>, vector<1000x16xf32> -> vector<1000x16xf32>
    %swap3A_13 = arith.constant 0 : index
    %swap3A_14 = arith.constant 0 : index
    %swap3A_15 = vector.load %arg6[%swap3A_13, %swap3A_14] : memref<1000x16xf32, #tpu.memory_space<vmem>>, vector<1000x16xf32>
    tpu.vector_store %arg6[%swap3A_13, %swap3A_14], %dot_general3A_12 {strides = array<i32>} : memref<1000x16xf32, #tpu.memory_space<vmem>>, vector<1000x16xf32>,
    %get3A_16 = arith.constant 0 : index
    %get3A_17 = arith.constant 0 : index
    %get3A_18 = vector.load %arg4[%get3A_16, %get3A_17] : memref<128x16xf32, #tpu.memory_space<vmem>>, vector<128x16xf32>
    %dot_general3A_19 = arith.constant dense<0.000000e+00> : vector<1000x16xf32>
    %dot_general3A_20 = tpu.matmul %dot_general3A_5, %get3A_18, %dot_general3A_19 {dimension_numbers = #tpu.dot_dimension_numbers<[1], [0], [0], [1], [0, 0, 1, 1], [], []>, transpose_lhs_hint = false} : vector<1000x128xf32>, vector<128x16xf32>, vector<1000x16xf32> -> vector<1000x16xf32>
    %swap3A_21 = arith.constant 0 : index
    %swap3A_22 = arith.constant 0 : index
    %swap3A_23 = vector.load %arg7[%swap3A_21, %swap3A_22] : memref<1000x16xf32, #tpu.memory_space<vmem>>, vector<1000x16xf32>
    tpu.vector_store %arg7[%swap3A_21, %swap3A_22], %dot_general3A_20 {strides = array<i32>} : memref<1000x16xf32, #tpu.memory_space<vmem>>, vector<1000x16xf32>,
    return
  }
  func.func @transform_0(%arg0: i32) -> (i32, i32) {
    %c0_i32 = arith.constant 0 : i32
    %c0_i32_0 = arith.constant 0 : i32
    return %arg0, %c0_i32 : i32, i32
  }
  func.func @transform_1(%arg0: i32) -> (i32, i32) {
    %c0_i32 = arith.constant 0 : i32
    %c0_i32_0 = arith.constant 0 : i32
    %c0_i32_1 = arith.constant 0 : i32
    return %c0_i32, %c0_i32_0 : i32, i32
  }
  func.func @transform_2(%arg0: i32) -> (i32, i32) {
    %c0_i32 = arith.constant 0 : i32
    %c0_i32_0 = arith.constant 0 : i32
    %c0_i32_1 = arith.constant 0 : i32
    return %c0_i32, %c0_i32_0 : i32, i32
  }
  func.func @transform_3(%arg0: i32) -> (i32, i32) {
    %c0_i32 = arith.constant 0 : i32
    %c0_i32_0 = arith.constant 0 : i32
    %c0_i32_1 = arith.constant 0 : i32
    return %c0_i32, %c0_i32_0 : i32, i32
  }
  func.func @transform_4(%arg0: i32) -> (i32, i32) {
    %c0_i32 = arith.constant 0 : i32
    %c0_i32_0 = arith.constant 0 : i32
    return %arg0, %c0_i32 : i32, i32
  }
  func.func @transform_5(%arg0: i32) -> (i32, i32) {
    %c0_i32 = arith.constant 0 : i32
    %c0_i32_0 = arith.constant 0 : i32
    return %arg0, %c0_i32 : i32, i32
  }
  func.func @transform_6(%arg0: i32) -> (i32, i32) {
    %c0_i32 = arith.constant 0 : i32
    %c0_i32_0 = arith.constant 0 : i32
    return %arg0, %c0_i32 : i32, i32
  }
}

module attributes {stable_mosaic.version = 14 : i64} {
  func.func @_k2_body(%arg0: i32, %arg1: memref<2x1000x128xf32, #tpu.memory_space<vmem>>, %arg2: memref<2x1000x16xf32, #tpu.memory_space<vmem>>, %arg3: memref<1x128xf32, #tpu.memory_space<vmem>>, %arg4: memref<128x64xf32, #tpu.memory_space<vmem>>, %arg5: memref<64x16xf32, #tpu.memory_space<vmem>>, %arg6: memref<64x16xf32, #tpu.memory_space<vmem>>, %arg7: memref<16x128xf32, #tpu.memory_space<vmem>>, %arg8: memref<1000x64xf32, #tpu.memory_space<vmem>>, %arg9: memref<1000x16xf32, #tpu.memory_space<vmem>>, %arg10: memref<1000x16xf32, #tpu.memory_space<vmem>>) attributes {dimension_semantics = [#tpu.dimension_semantics<arbitrary>], iteration_bounds = array<i64: 10>, scalar_prefetch = 0 : i64, scratch_operands = 0 : i64, tpu.core_type = #tpu.core_type<tc>, window_params = [{transform_indices = @transform_0, window_bounds = array<i64: 2, 1000, 128>}, {transform_indices = @transform_1, window_bounds = array<i64: 2, 1000, 16>}, {pipeline_mode = #tpu.pipeline_mode<synchronous>, transform_indices = @transform_2, window_bounds = array<i64: 1, 128>}, {pipeline_mode = #tpu.pipeline_mode<synchronous>, transform_indices = @transform_3, window_bounds = array<i64: 128, 64>}, {pipeline_mode = #tpu.pipeline_mode<synchronous>, transform_indices = @transform_4, window_bounds = array<i64: 64, 16>}, {pipeline_mode = #tpu.pipeline_mode<synchronous>, transform_indices = @transform_5, window_bounds = array<i64: 64, 16>}, {pipeline_mode = #tpu.pipeline_mode<synchronous>, transform_indices = @transform_6, window_bounds = array<i64: 16, 128>}, {transform_indices = @transform_7, window_bounds = array<i64: 1000, 64>}, {transform_indices = @transform_8, window_bounds = array<i64: 1000, 16>}, {transform_indices = @transform_9, window_bounds = array<i64: 1000, 16>}]} {
    %get3A = arith.constant 0 : index
    %get3A_0 = arith.constant 0 : index
    %get3A_1 = arith.constant 0 : index
    %get3A_2 = vector.load %arg1[%get3A, %get3A_0, %get3A_1] : memref<2x1000x128xf32, #tpu.memory_space<vmem>>, vector<1x1000x128xf32>
    %get3A_3 = vector.shape_cast %get3A_2 : vector<1x1000x128xf32> to vector<1000x128xf32>
    %get3A_4 = arith.constant 1 : index
    %get3A_5 = arith.constant 0 : index
    %get3A_6 = arith.constant 0 : index
    %get3A_7 = vector.load %arg1[%get3A_4, %get3A_5, %get3A_6] : memref<2x1000x128xf32, #tpu.memory_space<vmem>>, vector<1x1000x128xf32>
    %get3A_8 = vector.shape_cast %get3A_7 : vector<1x1000x128xf32> to vector<1000x128xf32>
    %add3A = arith.addf %get3A_3, %get3A_8 : vector<1000x128xf32>
    %get3A_9 = arith.constant 0 : index
    %get3A_10 = arith.constant 0 : index
    %get3A_11 = arith.constant 0 : index
    %get3A_12 = vector.load %arg2[%get3A_9, %get3A_10, %get3A_11] : memref<2x1000x16xf32, #tpu.memory_space<vmem>>, vector<1x1000x16xf32>
    %get3A_13 = vector.shape_cast %get3A_12 : vector<1x1000x16xf32> to vector<1000x16xf32>
    %get3A_14 = arith.constant 1 : index
    %get3A_15 = arith.constant 0 : index
    %get3A_16 = arith.constant 0 : index
    %get3A_17 = vector.load %arg2[%get3A_14, %get3A_15, %get3A_16] : memref<2x1000x16xf32, #tpu.memory_space<vmem>>, vector<1x1000x16xf32>
    %get3A_18 = vector.shape_cast %get3A_17 : vector<1x1000x16xf32> to vector<1000x16xf32>
    %add3A_19 = arith.addf %get3A_13, %get3A_18 : vector<1000x16xf32>
    %get3A_20 = arith.constant 0 : index
    %get3A_21 = arith.constant 0 : index
    %get3A_22 = vector.load %arg7[%get3A_20, %get3A_21] : memref<16x128xf32, #tpu.memory_space<vmem>>, vector<16x128xf32>
    %dot_general3A = arith.constant dense<0.000000e+00> : vector<1000x128xf32>
    %dot_general3A_23 = tpu.matmul %add3A_19, %get3A_22, %dot_general3A {dimension_numbers = #tpu.dot_dimension_numbers<[1], [0], [0], [1], [0, 0, 1, 1], [], []>, transpose_lhs_hint = false} : vector<1000x16xf32>, vector<16x128xf32>, vector<1000x128xf32> -> vector<1000x128xf32>
    %add3A_24 = arith.constant 1.000000e-16 : f32
    %add3A_25 = vector.broadcast %add3A_24 : f32 to vector<1000x128xf32>
    %add3A_26 = arith.addf %dot_general3A_23, %add3A_25 : vector<1000x128xf32>
    %div3A = arith.divf %add3A, %add3A_26 : vector<1000x128xf32>
    %get3A_27 = arith.constant 0 : index
    %get3A_28 = arith.constant 0 : index
    %get3A_29 = vector.load %arg3[%get3A_27, %get3A_28] : memref<1x128xf32, #tpu.memory_space<vmem>>, vector<1x128xf32>
    %add3A_30 = vector.broadcast %get3A_29 : vector<1x128xf32> to vector<1000x128xf32>
    %add3A_31 = arith.addf %div3A, %add3A_30 : vector<1000x128xf32>
    %gt3A = arith.constant 0.000000e+00 : f32
    %gt3A_32 = vector.broadcast %gt3A : f32 to vector<1000x128xf32>
    %gt3A_33 = arith.cmpf ogt, %add3A_31, %gt3A_32 : vector<1000x128xf32>
    %min3A = arith.constant 0.000000e+00 : f32
    %min3A_34 = vector.broadcast %min3A : f32 to vector<1000x128xf32>
    %min3A_35 = arith.minimumf %add3A_31, %min3A_34 : vector<1000x128xf32>
    %exp3A = math.exp %min3A_35 : vector<1000x128xf32>
    %sub3A = arith.constant 1.000000e+00 : f32
    %sub3A_36 = vector.broadcast %sub3A : f32 to vector<1000x128xf32>
    %sub3A_37 = arith.subf %exp3A, %sub3A_36 : vector<1000x128xf32>
    %select_n3A = arith.select %gt3A_33, %add3A_31, %sub3A_37 : vector<1000x128xi1>, vector<1000x128xf32>
    %get3A_38 = arith.constant 0 : index
    %get3A_39 = arith.constant 0 : index
    %get3A_40 = vector.load %arg4[%get3A_38, %get3A_39] : memref<128x64xf32, #tpu.memory_space<vmem>>, vector<128x64xf32>
    %dot_general3A_41 = arith.constant dense<0.000000e+00> : vector<1000x64xf32>
    %dot_general3A_42 = tpu.matmul %select_n3A, %get3A_40, %dot_general3A_41 {dimension_numbers = #tpu.dot_dimension_numbers<[1], [0], [0], [1], [0, 0, 1, 1], [], []>, transpose_lhs_hint = false} : vector<1000x128xf32>, vector<128x64xf32>, vector<1000x64xf32> -> vector<1000x64xf32>
    %swap3A = arith.constant 0 : index
    %swap3A_43 = arith.constant 0 : index
    %swap3A_44 = vector.load %arg8[%swap3A, %swap3A_43] : memref<1000x64xf32, #tpu.memory_space<vmem>>, vector<1000x64xf32>
    tpu.vector_store %arg8[%swap3A, %swap3A_43], %dot_general3A_42 {strides = array<i32>} : memref<1000x64xf32, #tpu.memory_space<vmem>>, vector<1000x64xf32>,
    %get3A_45 = arith.constant 0 : index
    %get3A_46 = arith.constant 0 : index
    %get3A_47 = vector.load %arg5[%get3A_45, %get3A_46] : memref<64x16xf32, #tpu.memory_space<vmem>>, vector<64x16xf32>
    %dot_general3A_48 = arith.constant dense<0.000000e+00> : vector<1000x16xf32>
    %dot_general3A_49 = tpu.matmul %dot_general3A_42, %get3A_47, %dot_general3A_48 {dimension_numbers = #tpu.dot_dimension_numbers<[1], [0], [0], [1], [0, 0, 1, 1], [], []>, transpose_lhs_hint = false} : vector<1000x64xf32>, vector<64x16xf32>, vector<1000x16xf32> -> vector<1000x16xf32>
    %swap3A_50 = arith.constant 0 : index
    %swap3A_51 = arith.constant 0 : index
    %swap3A_52 = vector.load %arg9[%swap3A_50, %swap3A_51] : memref<1000x16xf32, #tpu.memory_space<vmem>>, vector<1000x16xf32>
    tpu.vector_store %arg9[%swap3A_50, %swap3A_51], %dot_general3A_49 {strides = array<i32>} : memref<1000x16xf32, #tpu.memory_space<vmem>>, vector<1000x16xf32>,
    %get3A_53 = arith.constant 0 : index
    %get3A_54 = arith.constant 0 : index
    %get3A_55 = vector.load %arg6[%get3A_53, %get3A_54] : memref<64x16xf32, #tpu.memory_space<vmem>>, vector<64x16xf32>
    %dot_general3A_56 = arith.constant dense<0.000000e+00> : vector<1000x16xf32>
    %dot_general3A_57 = tpu.matmul %dot_general3A_42, %get3A_55, %dot_general3A_56 {dimension_numbers = #tpu.dot_dimension_numbers<[1], [0], [0], [1], [0, 0, 1, 1], [], []>, transpose_lhs_hint = false} : vector<1000x64xf32>, vector<64x16xf32>, vector<1000x16xf32> -> vector<1000x16xf32>
    %swap3A_58 = arith.constant 0 : index
    %swap3A_59 = arith.constant 0 : index
    %swap3A_60 = vector.load %arg10[%swap3A_58, %swap3A_59] : memref<1000x16xf32, #tpu.memory_space<vmem>>, vector<1000x16xf32>
    tpu.vector_store %arg10[%swap3A_58, %swap3A_59], %dot_general3A_57 {strides = array<i32>} : memref<1000x16xf32, #tpu.memory_space<vmem>>, vector<1000x16xf32>,
    return
  }
  func.func @transform_0(%arg0: i32) -> (i32, i32, i32) {
    %c0_i32 = arith.constant 0 : i32
    %c0_i32_0 = arith.constant 0 : i32
    %c0_i32_1 = arith.constant 0 : i32
    return %c0_i32, %arg0, %c0_i32_0 : i32, i32, i32
  }
  func.func @transform_1(%arg0: i32) -> (i32, i32, i32) {
    %c0_i32 = arith.constant 0 : i32
    %c0_i32_0 = arith.constant 0 : i32
    %c0_i32_1 = arith.constant 0 : i32
    return %c0_i32, %arg0, %c0_i32_0 : i32, i32, i32
  }
  func.func @transform_2(%arg0: i32) -> (i32, i32) {
    %c0_i32 = arith.constant 0 : i32
    %c0_i32_0 = arith.constant 0 : i32
    %c0_i32_1 = arith.constant 0 : i32
    return %c0_i32, %c0_i32_0 : i32, i32
  }
  func.func @transform_3(%arg0: i32) -> (i32, i32) {
    %c0_i32 = arith.constant 0 : i32
    %c0_i32_0 = arith.constant 0 : i32
    %c0_i32_1 = arith.constant 0 : i32
    return %c0_i32, %c0_i32_0 : i32, i32
  }
  func.func @transform_4(%arg0: i32) -> (i32, i32) {
    %c0_i32 = arith.constant 0 : i32
    %c0_i32_0 = arith.constant 0 : i32
    %c0_i32_1 = arith.constant 0 : i32
    return %c0_i32, %c0_i32_0 : i32, i32
  }
  func.func @transform_5(%arg0: i32) -> (i32, i32) {
    %c0_i32 = arith.constant 0 : i32
    %c0_i32_0 = arith.constant 0 : i32
    %c0_i32_1 = arith.constant 0 : i32
    return %c0_i32, %c0_i32_0 : i32, i32
  }
  func.func @transform_6(%arg0: i32) -> (i32, i32) {
    %c0_i32 = arith.constant 0 : i32
    %c0_i32_0 = arith.constant 0 : i32
    %c0_i32_1 = arith.constant 0 : i32
    return %c0_i32, %c0_i32_0 : i32, i32
  }
  func.func @transform_7(%arg0: i32) -> (i32, i32) {
    %c0_i32 = arith.constant 0 : i32
    %c0_i32_0 = arith.constant 0 : i32
    return %arg0, %c0_i32 : i32, i32
  }
  func.func @transform_8(%arg0: i32) -> (i32, i32) {
    %c0_i32 = arith.constant 0 : i32
    %c0_i32_0 = arith.constant 0 : i32
    return %arg0, %c0_i32 : i32, i32
  }
  func.func @transform_9(%arg0: i32) -> (i32, i32) {
    %c0_i32 = arith.constant 0 : i32
    %c0_i32_0 = arith.constant 0 : i32
    return %arg0, %c0_i32 : i32, i32
  }
}

module attributes {stable_mosaic.version = 14 : i64} {
  func.func @_k3_body(%arg0: i32, %arg1: memref<2x1000x64xf32, #tpu.memory_space<vmem>>, %arg2: memref<2x1000x16xf32, #tpu.memory_space<vmem>>, %arg3: memref<1x64xf32, #tpu.memory_space<vmem>>, %arg4: memref<1000x64xf32, #tpu.memory_space<vmem>>) attributes {dimension_semantics = [#tpu.dimension_semantics<arbitrary>], iteration_bounds = array<i64: 10>, scalar_prefetch = 0 : i64, scratch_operands = 0 : i64, tpu.core_type = #tpu.core_type<tc>, window_params = [{transform_indices = @transform_0, window_bounds = array<i64: 2, 1000, 64>}, {transform_indices = @transform_1, window_bounds = array<i64: 2, 1000, 16>}, {pipeline_mode = #tpu.pipeline_mode<synchronous>, transform_indices = @transform_2, window_bounds = array<i64: 1, 64>}, {transform_indices = @transform_3, window_bounds = array<i64: 1000, 64>}]} {
    %get3A = arith.constant 0 : index
    %get3A_0 = arith.constant 0 : index
    %get3A_1 = arith.constant 0 : index
    %get3A_2 = vector.load %arg1[%get3A, %get3A_0, %get3A_1] : memref<2x1000x64xf32, #tpu.memory_space<vmem>>, vector<1x1000x64xf32>
    %get3A_3 = vector.shape_cast %get3A_2 : vector<1x1000x64xf32> to vector<1000x64xf32>
    %get3A_4 = arith.constant 1 : index
    %get3A_5 = arith.constant 0 : index
    %get3A_6 = arith.constant 0 : index
    %get3A_7 = vector.load %arg1[%get3A_4, %get3A_5, %get3A_6] : memref<2x1000x64xf32, #tpu.memory_space<vmem>>, vector<1x1000x64xf32>
    %get3A_8 = vector.shape_cast %get3A_7 : vector<1x1000x64xf32> to vector<1000x64xf32>
    %add3A = arith.addf %get3A_3, %get3A_8 : vector<1000x64xf32>
    %get3A_9 = arith.constant 0 : index
    %get3A_10 = arith.constant 0 : index
    %get3A_11 = arith.constant 0 : index
    %get3A_12 = vector.load %arg2[%get3A_9, %get3A_10, %get3A_11] : memref<2x1000x16xf32, #tpu.memory_space<vmem>>, vector<1x1000x16xf32>
    %get3A_13 = vector.shape_cast %get3A_12 : vector<1x1000x16xf32> to vector<1000x16xf32>
    %get3A_14 = arith.constant 1 : index
    %get3A_15 = arith.constant 0 : index
    %get3A_16 = arith.constant 0 : index
    %get3A_17 = vector.load %arg2[%get3A_14, %get3A_15, %get3A_16] : memref<2x1000x16xf32, #tpu.memory_space<vmem>>, vector<1x1000x16xf32>
    %get3A_18 = vector.shape_cast %get3A_17 : vector<1x1000x16xf32> to vector<1000x16xf32>
    %add3A_19 = arith.addf %get3A_13, %get3A_18 : vector<1000x16xf32>
    %slice3A = vector.extract_strided_slice %add3A_19 {offsets = [0, 0], sizes = [1000, 1], strides = [1, 1]} : vector<1000x16xf32> to vector<1000x1xf32>
    %add3A_20 = arith.constant 1.000000e-16 : f32
    %add3A_21 = vector.broadcast %add3A_20 : f32 to vector<1000x1xf32>
    %add3A_22 = arith.addf %slice3A, %add3A_21 : vector<1000x1xf32>
    %div3A = vector.broadcast %add3A_22 : vector<1000x1xf32> to vector<1000x64xf32>
    %div3A_23 = arith.divf %add3A, %div3A : vector<1000x64xf32>
    %get3A_24 = arith.constant 0 : index
    %get3A_25 = arith.constant 0 : index
    %get3A_26 = vector.load %arg3[%get3A_24, %get3A_25] : memref<1x64xf32, #tpu.memory_space<vmem>>, vector<1x64xf32>
    %add3A_27 = vector.broadcast %get3A_26 : vector<1x64xf32> to vector<1000x64xf32>
    %add3A_28 = arith.addf %div3A_23, %add3A_27 : vector<1000x64xf32>
    %swap3A = arith.constant 0 : index
    %swap3A_29 = arith.constant 0 : index
    %swap3A_30 = vector.load %arg4[%swap3A, %swap3A_29] : memref<1000x64xf32, #tpu.memory_space<vmem>>, vector<1000x64xf32>
    tpu.vector_store %arg4[%swap3A, %swap3A_29], %add3A_28 {strides = array<i32>} : memref<1000x64xf32, #tpu.memory_space<vmem>>, vector<1000x64xf32>,
    return
  }
  func.func @transform_0(%arg0: i32) -> (i32, i32, i32) {
    %c0_i32 = arith.constant 0 : i32
    %c0_i32_0 = arith.constant 0 : i32
    %c0_i32_1 = arith.constant 0 : i32
    return %c0_i32, %arg0, %c0_i32_0 : i32, i32, i32
  }
  func.func @transform_1(%arg0: i32) -> (i32, i32, i32) {
    %c0_i32 = arith.constant 0 : i32
    %c0_i32_0 = arith.constant 0 : i32
    %c0_i32_1 = arith.constant 0 : i32
    return %c0_i32, %arg0, %c0_i32_0 : i32, i32, i32
  }
  func.func @transform_2(%arg0: i32) -> (i32, i32) {
    %c0_i32 = arith.constant 0 : i32
    %c0_i32_0 = arith.constant 0 : i32
    %c0_i32_1 = arith.constant 0 : i32
    return %c0_i32, %c0_i32_0 : i32, i32
  }
  func.func @transform_3(%arg0: i32) -> (i32, i32) {
    %c0_i32 = arith.constant 0 : i32
    %c0_i32_0 = arith.constant 0 : i32
    return %arg0, %c0_i32 : i32, i32
  }
}

</mosaic_0001>

<sc_bundles>
// kernel: kernel.10.cloned.1.call-start
scs
__scs_entry_jumppad:
0x0: {  	(pc) =	sbr.rel $0x88, $3  }
0x1: {  	(tag) =	ssettag $0x0;
	lr =	simm.s32 $0x1  }
0x2: {  	[smem:$0x3F99] =	sst lr;
	_ =	strace $0xD0000000  }
0x3: {  	_ = 	snop  }
0x4: {  	_ = 	snop  }
0x5: {  	_ = 	snop  }
0x6: {  	_ = 	snop  }
0x7: {  	_ = 	snop  }
__scs_overlays_trampoline_lowered:
0x8: {  	[smem:$0x3FA8] =	sst s0  }
0x9: {  	[smem:$0x3FA9] =	sst s1  }
0xa: {  	[smem:$0x3FAA] =	sst s2  }
0xb: {  	[smem:$0x3FAB] =	sst s3  }
0xc: {  	[smem:$0x3FAC] =	sst s4  }
0xd: {  	[smem:$0x3FAD] =	sst s5  }
0xe: {  	[smem:$0x3FAE] =	sst s6  }
0xf: {  	[smem:$0x3FAF] =	sst s7  }
0x10: {  	[smem:$0x3FB0] =	sst s8  }
0x11: {  	[smem:$0x3FB1] =	sst s9;
	s0 =	simm.s32 @!p0 $0x0  }
0x12: {  	s1 =	sld [smem:$0x3F97];
	s0 =	simm.s32 @p0 $0x1  }
0x13: {  	[smem:$0x3FB2] =	sst s0;
	s0 =	simm.s32 @!p1 $0x0  }
0x14: {  	s2 =	sld [smem:$0x3F96];
	s0 =	simm.s32 @p1 $0x1  }
0x15: {  	[smem:$0x3FB3] =	sst s0;
	s0 =	simm.s32 @!p2 $0x0  }
0x16: {  	s3 =	sld [smem:$0x3FDB];
	s0 =	simm.s32 @p2 $0x1  }
0x17: {  	s4 =	simm.s32 $0x1BF5;
	[smem:$0x3FB5] =	sst s0  }
0x18: {  	s0 =	sld [smem:$0x3F98];
	_ =	swait.ge [sflag:s4], $0x0  }
0x19: {  	s7 =	sld [smem:$0x3F99]  }
0x1a: {  	s8 =	sadd.s32 $0xFFFFE003, lr  }
0x1b: {  	s9 =	sadd.s32 $0xFFFFFEF7, lr;
	s5 =	simm.s32 $0xFFFFFFFF;
	p2 =	slt.u32 s8, $0xFFFFF086  }
0x1c: {  	p1 =	slt.u32 s9, $0xF7A;
	s5 =	simm.s32 @!p2 $0x0  }
0x1d: {  	s5 =	simm.s32 @p1 $0x1;
	p0 =	seq.s32 s7, s2  }
0x1e: {  	s7 =	smul.u32 @!p0 $0xF7A, s2;
	p2 =	seq.s32 @!p0 s5, $0x0  }
0x1f: {  	s9 =	smul.u32 $0xF7A, s1;
	s8 =	simm.s32 @!p0 $0x1BF5;
	p2 =	por !p2, p0  }
0x20: {  	[sflag:s8] =	ssyncset.s32 @!p0 $0xFFFFF086;
	s6 =	sadd.s32 @!p0 s3, s7;
	s7 =	simm.s32 @!p0 $0x108  }
0x21: {  	s3 =	sadd.s32 s3, s9;
	s6 =	sadd.s32 @!p0 $0x88, s6;
	s7 =	simm.s32 @p2 $0x1082  }
0x22: {  	[simem:s7], [sflag:s8] =	dma.local @!p0 [hbm:s6], $0xF7A  }
0x23: {  	s9 =	sor.u32 $0xD0000000, s2;
	s6 =	simm.s32 $0x108;
	_ =	swait.ge @!p0 [sflag:s8], $0x0  }
0x24: {  	s3 =	sadd.s32 $0x88, s3;
	s6 =	simm.s32 @!p1 $0x1082;
	[sflag:s4] =	ssyncset.s32 $0xFFFFF086  }
0x25: {  	[simem:s6], [sflag:s4] =	dma.local [hbm:s3], $0xF7A  }
0x26: {  	[smem:$0x3F99] =	sst s1;
	(tag) =	ssettag s2;
	_ =	strace s9  }
0x27: {  	s1 =	sld [smem:$0x3FA9]  }
0x28: {  	s2 =	sld [smem:$0x3FAA]  }
0x29: {  	s4 =	sld [smem:$0x3FAC]  }
0x2a: {  	p0 =	seq.s32 s5, $0x0;
	s5 =	sld [smem:$0x3FAD]  }
0x2b: {  	s6 =	sld [smem:$0x3FAE]  }
0x2c: {  	s7 =	sld [smem:$0x3FAF]  }
0x2d: {  	s3 =	simm.s32 $0x108;
	s8 =	sld [smem:$0x3FB0]  }
0x2e: {  	s3 =	simm.s32 @!p0 $0x1082;
	s9 =	sld [smem:$0x3FB1]  }
0x2f: {  	lr =	sadd.s32 s0, s3;
	s0 =	sld [smem:$0x3FA8]  }
0x30: {  	s3 =	sld [smem:$0x3FAB]  }
0x31: {  	[smem:$0x3FB4] =	sst s10  }
0x32: {  	s10 =	sld [smem:$0x3FB2];
	_ =	sdelay $0x3  }
0x33: {  	p0 =	seq.s32 s10, $0x1;
	s10 =	sld [smem:$0x3FB4];
	_ =	sdelay $0x3  }
0x34: {  	[smem:$0x3FB4] =	sst s10  }
0x35: {  	s10 =	sld [smem:$0x3FB3];
	_ =	sdelay $0x3  }
0x36: {  	p1 =	seq.s32 s10, $0x1;
	s10 =	sld [smem:$0x3FB4];
	_ =	sdelay $0x3  }
0x37: {  	[smem:$0x3FB4] =	sst s10  }
0x38: {  	s10 =	sld [smem:$0x3FB5]  }
0x39: {  	_ = 	snop;
	(pc) =	sbr.ind lr, $3  }
0x3a: {  	_ = 	snop  }
0x3b: {  	_ = 	snop  }
0x3c: {  	p2 =	seq.s32 s10, $0x1;
	s10 =	sld [smem:$0x3FB4]  }
0x3d: {  	_ =	shalt  }
0x3e: {  	_ =	shalt  }
0x3f: {  	_ =	shalt  }
0x40: {  	_ =	shalt  }
0x41: {  	_ =	shalt  }
0x42: {  	_ =	shalt  }
0x43: {  	_ =	shalt  }
0x44: {  	_ =	shalt  }
0x45: {  	_ =	shalt  }
0x46: {  	_ =	shalt  }
0x47: {  	_ =	shalt  }
0x48: {  	_ =	shalt  }
0x49: {  	_ =	shalt  }
0x4a: {  	_ =	shalt  }
0x4b: {  	_ =	shalt  }
0x4c: {  	_ =	shalt  }
0x4d: {  	_ =	shalt  }
0x4e: {  	_ =	shalt  }
0x4f: {  	_ =	shalt  }
0x50: {  	_ =	shalt  }
0x51: {  	_ =	shalt  }
0x52: {  	_ =	shalt  }
0x53: {  	_ =	shalt  }
0x54: {  	_ =	shalt  }
0x55: {  	_ =	shalt  }
0x56: {  	_ =	shalt  }
0x57: {  	_ =	shalt  }
0x58: {  	_ =	shalt  }
0x59: {  	_ =	shalt  }
0x5a: {  	_ =	shalt  }
0x5b: {  	_ =	shalt  }
0x5c: {  	_ =	shalt  }
0x5d: {  	_ =	shalt  }
0x5e: {  	_ =	shalt  }
0x5f: {  	_ =	shalt  }
0x60: {  	_ =	shalt  }
0x61: {  	_ =	shalt  }
0x62: {  	_ =	shalt  }
0x63: {  	_ =	shalt  }
0x64: {  	_ =	shalt  }
0x65: {  	_ =	shalt  }
0x66: {  	_ =	shalt  }
0x67: {  	_ =	shalt  }
0x68: {  	_ =	shalt  }
0x69: {  	_ =	shalt  }
0x6a: {  	_ =	shalt  }
0x6b: {  	_ =	shalt  }
0x6c: {  	_ =	shalt  }
0x6d: {  	_ =	shalt  }
0x6e: {  	_ =	shalt  }
0x6f: {  	_ =	shalt  }
0x70: {  	_ =	shalt  }
0x71: {  	_ =	shalt  }
0x72: {  	_ =	shalt  }
0x73: {  	_ =	shalt  }
0x74: {  	_ =	shalt  }
0x75: {  	_ =	shalt  }
0x76: {  	_ =	shalt  }
0x77: {  	_ =	shalt  }
0x78: {  	_ =	shalt  }
0x79: {  	_ =	shalt  }
0x7a: {  	_ =	shalt  }
0x7b: {  	_ =	shalt  }
0x7c: {  	_ =	shalt  }
0x7d: {  	_ =	shalt  }
0x7e: {  	_ =	shalt  }
0x7f: {  	_ =	shalt  }
0x80: {  	_ =	shalt  }
0x81: {  	_ =	shalt  }
0x82: {  	_ =	shalt  }
0x83: {  	_ =	shalt  }
0x84: {  	_ =	shalt  }
0x85: {  	_ =	shalt  }
0x86: {  	_ =	shalt  }
0x87: {  	_ =	shalt  }
.Lfunc_end0:
.L_simem_size_0:
called_computation.1_lowered:
.L_overlay_start_0:
0x88: {  	s2 =	sld [smem:$0x3FD9]  }
0x89: {  	s3 =	sld [smem:$0x3FFE];
	_ =	sdelay $0x1  }
0x8a: {  	s1 =	srdreg.scid  }
0x8b: {  	s0 =	sand.u32 $0x1, s1  }
0x8c: {  	s17 =	sshll.u32 s0, $0xA;
	s2 =	sadd.s32 s3, s2  }
0x8d: {  	s2 =	sadd.s32 s2, s17  }
0x8e: {  	[smem:$0x3FC0] =	sst s2  }
0x8f: {  	_ = 	snop  }
0x90: {  	s2 =	sld [smem:$0x3FD0];
	(tm) =	ssettm $0x1  }
0x91: {  	s18 =	sld [smem:$0x3FFB];
	_ =	sdelay $0x3  }
0x92: {  	_ =	strace s18  }
0x93: {  	s3 =	sld [smem:$0x3FFC];
	_ =	sdelay $0x3  }
0x94: {  	_ =	strace s3  }
0x95: {  	s3 =	sld [smem:$0x3FFD];
	_ =	sdelay $0x3  }
0x96: {  	_ =	strace s3  }
0x97: {  	_ =	strace $0x8FFFFFFF  }
0x98: {  	s19 =	sld [smem:$0x3FDB];
	_ =	sdelay $0x1  }
0x99: {  	s4 =	simm.s32 $_scs_section_size  }
0x9a: {  	s5 =	simm.s32 $_size__tile_overlayer_lowered;
	s6 =	simm.s32 $_tile_overlayer_lowered  }
0x9b: {  	s22 =	simm.s32 $0x1BFF;
	s21 =	sshll.u32 s6, $0x1;
	s3 =	sadd.s32 s4, s19  }
0x9c: {  	s7 =	simm.s32 $0x0;
	s20 =	sshll.u32 s5, $0x1;
	s5 =	sadd.s32 s21, s3  }
0x9d: {  	[timem:s7], [sflag:s22] =	dma.local [hbm:s5], s20  }
0x9e: {  	_ =	swait.ge [sflag:s22], s20  }
0x9f: {  	s4 =	ssub.s32 $0x0, s20;
	[sflag:s22] =	ssyncset.done $0x0  }
0xa0: {  	[sflag:s22] =	ssyncadd.s32 s4;
	_ =	sdelay $0x1  }
0xa1: {  	s23 =	simm.s32 $0x1B8B  }
0xa2: {  	_ =	swait.ge [sflag:s23], $0x1  }
0xa3: {  	[sflag:s23] =	ssyncset.done $0x0  }
0xa4: {  	s25 =	simm.s32 $0x1B8E;
	s24 =	sld [smem:$0x3FFE];
	[sflag:s23] =	ssyncadd.s32 $0xFFFFFFFF  }
0xa5: {  	s26 =	simm.s32 $execute0_lowered;
	[smem:$0x3FD2] =	sst s25  }
0xa6: {  	s5 =	sshll.u32 s26, $0x1;
	_ =	strace $0x80000049;
	[dreg:$0x1] =	wrdreg $0xFFFFFFFF  }
0xa7: {  	s28 =	simm.s32 $_size_execute0_lowered;
	s3 =	sadd.s32 s3, s5;
	[dreg:$0x0] =	wrdreg $0x0  }
0xa8: {  	s5 =	sshll.u32 s28, $0x1;
	[dreg:$0x2] =	wrdreg s3  }
0xa9: {  	[dreg:$0x3] =	wrdreg s5  }
0xaa: {  	[dreg:$0x4] =	wrdreg $0xC0  }
0xab: {  	_ =	task [dreg:s7], $0x5FFFF  }
0xac: {  	[dreg:$0x1] =	wrdreg $0xFFFFFFFF  }
0xad: {  	[dreg:$0x0] =	wrdreg $0x60  }
0xae: {  	[dreg:$0x2] =	wrdreg s24  }
0xaf: {  	[dreg:$0x3] =	wrdreg s2  }
0xb0: {  	[dreg:$0x4] =	wrdreg $0x56400  }
0xb1: {  	[dreg:$0x5] =	wrdreg $0xF4400  }
0xb2: {  	[dreg:$0x6] =	wrdreg $0x9  }
0xb3: {  	_ =	task.clear_ibuf [dreg:s7], $0x7FFFF;
	_ =	strace $0x90000049  }
0xb4: {  	s29 =	simm.s32 $0x9;
	_ =	strace $0x8000004B  }
0xb5: {  	_ =	swait.ge [sflag:s29], $0x1  }
0xb6: {  	[sflag:s29] =	ssyncadd.s32 $0xFFFFFFFF  }
0xb7: {  	_ =	strace $0x9000004B  }
0xb8: {  	_ =	sfence  }
0xb9: {  	s30 =	sld [smem:$0x0];
	_ =	sdelay $0x2  }
0xba: {  	s31 =	sshll.u32 s1, $0xD;
	s1 =	sshrl.u32 s1, $0x2  }
0xbb: {  	s3 =	sand.u32 $0x4000, s31;
	s1 =	sadd.s32 s1, s30  }
0xbc: {  	s0 =	sor.u32 s3, s0;
	s1 =	sshll.u32 s1, $0x11  }
0xbd: {  	s0 =	sor.u32 s1, s0  }
0xbe: {  	s0 =	sadd.s32 $0x8F2B, s0  }
0xbf: {  	[sflag:s0] =	ssyncadd.remote.s32 $0x1  }
0xc0: {  	_ =	sfence.sel $0xFFFF  }
0xc1: {  	[dreg:$0x0] =	wrdreg $0xFFFFFFFF;
	(pc) =	sbr.abs _section_cstart, $3  }
0xc2: {  	[dreg:$0x1] =	wrdreg $0xFFFFFFFF  }
0xc3: {  	_ =	task.clear_ibuf [dreg:s7], $0x2FFFF;
	_ =	strace $0x9FFFFFFF  }
0xc4: {  	(tm) =	ssettm $0x7FFFFFFF  }
0xc5: {  	_ =	shalt  }
tec
execute0_lowered:
.L_overlay_start_1:
0x0: {  	(tag) =	ssettag $0x1  }
0x1: {  	s0 =	rddreg [dreg:$0x0]  }
0x2: {  	s12 =	rddreg [dreg:$0x2]  }
0x3: {  	s13 =	rddreg [dreg:$0x3];
	s1 =	simm.s32 $0x0  }
0x4: {  	s8 =	srdreg.scid;
	s14 =	stileid.u32;
	s29 =	simm.s32 $0x60  }
0x5: {  	s31 =	simm.s32 $0x2;
	[smem:$0x7FF] =	sst s1;
	s1 =	sand.u32 $0x1, s8  }
0x6: {  	s2 =	smul.u32 $0x9E00, s14;
	s15 =	sadd.s32 $0x47C00, s0;
	s16 =	sadd.s32 $0x33800, s0  }
0x7: {  	s17 =	sadd.s32 $0x3DA00, s0;
	s4 =	sadd.s32 $0x7600, s0;
	s9 =	smul.u32 $0x2780, s14  }
0x8: {  	s10 =	sadd.s32 $0x2600, s0;
	s6 =	sadd.s32 $0xC600, s0;
	s18 =	sadd.s32 $0x51E00, s0  }
0x9: {  	_ =	strace $0x8000004A;
	s3 =	smul.u32 $0x9E000, s1;
	[dreg:$0x5] =	wrdreg s4  }
0xa: {  	s21 =	sshll.u32 s14, $0x6;
	s5 =	smul.u32 $0x27800, s1;
	[dreg:$0x6] =	wrdreg s6  }
0xb: {  	[dreg:$0x7] =	wrdreg s18;
	s19 =	ssub.s32 $0x2, s1;
	s1 =	sshll.u32 s1, $0x4  }
0xc: {  	s7 =	smov.u32 s15;
	s8 =	smov.u32 s16;
	s6 =	simm.s32 $0x3240  }
0xd: {  	s11 =	sshrl.u32 s19, $0x1;
	s1 =	sor.u32 s14, s1;
	s4 =	sadd.s32 s9, s13  }
0xe: {  	s13 =	simm.s32 $0x3;
	s3 =	sadd.s32 s2, s3;
	s5 =	sadd.s32 s9, s5  }
0xf: {  	s20 =	ssub.s32 s19, s11;
	s2 =	sadd.s32 s2, s12;
	[dreg:$0xa] =	wrdreg s4  }
0x10: {  	s22 =	smul.u32 $0x510, s1;
	[dreg:$0x8] =	wrdreg s2;
	s30 =	smax.u32 s20, $0x1  }
0x11: {  	s1 =	smul.u32 $0x6C, s1;
	s2 =	sor.u32 $0x1C05, s21;
	[dreg:$0x12] =	wrdreg s30  }
0x12: {  	s9 =	smov.u32 s17;
	s23 =	sadd.s32 s15, s22;
	[dreg:$0x9] =	wrdreg s2  }
0x13: {  	s4 =	simm.s32 $0x120;
	s24 =	sadd.s32 s16, s22;
	[dreg:$0xb] =	wrdreg s23  }
0x14: {  	s3 =	sshrl.u32 s3, $0x3;
	s25 =	sadd.s32 s17, s22;
	[dreg:$0xc] =	wrdreg s24  }
0x15: {  	s5 =	sshrl.u32 s5, $0x3;
	s26 =	sor.u32 $0x1, s1;
	[dreg:$0xd] =	wrdreg s25  }
0x16: {  	s3 =	sadd.s32 s3, s0;
	s1 =	sor.u32 $0x2, s1;
	[dreg:$0xe] =	wrdreg s26  }
0x17: {  	s0 =	sadd.s32 s5, s0;
	[dreg:$0xf] =	wrdreg s1;
	s28 =	sadd.s32 $0x52400, s3  }
0x18: {  	s16 =	simm.s32 $0x4;
	s0 =	sadd.s32 $0xDA00, s0;
	[dreg:$0x10] =	wrdreg s28  }
0x19: {  	s24 =	simm.s32 $0x5;
	s1 =	simm.s32 $0x0;
	[dreg:$0x11] =	wrdreg s0  }
.LBB2_1:
0x1a: {  	[dreg:$0x13] =	wrdreg s1  }
0x1b: {  	s0 =	rddreg [dreg:$0x8]  }
0x1c: {  	s11 =	rddreg [dreg:$0x6];
	s5 =	sshrl.u32 s0, $0x3  }
0x1d: {  	[dreg:$0x14] =	wrdreg s5  }
0x1e: {  	[spmem:s5], [sflag:s2] =	dma.local [hbm:s11], $0x13C0  }
0x1f: {  	_ =	swait.ge [sflag:s24], $0x13C0  }
0x20: {  	s12 =	rddreg [dreg:$0xa]  }
0x21: {  	[sflag:s24] =	ssyncset.done $0x0;
	s15 =	rddreg [dreg:$0x7];
	s14 =	sshrl.u32 s12, $0x3  }
0x22: {  	[sflag:s24] =	ssyncadd.s32 $0xFFFFEC40;
	[dreg:$0x15] =	wrdreg s14  }
0x23: {  	[spmem:s14], [sflag:s2] =	dma.local [hbm:s15], $0x4F0  }
0x24: {  	_ =	swait.ge [sflag:s24], $0x4F0  }
0x25: {  	[sflag:s24] =	ssyncset.done $0x0  }
0x26: {  	[sflag:s24] =	ssyncadd.s32 $0xFFFFFB10  }
0x27: {  	[bflag:$0x0] =	sbarrier.arrive $0xFFFF  }
0x28: {  	s17 =	simm.s32 $0x0;
	s18 =	rddreg [dreg:$0xb]  }
0x29: {  	[tilespmem:s17], [sflag:$0x1] =	stream.linear.gather [hbm4b:s18+s17], $0x60, $0x38;
	[tilespmem:$0x11BC0] =	vst v63  }
0x2a: {  	s20 =	simm.s32 $0xC0;
	s19 =	rddreg [dreg:$0xc]  }
0x2b: {  	[tilespmem:s20], [sflag:$0x1] =	stream.linear.gather [hbm4b:s19+s17], $0x60, $0x38;
	[tilespmem:$0x11BC0] =	vst v63  }
0x2c: {  	s22 =	simm.s32 $0x180;
	s23 =	simm.s32 $0x1;
	s21 =	rddreg [dreg:$0xd]  }
0x2d: {  	[tilespmem:s22], [sflag:$0x1] =	stream.linear.gather [hbm4b:s21+s17], $0x60, $0x38;
	[tilespmem:$0x11BC0] =	vst v63  }
0x2e: {  	_ =	swait.ge [sflag:s23], $0x60  }
0x2f: {  	[sflag:s23] =	ssyncset.done $0x0  }
0x30: {  	[sflag:s23] =	ssyncadd.s32 $0xFFFFFFA0  }
0x31: {  	_ =	swait.ge [sflag:s23], $0x60  }
0x32: {  	[sflag:s23] =	ssyncset.done $0x0  }
0x33: {  	[sflag:s23] =	ssyncadd.s32 $0xFFFFFFA0  }
0x34: {  	_ =	swait.ge [sflag:s23], $0x60  }
0x35: {  	[sflag:s23] =	ssyncset.done $0x0  }
0x36: {  	s3 =	simm.s32 $0x240;
	s25 =	rddreg [dreg:$0x5];
	[sflag:s23] =	ssyncadd.s32 $0xFFFFFFA0  }
0x37: {  	[tilespmem:s3], [sflag:$0x3] =	stream.indirect.gather [hbm4b:s25+s29], $0x10, s22, s29, $0xb8;
	[tilespmem:$0x11BC0] =	vst v63  }
0x38: {  	s26 =	simm.s32 $0xE40  }
0x39: {  	[tilespmem:s26], [sflag:$0x3] =	stream.indirect.gather [hbm4b:s10+s29], $0x10, s17, s29, $0xb8;
	[tilespmem:$0x11BC0] =	vst v63  }
0x3a: {  	s30 =	simm.s32 $0x1A40;
	s23 =	simm.s32 $0x0;
	s28 =	rddreg [dreg:$0x1]  }
0x3b: {  	[tilespmem:s30], [sflag:$0x3] =	stream.indirect.gather [hbm4b:s28+s29], $0x40, s17, s29, $0xb8;
	[tilespmem:$0x11BC0] =	vst v63  }
.LBB2_2:
0x3c: {  	s5 =	sshll.u32 s23, $0x1;
	s0 =	rddreg [dreg:$0xe]  }
0x3d: {  	s0 =	sadd.s32 s5, s0  }
0x3e: {  	s0 =	smul.u32 $0xC, s0;
	_ =	sdelay $0x1  }
0x3f: {  	s21 =	simm.s32 $0x0;
	s1 =	sadd.s32 s7, s0  }
0x40: {  	[tilespmem:s29], [sflag:$0x2] =	stream.linear.gather [hbm4b:s1+s21], $0x60, $0x38;
	[tilespmem:$0x11BC0] =	vst v63  }
0x41: {  	s22 =	sadd.s32 s8, s0  }
0x42: {  	[tilespmem:s4], [sflag:$0x2] =	stream.linear.gather [hbm4b:s22+s21], $0x60, $0x38;
	[tilespmem:$0x11BC0] =	vst v63  }
0x43: {  	s25 =	simm.s32 $0x1E0;
	s0 =	sadd.s32 s9, s0  }
0x44: {  	[tilespmem:s25], [sflag:$0x2] =	stream.linear.gather [hbm4b:s0+s21], $0x60, $0x38;
	[tilespmem:$0x11BC0] =	vst v63  }
0x45: {  	_ =	swait.ge [sflag:s31], $0x60  }
0x46: {  	[sflag:s31] =	ssyncset.done $0x0  }
0x47: {  	[sflag:s31] =	ssyncadd.s32 $0xFFFFFFA0  }
0x48: {  	_ =	swait.ge [sflag:s31], $0x60  }
0x49: {  	[sflag:s31] =	ssyncset.done $0x0  }
0x4a: {  	[sflag:s31] =	ssyncadd.s32 $0xFFFFFFA0  }
0x4b: {  	_ =	swait.ge [sflag:s31], $0x60  }
0x4c: {  	[sflag:s31] =	ssyncset.done $0x0  }
0x4d: {  	s2 =	simm.s32 $0x840;
	s26 =	rddreg [dreg:$0x5];
	[sflag:s31] =	ssyncadd.s32 $0xFFFFFFA0  }
0x4e: {  	[tilespmem:s2], [sflag:$0x4] =	stream.indirect.gather [hbm4b:s26+s29], $0x10, s25, s29, $0xb8;
	[tilespmem:$0x11BC0] =	vst v63  }
0x4f: {  	s28 =	simm.s32 $0x1440  }
0x50: {  	[tilespmem:s28], [sflag:$0x4] =	stream.indirect.gather [hbm4b:s10+s29], $0x10, s29, s29, $0xb8;
	[tilespmem:$0x11BC0] =	vst v63  }
0x51: {  	s30 =	rddreg [dreg:$0x1]  }
0x52: {  	[tilespmem:s6], [sflag:$0x4] =	stream.indirect.gather [hbm4b:s30+s29], $0x40, s29, s29, $0xb8;
	[tilespmem:$0x11BC0] =	vst v63  }
0x53: {  	_ =	swait.ge [sflag:s13], $0x600  }
0x54: {  	[sflag:s13] =	ssyncset.done $0x0  }
0x55: {  	[sflag:s13] =	ssyncadd.s32 $0xFFFFFA00  }
0x56: {  	_ =	swait.ge [sflag:s13], $0x600  }
0x57: {  	[sflag:s13] =	ssyncset.done $0x0  }
0x58: {  	[sflag:s13] =	ssyncadd.s32 $0xFFFFFA00  }
0x59: {  	_ =	swait.ge [sflag:s13], $0x1800  }
0x5a: {  	[sflag:s13] =	ssyncset.done $0x0  }
0x5b: {  	[sflag:s13] =	ssyncadd.s32 $0xFFFFE800  }
.LBB2_3:
0x5c: {  	s1 =	sshll.u32 s21, $0x4  }
0x5d: {  	v0 =	vld [tilespmem:s1+$0x240]  }
0x5e: {  	v1 =	vld [tilespmem:s1+$0xE40]  }
0x5f: {  	s11 =	sor.u32 $0x1, s21  }
0x60: {  	s12 =	sshll.u32 s11, $0x4  }
0x61: {  	v35 =	vld [tilespmem:s12+$0x240]  }
0x62: {  	v2 =	vld [tilespmem:s12+$0xE40]  }
0x63: {  	v0 =	vadd.f32 v1, v0;
	_ =	sdelay $0x1  }
0x64: {  	s14 =	sor.u32 $0x2, s21;
	v3 =	vmul.f32 $2.000000030e-01, v0  }
0x65: {  	s15 =	sshll.u32 s14, $0x4;
	vm0 =	vgt.f32 v0, $0.0e+00  }
0x66: {  	v36 =	vld [tilespmem:s15+$0x240];
	v1 =	vadd.f32 v2, v35;
	v0 =	vsel vm0, v0, v3  }
0x67: {  	v4 =	vld [tilespmem:s15+$0xE40];
	v0 =	vmul.f32 $1.442695020e+00, v0  }
0x68: {  	s4 =	sor.u32 $0x3, s21;
	v37 =	vmul.f32 $2.000000030e-01, v1  }
0x69: {  	s3 =	sshll.u32 s4, $0x4;
	vm9 =	vgt.f32 v1, $0.0e+00;
	(erf) = vpow2.f32 v0  }
0x6a: {  	s2 =	sor.u32 $0x4, s21;
	v39 =	vld [tilespmem:s3+$0x240];
	v0 =	vsel vm9, v1, v37  }
0x6b: {  	s0 =	sshll.u32 s2, $0x4;
	v40 =	vld [tilespmem:s3+$0xE40];
	v0 =	vmul.f32 $1.442695020e+00, v0  }
0x6c: {  	s20 =	sor.u32 $0x5, s21;
	v43 =	vld [tilespmem:s0+$0x240];
	v38 =	vadd.f32 v4, v36  }
0x6d: {  	s25 =	sshll.u32 s20, $0x4;
	v44 =	vld [tilespmem:s0+$0xE40];
	(erf) = vpow2.f32 v0  }
0x6e: {  	s22 =	sor.u32 $0x6, s21;
	v48 =	vld [tilespmem:s25+$0x240];
	v4 =	vmul.f32 $2.000000030e-01, v38  }
0x6f: {  	s28 =	sshll.u32 s22, $0x4;
	v49 =	vld [tilespmem:s25+$0xE40];
	vm10 =	vgt.f32 v38, $0.0e+00  }
0x70: {  	s19 =	sor.u32 $0x7, s21;
	s4 =	sshll.u32 s4, $0x6;
	v51 =	vld [tilespmem:s28+$0x240];
	v41 =	vsel vm10, v38, v4  }
0x71: {  	v52 =	vld [tilespmem:s28+$0xE40];
	s17 =	sand.u32 $0x3FFFFFC0, s4;
	s4 =	sshll.u32 s19, $0x4;
	v42 =	vadd.f32 v40, v39;
	v0 =	vmul.f32 $1.442695020e+00, v41  }
0x72: {  	s6 =	sshll.u32 s21, $0x6;
	v54 =	vld [tilespmem:s4+$0x240];
	v6 =	vpop (erf)  }
0x73: {  	s18 =	sand.u32 $0x3FFFFFC0, s6;
	v55 =	vld [tilespmem:s4+$0xE40];
	v46 =	vmul.f32 $2.000000030e-01, v42;
	(erf) = vpow2.f32 v0;
	[tilespmem:s1+$0x4A40] =	vst v6  }
0x74: {  	vm11 =	vgt.f32 v42, $0.0e+00;
	v45 =	vld [tilespmem:s18+$0x1A40]  }
0x75: {  	v1 =	vsel vm11, v42, v46;
	v8 =	vld [tilespmem:s18+$0x1A50]  }
0x76: {  	s11 =	sshll.u32 s11, $0x6;
	v1 =	vmul.f32 $1.442695020e+00, v1;
	v0 =	vadd.f32 v44, v43;
	v13 =	vld [tilespmem:s18+$0x1A60];
	v21 =	vpop (erf)  }
0x77: {  	s11 =	sand.u32 $0x3FFFFFC0, s11;
	v47 =	vld [tilespmem:s18+$0x1A70];
	[tilespmem:s12+$0x4A40] =	vst v21  }
0x78: {  	v5 =	vmul.f32 $2.000000030e-01, v0;
	(erf) = vpow2.f32 v1;
	v34 =	vld [tilespmem:s11+$0x1A40]  }
0x79: {  	vm12 =	vgt.f32 v0, $0.0e+00;
	v29 =	vld [tilespmem:s11+$0x1A50]  }
0x7a: {  	s6 =	sor.u32 $0xA, s21;
	v1 =	vadd.f32 v49, v48;
	v0 =	vsel vm12, v0, v5;
	v26 =	vld [tilespmem:s11+$0x1A60]  }
0x7b: {  	s12 =	sshll.u32 s6, $0x4;
	v27 =	vld [tilespmem:s11+$0x1A70];
	v0 =	vmul.f32 $1.442695020e+00, v0  }
0x7c: {  	s30 =	sshll.u32 s14, $0x6;
	v50 =	vmul.f32 $2.000000030e-01, v1;
	v35 =	vld [tilespmem:s12+$0x240];
	v19 =	vpop (erf)  }
0x7d: {  	vm13 =	vgt.f32 v1, $0.0e+00;
	v37 =	vld [tilespmem:s12+$0xE40];
	(erf) = vpow2.f32 v0;
	[tilespmem:s15+$0x4A40] =	vst v19;
	s15 =	sand.u32 $0x3FFFFFC0, s30  }
0x7e: {  	v0 =	vsel vm13, v1, v50;
	v16 =	vld [tilespmem:s15+$0x1A40]  }
0x7f: {  	s2 =	sshll.u32 s2, $0x6;
	v0 =	vmul.f32 $1.442695020e+00, v0;
	v31 =	vld [tilespmem:s15+$0x1A50]  }
0x80: {  	s26 =	sand.u32 $0x3FFFFFC0, s2;
	s2 =	sor.u32 $0x8, s21;
	v33 =	vld [tilespmem:s15+$0x1A60]  }
0x81: {  	s30 =	sshll.u32 s2, $0x4;
	v32 =	vld [tilespmem:s15+$0x1A70];
	v28 =	vpop (erf);
	(erf) = vpow2.f32 v0  }
0x82: {  	v53 =	vadd.f32 v52, v51;
	v56 =	vld [tilespmem:s30+$0x240]  }
0x83: {  	v57 =	vld [tilespmem:s30+$0xE40];
	[tilespmem:s3+$0x4A40] =	vst v28  }
0x84: {  	v5 =	vmul.f32 $2.000000030e-01, v53;
	v30 =	vld [tilespmem:s17+$0x1A40]  }
0x85: {  	vm14 =	vgt.f32 v53, $0.0e+00;
	v23 =	vld [tilespmem:s17+$0x1A50]  }
0x86: {  	v0 =	vsel vm14, v53, v5;
	v24 =	vld [tilespmem:s17+$0x1A60];
	v25 =	vpop (erf)  }
0x87: {  	v0 =	vmul.f32 $1.442695020e+00, v0;
	v20 =	vld [tilespmem:s17+$0x1A70];
	[tilespmem:s0+$0x4A40] =	vst v25  }
0x88: {  	s20 =	sshll.u32 s20, $0x6;
	v1 =	vadd.f32 v55, v54;
	v18 =	vld [tilespmem:s26+$0x1A40]  }
0x89: {  	s14 =	sand.u32 $0x3FFFFFC0, s20;
	(erf) = vpow2.f32 v0;
	v9 =	vld [tilespmem:s26+$0x1A50]  }
0x8a: {  	s20 =	sor.u32 $0x9, s21;
	v58 =	vmul.f32 $2.000000030e-01, v1;
	v22 =	vld [tilespmem:s26+$0x1A60];
	v14 =	vpop (erf)  }
0x8b: {  	vm15 =	vgt.f32 v1, $0.0e+00;
	v7 =	vld [tilespmem:s26+$0x1A70];
	[tilespmem:s25+$0x4A40] =	vst v14;
	s25 =	sshll.u32 s20, $0x4  }
0x8c: {  	v1 =	vsel vm15, v1, v58;
	s0 =	sor.u32 $0xB, s21;
	v59 =	vld [tilespmem:s25+$0x240]  }
0x8d: {  	v1 =	vmul.f32 $1.442695020e+00, v1;
	v0 =	vadd.f32 v57, v56;
	s1 =	sshll.u32 s0, $0x4;
	v60 =	vld [tilespmem:s25+$0xE40]  }
0x8e: {  	v61 =	vld [tilespmem:s1+$0x240]  }
0x8f: {  	v12 =	vmul.f32 $2.000000030e-01, v0;
	(erf) = vpow2.f32 v1;
	v40 =	vld [tilespmem:s1+$0xE40]  }
0x90: {  	v39 =	vbroadcast v6, $0x0;
	vm4 =	vgt.f32 v0, $0.0e+00;
	v10 =	vld [tilespmem:s14+$0x1A40]  }
0x91: {  	v44 =	vbroadcast v21, $0x0;
	v0 =	vsel vm4, v0, v12;
	v15 =	vld [tilespmem:s14+$0x1A50]  }
0x92: {  	s22 =	sshll.u32 s22, $0x6;
	v3 =	vmul.f32 v39, v45;
	v11 =	vld [tilespmem:s14+$0x1A60];
	v0 =	vmul.f32 $1.442695020e+00, v0;
	v17 =	vpop (erf);
	v36 =	vadd.f32 v60, v59  }
0x93: {  	s22 =	sand.u32 $0x3FFFFFC0, s22;
	v62 =	vmul.f32 v39, v8;
	v41 =	vmul.f32 v39, v13;
	v1 =	vld [tilespmem:s14+$0x1A70];
	[tilespmem:s28+$0x4A40] =	vst v17  }
0x94: {  	[tilespmem:s18+$0x1A40] =	vst v3;
	(erf) = vpow2.f32 v0;
	v12 =	vld [tilespmem:s22+$0x1A40];
	v38 =	vmul.f32 $2.000000030e-01, v36  }
0x95: {  	v43 =	vmul.f32 v47, v39;
	[tilespmem:s18+$0x1A50] =	vst v62;
	v5 =	vld [tilespmem:s22+$0x1A50];
	vm5 =	vgt.f32 v36, $0.0e+00  }
0x96: {  	s19 =	sshll.u32 s19, $0x6;
	[tilespmem:s18+$0x1A60] =	vst v41;
	v35 =	vadd.f32 v37, v35;
	v34 =	vmul.f32 v44, v34;
	s3 =	sor.u32 $0xC, s21;
	v2 =	vld [tilespmem:s22+$0x1A60];
	v36 =	vsel vm5, v36, v38  }
0x97: {  	[tilespmem:s18+$0x1A70] =	vst v43;
	v29 =	vmul.f32 v44, v29;
	s28 =	sand.u32 $0x3FFFFFC0, s19;
	s19 =	sshll.u32 s3, $0x4;
	v0 =	vld [tilespmem:s22+$0x1A70];
	v36 =	vmul.f32 $1.442695020e+00, v36  }
0x98: {  	v49 =	vmul.f32 v44, v26;
	v63 =	vmul.f32 $2.000000030e-01, v35;
	[tilespmem:s11+$0x1A40] =	vst v34;
	v47 =	vld [tilespmem:s19+$0x240];
	v6 =	vpop (erf)  }
0x99: {  	v51 =	vbroadcast v19, $0x0;
	vm6 =	vgt.f32 v35, $0.0e+00;
	v48 =	vld [tilespmem:s19+$0xE40];
	[tilespmem:s4+$0x4A40] =	vst v6;
	(erf) = vpow2.f32 v36  }
0x9a: {  	v27 =	vmul.f32 v27, v44;
	[tilespmem:s11+$0x1A50] =	vst v29;
	v45 =	vsel vm6, v35, v63;
	v8 =	vld [tilespmem:s28+$0x1A40]  }
0x9b: {  	[tilespmem:s11+$0x1A60] =	vst v49;
	v35 =	vmul.f32 $1.442695020e+00, v45;
	v53 =	vmul.f32 v51, v16;
	v3 =	vld [tilespmem:s28+$0x1A50]  }
0x9c: {  	[tilespmem:s11+$0x1A70] =	vst v27;
	v31 =	vmul.f32 v51, v31;
	s4 =	sshll.u32 s2, $0x6;
	s2 =	sor.u32 $0xD, s21;
	v13 =	vld [tilespmem:s28+$0x1A60]  }
0x9d: {  	[tilespmem:s15+$0x1A40] =	vst v53;
	v4 =	vld [tilespmem:s28+$0x1A70];
	s18 =	sand.u32 $0x3FFFFFC0, s4;
	s4 =	sshll.u32 s2, $0x4;
	v21 =	vpop (erf);
	(erf) = vpow2.f32 v35  }
0x9e: {  	v33 =	vmul.f32 v51, v33;
	[tilespmem:s15+$0x1A50] =	vst v31;
	v57 =	vbroadcast v28, $0x0;
	v46 =	vadd.f32 v40, v61;
	v54 =	vld [tilespmem:s4+$0x240]  }
0x9f: {  	v55 =	vmul.f32 v32, v51;
	v25 =	vbroadcast v25, $0x0;
	v56 =	vld [tilespmem:s4+$0xE40];
	[tilespmem:s30+$0x4A40] =	vst v21  }
0xa0: {  	[tilespmem:s15+$0x1A60] =	vst v33;
	v62 =	vmul.f32 v20, v57;
	v50 =	vmul.f32 $2.000000030e-01, v46;
	v26 =	vld [tilespmem:s18+$0x1A40]  }
0xa1: {  	[tilespmem:s15+$0x1A70] =	vst v55;
	vm7 =	vgt.f32 v46, $0.0e+00;
	v29 =	vld [tilespmem:s18+$0x1A50]  }
0xa2: {  	[tilespmem:s17+$0x1A70] =	vst v62;
	v18 =	vmul.f32 v25, v18;
	v52 =	vsel vm7, v46, v50;
	v35 =	vadd.f32 v48, v47;
	s30 =	sshll.u32 s20, $0x6;
	v19 =	vld [tilespmem:s18+$0x1A60];
	v27 =	vpop (erf)  }
0xa3: {  	v42 =	vmul.f32 v25, v9;
	v34 =	vmul.f32 $1.442695020e+00, v52;
	v16 =	vld [tilespmem:s18+$0x1A70];
	s11 =	sand.u32 $0x3FFFFFC0, s30;
	[tilespmem:s25+$0x4A40] =	vst v27  }
0xa4: {  	v43 =	vmul.f32 v25, v22;
	[tilespmem:s26+$0x1A40] =	vst v18;
	v58 =	vmul.f32 $2.000000030e-01, v35;
	v31 =	vld [tilespmem:s11+$0x1A40]  }
0xa5: {  	v25 =	vmul.f32 v7, v25;
	[tilespmem:s26+$0x1A50] =	vst v42;
	vm8 =	vgt.f32 v35, $0.0e+00;
	(erf) = vpow2.f32 v34;
	v32 =	vld [tilespmem:s11+$0x1A50]  }
0xa6: {  	s6 =	sshll.u32 s6, $0x6;
	v61 =	vmul.f32 v57, v24;
	[tilespmem:s26+$0x1A60] =	vst v43;
	v59 =	vmul.f32 v57, v30;
	v35 =	vsel vm8, v35, v58;
	v28 =	vpop (erf);
	v30 =	vld [tilespmem:s11+$0x1A60]  }
0xa7: {  	s15 =	sand.u32 $0x3FFFFFC0, s6;
	v60 =	vmul.f32 v57, v23;
	v35 =	vmul.f32 $1.442695020e+00, v35;
	v23 =	vld [tilespmem:s11+$0x1A70];
	[tilespmem:s12+$0x4A40] =	vst v28  }
0xa8: {  	v44 =	vbroadcast v14, $0x0;
	[tilespmem:s26+$0x1A70] =	vst v25;
	s25 =	sor.u32 $0xE, s21;
	v24 =	vld [tilespmem:s15+$0x1A40]  }
0xa9: {  	[tilespmem:s17+$0x1A60] =	vst v61;
	(erf) = vpow2.f32 v35;
	s6 =	sshll.u32 s25, $0x4;
	v20 =	vld [tilespmem:s15+$0x1A50]  }
0xaa: {  	v10 =	vmul.f32 v44, v10;
	[tilespmem:s17+$0x1A40] =	vst v59;
	v40 =	vld [tilespmem:s6+$0x240]  }
0xab: {  	v15 =	vmul.f32 v44, v15;
	[tilespmem:s17+$0x1A50] =	vst v60;
	v34 =	vadd.f32 v56, v54;
	v41 =	vld [tilespmem:s6+$0xE40]  }
0xac: {  	v11 =	vmul.f32 v44, v11;
	[tilespmem:s14+$0x1A40] =	vst v10;
	s12 =	sor.u32 $0xF, s21;
	v18 =	vld [tilespmem:s15+$0x1A60]  }
0xad: {  	[tilespmem:s14+$0x1A50] =	vst v15;
	v52 =	vbroadcast v6, $0x0;
	v63 =	vmul.f32 $2.000000030e-01, v34;
	v22 =	vld [tilespmem:s15+$0x1A70];
	s20 =	sshll.u32 s12, $0x4  }
0xae: {  	s0 =	sshll.u32 s0, $0x6;
	v1 =	vmul.f32 v1, v44;
	[tilespmem:s14+$0x1A60] =	vst v11;
	vm9 =	vgt.f32 v34, $0.0e+00;
	v46 =	vld [tilespmem:s20+$0x240];
	v9 =	vpop (erf)  }
0xaf: {  	s17 =	sand.u32 $0x3FFFFFC0, s0;
	v8 =	vmul.f32 v52, v8;
	v33 =	vsel vm9, v34, v63;
	v47 =	vld [tilespmem:s20+$0xE40];
	[tilespmem:s1+$0x4A40] =	vst v9  }
0xb0: {  	[tilespmem:s14+$0x1A70] =	vst v1;
	v3 =	vmul.f32 v52, v3;
	v33 =	vmul.f32 $1.442695020e+00, v33;
	v14 =	vld [tilespmem:s17+$0x1A40]  }
0xb1: {  	v48 =	vbroadcast v17, $0x0;
	[tilespmem:s28+$0x1A40] =	vst v8;
	v7 =	vld [tilespmem:s17+$0x1A50]  }
0xb2: {  	s3 =	sshll.u32 s3, $0x6;
	v13 =	vmul.f32 v52, v13;
	[tilespmem:s28+$0x1A50] =	vst v3;
	(erf) = vpow2.f32 v33;
	v10 =	vpop (erf);
	v15 =	vld [tilespmem:s17+$0x1A60]  }
0xb3: {  	s26 =	sand.u32 $0x3FFFFFC0, s3;
	v57 =	vmul.f32 v4, v52;
	v45 =	vadd.f32 v41, v40;
	v17 =	vld [tilespmem:s17+$0x1A70];
	[tilespmem:s19+$0x4A40] =	vst v10  }
0xb4: {  	v55 =	vbroadcast v21, $0x0;
	v12 =	vmul.f32 v48, v12;
	[tilespmem:s28+$0x1A60] =	vst v13;
	s1 =	sor.u32 $0x10, s21;
	v11 =	vld [tilespmem:s26+$0x1A40]  }
0xb5: {  	v5 =	vmul.f32 v48, v5;
	[tilespmem:s28+$0x1A70] =	vst v57;
	v49 =	vmul.f32 $2.000000030e-01, v45;
	s30 =	sshll.u32 s1, $0x4;
	v1 =	vld [tilespmem:s26+$0x1A50]  }
0xb6: {  	v2 =	vmul.f32 v48, v2;
	[tilespmem:s22+$0x1A40] =	vst v12;
	v50 =	vadd.f32 v47, v46;
	vm10 =	vgt.f32 v45, $0.0e+00;
	v51 =	vld [tilespmem:s30+$0x240]  }
0xb7: {  	[tilespmem:s22+$0x1A50] =	vst v5;
	v60 =	vmul.f32 v55, v26;
	v61 =	vmul.f32 v55, v29;
	v25 =	vsel vm10, v45, v49;
	v53 =	vld [tilespmem:s30+$0xE40]  }
0xb8: {  	s28 =	sor.u32 $0x12, s21;
	[tilespmem:s22+$0x1A60] =	vst v2;
	v35 =	vmul.f32 $2.000000030e-01, v50;
	v5 =	vld [tilespmem:s26+$0x1A60];
	v25 =	vmul.f32 $1.442695020e+00, v25  }
0xb9: {  	s0 =	sor.u32 $0x13, s21;
	s3 =	sshll.u32 s28, $0x4;
	v62 =	vmul.f32 v55, v19;
	v8 =	vmul.f32 v16, v55;
	[tilespmem:s18+$0x1A40] =	vst v60;
	s19 =	sshll.u32 s2, $0x6;
	vm11 =	vgt.f32 v50, $0.0e+00;
	v6 =	vld [tilespmem:s26+$0x1A70]  }
0xba: {  	v54 =	vmul.f32 v0, v48;
	[tilespmem:s18+$0x1A50] =	vst v61;
	s14 =	sand.u32 $0x3FFFFFC0, s19;
	s19 =	sshll.u32 s0, $0x4;
	v12 =	vsel vm11, v50, v35;
	v35 =	vld [tilespmem:s3+$0xE40];
	(erf) = vpow2.f32 v25  }
0xbb: {  	[tilespmem:s18+$0x1A60] =	vst v62;
	v63 =	vbroadcast v27, $0x0;
	v44 =	vld [tilespmem:s19+$0x240];
	v12 =	vmul.f32 $1.442695020e+00, v12;
	v0 =	vpop (erf)  }
0xbc: {  	v9 =	vbroadcast v9, $0x0;
	s2 =	sor.u32 $0x11, s21;
	v45 =	vld [tilespmem:s19+$0xE40];
	[tilespmem:s4+$0x4A40] =	vst v0  }
0xbd: {  	[tilespmem:s18+$0x1A70] =	vst v8;
	v36 =	vmul.f32 v63, v31;
	(erf) = vpow2.f32 v12;
	s4 =	sshll.u32 s2, $0x4;
	v2 =	vld [tilespmem:s14+$0x1A40]  }
0xbe: {  	[tilespmem:s22+$0x1A70] =	vst v54;
	v14 =	vmul.f32 v9, v14;
	v58 =	vadd.f32 v53, v51;
	v56 =	vld [tilespmem:s4+$0x240]  }
0xbf: {  	[tilespmem:s11+$0x1A40] =	vst v36;
	v7 =	vmul.f32 v9, v7;
	v59 =	vld [tilespmem:s4+$0xE40]  }
0xc0: {  	v55 =	vmul.f32 v17, v9;
	[tilespmem:s17+$0x1A40] =	vst v14;
	v33 =	vmul.f32 $2.000000030e-01, v58;
	v26 =	vld [tilespmem:s14+$0x1A50]  }
0xc1: {  	s22 =	sshll.u32 s25, $0x6;
	s25 =	sshll.u32 s12, $0x6;
	v53 =	vmul.f32 v9, v15;
	[tilespmem:s17+$0x1A50] =	vst v7;
	vm12 =	vgt.f32 v58, $0.0e+00;
	v29 =	vld [tilespmem:s14+$0x1A60]  }
0xc2: {  	s18 =	sand.u32 $0x3FFFFFC0, s25;
	s25 =	sor.u32 $0x16, s21;
	[tilespmem:s17+$0x1A70] =	vst v55;
	v3 =	vld [tilespmem:s14+$0x1A70];
	v4 =	vsel vm12, v58, v33  }
0xc3: {  	v37 =	vmul.f32 v63, v32;
	[tilespmem:s17+$0x1A60] =	vst v53;
	s17 =	sshll.u32 s25, $0x4;
	v33 =	vld [tilespmem:s3+$0x240];
	v4 =	vmul.f32 $1.442695020e+00, v4;
	v19 =	vpop (erf)  }
0xc4: {  	v42 =	vbroadcast v28, $0x0;
	s22 =	sand.u32 $0x3FFFFFC0, s22;
	v43 =	vmul.f32 v23, v63;
	v36 =	vld [tilespmem:s17+$0xE40];
	[tilespmem:s6+$0x4A40] =	vst v19  }
0xc5: {  	[tilespmem:s11+$0x1A50] =	vst v37;
	(erf) = vpow2.f32 v4;
	v34 =	vadd.f32 v59, v56;
	v38 =	vld [tilespmem:s22+$0x1A40]  }
0xc6: {  	v40 =	vmul.f32 v63, v30;
	v24 =	vmul.f32 v42, v24;
	[tilespmem:s11+$0x1A70] =	vst v43;
	v8 =	vld [tilespmem:s22+$0x1A50];
	v13 =	vpop (erf)  }
0xc7: {  	v20 =	vmul.f32 v42, v20;
	v41 =	vld [tilespmem:s22+$0x1A60];
	v39 =	vmul.f32 $2.000000030e-01, v34;
	[tilespmem:s20+$0x4A40] =	vst v13  }
0xc8: {  	v18 =	vmul.f32 v42, v18;
	[tilespmem:s11+$0x1A60] =	vst v40;
	v21 =	vadd.f32 v35, v33;
	vm13 =	vgt.f32 v34, $0.0e+00;
	s20 =	sor.u32 $0x14, s21;
	v46 =	vld [tilespmem:s18+$0x1A40]  }
0xc9: {  	[tilespmem:s15+$0x1A40] =	vst v24;
	v49 =	vmul.f32 v22, v42;
	v56 =	vbroadcast v10, $0x0;
	v4 =	vsel vm13, v34, v39;
	v48 =	vld [tilespmem:s18+$0x1A50];
	s12 =	sshll.u32 s20, $0x4  }
0xca: {  	[tilespmem:s15+$0x1A50] =	vst v20;
	v47 =	vmul.f32 $2.000000030e-01, v21;
	v4 =	vmul.f32 $1.442695020e+00, v4;
	v51 =	vld [tilespmem:s12+$0x240]  }
0xcb: {  	[tilespmem:s15+$0x1A60] =	vst v18;
	v60 =	vmul.f32 v56, v11;
	vm14 =	vgt.f32 v21, $0.0e+00;
	v52 =	vld [tilespmem:s12+$0xE40]  }
0xcc: {  	[tilespmem:s15+$0x1A70] =	vst v49;
	v1 =	vmul.f32 v56, v1;
	(erf) = vpow2.f32 v4;
	v4 =	vsel vm14, v21, v47;
	v21 =	vld [tilespmem:s18+$0x1A60]  }
0xcd: {  	s1 =	sshll.u32 s1, $0x6;
	v13 =	vbroadcast v13, $0x0;
	v18 =	vld [tilespmem:s18+$0x1A70];
	[tilespmem:s26+$0x1A40] =	vst v60  }
0xce: {  	s11 =	sand.u32 $0x3FFFFFC0, s1;
	v50 =	vadd.f32 v45, v44;
	v16 =	vld [tilespmem:s22+$0x1A70];
	v5 =	vmul.f32 v56, v5;
	[tilespmem:s26+$0x1A50] =	vst v1;
	v20 =	vpop (erf)  }
0xcf: {  	s1 =	sor.u32 $0x15, s21;
	v35 =	vld [tilespmem:s17+$0x240];
	v4 =	vmul.f32 $1.442695020e+00, v4;
	[tilespmem:s30+$0x4A40] =	vst v20;
	v46 =	vmul.f32 v13, v46  }
0xd0: {  	v54 =	vmul.f32 $2.000000030e-01, v50;
	[tilespmem:s26+$0x1A60] =	vst v5;
	s30 =	sshll.u32 s1, $0x4;
	v48 =	vmul.f32 v13, v48;
	v15 =	vld [tilespmem:s11+$0x1A40]  }
0xd1: {  	(erf) = vpow2.f32 v4;
	v4 =	vadd.f32 v52, v51;
	v62 =	vld [tilespmem:s30+$0x240];
	[tilespmem:s18+$0x1A40] =	vst v46;
	v52 =	vmul.f32 v13, v21  }
0xd2: {  	vm15 =	vgt.f32 v50, $0.0e+00;
	v63 =	vld [tilespmem:s30+$0xE40];
	[tilespmem:s18+$0x1A50] =	vst v48;
	v13 =	vmul.f32 v18, v13  }
0xd3: {  	v0 =	vbroadcast v0, $0x0;
	v58 =	vsel vm15, v50, v54;
	v6 =	vmul.f32 v6, v56;
	v57 =	vld [tilespmem:s11+$0x1A50];
	[tilespmem:s18+$0x1A60] =	vst v52  }
0xd4: {  	v14 =	vmul.f32 $1.442695020e+00, v58;
	v59 =	vld [tilespmem:s11+$0x1A60];
	[tilespmem:s18+$0x1A70] =	vst v13;
	s18 =	sor.u32 $0x19, s21  }
0xd5: {  	s2 =	sshll.u32 s2, $0x6;
	v2 =	vmul.f32 v0, v2;
	v32 =	vmul.f32 v0, v26;
	[tilespmem:s26+$0x1A70] =	vst v6;
	v11 =	vld [tilespmem:s11+$0x1A70];
	s26 =	sshll.u32 s18, $0x4;
	v61 =	vpop (erf)  }
0xd6: {  	s15 =	sand.u32 $0x3FFFFFC0, s2;
	v34 =	vmul.f32 v0, v29;
	v0 =	vmul.f32 v3, v0;
	v3 =	vadd.f32 v36, v35;
	v36 =	vld [tilespmem:s26+$0x240];
	[tilespmem:s4+$0x4A40] =	vst v61  }
0xd7: {  	[tilespmem:s14+$0x1A40] =	vst v2;
	v7 =	vadd.f32 v63, v62;
	(erf) = vpow2.f32 v14;
	v1 =	vld [tilespmem:s15+$0x1A40]  }
0xd8: {  	v19 =	vbroadcast v19, $0x0;
	[tilespmem:s14+$0x1A50] =	vst v32;
	v28 =	vmul.f32 $2.000000030e-01, v4;
	v5 =	vld [tilespmem:s15+$0x1A50]  }
0xd9: {  	[tilespmem:s14+$0x1A60] =	vst v34;
	vm4 =	vgt.f32 v4, $0.0e+00;
	v39 =	vmul.f32 $2.000000030e-01, v7;
	v6 =	vld [tilespmem:s15+$0x1A60]  }
0xda: {  	v37 =	vmul.f32 v19, v38;
	[tilespmem:s14+$0x1A70] =	vst v0;
	v4 =	vsel vm4, v4, v28;
	s4 =	sshll.u32 s28, $0x6;
	vm5 =	vgt.f32 v7, $0.0e+00;
	v33 =	vld [tilespmem:s15+$0x1A70];
	v9 =	vpop (erf)  }
0xdb: {  	v40 =	vmul.f32 v19, v8;
	v4 =	vmul.f32 $1.442695020e+00, v4;
	s2 =	sand.u32 $0x3FFFFFC0, s4;
	v7 =	vsel vm5, v7, v39;
	v39 =	vld [tilespmem:s26+$0xE40];
	[tilespmem:s3+$0x4A40] =	vst v9  }
0xdc: {  	v41 =	vmul.f32 v19, v41;
	[tilespmem:s22+$0x1A40] =	vst v37;
	v20 =	vbroadcast v20, $0x0;
	v38 =	vld [tilespmem:s2+$0x1A40]  }
0xdd: {  	v44 =	vmul.f32 v16, v19;
	[tilespmem:s22+$0x1A50] =	vst v40;
	(erf) = vpow2.f32 v4;
	v0 =	vld [tilespmem:s2+$0x1A50]  }
0xde: {  	s6 =	sor.u32 $0x17, s21;
	[tilespmem:s22+$0x1A60] =	vst v41;
	v55 =	vmul.f32 v20, v15;
	v42 =	vld [tilespmem:s2+$0x1A60]  }
0xdf: {  	[tilespmem:s22+$0x1A70] =	vst v44;
	v50 =	vmul.f32 $2.000000030e-01, v3;
	v60 =	vbroadcast v61, $0x0;
	s3 =	sshll.u32 s6, $0x4;
	v27 =	vld [tilespmem:s2+$0x1A70]  }
0xe0: {  	s0 =	sshll.u32 s0, $0x6;
	vm6 =	vgt.f32 v3, $0.0e+00;
	v62 =	vmul.f32 v11, v20;
	[tilespmem:s11+$0x1A40] =	vst v55;
	v45 =	vld [tilespmem:s3+$0x240];
	v43 =	vpop (erf)  }
0xe1: {  	s14 =	sand.u32 $0x3FFFFFC0, s0;
	v3 =	vsel vm6, v3, v50;
	v7 =	vmul.f32 $1.442695020e+00, v7;
	v47 =	vld [tilespmem:s3+$0xE40];
	v1 =	vmul.f32 v60, v1;
	[tilespmem:s19+$0x4A40] =	vst v43  }
0xe2: {  	v3 =	vmul.f32 $1.442695020e+00, v3;
	[tilespmem:s11+$0x1A70] =	vst v62;
	v28 =	vmul.f32 v60, v5;
	v49 =	vld [tilespmem:s14+$0x1A40]  }
0xe3: {  	v30 =	vmul.f32 v60, v6;
	(erf) = vpow2.f32 v7;
	[tilespmem:s15+$0x1A40] =	vst v1;
	v51 =	vld [tilespmem:s14+$0x1A50]  }
0xe4: {  	v32 =	vmul.f32 v33, v60;
	v33 =	vbroadcast v9, $0x0;
	[tilespmem:s15+$0x1A50] =	vst v28;
	s19 =	sshll.u32 s20, $0x6;
	s20 =	sor.u32 $0x18, s21;
	v53 =	vld [tilespmem:s14+$0x1A60]  }
0xe5: {  	v10 =	vmul.f32 v20, v57;
	v57 =	vmul.f32 v20, v59;
	[tilespmem:s15+$0x1A60] =	vst v30;
	v18 =	vld [tilespmem:s14+$0x1A70];
	s0 =	sand.u32 $0x3FFFFFC0, s19;
	s19 =	sshll.u32 s20, $0x4  }
0xe6: {  	[tilespmem:s15+$0x1A70] =	vst v32;
	v7 =	vadd.f32 v47, v45;
	v37 =	vmul.f32 v33, v38;
	v0 =	vmul.f32 v33, v0;
	v54 =	vpop (erf);
	v56 =	vld [tilespmem:s19+$0x240]  }
0xe7: {  	v40 =	vmul.f32 v33, v42;
	v42 =	vbroadcast v43, $0x0;
	v59 =	vld [tilespmem:s19+$0xE40];
	[tilespmem:s12+$0x4A40] =	vst v54  }
0xe8: {  	(erf) = vpow2.f32 v3;
	v58 =	vmul.f32 $2.000000030e-01, v7;
	[tilespmem:s2+$0x1A40] =	vst v37;
	v15 =	vld [tilespmem:s0+$0x1A40]  }
0xe9: {  	s1 =	sshll.u32 s1, $0x6;
	v44 =	vmul.f32 v27, v33;
	vm7 =	vgt.f32 v7, $0.0e+00;
	[tilespmem:s2+$0x1A50] =	vst v0;
	v61 =	vld [tilespmem:s0+$0x1A50]  }
0xea: {  	[tilespmem:s2+$0x1A60] =	vst v40;
	s12 =	sand.u32 $0x3FFFFFC0, s1;
	s1 =	sor.u32 $0x1A, s21;
	v63 =	vld [tilespmem:s0+$0x1A60];
	v7 =	vsel vm7, v7, v58;
	v46 =	vmul.f32 v42, v49  }
0xeb: {  	[tilespmem:s2+$0x1A70] =	vst v44;
	v20 =	vld [tilespmem:s0+$0x1A70];
	s2 =	sshll.u32 s1, $0x4;
	v7 =	vmul.f32 $1.442695020e+00, v7  }
0xec: {  	v50 =	vmul.f32 v42, v51;
	v51 =	vmul.f32 v42, v53;
	v53 =	vld [tilespmem:s2+$0x240];
	v24 =	vpop (erf);
	[tilespmem:s14+$0x1A40] =	vst v46  }
0xed: {  	v54 =	vbroadcast v54, $0x0;
	v3 =	vadd.f32 v59, v56;
	v56 =	vld [tilespmem:s2+$0xE40];
	[tilespmem:s30+$0x4A40] =	vst v24  }
0xee: {  	v2 =	vmul.f32 v18, v42;
	(erf) = vpow2.f32 v7;
	[tilespmem:s14+$0x1A50] =	vst v50;
	v29 =	vld [tilespmem:s12+$0x1A40]  }
0xef: {  	[tilespmem:s14+$0x1A60] =	vst v51;
	v58 =	vmul.f32 v54, v15;
	v31 =	vld [tilespmem:s12+$0x1A50]  }
0xf0: {  	s4 =	sshll.u32 s6, $0x6;
	[tilespmem:s14+$0x1A70] =	vst v2;
	s14 =	sor.u32 $0x1C, s21;
	v34 =	vld [tilespmem:s12+$0x1A60]  }
0xf1: {  	s28 =	sshll.u32 s25, $0x6;
	s22 =	sand.u32 $0x3FFFFFC0, s4;
	v60 =	vmul.f32 v54, v61;
	s4 =	sshll.u32 s14, $0x4;
	v41 =	vld [tilespmem:s12+$0x1A70];
	v38 =	vpop (erf);
	[tilespmem:s0+$0x1A40] =	vst v58  }
0xf2: {  	v35 =	vmul.f32 $2.000000030e-01, v3;
	s30 =	sand.u32 $0x3FFFFFC0, s28;
	v62 =	vmul.f32 v54, v63;
	v32 =	vld [tilespmem:s4+$0x240];
	[tilespmem:s17+$0x4A40] =	vst v38  }
0xf3: {  	vm8 =	vgt.f32 v3, $0.0e+00;
	v26 =	vmul.f32 v20, v54;
	[tilespmem:s0+$0x1A50] =	vst v60;
	v43 =	vld [tilespmem:s30+$0x1A40]  }
0xf4: {  	v49 =	vadd.f32 v39, v36;
	v1 =	vsel vm8, v3, v35;
	[tilespmem:s0+$0x1A60] =	vst v62;
	v45 =	vld [tilespmem:s30+$0x1A50]  }
0xf5: {  	s15 =	sshll.u32 s20, $0x6;
	[tilespmem:s0+$0x1A70] =	vst v26;
	s0 =	sor.u32 $0x1D, s21;
	v1 =	vmul.f32 $1.442695020e+00, v1;
	v47 =	vld [tilespmem:s30+$0x1A60]  }
0xf6: {  	[tilespmem:s11+$0x1A50] =	vst v10;
	s20 =	sand.u32 $0x3FFFFFC0, s15;
	v55 =	vmul.f32 $2.000000030e-01, v49;
	s15 =	sshll.u32 s0, $0x4;
	v48 =	vld [tilespmem:s30+$0x1A70]  }
0xf7: {  	[tilespmem:s11+$0x1A60] =	vst v57;
	s11 =	sor.u32 $0x1B, s21;
	v21 =	vbroadcast v24, $0x0;
	v42 =	vld [tilespmem:s15+$0x240];
	(erf) = vpow2.f32 v1;
	v52 =	vpop (erf)  }
0xf8: {  	vm9 =	vgt.f32 v49, $0.0e+00;
	v4 =	vbroadcast v38, $0x0;
	v44 =	vld [tilespmem:s15+$0xE40];
	[tilespmem:s3+$0x4A40] =	vst v52;
	s3 =	sshll.u32 s11, $0x4  }
0xf9: {  	v24 =	vadd.f32 v56, v53;
	v1 =	vsel vm9, v49, v55;
	v5 =	vmul.f32 v21, v29;
	v63 =	vld [tilespmem:s3+$0x240]  }
0xfa: {  	v1 =	vmul.f32 $1.442695020e+00, v1;
	v35 =	vmul.f32 v4, v43;
	v25 =	vld [tilespmem:s3+$0xE40]  }
0xfb: {  	v29 =	vmul.f32 $2.000000030e-01, v24;
	[tilespmem:s12+$0x1A40] =	vst v5;
	v7 =	vmul.f32 v4, v45;
	v57 =	vld [tilespmem:s22+$0x1A40]  }
0xfc: {  	vm10 =	vgt.f32 v24, $0.0e+00;
	(erf) = vpow2.f32 v1;
	v40 =	vmul.f32 v4, v47;
	v59 =	vld [tilespmem:s22+$0x1A50];
	[tilespmem:s30+$0x1A40] =	vst v35  }
0xfd: {  	v6 =	vmul.f32 v21, v31;
	v1 =	vsel vm10, v24, v29;
	v0 =	vmul.f32 v48, v4;
	v61 =	vld [tilespmem:s22+$0x1A60];
	[tilespmem:s30+$0x1A50] =	vst v7  }
0xfe: {  	s28 =	sor.u32 $0x1E, s21;
	v1 =	vmul.f32 $1.442695020e+00, v1;
	v10 =	vbroadcast v52, $0x0;
	v27 =	vld [tilespmem:s22+$0x1A70];
	[tilespmem:s30+$0x1A60] =	vst v40  }
0xff: {  	v31 =	vmul.f32 v21, v34;
	v34 =	vld [tilespmem:s4+$0xE40];
	[tilespmem:s30+$0x1A70] =	vst v0;
	s30 =	sshll.u32 s28, $0x4;
	v33 =	vadd.f32 v25, v63  }
0x100: {  	[tilespmem:s12+$0x1A50] =	vst v6;
	v53 =	vld [tilespmem:s30+$0x240];
	v28 =	vpop (erf);
	(erf) = vpow2.f32 v1;
	v3 =	vmul.f32 v10, v57  }
0x101: {  	v55 =	vld [tilespmem:s30+$0xE40];
	[tilespmem:s19+$0x4A40] =	vst v28;
	v45 =	vmul.f32 v10, v59;
	v38 =	vmul.f32 $2.000000030e-01, v33  }
0x102: {  	v49 =	vmul.f32 v10, v61;
	v30 =	vld [tilespmem:s20+$0x1A40];
	vm11 =	vgt.f32 v33, $0.0e+00;
	[tilespmem:s22+$0x1A40] =	vst v3  }
0x103: {  	v51 =	vmul.f32 v27, v10;
	v36 =	vld [tilespmem:s20+$0x1A50];
	[tilespmem:s22+$0x1A50] =	vst v45;
	v1 =	vsel vm11, v33, v38  }
0x104: {  	v43 =	vadd.f32 v34, v32;
	s19 =	sor.u32 $0x1F, s21;
	v37 =	vld [tilespmem:s20+$0x1A60];
	[tilespmem:s22+$0x1A60] =	vst v49;
	v1 =	vmul.f32 $1.442695020e+00, v1  }
0x105: {  	s25 =	sshll.u32 s18, $0x6;
	v2 =	vmul.f32 v41, v21;
	v52 =	vbroadcast v28, $0x0;
	v39 =	vld [tilespmem:s20+$0x1A70];
	v41 =	vpop (erf);
	[tilespmem:s22+$0x1A70] =	vst v51;
	s22 =	sshll.u32 s19, $0x4  }
0x106: {  	v48 =	vmul.f32 $2.000000030e-01, v43;
	[tilespmem:s26+$0x4A40] =	vst v41;
	s26 =	sand.u32 $0x3FFFFFC0, s25;
	v62 =	vld [tilespmem:s22+$0x240];
	(erf) = vpow2.f32 v1  }
0x107: {  	[tilespmem:s12+$0x1A60] =	vst v31;
	v54 =	vadd.f32 v44, v42;
	vm12 =	vgt.f32 v43, $0.0e+00;
	v46 =	vld [tilespmem:s26+$0x1A40];
	v56 =	vmul.f32 v52, v30  }
0x108: {  	[tilespmem:s12+$0x1A70] =	vst v2;
	v47 =	vld [tilespmem:s26+$0x1A50];
	v57 =	vmul.f32 v52, v36;
	v1 =	vsel vm12, v43, v48  }
0x109: {  	v60 =	vmul.f32 $2.000000030e-01, v54;
	v15 =	vld [tilespmem:s22+$0xE40];
	v1 =	vmul.f32 $1.442695020e+00, v1;
	[tilespmem:s20+$0x1A40] =	vst v56  }
0x10a: {  	s1 =	sshll.u32 s1, $0x6;
	v6 =	vbroadcast v41, $0x0;
	v50 =	vld [tilespmem:s26+$0x1A60];
	v2 =	vmul.f32 v52, v37;
	v59 =	vpop (erf);
	[tilespmem:s20+$0x1A50] =	vst v57  }
0x10b: {  	v58 =	vld [tilespmem:s26+$0x1A70];
	v5 =	vmul.f32 v39, v52;
	[tilespmem:s2+$0x4A40] =	vst v59;
	s2 =	sand.u32 $0x3FFFFFC0, s1;
	(erf) = vpow2.f32 v1  }
0x10c: {  	vm13 =	vgt.f32 v54, $0.0e+00;
	v63 =	vadd.f32 v55, v53;
	[tilespmem:s20+$0x1A60] =	vst v2;
	v16 =	vmul.f32 v6, v46;
	v61 =	vld [tilespmem:s2+$0x1A40]  }
0x10d: {  	[tilespmem:s20+$0x1A70] =	vst v5;
	v0 =	vmul.f32 v6, v47;
	v1 =	vsel vm13, v54, v60;
	v17 =	vld [tilespmem:s2+$0x1A50]  }
0x10e: {  	v19 =	vmul.f32 $2.000000030e-01, v63;
	v1 =	vmul.f32 $1.442695020e+00, v1;
	[tilespmem:s26+$0x1A40] =	vst v16  }
0x10f: {  	s25 =	sshll.u32 s11, $0x6;
	v20 =	vmul.f32 v6, v50;
	v23 =	vbroadcast v59, $0x0;
	v21 =	vld [tilespmem:s2+$0x1A60];
	[tilespmem:s26+$0x1A50] =	vst v0;
	v18 =	vpop (erf)  }
0x110: {  	v22 =	vmul.f32 v58, v6;
	v24 =	vld [tilespmem:s2+$0x1A70];
	(erf) = vpow2.f32 v1;
	[tilespmem:s3+$0x4A40] =	vst v18;
	s3 =	sand.u32 $0x3FFFFFC0, s25  }
0x111: {  	vm14 =	vgt.f32 v63, $0.0e+00;
	v3 =	vadd.f32 v15, v62;
	[tilespmem:s26+$0x1A60] =	vst v20;
	v25 =	vmul.f32 v23, v61;
	v27 =	vld [tilespmem:s3+$0x1A40]  }
0x112: {  	[tilespmem:s26+$0x1A70] =	vst v22;
	v26 =	vmul.f32 v23, v17;
	v1 =	vsel vm14, v63, v19;
	v29 =	vld [tilespmem:s3+$0x1A50]  }
0x113: {  	v30 =	vmul.f32 $2.000000030e-01, v3;
	v1 =	vmul.f32 $1.442695020e+00, v1;
	[tilespmem:s2+$0x1A40] =	vst v25  }
0x114: {  	s26 =	sshll.u32 s14, $0x6;
	v31 =	vmul.f32 v23, v21;
	[tilespmem:s2+$0x1A50] =	vst v26;
	v33 =	vbroadcast v18, $0x0;
	v32 =	vld [tilespmem:s3+$0x1A60];
	v28 =	vpop (erf)  }
0x115: {  	vm15 =	vgt.f32 v3, $0.0e+00;
	v2 =	vmul.f32 v24, v23;
	v34 =	vld [tilespmem:s3+$0x1A70];
	(erf) = vpow2.f32 v1;
	[tilespmem:s4+$0x4A40] =	vst v28;
	s4 =	sand.u32 $0x3FFFFFC0, s26  }
0x116: {  	[tilespmem:s2+$0x1A60] =	vst v31;
	v1 =	vsel vm15, v3, v30;
	v37 =	vld [tilespmem:s4+$0x1A40];
	v36 =	vmul.f32 v33, v27  }
0x117: {  	[tilespmem:s2+$0x1A70] =	vst v2;
	v35 =	vmul.f32 $1.442695020e+00, v1;
	v40 =	vld [tilespmem:s4+$0x1A50];
	v39 =	vmul.f32 v33, v29  }
0x118: {  	v43 =	vbroadcast v28, $0x0;
	[tilespmem:s3+$0x1A40] =	vst v36  }
0x119: {  	s0 =	sshll.u32 s0, $0x6;
	v42 =	vld [tilespmem:s4+$0x1A60];
	v41 =	vmul.f32 v33, v32;
	v38 =	vpop (erf);
	(erf) = vpow2.f32 v35;
	[tilespmem:s3+$0x1A50] =	vst v39  }
0x11a: {  	s0 =	sand.u32 $0x3FFFFFC0, s0;
	v44 =	vld [tilespmem:s4+$0x1A70];
	v3 =	vmul.f32 v34, v33;
	[tilespmem:s15+$0x4A40] =	vst v38  }
0x11b: {  	[tilespmem:s3+$0x1A60] =	vst v41;
	v2 =	vmul.f32 v43, v37;
	v46 =	vld [tilespmem:s0+$0x1A40]  }
0x11c: {  	[tilespmem:s3+$0x1A70] =	vst v3;
	v7 =	vmul.f32 v43, v40  }
0x11d: {  	v47 =	vld [tilespmem:s0+$0x1A50];
	[tilespmem:s4+$0x1A40] =	vst v2  }
0x11e: {  	s28 =	sshll.u32 s28, $0x6;
	v1 =	vmul.f32 v43, v42;
	v5 =	vbroadcast v38, $0x0;
	v48 =	vld [tilespmem:s0+$0x1A60];
	v45 =	vpop (erf);
	[tilespmem:s4+$0x1A50] =	vst v7  }
0x11f: {  	s3 =	sand.u32 $0x3FFFFFC0, s28;
	v4 =	vmul.f32 v44, v43;
	v49 =	vld [tilespmem:s0+$0x1A70];
	[tilespmem:s30+$0x4A40] =	vst v45  }
0x120: {  	[tilespmem:s4+$0x1A60] =	vst v1;
	v50 =	vld [tilespmem:s3+$0x1A40];
	v3 =	vmul.f32 v5, v46  }
0x121: {  	[tilespmem:s4+$0x1A70] =	vst v4;
	v51 =	vld [tilespmem:s3+$0x1A50]  }
0x122: {  	s1 =	sshll.u32 s19, $0x6;
	v53 =	vld [tilespmem:s3+$0x1A60];
	v8 =	vmul.f32 v5, v47;
	v52 =	vpop (erf);
	[tilespmem:s0+$0x1A40] =	vst v3  }
0x123: {  	s1 =	sand.u32 $0x3FFFFFC0, s1;
	v0 =	vbroadcast v45, $0x0;
	v54 =	vld [tilespmem:s3+$0x1A70];
	v2 =	vmul.f32 v5, v48;
	[tilespmem:s22+$0x4A40] =	vst v52  }
0x124: {  	v5 =	vmul.f32 v49, v5;
	[tilespmem:s0+$0x1A50] =	vst v8;
	v55 =	vld [tilespmem:s1+$0x1A40]  }
0x125: {  	[tilespmem:s0+$0x1A60] =	vst v2;
	v1 =	vmul.f32 v0, v50;
	v56 =	vld [tilespmem:s1+$0x1A50]  }
0x126: {  	[tilespmem:s0+$0x1A70] =	vst v5;
	v4 =	vmul.f32 v0, v51;
	v57 =	vld [tilespmem:s1+$0x1A60]  }
0x127: {  	v58 =	vmul.f32 v0, v53;
	v7 =	vbroadcast v52, $0x0;
	v59 =	vld [tilespmem:s1+$0x1A70];
	[tilespmem:s3+$0x1A40] =	vst v1  }
0x128: {  	v0 =	vmul.f32 v54, v0;
	[tilespmem:s3+$0x1A50] =	vst v4  }
0x129: {  	p0 =	slt.u32 s21, $0x40;
	[tilespmem:s3+$0x1A60] =	vst v58;
	v60 =	vmul.f32 v7, v55  }
.Ltmp0:
0x12a: {  	[tilespmem:s3+$0x1A70] =	vst v0;
	v61 =	vmul.f32 v7, v56;
	(pc) =	sbr.rel @p0 .LBB2_3-.Ltmp0, $4  }
0x12b: {  	v62 =	vmul.f32 v7, v57;
	[tilespmem:s1+$0x1A40] =	vst v60  }
0x12c: {  	v63 =	vmul.f32 v59, v7;
	[tilespmem:s1+$0x1A50] =	vst v61  }
0x12d: {  	s30 =	sadd.s32 $0x20, s21;
	[tilespmem:s1+$0x1A60] =	vst v62  }
0x12e: {  	s21 =	smov.u32 s30;
	[tilespmem:s1+$0x1A70] =	vst v63  }
0x12f: {  	s0 =	rddreg [dreg:$0x2];
	s1 =	simm.s32 $0xC0;
	s2 =	simm.s32 $0x1A40  }
0x130: {  	[spmem:s0] =	stream.indirect.scatter.add.f32 [tilespmem:s2], [sflag:$0x5], $0x40, s1, s29, $0xb8;
	[tilespmem:$0x11BC0] =	vst v63  }
0x131: {  	_ =	swait.ge [sflag:s24], $0x1800  }
0x132: {  	[sflag:s24] =	ssyncset.done $0x0  }
0x133: {  	p0 =	seq.s32 s23, $0x35;
	s0 =	rddreg [dreg:$0xf];
	[sflag:s24] =	ssyncadd.s32 $0xFFFFE800  }
0x134: {  	s30 =	simm.s32 $0x4A40;
	s0 =	sadd.s32 @!p0 s5, s0;
	s28 =	rddreg [dreg:$0x3]  }
0x135: {  	[spmem:s28] =	stream.indirect.scatter.add.f32 [tilespmem:s30], [sflag:$0x5], $0x10, s1, s29, $0xb8;
	[tilespmem:$0x11BC0] =	vst v63  }
0x136: {  	s0 =	smul.u32 @!p0 $0xC, s0;
	_ =	swait.ge [sflag:s24], $0x600  }
0x137: {  	[sflag:s24] =	ssyncset.done $0x0  }
0x138: {  	s2 =	simm.s32 @!p0 $0x0;
	s1 =	sadd.s32 @!p0 s7, s0;
	[sflag:s24] =	ssyncadd.s32 $0xFFFFFA00  }
0x139: {  	[tilespmem:s2], [sflag:$0x1] =	stream.linear.gather @!p0 [hbm4b:s1+s2], $0x60, $0x38;
	[tilespmem:$0x11BC0] =	vst v63  }
0x13a: {  	s3 =	simm.s32 @!p0 $0xC0;
	s1 =	sadd.s32 @!p0 s8, s0  }
0x13b: {  	[tilespmem:s3], [sflag:$0x1] =	stream.linear.gather @!p0 [hbm4b:s1+s2], $0x60, $0x38;
	[tilespmem:$0x11BC0] =	vst v63  }
0x13c: {  	s0 =	sadd.s32 @!p0 s9, s0;
	s1 =	simm.s32 @!p0 $0x180  }
0x13d: {  	[tilespmem:s1], [sflag:$0x1] =	stream.linear.gather @!p0 [hbm4b:s0+s2], $0x60, $0x38;
	[tilespmem:$0x11BC0] =	vst v63  }
0x13e: {  	s0 =	simm.s32 @!p0 $0x1  }
0x13f: {  	_ =	swait.ge @!p0 [sflag:s0], $0x60  }
0x140: {  	[sflag:s0] =	ssyncset.done @!p0 $0x0  }
0x141: {  	[sflag:s0] =	ssyncadd.s32 @!p0 $0xFFFFFFA0  }
0x142: {  	_ =	swait.ge @!p0 [sflag:s0], $0x60  }
0x143: {  	[sflag:s0] =	ssyncset.done @!p0 $0x0  }
0x144: {  	[sflag:s0] =	ssyncadd.s32 @!p0 $0xFFFFFFA0  }
0x145: {  	_ =	swait.ge @!p0 [sflag:s0], $0x60  }
0x146: {  	s3 =	simm.s32 @!p0 $0x240;
	[sflag:s0] =	ssyncset.done @!p0 $0x0  }
0x147: {  	s4 =	rddreg [dreg:$0x5];
	[sflag:s0] =	ssyncadd.s32 @!p0 $0xFFFFFFA0;
	s0 =	simm.s32 @!p0 $0x60  }
0x148: {  	[tilespmem:s3], [sflag:$0x3] =	stream.indirect.gather @!p0 [hbm4b:s4+s0], $0x10, s1, s0, $0xb8;
	[tilespmem:$0x11BC0] =	vst v63  }
0x149: {  	s1 =	simm.s32 @!p0 $0xE40  }
0x14a: {  	[tilespmem:s1], [sflag:$0x3] =	stream.indirect.gather @!p0 [hbm4b:s10+s0], $0x10, s2, s0, $0xb8;
	[tilespmem:$0x11BC0] =	vst v63  }
0x14b: {  	s3 =	rddreg [dreg:$0x1];
	s1 =	simm.s32 @!p0 $0x1A40  }
0x14c: {  	[tilespmem:s1], [sflag:$0x3] =	stream.indirect.gather @!p0 [hbm4b:s3+s0], $0x40, s2, s0, $0xb8;
	[tilespmem:$0x11BC0] =	vst v63  }
0x14d: {  	_ =	swait.ge [sflag:s16], $0x600  }
0x14e: {  	[sflag:s16] =	ssyncset.done $0x0  }
0x14f: {  	[sflag:s16] =	ssyncadd.s32 $0xFFFFFA00  }
0x150: {  	_ =	swait.ge [sflag:s16], $0x600  }
0x151: {  	[sflag:s16] =	ssyncset.done $0x0  }
0x152: {  	[sflag:s16] =	ssyncadd.s32 $0xFFFFFA00  }
0x153: {  	_ =	swait.ge [sflag:s16], $0x1800  }
0x154: {  	[sflag:s16] =	ssyncset.done $0x0  }
0x155: {  	s5 =	simm.s32 $0x0;
	[sflag:s16] =	ssyncadd.s32 $0xFFFFE800  }
.LBB2_5:
0x156: {  	s2 =	sshll.u32 s5, $0x4  }
0x157: {  	v0 =	vld [tilespmem:s2+$0x840]  }
0x158: {  	v1 =	vld [tilespmem:s2+$0x1440]  }
0x159: {  	s11 =	sor.u32 $0x1, s5  }
0x15a: {  	s12 =	sshll.u32 s11, $0x4  }
0x15b: {  	v35 =	vld [tilespmem:s12+$0x840]  }
0x15c: {  	v2 =	vld [tilespmem:s12+$0x1440]  }
0x15d: {  	v0 =	vadd.f32 v1, v0;
	_ =	sdelay $0x1  }
0x15e: {  	s14 =	sor.u32 $0x2, s5;
	v3 =	vmul.f32 $2.000000030e-01, v0  }
0x15f: {  	s15 =	sshll.u32 s14, $0x4;
	vm0 =	vgt.f32 v0, $0.0e+00  }
0x160: {  	v36 =	vld [tilespmem:s15+$0x840];
	v1 =	vadd.f32 v2, v35;
	v0 =	vsel vm0, v0, v3  }
0x161: {  	v4 =	vld [tilespmem:s15+$0x1440];
	v0 =	vmul.f32 $1.442695020e+00, v0  }
0x162: {  	s4 =	sor.u32 $0x3, s5;
	v37 =	vmul.f32 $2.000000030e-01, v1  }
0x163: {  	s3 =	sshll.u32 s4, $0x4;
	vm9 =	vgt.f32 v1, $0.0e+00;
	(erf) = vpow2.f32 v0  }
0x164: {  	s1 =	sor.u32 $0x4, s5;
	v39 =	vld [tilespmem:s3+$0x840];
	v0 =	vsel vm9, v1, v37  }
0x165: {  	s0 =	sshll.u32 s1, $0x4;
	v40 =	vld [tilespmem:s3+$0x1440];
	v0 =	vmul.f32 $1.442695020e+00, v0  }
0x166: {  	s20 =	sor.u32 $0x5, s5;
	v43 =	vld [tilespmem:s0+$0x840];
	v38 =	vadd.f32 v4, v36  }
0x167: {  	s25 =	sshll.u32 s20, $0x4;
	v44 =	vld [tilespmem:s0+$0x1440];
	(erf) = vpow2.f32 v0  }
0x168: {  	s21 =	sor.u32 $0x6, s5;
	v48 =	vld [tilespmem:s25+$0x840];
	v4 =	vmul.f32 $2.000000030e-01, v38  }
0x169: {  	s22 =	sshll.u32 s21, $0x4;
	v49 =	vld [tilespmem:s25+$0x1440];
	vm10 =	vgt.f32 v38, $0.0e+00  }
0x16a: {  	s19 =	sor.u32 $0x7, s5;
	v51 =	vld [tilespmem:s22+$0x840];
	v41 =	vsel vm10, v38, v4  }
0x16b: {  	s28 =	sshll.u32 s19, $0x4;
	v52 =	vld [tilespmem:s22+$0x1440];
	v0 =	vmul.f32 $1.442695020e+00, v41  }
0x16c: {  	s6 =	sshll.u32 s5, $0x6;
	v54 =	vld [tilespmem:s28+$0x840];
	v42 =	vadd.f32 v40, v39;
	v6 =	vpop (erf)  }
0x16d: {  	s18 =	sand.u32 $0x3FFFFFC0, s6;
	v55 =	vld [tilespmem:s28+$0x1440];
	(erf) = vpow2.f32 v0;
	[tilespmem:s2+$0x5040] =	vst v6  }
0x16e: {  	v46 =	vmul.f32 $2.000000030e-01, v42;
	v45 =	vld [tilespmem:s18+$0x3240]  }
0x16f: {  	vm11 =	vgt.f32 v42, $0.0e+00;
	v8 =	vld [tilespmem:s18+$0x3250]  }
0x170: {  	s11 =	sshll.u32 s11, $0x6;
	v1 =	vsel vm11, v42, v46;
	v0 =	vadd.f32 v44, v43;
	v13 =	vld [tilespmem:s18+$0x3260];
	v21 =	vpop (erf)  }
0x171: {  	s11 =	sand.u32 $0x3FFFFFC0, s11;
	v1 =	vmul.f32 $1.442695020e+00, v1;
	v47 =	vld [tilespmem:s18+$0x3270];
	[tilespmem:s12+$0x5040] =	vst v21  }
0x172: {  	v5 =	vmul.f32 $2.000000030e-01, v0;
	v34 =	vld [tilespmem:s11+$0x3240]  }
0x173: {  	vm12 =	vgt.f32 v0, $0.0e+00;
	(erf) = vpow2.f32 v1;
	v29 =	vld [tilespmem:s11+$0x3250]  }
0x174: {  	s6 =	sor.u32 $0xA, s5;
	v0 =	vsel vm12, v0, v5;
	v26 =	vld [tilespmem:s11+$0x3260]  }
0x175: {  	s12 =	sshll.u32 s6, $0x4;
	v27 =	vld [tilespmem:s11+$0x3270];
	v0 =	vmul.f32 $1.442695020e+00, v0  }
0x176: {  	s26 =	sshll.u32 s14, $0x6;
	v1 =	vadd.f32 v49, v48;
	v35 =	vld [tilespmem:s12+$0x840];
	v19 =	vpop (erf)  }
0x177: {  	v37 =	vld [tilespmem:s12+$0x1440];
	(erf) = vpow2.f32 v0;
	[tilespmem:s15+$0x5040] =	vst v19;
	s15 =	sand.u32 $0x3FFFFFC0, s26  }
0x178: {  	v50 =	vmul.f32 $2.000000030e-01, v1;
	v16 =	vld [tilespmem:s15+$0x3240]  }
0x179: {  	s4 =	sshll.u32 s4, $0x6;
	vm13 =	vgt.f32 v1, $0.0e+00;
	v31 =	vld [tilespmem:s15+$0x3250]  }
0x17a: {  	s1 =	sshll.u32 s1, $0x6;
	s17 =	sand.u32 $0x3FFFFFC0, s4;
	s4 =	sor.u32 $0x8, s5;
	v0 =	vsel vm13, v1, v50;
	v33 =	vld [tilespmem:s15+$0x3260]  }
0x17b: {  	v0 =	vmul.f32 $1.442695020e+00, v0;
	s26 =	sand.u32 $0x3FFFFFC0, s1;
	s1 =	sshll.u32 s4, $0x4;
	v32 =	vld [tilespmem:s15+$0x3270]  }
0x17c: {  	v56 =	vld [tilespmem:s1+$0x840];
	v28 =	vpop (erf)  }
0x17d: {  	v57 =	vld [tilespmem:s1+$0x1440];
	(erf) = vpow2.f32 v0;
	[tilespmem:s3+$0x5040] =	vst v28  }
0x17e: {  	v53 =	vadd.f32 v52, v51;
	v30 =	vld [tilespmem:s17+$0x3240]  }
0x17f: {  	v23 =	vld [tilespmem:s17+$0x3250]  }
0x180: {  	v5 =	vmul.f32 $2.000000030e-01, v53;
	v24 =	vld [tilespmem:s17+$0x3260];
	v25 =	vpop (erf)  }
0x181: {  	vm14 =	vgt.f32 v53, $0.0e+00;
	v20 =	vld [tilespmem:s17+$0x3270];
	[tilespmem:s0+$0x5040] =	vst v25  }
0x182: {  	v1 =	vadd.f32 v55, v54;
	v0 =	vsel vm14, v53, v5;
	v18 =	vld [tilespmem:s26+$0x3240]  }
0x183: {  	v0 =	vmul.f32 $1.442695020e+00, v0;
	v9 =	vld [tilespmem:s26+$0x3250]  }
0x184: {  	s2 =	sshll.u32 s21, $0x6;
	v58 =	vmul.f32 $2.000000030e-01, v1;
	s0 =	sor.u32 $0xB, s5;
	v22 =	vld [tilespmem:s26+$0x3260]  }
0x185: {  	s21 =	sand.u32 $0x3FFFFFC0, s2;
	v51 =	vbroadcast v19, $0x0;
	vm15 =	vgt.f32 v1, $0.0e+00;
	(erf) = vpow2.f32 v0;
	v7 =	vld [tilespmem:s26+$0x3270];
	s2 =	sshll.u32 s0, $0x4  }
0x186: {  	s30 =	sshll.u32 s20, $0x6;
	s20 =	sor.u32 $0x9, s5;
	v1 =	vsel vm15, v1, v58;
	v14 =	vpop (erf);
	v61 =	vld [tilespmem:s2+$0x840]  }
0x187: {  	s14 =	sand.u32 $0x3FFFFFC0, s30;
	v1 =	vmul.f32 $1.442695020e+00, v1;
	v53 =	vmul.f32 v51, v16;
	v40 =	vld [tilespmem:s2+$0x1440];
	[tilespmem:s25+$0x5040] =	vst v14  }
0x188: {  	v39 =	vbroadcast v6, $0x0;
	v31 =	vmul.f32 v51, v31;
	v0 =	vadd.f32 v57, v56;
	s25 =	sshll.u32 s20, $0x4;
	v10 =	vld [tilespmem:s14+$0x3240]  }
0x189: {  	v33 =	vmul.f32 v51, v33;
	[tilespmem:s15+$0x3240] =	vst v53;
	(erf) = vpow2.f32 v1;
	v59 =	vld [tilespmem:s25+$0x840]  }
0x18a: {  	v55 =	vmul.f32 v32, v51;
	[tilespmem:s15+$0x3250] =	vst v31;
	v12 =	vmul.f32 $2.000000030e-01, v0;
	v60 =	vld [tilespmem:s25+$0x1440]  }
0x18b: {  	s6 =	sshll.u32 s6, $0x6;
	v3 =	vmul.f32 v39, v45;
	[tilespmem:s15+$0x3260] =	vst v33;
	vm4 =	vgt.f32 v0, $0.0e+00;
	v15 =	vld [tilespmem:s14+$0x3250]  }
0x18c: {  	v41 =	vmul.f32 v39, v13;
	[tilespmem:s15+$0x3270] =	vst v55;
	s15 =	sand.u32 $0x3FFFFFC0, s6;
	s6 =	sor.u32 $0xE, s5;
	v0 =	vsel vm4, v0, v12;
	v11 =	vld [tilespmem:s14+$0x3260]  }
0x18d: {  	s30 =	sshll.u32 s20, $0x6;
	v44 =	vbroadcast v21, $0x0;
	[tilespmem:s18+$0x3240] =	vst v3;
	s20 =	sshll.u32 s6, $0x4;
	v1 =	vld [tilespmem:s14+$0x3270];
	v0 =	vmul.f32 $1.442695020e+00, v0  }
0x18e: {  	v62 =	vmul.f32 v39, v8;
	v43 =	vmul.f32 v47, v39;
	[tilespmem:s18+$0x3260] =	vst v41;
	v41 =	vld [tilespmem:s20+$0x1440];
	v17 =	vpop (erf)  }
0x18f: {  	v35 =	vadd.f32 v37, v35;
	v46 =	vadd.f32 v40, v61;
	v40 =	vld [tilespmem:s20+$0x840];
	(erf) = vpow2.f32 v0;
	[tilespmem:s22+$0x5040] =	vst v17  }
0x190: {  	[tilespmem:s18+$0x3250] =	vst v62;
	v34 =	vmul.f32 v44, v34;
	v36 =	vadd.f32 v60, v59;
	v12 =	vld [tilespmem:s21+$0x3240]  }
0x191: {  	[tilespmem:s18+$0x3270] =	vst v43;
	v29 =	vmul.f32 v44, v29;
	v63 =	vmul.f32 $2.000000030e-01, v35;
	v5 =	vld [tilespmem:s21+$0x3250]  }
0x192: {  	s19 =	sshll.u32 s19, $0x6;
	v49 =	vmul.f32 v44, v26;
	vm6 =	vgt.f32 v35, $0.0e+00;
	[tilespmem:s11+$0x3240] =	vst v34;
	v2 =	vld [tilespmem:s21+$0x3260];
	v38 =	vmul.f32 $2.000000030e-01, v36;
	v6 =	vpop (erf)  }
0x193: {  	v45 =	vsel vm6, v35, v63;
	v57 =	vbroadcast v28, $0x0;
	s22 =	sand.u32 $0x3FFFFFC0, s19;
	v0 =	vld [tilespmem:s21+$0x3270];
	vm5 =	vgt.f32 v36, $0.0e+00;
	[tilespmem:s28+$0x5040] =	vst v6  }
0x194: {  	v27 =	vmul.f32 v27, v44;
	[tilespmem:s11+$0x3250] =	vst v29;
	v35 =	vmul.f32 $1.442695020e+00, v45;
	v36 =	vsel vm5, v36, v38;
	v8 =	vld [tilespmem:s22+$0x3240]  }
0x195: {  	[tilespmem:s11+$0x3260] =	vst v49;
	v62 =	vmul.f32 v20, v57;
	v3 =	vld [tilespmem:s22+$0x3250];
	v36 =	vmul.f32 $1.442695020e+00, v36  }
0x196: {  	[tilespmem:s11+$0x3270] =	vst v27;
	v25 =	vbroadcast v25, $0x0;
	v61 =	vmul.f32 v57, v24;
	s19 =	sor.u32 $0xC, s5;
	v13 =	vld [tilespmem:s22+$0x3260]  }
0x197: {  	[tilespmem:s17+$0x3270] =	vst v62;
	v44 =	vbroadcast v14, $0x0;
	s28 =	sshll.u32 s19, $0x4;
	v4 =	vld [tilespmem:s22+$0x3270];
	(erf) = vpow2.f32 v36  }
0x198: {  	s4 =	sshll.u32 s4, $0x6;
	v18 =	vmul.f32 v25, v18;
	v59 =	vmul.f32 v57, v30;
	[tilespmem:s17+$0x3260] =	vst v61;
	v47 =	vld [tilespmem:s28+$0x840];
	v21 =	vpop (erf)  }
0x199: {  	s18 =	sand.u32 $0x3FFFFFC0, s4;
	v42 =	vmul.f32 v25, v9;
	v60 =	vmul.f32 v57, v23;
	v48 =	vld [tilespmem:s28+$0x1440];
	[tilespmem:s1+$0x5040] =	vst v21  }
0x19a: {  	v50 =	vmul.f32 $2.000000030e-01, v46;
	v10 =	vmul.f32 v44, v10;
	[tilespmem:s17+$0x3240] =	vst v59;
	v26 =	vld [tilespmem:s18+$0x3240]  }
0x19b: {  	v15 =	vmul.f32 v44, v15;
	[tilespmem:s17+$0x3250] =	vst v60;
	(erf) = vpow2.f32 v35;
	v29 =	vld [tilespmem:s18+$0x3250]  }
0x19c: {  	s0 =	sshll.u32 s0, $0x6;
	v43 =	vmul.f32 v25, v22;
	vm7 =	vgt.f32 v46, $0.0e+00;
	v11 =	vmul.f32 v44, v11;
	[tilespmem:s14+$0x3240] =	vst v10;
	s1 =	sor.u32 $0xD, s5;
	v19 =	vld [tilespmem:s18+$0x3260]  }
0x19d: {  	v1 =	vmul.f32 v1, v44;
	v52 =	vsel vm7, v46, v50;
	s17 =	sand.u32 $0x3FFFFFC0, s0;
	[tilespmem:s14+$0x3250] =	vst v15;
	v45 =	vadd.f32 v41, v40;
	v16 =	vld [tilespmem:s18+$0x3270];
	s4 =	sshll.u32 s1, $0x4  }
0x19e: {  	v25 =	vmul.f32 v7, v25;
	s3 =	sshll.u32 s19, $0x6;
	[tilespmem:s14+$0x3260] =	vst v11;
	s0 =	sor.u32 $0x13, s5;
	v34 =	vmul.f32 $1.442695020e+00, v52;
	v35 =	vadd.f32 v48, v47;
	s19 =	sshll.u32 s1, $0x6;
	v54 =	vld [tilespmem:s4+$0x840]  }
0x19f: {  	[tilespmem:s14+$0x3270] =	vst v1;
	v49 =	vmul.f32 $2.000000030e-01, v45;
	v56 =	vld [tilespmem:s4+$0x1440];
	s14 =	sand.u32 $0x3FFFFFC0, s19;
	s19 =	sshll.u32 s0, $0x4  }
0x1a0: {  	[tilespmem:s26+$0x3270] =	vst v25;
	vm10 =	vgt.f32 v45, $0.0e+00;
	v58 =	vmul.f32 $2.000000030e-01, v35;
	v44 =	vld [tilespmem:s19+$0x840];
	v27 =	vpop (erf)  }
0x1a1: {  	s11 =	sand.u32 $0x3FFFFFC0, s30;
	v25 =	vsel vm10, v45, v49;
	vm8 =	vgt.f32 v35, $0.0e+00;
	v45 =	vld [tilespmem:s19+$0x1440];
	(erf) = vpow2.f32 v34;
	[tilespmem:s25+$0x5040] =	vst v27  }
0x1a2: {  	v35 =	vsel vm8, v35, v58;
	v31 =	vld [tilespmem:s11+$0x3240]  }
0x1a3: {  	v35 =	vmul.f32 $1.442695020e+00, v35;
	v32 =	vld [tilespmem:s11+$0x3250]  }
0x1a4: {  	v34 =	vadd.f32 v56, v54;
	v28 =	vpop (erf);
	v30 =	vld [tilespmem:s11+$0x3260]  }
0x1a5: {  	(erf) = vpow2.f32 v35;
	v23 =	vld [tilespmem:s11+$0x3270];
	[tilespmem:s12+$0x5040] =	vst v28  }
0x1a6: {  	v63 =	vmul.f32 $2.000000030e-01, v34;
	v24 =	vld [tilespmem:s15+$0x3240]  }
0x1a7: {  	vm9 =	vgt.f32 v34, $0.0e+00;
	v20 =	vld [tilespmem:s15+$0x3250]  }
0x1a8: {  	[tilespmem:s26+$0x3240] =	vst v18;
	s12 =	sor.u32 $0xF, s5;
	v18 =	vld [tilespmem:s15+$0x3260];
	v33 =	vsel vm9, v34, v63  }
0x1a9: {  	v52 =	vbroadcast v6, $0x0;
	v22 =	vld [tilespmem:s15+$0x3270];
	s30 =	sshll.u32 s12, $0x4;
	v33 =	vmul.f32 $1.442695020e+00, v33  }
0x1aa: {  	[tilespmem:s26+$0x3250] =	vst v42;
	v46 =	vld [tilespmem:s30+$0x840];
	v9 =	vpop (erf)  }
0x1ab: {  	v8 =	vmul.f32 v52, v8;
	v47 =	vld [tilespmem:s30+$0x1440];
	(erf) = vpow2.f32 v33;
	[tilespmem:s2+$0x5040] =	vst v9  }
0x1ac: {  	[tilespmem:s26+$0x3260] =	vst v43;
	v3 =	vmul.f32 v52, v3;
	v14 =	vld [tilespmem:s17+$0x3240]  }
0x1ad: {  	[tilespmem:s22+$0x3240] =	vst v8;
	v7 =	vld [tilespmem:s17+$0x3250]  }
0x1ae: {  	s26 =	sand.u32 $0x3FFFFFC0, s3;
	s3 =	sor.u32 $0x10, s5;
	v48 =	vbroadcast v17, $0x0;
	v13 =	vmul.f32 v52, v13;
	[tilespmem:s22+$0x3250] =	vst v3;
	v10 =	vpop (erf);
	v15 =	vld [tilespmem:s17+$0x3260]  }
0x1af: {  	v57 =	vmul.f32 v4, v52;
	v17 =	vld [tilespmem:s17+$0x3270];
	[tilespmem:s28+$0x5040] =	vst v10;
	s28 =	sshll.u32 s3, $0x4  }
0x1b0: {  	v25 =	vmul.f32 $1.442695020e+00, v25;
	v12 =	vmul.f32 v48, v12;
	[tilespmem:s22+$0x3260] =	vst v13;
	v50 =	vadd.f32 v47, v46;
	v51 =	vld [tilespmem:s28+$0x840]  }
0x1b1: {  	v55 =	vbroadcast v21, $0x0;
	v5 =	vmul.f32 v48, v5;
	[tilespmem:s22+$0x3270] =	vst v57;
	v53 =	vld [tilespmem:s28+$0x1440]  }
0x1b2: {  	v2 =	vmul.f32 v48, v2;
	[tilespmem:s21+$0x3240] =	vst v12;
	v35 =	vmul.f32 $2.000000030e-01, v50;
	v11 =	vld [tilespmem:s26+$0x3240]  }
0x1b3: {  	[tilespmem:s21+$0x3250] =	vst v5;
	(erf) = vpow2.f32 v25;
	vm11 =	vgt.f32 v50, $0.0e+00;
	v1 =	vld [tilespmem:s26+$0x3250]  }
0x1b4: {  	[tilespmem:s21+$0x3260] =	vst v2;
	v60 =	vmul.f32 v55, v26;
	v54 =	vmul.f32 v0, v48;
	s2 =	sor.u32 $0x11, s5;
	v5 =	vld [tilespmem:s26+$0x3260];
	v12 =	vsel vm11, v50, v35;
	v0 =	vpop (erf)  }
0x1b5: {  	v61 =	vmul.f32 v55, v29;
	v6 =	vld [tilespmem:s26+$0x3270];
	v12 =	vmul.f32 $1.442695020e+00, v12;
	[tilespmem:s4+$0x5040] =	vst v0;
	s4 =	sshll.u32 s2, $0x4  }
0x1b6: {  	s22 =	sor.u32 $0x12, s5;
	v62 =	vmul.f32 v55, v19;
	v8 =	vmul.f32 v16, v55;
	[tilespmem:s18+$0x3240] =	vst v60;
	v58 =	vadd.f32 v53, v51;
	v56 =	vld [tilespmem:s4+$0x840]  }
0x1b7: {  	s1 =	sshll.u32 s22, $0x4;
	[tilespmem:s18+$0x3250] =	vst v61;
	v63 =	vbroadcast v27, $0x0;
	(erf) = vpow2.f32 v12;
	v59 =	vld [tilespmem:s4+$0x1440]  }
0x1b8: {  	[tilespmem:s18+$0x3260] =	vst v62;
	v35 =	vld [tilespmem:s1+$0x1440];
	v33 =	vmul.f32 $2.000000030e-01, v58  }
0x1b9: {  	[tilespmem:s18+$0x3270] =	vst v8;
	v36 =	vmul.f32 v63, v31;
	vm12 =	vgt.f32 v58, $0.0e+00;
	v2 =	vld [tilespmem:s14+$0x3240]  }
0x1ba: {  	[tilespmem:s21+$0x3270] =	vst v54;
	v37 =	vmul.f32 v63, v32;
	v26 =	vld [tilespmem:s14+$0x3250];
	v4 =	vsel vm12, v58, v33  }
0x1bb: {  	[tilespmem:s11+$0x3240] =	vst v36;
	v29 =	vld [tilespmem:s14+$0x3260];
	v4 =	vmul.f32 $1.442695020e+00, v4  }
0x1bc: {  	s21 =	sshll.u32 s6, $0x6;
	v42 =	vbroadcast v28, $0x0;
	v40 =	vmul.f32 v63, v30;
	[tilespmem:s11+$0x3250] =	vst v37;
	v19 =	vpop (erf);
	v3 =	vld [tilespmem:s14+$0x3270];
	v34 =	vadd.f32 v59, v56  }
0x1bd: {  	s21 =	sand.u32 $0x3FFFFFC0, s21;
	v43 =	vmul.f32 v23, v63;
	[tilespmem:s20+$0x5040] =	vst v19;
	v33 =	vld [tilespmem:s1+$0x840];
	(erf) = vpow2.f32 v4  }
0x1be: {  	v24 =	vmul.f32 v42, v24;
	[tilespmem:s11+$0x3260] =	vst v40;
	v38 =	vld [tilespmem:s21+$0x3240];
	v39 =	vmul.f32 $2.000000030e-01, v34  }
0x1bf: {  	[tilespmem:s11+$0x3270] =	vst v43;
	v8 =	vld [tilespmem:s21+$0x3250];
	vm13 =	vgt.f32 v34, $0.0e+00  }
0x1c0: {  	s25 =	sshll.u32 s12, $0x6;
	v20 =	vmul.f32 v42, v20;
	v18 =	vmul.f32 v42, v18;
	[tilespmem:s15+$0x3240] =	vst v24;
	v41 =	vld [tilespmem:s21+$0x3260];
	v13 =	vpop (erf);
	v4 =	vsel vm13, v34, v39  }
0x1c1: {  	s18 =	sand.u32 $0x3FFFFFC0, s25;
	v9 =	vbroadcast v9, $0x0;
	v16 =	vld [tilespmem:s21+$0x3270];
	[tilespmem:s30+$0x5040] =	vst v13;
	v4 =	vmul.f32 $1.442695020e+00, v4  }
0x1c2: {  	v49 =	vmul.f32 v22, v42;
	[tilespmem:s15+$0x3250] =	vst v20;
	v21 =	vadd.f32 v35, v33;
	v46 =	vld [tilespmem:s18+$0x3240]  }
0x1c3: {  	[tilespmem:s15+$0x3260] =	vst v18;
	v14 =	vmul.f32 v9, v14;
	s20 =	sor.u32 $0x14, s5;
	v48 =	vld [tilespmem:s18+$0x3250];
	(erf) = vpow2.f32 v4  }
0x1c4: {  	[tilespmem:s15+$0x3270] =	vst v49;
	v7 =	vmul.f32 v9, v7;
	v47 =	vmul.f32 $2.000000030e-01, v21;
	s30 =	sshll.u32 s20, $0x4;
	v18 =	vld [tilespmem:s18+$0x3270]  }
0x1c5: {  	v55 =	vmul.f32 v17, v9;
	[tilespmem:s17+$0x3240] =	vst v14;
	vm14 =	vgt.f32 v21, $0.0e+00;
	v51 =	vld [tilespmem:s30+$0x840]  }
0x1c6: {  	s3 =	sshll.u32 s3, $0x6;
	v53 =	vmul.f32 v9, v15;
	[tilespmem:s17+$0x3250] =	vst v7;
	v0 =	vbroadcast v0, $0x0;
	v52 =	vld [tilespmem:s30+$0x1440];
	v4 =	vsel vm14, v21, v47;
	v20 =	vpop (erf)  }
0x1c7: {  	s11 =	sand.u32 $0x3FFFFFC0, s3;
	v19 =	vbroadcast v19, $0x0;
	v21 =	vld [tilespmem:s18+$0x3260];
	v4 =	vmul.f32 $1.442695020e+00, v4;
	[tilespmem:s28+$0x5040] =	vst v20  }
0x1c8: {  	v50 =	vadd.f32 v45, v44;
	[tilespmem:s17+$0x3270] =	vst v55;
	v56 =	vbroadcast v10, $0x0;
	v2 =	vmul.f32 v0, v2;
	v15 =	vld [tilespmem:s11+$0x3240]  }
0x1c9: {  	[tilespmem:s17+$0x3260] =	vst v53;
	v32 =	vmul.f32 v0, v26;
	(erf) = vpow2.f32 v4;
	v57 =	vld [tilespmem:s11+$0x3250]  }
0x1ca: {  	s3 =	sor.u32 $0x15, s5;
	v54 =	vmul.f32 $2.000000030e-01, v50;
	v37 =	vmul.f32 v19, v38;
	[tilespmem:s14+$0x3240] =	vst v2;
	v59 =	vld [tilespmem:s11+$0x3260]  }
0x1cb: {  	vm15 =	vgt.f32 v50, $0.0e+00;
	v60 =	vmul.f32 v56, v11;
	[tilespmem:s14+$0x3250] =	vst v32;
	s28 =	sshll.u32 s3, $0x4;
	v11 =	vld [tilespmem:s11+$0x3270]  }
0x1cc: {  	s2 =	sshll.u32 s2, $0x6;
	v58 =	vsel vm15, v50, v54;
	v1 =	vmul.f32 v56, v1;
	[tilespmem:s21+$0x3240] =	vst v37;
	v62 =	vld [tilespmem:s28+$0x840];
	v61 =	vpop (erf)  }
0x1cd: {  	s15 =	sand.u32 $0x3FFFFFC0, s2;
	v14 =	vmul.f32 $1.442695020e+00, v58;
	v5 =	vmul.f32 v56, v5;
	v4 =	vadd.f32 v52, v51;
	v63 =	vld [tilespmem:s28+$0x1440];
	[tilespmem:s4+$0x5040] =	vst v61  }
0x1ce: {  	v40 =	vmul.f32 v19, v8;
	v6 =	vmul.f32 v6, v56;
	[tilespmem:s26+$0x3250] =	vst v1;
	v1 =	vld [tilespmem:s15+$0x3240]  }
0x1cf: {  	[tilespmem:s26+$0x3260] =	vst v5;
	v28 =	vmul.f32 $2.000000030e-01, v4;
	(erf) = vpow2.f32 v14;
	v5 =	vld [tilespmem:s15+$0x3250]  }
0x1d0: {  	s6 =	sor.u32 $0x17, s5;
	v41 =	vmul.f32 v19, v41;
	[tilespmem:s26+$0x3270] =	vst v6;
	vm4 =	vgt.f32 v4, $0.0e+00;
	v6 =	vld [tilespmem:s15+$0x3260]  }
0x1d1: {  	[tilespmem:s21+$0x3250] =	vst v40;
	v4 =	vsel vm4, v4, v28;
	s4 =	sshll.u32 s22, $0x6;
	s22 =	sshll.u32 s6, $0x4;
	v33 =	vld [tilespmem:s15+$0x3270]  }
0x1d2: {  	s25 =	sor.u32 $0x16, s5;
	v44 =	vmul.f32 v16, v19;
	[tilespmem:s21+$0x3260] =	vst v41;
	v4 =	vmul.f32 $1.442695020e+00, v4;
	v45 =	vld [tilespmem:s22+$0x840];
	v9 =	vpop (erf)  }
0x1d3: {  	v13 =	vbroadcast v13, $0x0;
	v7 =	vadd.f32 v63, v62;
	v47 =	vld [tilespmem:s22+$0x1440];
	[tilespmem:s1+$0x5040] =	vst v9;
	s1 =	sshll.u32 s25, $0x4  }
0x1d4: {  	[tilespmem:s21+$0x3270] =	vst v44;
	v34 =	vmul.f32 v0, v29;
	(erf) = vpow2.f32 v4;
	v35 =	vld [tilespmem:s1+$0x840]  }
0x1d5: {  	[tilespmem:s26+$0x3240] =	vst v60;
	v0 =	vmul.f32 v3, v0;
	v39 =	vmul.f32 $2.000000030e-01, v7;
	s2 =	sand.u32 $0x3FFFFFC0, s4;
	v36 =	vld [tilespmem:s1+$0x1440]  }
0x1d6: {  	[tilespmem:s14+$0x3260] =	vst v34;
	v46 =	vmul.f32 v13, v46;
	v20 =	vbroadcast v20, $0x0;
	vm5 =	vgt.f32 v7, $0.0e+00;
	v38 =	vld [tilespmem:s2+$0x3240]  }
0x1d7: {  	[tilespmem:s14+$0x3270] =	vst v0;
	v48 =	vmul.f32 v13, v48;
	v52 =	vmul.f32 v13, v21;
	v7 =	vsel vm5, v7, v39;
	v0 =	vld [tilespmem:s2+$0x3250]  }
0x1d8: {  	s0 =	sshll.u32 s0, $0x6;
	[tilespmem:s18+$0x3240] =	vst v46;
	v10 =	vmul.f32 v20, v57;
	v7 =	vmul.f32 $1.442695020e+00, v7;
	v42 =	vld [tilespmem:s2+$0x3260];
	v43 =	vpop (erf)  }
0x1d9: {  	s12 =	sand.u32 $0x3FFFFFC0, s0;
	v57 =	vmul.f32 v20, v59;
	v60 =	vbroadcast v61, $0x0;
	v27 =	vld [tilespmem:s2+$0x3270];
	[tilespmem:s19+$0x5040] =	vst v43  }
0x1da: {  	[tilespmem:s18+$0x3250] =	vst v48;
	v62 =	vmul.f32 v11, v20;
	(erf) = vpow2.f32 v7;
	v49 =	vld [tilespmem:s12+$0x3240]  }
0x1db: {  	[tilespmem:s18+$0x3260] =	vst v52;
	v1 =	vmul.f32 v60, v1;
	v28 =	vmul.f32 v60, v5;
	v3 =	vadd.f32 v36, v35;
	s19 =	sor.u32 $0x18, s5;
	v51 =	vld [tilespmem:s12+$0x3250]  }
0x1dc: {  	[tilespmem:s11+$0x3270] =	vst v62;
	v32 =	vmul.f32 v33, v60;
	v33 =	vbroadcast v9, $0x0;
	v53 =	vld [tilespmem:s12+$0x3260];
	s26 =	sshll.u32 s19, $0x4  }
0x1dd: {  	s14 =	sshll.u32 s20, $0x6;
	v30 =	vmul.f32 v60, v6;
	v7 =	vadd.f32 v47, v45;
	[tilespmem:s15+$0x3240] =	vst v1;
	v50 =	vmul.f32 $2.000000030e-01, v3;
	v54 =	vpop (erf);
	v56 =	vld [tilespmem:s26+$0x840]  }
0x1de: {  	s0 =	sand.u32 $0x3FFFFFC0, s14;
	v40 =	vmul.f32 v33, v42;
	v42 =	vbroadcast v43, $0x0;
	vm6 =	vgt.f32 v3, $0.0e+00;
	v59 =	vld [tilespmem:s26+$0x1440];
	[tilespmem:s30+$0x5040] =	vst v54  }
0x1df: {  	v55 =	vmul.f32 v20, v15;
	[tilespmem:s15+$0x3250] =	vst v28;
	v58 =	vmul.f32 $2.000000030e-01, v7;
	v3 =	vsel vm6, v3, v50;
	v15 =	vld [tilespmem:s0+$0x3240]  }
0x1e0: {  	[tilespmem:s15+$0x3260] =	vst v30;
	v61 =	vld [tilespmem:s0+$0x3250];
	v3 =	vmul.f32 $1.442695020e+00, v3;
	v46 =	vmul.f32 v42, v49  }
0x1e1: {  	v13 =	vmul.f32 v18, v13;
	[tilespmem:s15+$0x3270] =	vst v32;
	vm7 =	vgt.f32 v7, $0.0e+00;
	v63 =	vld [tilespmem:s0+$0x3260];
	v50 =	vmul.f32 v42, v51  }
0x1e2: {  	s14 =	sor.u32 $0x1C, s5;
	v7 =	vsel vm7, v7, v58;
	v54 =	vbroadcast v54, $0x0;
	v20 =	vld [tilespmem:s0+$0x3270];
	(erf) = vpow2.f32 v3;
	[tilespmem:s12+$0x3240] =	vst v46  }
0x1e3: {  	s3 =	sshll.u32 s3, $0x6;
	s4 =	sshll.u32 s6, $0x6;
	s6 =	sshll.u32 s14, $0x4;
	v18 =	vld [tilespmem:s12+$0x3270];
	v7 =	vmul.f32 $1.442695020e+00, v7;
	v51 =	vmul.f32 v42, v53;
	v24 =	vpop (erf);
	[tilespmem:s12+$0x3250] =	vst v50  }
0x1e4: {  	s17 =	sand.u32 $0x3FFFFFC0, s3;
	v32 =	vld [tilespmem:s6+$0x840];
	[tilespmem:s28+$0x5040] =	vst v24;
	v58 =	vmul.f32 v54, v15  }
0x1e5: {  	(erf) = vpow2.f32 v7;
	[tilespmem:s12+$0x3260] =	vst v51;
	s28 =	sor.u32 $0x19, s5;
	v60 =	vmul.f32 v54, v61;
	v29 =	vld [tilespmem:s17+$0x3240]  }
0x1e6: {  	v62 =	vmul.f32 v54, v63;
	v31 =	vld [tilespmem:s17+$0x3250];
	s30 =	sshll.u32 s28, $0x4;
	[tilespmem:s0+$0x3240] =	vst v58  }
0x1e7: {  	v3 =	vadd.f32 v59, v56;
	v26 =	vmul.f32 v20, v54;
	v36 =	vld [tilespmem:s30+$0x840];
	[tilespmem:s0+$0x3250] =	vst v60  }
0x1e8: {  	v2 =	vmul.f32 v18, v42;
	v39 =	vld [tilespmem:s30+$0x1440];
	[tilespmem:s0+$0x3260] =	vst v62  }
0x1e9: {  	v44 =	vmul.f32 v27, v33;
	v35 =	vmul.f32 $2.000000030e-01, v3;
	v34 =	vld [tilespmem:s17+$0x3260];
	[tilespmem:s0+$0x3270] =	vst v26;
	s0 =	sor.u32 $0x1D, s5  }
0x1ea: {  	s15 =	sshll.u32 s25, $0x6;
	[tilespmem:s12+$0x3270] =	vst v2;
	vm8 =	vgt.f32 v3, $0.0e+00;
	v41 =	vld [tilespmem:s17+$0x3270];
	s12 =	sshll.u32 s0, $0x4  }
0x1eb: {  	v37 =	vmul.f32 v33, v38;
	s20 =	sand.u32 $0x3FFFFFC0, s15;
	[tilespmem:s2+$0x3270] =	vst v44;
	v1 =	vsel vm8, v3, v35;
	v42 =	vld [tilespmem:s12+$0x840];
	v38 =	vpop (erf)  }
0x1ec: {  	v1 =	vmul.f32 $1.442695020e+00, v1;
	v44 =	vld [tilespmem:s12+$0x1440];
	[tilespmem:s1+$0x5040] =	vst v38;
	s1 =	sor.u32 $0x1A, s5  }
0x1ed: {  	[tilespmem:s18+$0x3270] =	vst v13;
	v49 =	vadd.f32 v39, v36;
	v45 =	vld [tilespmem:s20+$0x3250];
	s21 =	sshll.u32 s1, $0x4  }
0x1ee: {  	[tilespmem:s11+$0x3240] =	vst v55;
	(erf) = vpow2.f32 v1;
	v52 =	vpop (erf);
	v53 =	vld [tilespmem:s21+$0x840]  }
0x1ef: {  	[tilespmem:s22+$0x5040] =	vst v52;
	s22 =	sand.u32 $0x3FFFFFC0, s4;
	v55 =	vmul.f32 $2.000000030e-01, v49;
	v56 =	vld [tilespmem:s21+$0x1440]  }
0x1f0: {  	[tilespmem:s11+$0x3260] =	vst v57;
	vm9 =	vgt.f32 v49, $0.0e+00;
	v57 =	vld [tilespmem:s22+$0x3240]  }
0x1f1: {  	[tilespmem:s11+$0x3250] =	vst v10;
	s11 =	sor.u32 $0x1B, s5;
	v0 =	vmul.f32 v33, v0;
	v21 =	vbroadcast v24, $0x0;
	v59 =	vld [tilespmem:s22+$0x3250];
	v1 =	vsel vm9, v49, v55  }
0x1f2: {  	[tilespmem:s2+$0x3240] =	vst v37;
	s4 =	sshll.u32 s11, $0x4;
	v61 =	vld [tilespmem:s22+$0x3260];
	v1 =	vmul.f32 $1.442695020e+00, v1  }
0x1f3: {  	[tilespmem:s2+$0x3250] =	vst v0;
	v5 =	vmul.f32 v21, v29;
	v63 =	vld [tilespmem:s4+$0x840]  }
0x1f4: {  	[tilespmem:s2+$0x3260] =	vst v40;
	v6 =	vmul.f32 v21, v31;
	v25 =	vld [tilespmem:s4+$0x1440];
	(erf) = vpow2.f32 v1;
	v24 =	vadd.f32 v56, v53  }
0x1f5: {  	v31 =	vmul.f32 v21, v34;
	[tilespmem:s17+$0x3240] =	vst v5;
	v10 =	vbroadcast v52, $0x0;
	v27 =	vld [tilespmem:s22+$0x3270]  }
0x1f6: {  	v34 =	vld [tilespmem:s6+$0x1440];
	v4 =	vbroadcast v38, $0x0;
	[tilespmem:s17+$0x3250] =	vst v6;
	v29 =	vmul.f32 $2.000000030e-01, v24  }
0x1f7: {  	[tilespmem:s17+$0x3260] =	vst v31;
	v43 =	vld [tilespmem:s20+$0x3240];
	v3 =	vmul.f32 v10, v57;
	v28 =	vpop (erf);
	vm10 =	vgt.f32 v24, $0.0e+00  }
0x1f8: {  	s25 =	sshll.u32 s19, $0x6;
	v47 =	vld [tilespmem:s20+$0x3260];
	v7 =	vmul.f32 v4, v45;
	v45 =	vmul.f32 v10, v59;
	[tilespmem:s26+$0x5040] =	vst v28;
	v1 =	vsel vm10, v24, v29  }
0x1f9: {  	v48 =	vld [tilespmem:s20+$0x3270];
	v33 =	vadd.f32 v25, v63;
	v49 =	vmul.f32 v10, v61;
	s26 =	sand.u32 $0x3FFFFFC0, s25;
	[tilespmem:s22+$0x3240] =	vst v3;
	v1 =	vmul.f32 $1.442695020e+00, v1  }
0x1fa: {  	v2 =	vmul.f32 v41, v21;
	v51 =	vmul.f32 v27, v10;
	[tilespmem:s22+$0x3250] =	vst v45;
	v30 =	vld [tilespmem:s26+$0x3240]  }
0x1fb: {  	v38 =	vmul.f32 $2.000000030e-01, v33;
	[tilespmem:s22+$0x3260] =	vst v49;
	v36 =	vld [tilespmem:s26+$0x3250];
	(erf) = vpow2.f32 v1  }
0x1fc: {  	vm11 =	vgt.f32 v33, $0.0e+00;
	[tilespmem:s22+$0x3270] =	vst v51;
	s22 =	sor.u32 $0x1F, s5;
	v37 =	vld [tilespmem:s26+$0x3260]  }
0x1fd: {  	s3 =	sshll.u32 s28, $0x6;
	[tilespmem:s17+$0x3270] =	vst v2;
	v35 =	vmul.f32 v4, v43;
	v39 =	vld [tilespmem:s26+$0x3270];
	s25 =	sshll.u32 s22, $0x4;
	v1 =	vsel vm11, v33, v38;
	v41 =	vpop (erf)  }
0x1fe: {  	s28 =	sand.u32 $0x3FFFFFC0, s3;
	v40 =	vmul.f32 v4, v47;
	v43 =	vadd.f32 v34, v32;
	v62 =	vld [tilespmem:s25+$0x840];
	v1 =	vmul.f32 $1.442695020e+00, v1;
	[tilespmem:s30+$0x5040] =	vst v41  }
0x1ff: {  	v0 =	vmul.f32 v48, v4;
	[tilespmem:s20+$0x3240] =	vst v35;
	v52 =	vbroadcast v28, $0x0;
	v46 =	vld [tilespmem:s28+$0x3240]  }
0x200: {  	s3 =	sor.u32 $0x1E, s5;
	[tilespmem:s20+$0x3250] =	vst v7;
	v48 =	vmul.f32 $2.000000030e-01, v43;
	v47 =	vld [tilespmem:s28+$0x3250];
	(erf) = vpow2.f32 v1  }
0x201: {  	v54 =	vadd.f32 v44, v42;
	[tilespmem:s20+$0x3260] =	vst v40;
	vm12 =	vgt.f32 v43, $0.0e+00;
	v56 =	vmul.f32 v52, v30;
	s30 =	sshll.u32 s3, $0x4;
	v50 =	vld [tilespmem:s28+$0x3260]  }
0x202: {  	[tilespmem:s20+$0x3270] =	vst v0;
	v57 =	vmul.f32 v52, v36;
	v1 =	vsel vm12, v43, v48;
	v53 =	vld [tilespmem:s30+$0x840]  }
0x203: {  	v60 =	vmul.f32 $2.000000030e-01, v54;
	v55 =	vld [tilespmem:s30+$0x1440];
	[tilespmem:s26+$0x3240] =	vst v56;
	v1 =	vmul.f32 $1.442695020e+00, v1  }
0x204: {  	s1 =	sshll.u32 s1, $0x6;
	v2 =	vmul.f32 v52, v37;
	v6 =	vbroadcast v41, $0x0;
	v58 =	vld [tilespmem:s28+$0x3270];
	[tilespmem:s26+$0x3250] =	vst v57;
	v59 =	vpop (erf)  }
0x205: {  	v15 =	vld [tilespmem:s25+$0x1440];
	v5 =	vmul.f32 v39, v52;
	(erf) = vpow2.f32 v1;
	[tilespmem:s21+$0x5040] =	vst v59;
	s21 =	sand.u32 $0x3FFFFFC0, s1  }
0x206: {  	vm13 =	vgt.f32 v54, $0.0e+00;
	[tilespmem:s26+$0x3260] =	vst v2;
	v16 =	vmul.f32 v6, v46;
	v61 =	vld [tilespmem:s21+$0x3240]  }
0x207: {  	[tilespmem:s26+$0x3270] =	vst v5;
	v0 =	vmul.f32 v6, v47;
	v1 =	vsel vm13, v54, v60;
	v17 =	vld [tilespmem:s21+$0x3250]  }
0x208: {  	v63 =	vadd.f32 v55, v53;
	v20 =	vmul.f32 v6, v50;
	v1 =	vmul.f32 $1.442695020e+00, v1;
	[tilespmem:s28+$0x3240] =	vst v16  }
0x209: {  	s26 =	sshll.u32 s11, $0x6;
	v22 =	vmul.f32 v58, v6;
	[tilespmem:s28+$0x3250] =	vst v0;
	v23 =	vbroadcast v59, $0x0;
	v21 =	vld [tilespmem:s21+$0x3260];
	v18 =	vpop (erf)  }
0x20a: {  	v19 =	vmul.f32 $2.000000030e-01, v63;
	v24 =	vld [tilespmem:s21+$0x3270];
	(erf) = vpow2.f32 v1;
	[tilespmem:s4+$0x5040] =	vst v18;
	s4 =	sand.u32 $0x3FFFFFC0, s26  }
0x20b: {  	v3 =	vadd.f32 v15, v62;
	vm14 =	vgt.f32 v63, $0.0e+00;
	[tilespmem:s28+$0x3260] =	vst v20;
	v27 =	vld [tilespmem:s4+$0x3240];
	v25 =	vmul.f32 v23, v61  }
0x20c: {  	[tilespmem:s28+$0x3270] =	vst v22;
	v1 =	vsel vm14, v63, v19;
	v29 =	vld [tilespmem:s4+$0x3250];
	v26 =	vmul.f32 v23, v17  }
0x20d: {  	v30 =	vmul.f32 $2.000000030e-01, v3;
	v1 =	vmul.f32 $1.442695020e+00, v1;
	v32 =	vld [tilespmem:s4+$0x3260];
	[tilespmem:s21+$0x3240] =	vst v25  }
0x20e: {  	s28 =	sshll.u32 s14, $0x6;
	v33 =	vbroadcast v18, $0x0;
	v31 =	vmul.f32 v23, v21;
	v28 =	vpop (erf);
	[tilespmem:s21+$0x3250] =	vst v26  }
0x20f: {  	vm15 =	vgt.f32 v3, $0.0e+00;
	v34 =	vld [tilespmem:s4+$0x3270];
	v2 =	vmul.f32 v24, v23;
	(erf) = vpow2.f32 v1;
	[tilespmem:s6+$0x5040] =	vst v28;
	s6 =	sand.u32 $0x3FFFFFC0, s28  }
0x210: {  	v1 =	vsel vm15, v3, v30;
	[tilespmem:s21+$0x3260] =	vst v31;
	v36 =	vmul.f32 v33, v27;
	v37 =	vld [tilespmem:s6+$0x3240]  }
0x211: {  	[tilespmem:s21+$0x3270] =	vst v2;
	v35 =	vmul.f32 $1.442695020e+00, v1;
	v39 =	vmul.f32 v33, v29;
	v40 =	vld [tilespmem:s6+$0x3250]  }
0x212: {  	v41 =	vmul.f32 v33, v32;
	[tilespmem:s4+$0x3240] =	vst v36  }
0x213: {  	s0 =	sshll.u32 s0, $0x6;
	v43 =	vbroadcast v28, $0x0;
	v42 =	vld [tilespmem:s6+$0x3260];
	v38 =	vpop (erf);
	(erf) = vpow2.f32 v35;
	[tilespmem:s4+$0x3250] =	vst v39  }
0x214: {  	s0 =	sand.u32 $0x3FFFFFC0, s0;
	v3 =	vmul.f32 v34, v33;
	v44 =	vld [tilespmem:s6+$0x3270];
	[tilespmem:s12+$0x5040] =	vst v38  }
0x215: {  	[tilespmem:s4+$0x3260] =	vst v41;
	v46 =	vld [tilespmem:s0+$0x3240];
	v2 =	vmul.f32 v43, v37  }
0x216: {  	[tilespmem:s4+$0x3270] =	vst v3;
	v7 =	vmul.f32 v43, v40  }
0x217: {  	v47 =	vld [tilespmem:s0+$0x3250];
	[tilespmem:s6+$0x3240] =	vst v2  }
0x218: {  	s3 =	sshll.u32 s3, $0x6;
	v5 =	vbroadcast v38, $0x0;
	v48 =	vld [tilespmem:s0+$0x3260];
	v1 =	vmul.f32 v43, v42;
	v45 =	vpop (erf);
	[tilespmem:s6+$0x3250] =	vst v7  }
0x219: {  	s3 =	sand.u32 $0x3FFFFFC0, s3;
	v49 =	vld [tilespmem:s0+$0x3270];
	v4 =	vmul.f32 v44, v43;
	[tilespmem:s30+$0x5040] =	vst v45  }
0x21a: {  	[tilespmem:s6+$0x3260] =	vst v1;
	v3 =	vmul.f32 v5, v46;
	v50 =	vld [tilespmem:s3+$0x3240]  }
0x21b: {  	[tilespmem:s6+$0x3270] =	vst v4;
	v51 =	vld [tilespmem:s3+$0x3250]  }
0x21c: {  	s1 =	sshll.u32 s22, $0x6;
	v8 =	vmul.f32 v5, v47;
	v53 =	vld [tilespmem:s3+$0x3260];
	v52 =	vpop (erf);
	[tilespmem:s0+$0x3240] =	vst v3  }
0x21d: {  	s1 =	sand.u32 $0x3FFFFFC0, s1;
	v2 =	vmul.f32 v5, v48;
	v0 =	vbroadcast v45, $0x0;
	v54 =	vld [tilespmem:s3+$0x3270];
	[tilespmem:s25+$0x5040] =	vst v52  }
0x21e: {  	v5 =	vmul.f32 v49, v5;
	[tilespmem:s0+$0x3250] =	vst v8;
	v55 =	vld [tilespmem:s1+$0x3240]  }
0x21f: {  	[tilespmem:s0+$0x3260] =	vst v2;
	v56 =	vld [tilespmem:s1+$0x3250];
	v1 =	vmul.f32 v0, v50  }
0x220: {  	[tilespmem:s0+$0x3270] =	vst v5;
	v57 =	vld [tilespmem:s1+$0x3260];
	v4 =	vmul.f32 v0, v51  }
0x221: {  	v7 =	vbroadcast v52, $0x0;
	v59 =	vld [tilespmem:s1+$0x3270];
	v58 =	vmul.f32 v0, v53;
	[tilespmem:s3+$0x3240] =	vst v1  }
0x222: {  	v0 =	vmul.f32 v54, v0;
	[tilespmem:s3+$0x3250] =	vst v4  }
0x223: {  	p0 =	slt.u32 s5, $0x40;
	[tilespmem:s3+$0x3260] =	vst v58;
	v60 =	vmul.f32 v7, v55  }
.Ltmp1:
0x224: {  	[tilespmem:s3+$0x3270] =	vst v0;
	v61 =	vmul.f32 v7, v56;
	(pc) =	sbr.rel @p0 .LBB2_5-.Ltmp1, $4  }
0x225: {  	v62 =	vmul.f32 v7, v57;
	[tilespmem:s1+$0x3240] =	vst v60  }
0x226: {  	v63 =	vmul.f32 v59, v7;
	[tilespmem:s1+$0x3250] =	vst v61  }
0x227: {  	s30 =	sadd.s32 $0x20, s5;
	[tilespmem:s1+$0x3260] =	vst v62  }
0x228: {  	s5 =	smov.u32 s30;
	[tilespmem:s1+$0x3270] =	vst v63  }
0x229: {  	s0 =	rddreg [dreg:$0x2];
	s4 =	simm.s32 $0x120;
	s6 =	simm.s32 $0x3240  }
0x22a: {  	[spmem:s0] =	stream.indirect.scatter.add.f32 [tilespmem:s6], [sflag:$0x5], $0x40, s4, s29, $0xb8;
	[tilespmem:$0x11BC0] =	vst v63  }
0x22b: {  	_ =	swait.ge [sflag:s24], $0x1800  }
0x22c: {  	s23 =	sadd.s32 $0x1, s23;
	[sflag:s24] =	ssyncset.done $0x0  }
0x22d: {  	p0 =	sne.s32 s23, $0x36;
	[sflag:s24] =	ssyncadd.s32 $0xFFFFE800  }
.Ltmp2:
0x22e: {  	s1 =	simm.s32 $0x5040;
	s30 =	rddreg [dreg:$0x3];
	(pc) =	sbr.rel @p0 .LBB2_2-.Ltmp2, $4  }
0x22f: {  	[spmem:s30] =	stream.indirect.scatter.add.f32 [tilespmem:s1], [sflag:$0x5], $0x10, s4, s29, $0xb8;
	[tilespmem:$0x11BC0] =	vst v63  }
0x230: {  	_ =	swait.ge [sflag:s24], $0x600  }
0x231: {  	[sflag:s24] =	ssyncset.done $0x0  }
0x232: {  	[sflag:s24] =	ssyncadd.s32 $0xFFFFFA00  }
0x233: {  	[bflag:$0x0] =	sbarrier.arrive $0xFFFF  }
0x234: {  	s2 =	rddreg [dreg:$0x9]  }
0x235: {  	s0 =	rddreg [dreg:$0x10]  }
0x236: {  	s1 =	rddreg [dreg:$0x14]  }
0x237: {  	[hbm:s0], [sflag:s2] =	dma.local [spmem:s1], $0x13C0  }
0x238: {  	_ =	swait.ge [sflag:s24], $0x13C0  }
0x239: {  	[sflag:s24] =	ssyncset.done $0x0;
	s25 =	rddreg [dreg:$0x11]  }
0x23a: {  	s26 =	rddreg [dreg:$0x15];
	[sflag:s24] =	ssyncadd.s32 $0xFFFFEC40  }
0x23b: {  	[hbm:s25], [sflag:s2] =	dma.local [spmem:s26], $0x4F0  }
0x23c: {  	_ =	swait.ge [sflag:s24], $0x4F0  }
0x23d: {  	s28 =	rddreg [dreg:$0x13]  }
0x23e: {  	s30 =	rddreg [dreg:$0x12];
	s1 =	sadd.s32 $0x1, s28  }
0x23f: {  	p0 =	sne.s32 s1, s30  }
.Ltmp3:
0x240: {  	_ = 	snop;
	(pc) =	sbr.rel @p0 .LBB2_1-.Ltmp3, $3  }
0x241: {  	_ =	sdelay $0x1  }
0x242: {  	[sflag:s24] =	ssyncset.done $0x0  }
0x243: {  	[sflag:s24] =	ssyncadd.s32 $0xFFFFFB10  }
0x244: {  	_ =	sfence.sel $0x180000  }
0x245: {  	[bflag:$0x0] =	sbarrier.arrive $0xFFFF  }
0x246: {  	_ =	strace $0x9000004A  }
0x247: {  	s0 =	stileid.u32;
	[bflag:$0x2] =	sbarrier.arrive $0xFFFF  }
0x248: {  	p0 =	sne.s32 s0, $0x0;
	s0 =	rddreg [dreg:$0x4]  }
0x249: {  	s0 =	sadd.s32 @!p0 $0x100000, s0  }
0x24a: {  	[sflag:s0] =	ssyncadd.tile.s32 @!p0 $0x1;
	_ =	shalt  }
.Lfunc_end2:
_tile_overlayer_lowered:
.L_overlay_start_2:
0x24b: {  	(tag) =	ssettag $0x2  }
0x24c: {  	s0 =	rddreg [dreg:$0x0];
	s2 =	stileid.u32  }
0x24d: {  	s1 =	rddreg [dreg:$0x1];
	p0 =	sne.s32 s2, $0x0  }
0x24e: {  	s3 =	rddreg [dreg:$0x2];
	[bflag:$0x3] =	sbarrier.arrive $0xFFFF;
	s2 =	simm.s32 @!p0 $0x1C05  }
0x24f: {  	[timem:s3], [sflag:s2] =	dma.local @!p0 [hbm:s0], s1  }
0x250: {  	s0 =	simm.s32 @!p0 $0x5  }
0x251: {  	_ =	swait.ge @!p0 [sflag:s0], s1  }
0x252: {  	s1 =	ssub.s32 @!p0 $0x0, s1;
	[sflag:s0] =	ssyncset.done @!p0 $0x0  }
0x253: {  	[sflag:s0] =	ssyncadd.s32 @!p0 s1  }
0x254: {  	[bflag:$0x3] =	sbarrier.arrive $0xFFFF  }
0x255: {  	_ =	shalt  }

// kernel: kernel.7.cloned.1.call-start
scs
__scs_entry_jumppad:
0x0: {  	(pc) =	sbr.rel $0x88, $3  }
0x1: {  	(tag) =	ssettag $0x0;
	lr =	simm.s32 $0x1  }
0x2: {  	[smem:$0x3F99] =	sst lr;
	_ =	strace $0xD0000000  }
0x3: {  	_ = 	snop  }
0x4: {  	_ = 	snop  }
0x5: {  	_ = 	snop  }
0x6: {  	_ = 	snop  }
0x7: {  	_ = 	snop  }
__scs_overlays_trampoline_lowered:
0x8: {  	[smem:$0x3FA8] =	sst s0  }
0x9: {  	[smem:$0x3FA9] =	sst s1  }
0xa: {  	[smem:$0x3FAA] =	sst s2  }
0xb: {  	[smem:$0x3FAB] =	sst s3  }
0xc: {  	[smem:$0x3FAC] =	sst s4  }
0xd: {  	[smem:$0x3FAD] =	sst s5  }
0xe: {  	[smem:$0x3FAE] =	sst s6  }
0xf: {  	[smem:$0x3FAF] =	sst s7  }
0x10: {  	[smem:$0x3FB0] =	sst s8  }
0x11: {  	[smem:$0x3FB1] =	sst s9;
	s0 =	simm.s32 @!p0 $0x0  }
0x12: {  	s1 =	sld [smem:$0x3F97];
	s0 =	simm.s32 @p0 $0x1  }
0x13: {  	[smem:$0x3FB2] =	sst s0;
	s0 =	simm.s32 @!p1 $0x0  }
0x14: {  	s2 =	sld [smem:$0x3F96];
	s0 =	simm.s32 @p1 $0x1  }
0x15: {  	[smem:$0x3FB3] =	sst s0;
	s0 =	simm.s32 @!p2 $0x0  }
0x16: {  	s3 =	sld [smem:$0x3FDB];
	s0 =	simm.s32 @p2 $0x1  }
0x17: {  	s4 =	simm.s32 $0x1BF5;
	[smem:$0x3FB5] =	sst s0  }
0x18: {  	s0 =	sld [smem:$0x3F98];
	_ =	swait.ge [sflag:s4], $0x0  }
0x19: {  	s7 =	sld [smem:$0x3F99]  }
0x1a: {  	s8 =	sadd.s32 $0xFFFFE003, lr  }
0x1b: {  	s9 =	sadd.s32 $0xFFFFFEF7, lr;
	s5 =	simm.s32 $0xFFFFFFFF;
	p2 =	slt.u32 s8, $0xFFFFF086  }
0x1c: {  	p1 =	slt.u32 s9, $0xF7A;
	s5 =	simm.s32 @!p2 $0x0  }
0x1d: {  	s5 =	simm.s32 @p1 $0x1;
	p0 =	seq.s32 s7, s2  }
0x1e: {  	s7 =	smul.u32 @!p0 $0xF7A, s2;
	p2 =	seq.s32 @!p0 s5, $0x0  }
0x1f: {  	s9 =	smul.u32 $0xF7A, s1;
	s8 =	simm.s32 @!p0 $0x1BF5;
	p2 =	por !p2, p0  }
0x20: {  	[sflag:s8] =	ssyncset.s32 @!p0 $0xFFFFF086;
	s6 =	sadd.s32 @!p0 s3, s7;
	s7 =	simm.s32 @!p0 $0x108  }
0x21: {  	s3 =	sadd.s32 s3, s9;
	s6 =	sadd.s32 @!p0 $0x88, s6;
	s7 =	simm.s32 @p2 $0x1082  }
0x22: {  	[simem:s7], [sflag:s8] =	dma.local @!p0 [hbm:s6], $0xF7A  }
0x23: {  	s9 =	sor.u32 $0xD0000000, s2;
	s6 =	simm.s32 $0x108;
	_ =	swait.ge @!p0 [sflag:s8], $0x0  }
0x24: {  	s3 =	sadd.s32 $0x88, s3;
	s6 =	simm.s32 @!p1 $0x1082;
	[sflag:s4] =	ssyncset.s32 $0xFFFFF086  }
0x25: {  	[simem:s6], [sflag:s4] =	dma.local [hbm:s3], $0xF7A  }
0x26: {  	[smem:$0x3F99] =	sst s1;
	(tag) =	ssettag s2;
	_ =	strace s9  }
0x27: {  	s1 =	sld [smem:$0x3FA9]  }
0x28: {  	s2 =	sld [smem:$0x3FAA]  }
0x29: {  	s4 =	sld [smem:$0x3FAC]  }
0x2a: {  	p0 =	seq.s32 s5, $0x0;
	s5 =	sld [smem:$0x3FAD]  }
0x2b: {  	s6 =	sld [smem:$0x3FAE]  }
0x2c: {  	s7 =	sld [smem:$0x3FAF]  }
0x2d: {  	s3 =	simm.s32 $0x108;
	s8 =	sld [smem:$0x3FB0]  }
0x2e: {  	s3 =	simm.s32 @!p0 $0x1082;
	s9 =	sld [smem:$0x3FB1]  }
0x2f: {  	lr =	sadd.s32 s0, s3;
	s0 =	sld [smem:$0x3FA8]  }
0x30: {  	s3 =	sld [smem:$0x3FAB]  }
0x31: {  	[smem:$0x3FB4] =	sst s10  }
0x32: {  	s10 =	sld [smem:$0x3FB2];
	_ =	sdelay $0x3  }
0x33: {  	p0 =	seq.s32 s10, $0x1;
	s10 =	sld [smem:$0x3FB4];
	_ =	sdelay $0x3  }
0x34: {  	[smem:$0x3FB4] =	sst s10  }
0x35: {  	s10 =	sld [smem:$0x3FB3];
	_ =	sdelay $0x3  }
0x36: {  	p1 =	seq.s32 s10, $0x1;
	s10 =	sld [smem:$0x3FB4];
	_ =	sdelay $0x3  }
0x37: {  	[smem:$0x3FB4] =	sst s10  }
0x38: {  	s10 =	sld [smem:$0x3FB5]  }
0x39: {  	_ = 	snop;
	(pc) =	sbr.ind lr, $3  }
0x3a: {  	_ = 	snop  }
0x3b: {  	_ = 	snop  }
0x3c: {  	p2 =	seq.s32 s10, $0x1;
	s10 =	sld [smem:$0x3FB4]  }
0x3d: {  	_ =	shalt  }
0x3e: {  	_ =	shalt  }
0x3f: {  	_ =	shalt  }
0x40: {  	_ =	shalt  }
0x41: {  	_ =	shalt  }
0x42: {  	_ =	shalt  }
0x43: {  	_ =	shalt  }
0x44: {  	_ =	shalt  }
0x45: {  	_ =	shalt  }
0x46: {  	_ =	shalt  }
0x47: {  	_ =	shalt  }
0x48: {  	_ =	shalt  }
0x49: {  	_ =	shalt  }
0x4a: {  	_ =	shalt  }
0x4b: {  	_ =	shalt  }
0x4c: {  	_ =	shalt  }
0x4d: {  	_ =	shalt  }
0x4e: {  	_ =	shalt  }
0x4f: {  	_ =	shalt  }
0x50: {  	_ =	shalt  }
0x51: {  	_ =	shalt  }
0x52: {  	_ =	shalt  }
0x53: {  	_ =	shalt  }
0x54: {  	_ =	shalt  }
0x55: {  	_ =	shalt  }
0x56: {  	_ =	shalt  }
0x57: {  	_ =	shalt  }
0x58: {  	_ =	shalt  }
0x59: {  	_ =	shalt  }
0x5a: {  	_ =	shalt  }
0x5b: {  	_ =	shalt  }
0x5c: {  	_ =	shalt  }
0x5d: {  	_ =	shalt  }
0x5e: {  	_ =	shalt  }
0x5f: {  	_ =	shalt  }
0x60: {  	_ =	shalt  }
0x61: {  	_ =	shalt  }
0x62: {  	_ =	shalt  }
0x63: {  	_ =	shalt  }
0x64: {  	_ =	shalt  }
0x65: {  	_ =	shalt  }
0x66: {  	_ =	shalt  }
0x67: {  	_ =	shalt  }
0x68: {  	_ =	shalt  }
0x69: {  	_ =	shalt  }
0x6a: {  	_ =	shalt  }
0x6b: {  	_ =	shalt  }
0x6c: {  	_ =	shalt  }
0x6d: {  	_ =	shalt  }
0x6e: {  	_ =	shalt  }
0x6f: {  	_ =	shalt  }
0x70: {  	_ =	shalt  }
0x71: {  	_ =	shalt  }
0x72: {  	_ =	shalt  }
0x73: {  	_ =	shalt  }
0x74: {  	_ =	shalt  }
0x75: {  	_ =	shalt  }
0x76: {  	_ =	shalt  }
0x77: {  	_ =	shalt  }
0x78: {  	_ =	shalt  }
0x79: {  	_ =	shalt  }
0x7a: {  	_ =	shalt  }
0x7b: {  	_ =	shalt  }
0x7c: {  	_ =	shalt  }
0x7d: {  	_ =	shalt  }
0x7e: {  	_ =	shalt  }
0x7f: {  	_ =	shalt  }
0x80: {  	_ =	shalt  }
0x81: {  	_ =	shalt  }
0x82: {  	_ =	shalt  }
0x83: {  	_ =	shalt  }
0x84: {  	_ =	shalt  }
0x85: {  	_ =	shalt  }
0x86: {  	_ =	shalt  }
0x87: {  	_ =	shalt  }
.Lfunc_end0:
.L_simem_size_0:
called_computation_lowered:
.L_overlay_start_0:
0x88: {  	s2 =	sld [smem:$0x3FD9]  }
0x89: {  	s3 =	sld [smem:$0x3FFE];
	_ =	sdelay $0x1  }
0x8a: {  	s1 =	srdreg.scid  }
0x8b: {  	s0 =	sand.u32 $0x1, s1  }
0x8c: {  	s17 =	sshll.u32 s0, $0xA;
	s2 =	sadd.s32 s3, s2  }
0x8d: {  	s2 =	sadd.s32 s2, s17  }
0x8e: {  	[smem:$0x3FC0] =	sst s2  }
0x8f: {  	_ = 	snop  }
0x90: {  	s2 =	sld [smem:$0x3FD0];
	(tm) =	ssettm $0x1  }
0x91: {  	s18 =	sld [smem:$0x3FFB];
	_ =	sdelay $0x3  }
0x92: {  	_ =	strace s18  }
0x93: {  	s3 =	sld [smem:$0x3FFC];
	_ =	sdelay $0x3  }
0x94: {  	_ =	strace s3  }
0x95: {  	s3 =	sld [smem:$0x3FFD];
	_ =	sdelay $0x3  }
0x96: {  	_ =	strace s3  }
0x97: {  	_ =	strace $0x8FFFFFFF  }
0x98: {  	s19 =	sld [smem:$0x3FDB];
	_ =	sdelay $0x1  }
0x99: {  	s4 =	simm.s32 $_scs_section_size  }
0x9a: {  	s5 =	simm.s32 $_size__tile_overlayer_lowered;
	s6 =	simm.s32 $_tile_overlayer_lowered  }
0x9b: {  	s22 =	simm.s32 $0x1BFF;
	s21 =	sshll.u32 s6, $0x1;
	s3 =	sadd.s32 s4, s19  }
0x9c: {  	s7 =	simm.s32 $0x0;
	s20 =	sshll.u32 s5, $0x1;
	s5 =	sadd.s32 s21, s3  }
0x9d: {  	[timem:s7], [sflag:s22] =	dma.local [hbm:s5], s20  }
0x9e: {  	_ =	swait.ge [sflag:s22], s20  }
0x9f: {  	s4 =	ssub.s32 $0x0, s20;
	[sflag:s22] =	ssyncset.done $0x0  }
0xa0: {  	[sflag:s22] =	ssyncadd.s32 s4;
	_ =	sdelay $0x1  }
0xa1: {  	s23 =	simm.s32 $0x1B8B  }
0xa2: {  	_ =	swait.ge [sflag:s23], $0x1  }
0xa3: {  	[sflag:s23] =	ssyncset.done $0x0  }
0xa4: {  	s25 =	simm.s32 $0x1B8E;
	s24 =	sld [smem:$0x3FFE];
	[sflag:s23] =	ssyncadd.s32 $0xFFFFFFFF  }
0xa5: {  	s26 =	simm.s32 $execute0_lowered;
	[smem:$0x3FD2] =	sst s25  }
0xa6: {  	s5 =	sshll.u32 s26, $0x1;
	_ =	strace $0x80000046;
	[dreg:$0x1] =	wrdreg $0xFFFFFFFF  }
0xa7: {  	s28 =	simm.s32 $_size_execute0_lowered;
	s3 =	sadd.s32 s3, s5;
	[dreg:$0x0] =	wrdreg $0x0  }
0xa8: {  	s5 =	sshll.u32 s28, $0x1;
	[dreg:$0x2] =	wrdreg s3  }
0xa9: {  	[dreg:$0x3] =	wrdreg s5  }
0xaa: {  	[dreg:$0x4] =	wrdreg $0xC0  }
0xab: {  	_ =	task [dreg:s7], $0x5FFFF  }
0xac: {  	[dreg:$0x1] =	wrdreg $0xFFFFFFFF  }
0xad: {  	[dreg:$0x0] =	wrdreg $0x60  }
0xae: {  	[dreg:$0x2] =	wrdreg s24  }
0xaf: {  	[dreg:$0x3] =	wrdreg s2  }
0xb0: {  	[dreg:$0x4] =	wrdreg $0x86400  }
0xb1: {  	[dreg:$0x5] =	wrdreg $0x1C2400  }
0xb2: {  	[dreg:$0x6] =	wrdreg $0x9  }
0xb3: {  	_ =	task.clear_ibuf [dreg:s7], $0x7FFFF;
	_ =	strace $0x90000046  }
0xb4: {  	s29 =	simm.s32 $0x9;
	_ =	strace $0x80000048  }
0xb5: {  	_ =	swait.ge [sflag:s29], $0x1  }
0xb6: {  	[sflag:s29] =	ssyncadd.s32 $0xFFFFFFFF  }
0xb7: {  	_ =	strace $0x90000048  }
0xb8: {  	_ =	sfence  }
0xb9: {  	s30 =	sld [smem:$0x0];
	_ =	sdelay $0x2  }
0xba: {  	s31 =	sshll.u32 s1, $0xD;
	s1 =	sshrl.u32 s1, $0x2  }
0xbb: {  	s3 =	sand.u32 $0x4000, s31;
	s1 =	sadd.s32 s1, s30  }
0xbc: {  	s0 =	sor.u32 s3, s0;
	s1 =	sshll.u32 s1, $0x11  }
0xbd: {  	s0 =	sor.u32 s1, s0  }
0xbe: {  	s0 =	sadd.s32 $0x8F2B, s0  }
0xbf: {  	[sflag:s0] =	ssyncadd.remote.s32 $0x1  }
0xc0: {  	_ =	sfence.sel $0xFFFF  }
0xc1: {  	[dreg:$0x0] =	wrdreg $0xFFFFFFFF;
	(pc) =	sbr.abs _section_cstart, $3  }
0xc2: {  	[dreg:$0x1] =	wrdreg $0xFFFFFFFF  }
0xc3: {  	_ =	task.clear_ibuf [dreg:s7], $0x2FFFF;
	_ =	strace $0x9FFFFFFF  }
0xc4: {  	(tm) =	ssettm $0x7FFFFFFF  }
0xc5: {  	_ =	shalt  }
tec
execute0_lowered:
.L_overlay_start_1:
0x0: {  	(tag) =	ssettag $0x1  }
0x1: {  	s0 =	rddreg [dreg:$0x0]  }
0x2: {  	s1 =	rddreg [dreg:$0x1]  }
0x3: {  	s28 =	rddreg [dreg:$0x2]  }
0x4: {  	s20 =	rddreg [dreg:$0x3];
	s2 =	simm.s32 $0x0;
	s12 =	srdreg.scid  }
0x5: {  	s15 =	stileid.u32;
	s29 =	simm.s32 $0x60;
	s30 =	simm.s32 $0x1E0  }
0x6: {  	s31 =	simm.s32 $0x2;
	[smem:$0x7FF] =	sst s2;
	s2 =	sand.u32 $0x1, s12  }
0x7: {  	s3 =	smul.u32 $0x13C00, s15;
	s5 =	sadd.s32 $0x47C00, s0;
	s6 =	sadd.s32 $0x33800, s0  }
0x8: {  	s7 =	sadd.s32 $0x3DA00, s0;
	s8 =	sadd.s32 $0x2600, s0;
	s9 =	sadd.s32 $0x2E800, s0  }
0x9: {  	s10 =	sadd.s32 $0x29800, s0;
	s11 =	sadd.s32 $0x52400, s0;
	s13 =	sadd.s32 $0x51E00, s0  }
0xa: {  	_ =	strace $0x80000047;
	s4 =	smul.u32 $0x13C000, s2;
	[dreg:$0x5] =	wrdreg s11  }
0xb: {  	[dreg:$0x6] =	wrdreg s13;
	s14 =	sshll.u32 s2, $0x4;
	s13 =	smul.u32 $0x2780, s15  }
0xc: {  	s12 =	ssub.s32 $0x2, s2;
	s2 =	smul.u32 $0x27800, s2;
	s11 =	sor.u32 s15, s14  }
0xd: {  	s17 =	sshll.u32 s15, $0x6;
	s16 =	sshrl.u32 s12, $0x1;
	s14 =	smul.u32 $0x510, s11  }
0xe: {  	s15 =	sor.u32 $0x1C05, s17;
	s4 =	sadd.s32 s3, s4;
	s11 =	smul.u32 $0x6C, s11  }
0xf: {  	s3 =	sadd.s32 s3, s28;
	s18 =	sadd.s32 s13, s20;
	[dreg:$0x8] =	wrdreg s15  }
0x10: {  	s2 =	sadd.s32 s13, s2;
	s13 =	simm.s32 $0x3;
	[dreg:$0x7] =	wrdreg s3  }
0x11: {  	s4 =	sshrl.u32 s4, $0x3;
	[dreg:$0x9] =	wrdreg s18;
	s19 =	sadd.s32 s5, s14  }
0x12: {  	s25 =	sshrl.u32 s2, $0x3;
	s21 =	sadd.s32 s6, s14;
	[dreg:$0xa] =	wrdreg s19  }
0x13: {  	s3 =	simm.s32 $0x120;
	s22 =	sadd.s32 s7, s14;
	[dreg:$0xb] =	wrdreg s21  }
0x14: {  	s0 =	sadd.s32 s4, s0;
	s23 =	sor.u32 $0x1, s11;
	[dreg:$0xc] =	wrdreg s22  }
0x15: {  	s4 =	ssub.s32 s12, s16;
	s24 =	sor.u32 $0x2, s11;
	[dreg:$0xd] =	wrdreg s23  }
0x16: {  	s12 =	simm.s32 $0x4A40;
	[dreg:$0xe] =	wrdreg s24;
	s0 =	sadd.s32 $0x54C00, s0  }
0x17: {  	s16 =	simm.s32 $0x4;
	s26 =	smax.u32 s4, $0x1;
	[dreg:$0xf] =	wrdreg s0  }
0x18: {  	s24 =	simm.s32 $0x5;
	s0 =	sadd.s32 s1, s25;
	[dreg:$0x11] =	wrdreg s26  }
0x19: {  	s25 =	simm.s32 $0xC0;
	s1 =	simm.s32 $0x0;
	[dreg:$0x10] =	wrdreg s0  }
.LBB2_1:
0x1a: {  	[dreg:$0x12] =	wrdreg s1  }
0x1b: {  	s0 =	rddreg [dreg:$0x7]  }
0x1c: {  	s2 =	rddreg [dreg:$0x5];
	s0 =	sshrl.u32 s0, $0x3  }
0x1d: {  	[dreg:$0x13] =	wrdreg s0  }
0x1e: {  	[spmem:s0], [sflag:s15] =	dma.local [hbm:s2], $0x2780  }
0x1f: {  	_ =	swait.ge [sflag:s24], $0x2780  }
0x20: {  	s4 =	rddreg [dreg:$0x9]  }
0x21: {  	[sflag:s24] =	ssyncset.done $0x0;
	s14 =	rddreg [dreg:$0x6];
	s11 =	sshrl.u32 s4, $0x3  }
0x22: {  	[sflag:s24] =	ssyncadd.s32 $0xFFFFD880;
	[dreg:$0x14] =	wrdreg s11  }
0x23: {  	[spmem:s11], [sflag:s15] =	dma.local [hbm:s14], $0x4F0  }
0x24: {  	_ =	swait.ge [sflag:s24], $0x4F0  }
0x25: {  	[sflag:s24] =	ssyncset.done $0x0  }
0x26: {  	[sflag:s24] =	ssyncadd.s32 $0xFFFFFB10  }
0x27: {  	[bflag:$0x0] =	sbarrier.arrive $0xFFFF  }
0x28: {  	s15 =	simm.s32 $0x0;
	s17 =	rddreg [dreg:$0xa]  }
0x29: {  	[tilespmem:s15], [sflag:$0x1] =	stream.linear.gather [hbm4b:s17+s15], $0x60, $0x38;
	[tilespmem:$0x1E9C0] =	vst v63  }
0x2a: {  	s18 =	rddreg [dreg:$0xb]  }
0x2b: {  	[tilespmem:s25], [sflag:$0x1] =	stream.linear.gather [hbm4b:s18+s15], $0x60, $0x38;
	[tilespmem:$0x1E9C0] =	vst v63  }
0x2c: {  	s21 =	simm.s32 $0x1;
	s2 =	simm.s32 $0x180;
	s19 =	rddreg [dreg:$0xc]  }
0x2d: {  	[tilespmem:s2], [sflag:$0x1] =	stream.linear.gather [hbm4b:s19+s15], $0x60, $0x38;
	[tilespmem:$0x1E9C0] =	vst v63  }
0x2e: {  	_ =	swait.ge [sflag:s21], $0x60  }
0x2f: {  	[sflag:s21] =	ssyncset.done $0x0  }
0x30: {  	[sflag:s21] =	ssyncadd.s32 $0xFFFFFFA0  }
0x31: {  	_ =	swait.ge [sflag:s21], $0x60  }
0x32: {  	[sflag:s21] =	ssyncset.done $0x0  }
0x33: {  	[sflag:s21] =	ssyncadd.s32 $0xFFFFFFA0  }
0x34: {  	_ =	swait.ge [sflag:s21], $0x60  }
0x35: {  	[sflag:s21] =	ssyncset.done $0x0  }
0x36: {  	s22 =	simm.s32 $0x240;
	[sflag:s21] =	ssyncadd.s32 $0xFFFFFFA0  }
0x37: {  	[tilespmem:s22], [sflag:$0x3] =	stream.indirect.gather [hbm4b:s9+s29], $0x10, s2, s29, $0xb8;
	[tilespmem:$0x1E9C0] =	vst v63  }
0x38: {  	s23 =	simm.s32 $0xE40  }
0x39: {  	[tilespmem:s23], [sflag:$0x3] =	stream.indirect.gather [hbm4b:s10+s29], $0x10, s15, s29, $0xb8;
	[tilespmem:$0x1E9C0] =	vst v63  }
0x3a: {  	s26 =	simm.s32 $0x1A40;
	s23 =	simm.s32 $0x0  }
0x3b: {  	[tilespmem:s26], [sflag:$0x3] =	stream.indirect.gather [hbm4b:s8+s29], $0x80, s15, s29, $0xb8;
	[tilespmem:$0x1E9C0] =	vst v63  }
.LBB2_2:
0x3c: {  	s4 =	sshll.u32 s23, $0x1;
	s0 =	rddreg [dreg:$0xd]  }
0x3d: {  	s0 =	sadd.s32 s4, s0  }
0x3e: {  	s0 =	smul.u32 $0xC, s0;
	_ =	sdelay $0x1  }
0x3f: {  	s21 =	simm.s32 $0x0;
	s1 =	sadd.s32 s5, s0  }
0x40: {  	[tilespmem:s29], [sflag:$0x2] =	stream.linear.gather [hbm4b:s1+s21], $0x60, $0x38;
	[tilespmem:$0x1E9C0] =	vst v63  }
0x41: {  	s22 =	sadd.s32 s6, s0  }
0x42: {  	[tilespmem:s3], [sflag:$0x2] =	stream.linear.gather [hbm4b:s22+s21], $0x60, $0x38;
	[tilespmem:$0x1E9C0] =	vst v63  }
0x43: {  	s0 =	sadd.s32 s7, s0  }
0x44: {  	[tilespmem:s30], [sflag:$0x2] =	stream.linear.gather [hbm4b:s0+s21], $0x60, $0x38;
	[tilespmem:$0x1E9C0] =	vst v63  }
0x45: {  	_ =	swait.ge [sflag:s31], $0x60  }
0x46: {  	[sflag:s31] =	ssyncset.done $0x0  }
0x47: {  	[sflag:s31] =	ssyncadd.s32 $0xFFFFFFA0  }
0x48: {  	_ =	swait.ge [sflag:s31], $0x60  }
0x49: {  	[sflag:s31] =	ssyncset.done $0x0  }
0x4a: {  	[sflag:s31] =	ssyncadd.s32 $0xFFFFFFA0  }
0x4b: {  	_ =	swait.ge [sflag:s31], $0x60  }
0x4c: {  	[sflag:s31] =	ssyncset.done $0x0  }
0x4d: {  	s26 =	simm.s32 $0x840;
	[sflag:s31] =	ssyncadd.s32 $0xFFFFFFA0  }
0x4e: {  	[tilespmem:s26], [sflag:$0x4] =	stream.indirect.gather [hbm4b:s9+s29], $0x10, s30, s29, $0xb8;
	[tilespmem:$0x1E9C0] =	vst v63  }
0x4f: {  	s19 =	smov.u32 s28;
	s28 =	simm.s32 $0x1440  }
0x50: {  	[tilespmem:s28], [sflag:$0x4] =	stream.indirect.gather [hbm4b:s10+s29], $0x10, s29, s29, $0xb8;
	[tilespmem:$0x1E9C0] =	vst v63  }
0x51: {  	_ = 	snop  }
0x52: {  	[tilespmem:s12], [sflag:$0x4] =	stream.indirect.gather [hbm4b:s8+s29], $0x80, s29, s29, $0xb8;
	[tilespmem:$0x1E9C0] =	vst v63  }
0x53: {  	_ =	swait.ge [sflag:s13], $0x600  }
0x54: {  	[sflag:s13] =	ssyncset.done $0x0  }
0x55: {  	[sflag:s13] =	ssyncadd.s32 $0xFFFFFA00  }
0x56: {  	_ =	swait.ge [sflag:s13], $0x600  }
0x57: {  	[sflag:s13] =	ssyncset.done $0x0  }
0x58: {  	[sflag:s13] =	ssyncadd.s32 $0xFFFFFA00  }
0x59: {  	_ =	swait.ge [sflag:s13], $0x3000  }
0x5a: {  	[sflag:s13] =	ssyncset.done $0x0  }
0x5b: {  	[sflag:s13] =	ssyncadd.s32 $0xFFFFD000  }
.LBB2_3:
0x5c: {  	s0 =	sshll.u32 s21, $0x4  }
0x5d: {  	v0 =	vld [tilespmem:s0+$0x240]  }
0x5e: {  	v1 =	vld [tilespmem:s0+$0xE40];
	_ =	sdelay $0x3  }
0x5f: {  	s14 =	sor.u32 $0x1, s21  }
0x60: {  	s17 =	sshll.u32 s14, $0x4;
	v0 =	vadd.f32 v1, v0  }
0x61: {  	v35 =	vld [tilespmem:s17+$0x240]  }
0x62: {  	v2 =	vld [tilespmem:s17+$0xE40];
	v1 =	vmul.f32 $2.000000030e-01, v0  }
0x63: {  	vm0 =	vgt.f32 v0, $0.0e+00  }
0x64: {  	v0 =	vsel vm0, v0, v1  }
0x65: {  	v0 =	vmul.f32 $1.442695020e+00, v0;
	_ =	sdelay $0x1  }
0x66: {  	s18 =	sor.u32 $0x2, s21;
	v36 =	vadd.f32 v2, v35;
	(erf) = vpow2.f32 v0  }
0x67: {  	s1 =	sshll.u32 s18, $0x4  }
0x68: {  	v37 =	vld [tilespmem:s1+$0x240];
	v1 =	vmul.f32 $2.000000030e-01, v36  }
0x69: {  	s2 =	sshll.u32 s21, $0x7;
	v38 =	vld [tilespmem:s1+$0xE40];
	vm9 =	vgt.f32 v36, $0.0e+00  }
0x6a: {  	s11 =	sand.u32 $0x3FFFFF80, s2;
	s2 =	sor.u32 $0x3, s21;
	v0 =	vsel vm9, v36, v1  }
0x6b: {  	s15 =	sshll.u32 s2, $0x4;
	v0 =	vmul.f32 $1.442695020e+00, v0  }
0x6c: {  	v41 =	vld [tilespmem:s15+$0x240]  }
0x6d: {  	v9 =	vld [tilespmem:s15+$0xE40];
	(erf) = vpow2.f32 v0  }
0x6e: {  	v1 =	vadd.f32 v38, v37  }
0x6f: {  	v3 =	vpop (erf)  }
0x70: {  	v7 =	vmul.f32 $2.000000030e-01, v1;
	[tilespmem:s0+$0x7A40] =	vst v3  }
0x71: {  	vm10 =	vgt.f32 v1, $0.0e+00;
	v39 =	vld [tilespmem:s11+$0x1A40]  }
0x72: {  	v1 =	vsel vm10, v1, v7;
	v7 =	vadd.f32 v9, v41;
	v4 =	vld [tilespmem:s11+$0x1A50]  }
0x73: {  	v1 =	vmul.f32 $1.442695020e+00, v1;
	v5 =	vld [tilespmem:s11+$0x1A60]  }
0x74: {  	v17 =	vmul.f32 $2.000000030e-01, v7;
	v10 =	vbroadcast v3, $0x0;
	v40 =	vld [tilespmem:s11+$0x1A70]  }
0x75: {  	v13 =	vbroadcast v3, $0x1;
	v42 =	vbroadcast v3, $0x2;
	v6 =	vld [tilespmem:s11+$0x1A80]  }
0x76: {  	v44 =	vbroadcast v3, $0x3;
	v8 =	vld [tilespmem:s11+$0x1A90];
	v12 =	vpop (erf);
	v0 =	vmul.f32 v10, v39  }
0x77: {  	s14 =	sshll.u32 s14, $0x7;
	v45 =	vbroadcast v3, $0x4;
	v11 =	vld [tilespmem:s11+$0x1AA0];
	[tilespmem:s17+$0x7A40] =	vst v12;
	v4 =	vmul.f32 v13, v4  }
0x78: {  	s22 =	sand.u32 $0x3FFFFF80, s14;
	v14 =	vld [tilespmem:s11+$0x1AB0];
	(erf) = vpow2.f32 v1;
	v1 =	vmul.f32 v42, v5;
	[tilespmem:s11+$0x1A40] =	vst v0  }
0x79: {  	v46 =	vbroadcast v3, $0x5;
	v43 =	vld [tilespmem:s22+$0x1A40];
	v2 =	vmul.f32 v40, v44;
	[tilespmem:s11+$0x1A50] =	vst v4  }
0x7a: {  	v50 =	vbroadcast v3, $0x6;
	v15 =	vld [tilespmem:s22+$0x1A50];
	v5 =	vmul.f32 v6, v45;
	[tilespmem:s11+$0x1A60] =	vst v1  }
0x7b: {  	v3 =	vbroadcast v3, $0x7;
	v16 =	vld [tilespmem:s22+$0x1A60];
	v49 =	vmul.f32 v8, v46;
	[tilespmem:s11+$0x1A70] =	vst v2  }
0x7c: {  	v52 =	vbroadcast v12, $0x0;
	v47 =	vld [tilespmem:s22+$0x1A70];
	v54 =	vmul.f32 v11, v50;
	[tilespmem:s11+$0x1A80] =	vst v5  }
0x7d: {  	v60 =	vbroadcast v12, $0x1;
	v48 =	vld [tilespmem:s22+$0x1A80];
	v56 =	vmul.f32 v14, v3;
	[tilespmem:s11+$0x1A90] =	vst v49  }
0x7e: {  	v62 =	vbroadcast v12, $0x2;
	v51 =	vld [tilespmem:s22+$0x1A90];
	[tilespmem:s11+$0x1AA0] =	vst v54;
	v57 =	vmul.f32 v52, v43  }
0x7f: {  	v63 =	vbroadcast v12, $0x3;
	v58 =	vld [tilespmem:s22+$0x1AA0];
	[tilespmem:s11+$0x1AB0] =	vst v56;
	v21 =	vmul.f32 v60, v15  }
0x80: {  	s0 =	sor.u32 $0x4, s21;
	v22 =	vbroadcast v12, $0x4;
	v61 =	vld [tilespmem:s22+$0x1AB0];
	v24 =	vmul.f32 v62, v16;
	[tilespmem:s22+$0x1A40] =	vst v57  }
0x81: {  	s26 =	sshll.u32 s0, $0x4;
	v28 =	vbroadcast v12, $0x5;
	v25 =	vmul.f32 v47, v63;
	[tilespmem:s22+$0x1A50] =	vst v21  }
0x82: {  	vm11 =	vgt.f32 v7, $0.0e+00;
	v53 =	vld [tilespmem:s26+$0x240];
	v30 =	vbroadcast v12, $0x6;
	v27 =	vmul.f32 v48, v22;
	[tilespmem:s22+$0x1A60] =	vst v24  }
0x83: {  	s18 =	sshll.u32 s18, $0x7;
	v7 =	vsel vm11, v7, v17;
	v55 =	vld [tilespmem:s26+$0xE40];
	v34 =	vbroadcast v12, $0x7;
	v33 =	vmul.f32 v51, v28;
	[tilespmem:s22+$0x1A70] =	vst v25  }
0x84: {  	s28 =	sand.u32 $0x3FFFFF80, s18;
	s18 =	sor.u32 $0x5, s21;
	v7 =	vmul.f32 $1.442695020e+00, v7;
	v36 =	vmul.f32 v58, v30;
	[tilespmem:s22+$0x1A80] =	vst v27  }
0x85: {  	s11 =	sshll.u32 s18, $0x4;
	v40 =	vmul.f32 v61, v34;
	[tilespmem:s22+$0x1A90] =	vst v33  }
0x86: {  	s17 =	sor.u32 $0x6, s21;
	v39 =	vld [tilespmem:s11+$0x240];
	v59 =	vpop (erf);
	(erf) = vpow2.f32 v7;
	[tilespmem:s22+$0x1AA0] =	vst v36  }
0x87: {  	v41 =	vld [tilespmem:s11+$0xE40];
	[tilespmem:s22+$0x1AB0] =	vst v40;
	s22 =	sshll.u32 s17, $0x4  }
0x88: {  	v8 =	vadd.f32 v55, v53;
	v60 =	vld [tilespmem:s22+$0x240]  }
0x89: {  	[tilespmem:s1+$0x7A40] =	vst v59;
	v62 =	vld [tilespmem:s22+$0xE40]  }
0x8a: {  	v32 =	vmul.f32 $2.000000030e-01, v8;
	v18 =	vld [tilespmem:s28+$0x1A40]  }
0x8b: {  	vm12 =	vgt.f32 v8, $0.0e+00;
	v23 =	vld [tilespmem:s28+$0x1A50]  }
0x8c: {  	v38 =	vsel vm12, v8, v32;
	v37 =	vbroadcast v59, $0x0;
	v26 =	vld [tilespmem:s28+$0x1A60]  }
0x8d: {  	v4 =	vmul.f32 $1.442695020e+00, v38;
	v43 =	vbroadcast v59, $0x1;
	v29 =	vld [tilespmem:s28+$0x1A70]  }
0x8e: {  	v46 =	vbroadcast v59, $0x2;
	v48 =	vbroadcast v59, $0x3;
	v35 =	vld [tilespmem:s28+$0x1A90]  }
0x8f: {  	v49 =	vbroadcast v59, $0x4;
	v44 =	vld [tilespmem:s28+$0x1AA0];
	v45 =	vpop (erf);
	(erf) = vpow2.f32 v4  }
0x90: {  	s2 =	sshll.u32 s2, $0x7;
	v55 =	vbroadcast v59, $0x5;
	v56 =	vbroadcast v59, $0x6;
	v47 =	vld [tilespmem:s28+$0x1AB0];
	v6 =	vadd.f32 v41, v39  }
0x91: {  	s2 =	sand.u32 $0x3FFFFF80, s2;
	v58 =	vbroadcast v59, $0x7;
	v31 =	vld [tilespmem:s28+$0x1A80];
	v42 =	vmul.f32 v37, v18;
	[tilespmem:s15+$0x7A40] =	vst v45  }
0x92: {  	v59 =	vmul.f32 $2.000000030e-01, v6;
	v51 =	vmul.f32 v43, v23;
	v50 =	vld [tilespmem:s2+$0x1A40]  }
0x93: {  	v52 =	vmul.f32 v46, v26;
	v0 =	vmul.f32 v29, v48;
	[tilespmem:s28+$0x1A40] =	vst v42;
	v53 =	vld [tilespmem:s2+$0x1A50]  }
0x94: {  	vm13 =	vgt.f32 v6, $0.0e+00;
	v2 =	vmul.f32 v35, v55;
	v61 =	vmul.f32 v44, v56;
	[tilespmem:s28+$0x1A50] =	vst v51;
	v54 =	vld [tilespmem:s2+$0x1A60]  }
0x95: {  	v63 =	vmul.f32 v47, v58;
	v6 =	vsel vm13, v6, v59;
	v29 =	vadd.f32 v62, v60;
	[tilespmem:s28+$0x1A60] =	vst v52;
	v57 =	vld [tilespmem:s2+$0x1A70]  }
0x96: {  	v6 =	vmul.f32 $1.442695020e+00, v6;
	v4 =	vmul.f32 v31, v49;
	[tilespmem:s28+$0x1A70] =	vst v0;
	v20 =	vld [tilespmem:s2+$0x1A80]  }
0x97: {  	[tilespmem:s28+$0x1A90] =	vst v2;
	v35 =	vmul.f32 $2.000000030e-01, v29;
	v19 =	vbroadcast v45, $0x0;
	v22 =	vld [tilespmem:s2+$0x1A90]  }
0x98: {  	s14 =	sshll.u32 s0, $0x7;
	[tilespmem:s28+$0x1AA0] =	vst v61;
	v21 =	vbroadcast v45, $0x1;
	v23 =	vbroadcast v45, $0x2;
	v24 =	vld [tilespmem:s2+$0x1AA0];
	v25 =	vpop (erf)  }
0x99: {  	s14 =	sand.u32 $0x3FFFFF80, s14;
	(erf) = vpow2.f32 v6;
	v27 =	vbroadcast v45, $0x3;
	v26 =	vld [tilespmem:s2+$0x1AB0];
	[tilespmem:s26+$0x7A40] =	vst v25  }
0x9a: {  	[tilespmem:s28+$0x1AB0] =	vst v63;
	v30 =	vbroadcast v45, $0x4;
	v1 =	vmul.f32 v19, v50;
	v28 =	vld [tilespmem:s14+$0x1A40]  }
0x9b: {  	v31 =	vbroadcast v45, $0x5;
	[tilespmem:s28+$0x1A80] =	vst v4;
	v4 =	vmul.f32 v21, v53;
	v32 =	vld [tilespmem:s14+$0x1A50]  }
0x9c: {  	vm14 =	vgt.f32 v29, $0.0e+00;
	v38 =	vbroadcast v45, $0x6;
	v2 =	vmul.f32 v23, v54;
	[tilespmem:s2+$0x1A40] =	vst v1;
	v34 =	vld [tilespmem:s14+$0x1A60]  }
0x9d: {  	v39 =	vbroadcast v45, $0x7;
	v6 =	vsel vm14, v29, v35;
	v33 =	vmul.f32 v57, v27;
	[tilespmem:s2+$0x1A50] =	vst v4;
	v37 =	vld [tilespmem:s14+$0x1A70]  }
0x9e: {  	v6 =	vmul.f32 $1.442695020e+00, v6;
	v0 =	vmul.f32 v20, v30;
	[tilespmem:s2+$0x1A60] =	vst v2;
	s26 =	sor.u32 $0x7, s21;
	v40 =	vld [tilespmem:s14+$0x1A80]  }
0x9f: {  	v36 =	vmul.f32 v22, v31;
	v43 =	vmul.f32 v24, v38;
	[tilespmem:s2+$0x1A70] =	vst v33;
	s28 =	sshll.u32 s26, $0x4;
	v46 =	vld [tilespmem:s14+$0x1A90]  }
0xa0: {  	v44 =	vmul.f32 v26, v39;
	[tilespmem:s2+$0x1A80] =	vst v0;
	(erf) = vpow2.f32 v6;
	v42 =	vld [tilespmem:s28+$0x240]  }
0xa1: {  	[tilespmem:s2+$0x1A90] =	vst v36;
	v41 =	vbroadcast v25, $0x0;
	v48 =	vbroadcast v25, $0x1;
	v45 =	vld [tilespmem:s28+$0xE40]  }
0xa2: {  	s18 =	sshll.u32 s18, $0x7;
	[tilespmem:s2+$0x1AA0] =	vst v43;
	v47 =	vpop (erf);
	v49 =	vbroadcast v25, $0x2;
	v51 =	vbroadcast v25, $0x3;
	v50 =	vld [tilespmem:s14+$0x1AA0]  }
0xa3: {  	s18 =	sand.u32 $0x3FFFFF80, s18;
	v52 =	vbroadcast v25, $0x4;
	v53 =	vld [tilespmem:s14+$0x1AB0];
	[tilespmem:s11+$0x7A40] =	vst v47;
	v1 =	vmul.f32 v41, v28  }
0xa4: {  	[tilespmem:s2+$0x1AB0] =	vst v44;
	v59 =	vbroadcast v25, $0x5;
	v55 =	vld [tilespmem:s18+$0x1A40];
	v0 =	vmul.f32 v48, v32  }
0xa5: {  	v60 =	vbroadcast v25, $0x6;
	v58 =	vld [tilespmem:s18+$0x1A50];
	v54 =	vmul.f32 v49, v34;
	[tilespmem:s14+$0x1A40] =	vst v1  }
0xa6: {  	v62 =	vbroadcast v25, $0x7;
	v61 =	vld [tilespmem:s18+$0x1A60];
	v56 =	vmul.f32 v37, v51;
	v7 =	vadd.f32 v45, v42;
	[tilespmem:s14+$0x1A50] =	vst v0  }
0xa7: {  	v18 =	vbroadcast v47, $0x0;
	v63 =	vld [tilespmem:s18+$0x1A70];
	v57 =	vmul.f32 v40, v52;
	[tilespmem:s14+$0x1A60] =	vst v54  }
0xa8: {  	v19 =	vld [tilespmem:s18+$0x1A80];
	v20 =	vmul.f32 v50, v60;
	[tilespmem:s14+$0x1A70] =	vst v56;
	v17 =	vmul.f32 $2.000000030e-01, v7  }
0xa9: {  	v25 =	vbroadcast v47, $0x1;
	v26 =	vbroadcast v47, $0x2;
	v21 =	vld [tilespmem:s18+$0x1A90];
	[tilespmem:s14+$0x1A80] =	vst v57;
	vm15 =	vgt.f32 v7, $0.0e+00  }
0xaa: {  	s11 =	sshll.u32 s17, $0x7;
	v31 =	vbroadcast v47, $0x4;
	v23 =	vld [tilespmem:s18+$0x1AA0];
	v2 =	vmul.f32 v53, v62;
	v24 =	vpop (erf);
	[tilespmem:s14+$0x1AA0] =	vst v20;
	v7 =	vsel vm15, v7, v17  }
0xab: {  	v27 =	vld [tilespmem:s18+$0x1AB0];
	s15 =	sand.u32 $0x3FFFFF80, s11;
	v22 =	vmul.f32 v18, v55;
	[tilespmem:s22+$0x7A40] =	vst v24;
	v7 =	vmul.f32 $1.442695020e+00, v7  }
0xac: {  	v36 =	vbroadcast v47, $0x5;
	v0 =	vmul.f32 v46, v59;
	[tilespmem:s14+$0x1AB0] =	vst v2;
	v29 =	vld [tilespmem:s15+$0x1A40]  }
0xad: {  	v30 =	vmul.f32 v25, v58;
	[tilespmem:s18+$0x1A40] =	vst v22;
	v32 =	vld [tilespmem:s15+$0x1A50];
	(erf) = vpow2.f32 v7  }
0xae: {  	v5 =	vbroadcast v47, $0x7;
	v33 =	vmul.f32 v26, v61;
	[tilespmem:s14+$0x1A90] =	vst v0;
	v34 =	vld [tilespmem:s15+$0x1A60];
	s14 =	sor.u32 $0x8, s21  }
0xaf: {  	v28 =	vbroadcast v47, $0x3;
	v35 =	vmul.f32 v19, v31;
	[tilespmem:s18+$0x1A50] =	vst v30;
	v37 =	vld [tilespmem:s15+$0x1A70];
	s17 =	sshll.u32 s14, $0x4  }
0xb0: {  	v38 =	vbroadcast v47, $0x6;
	v4 =	vmul.f32 v21, v36;
	[tilespmem:s18+$0x1A60] =	vst v33;
	v39 =	vld [tilespmem:s17+$0x240]  }
0xb1: {  	v42 =	vmul.f32 v27, v5;
	v6 =	vmul.f32 v63, v28;
	[tilespmem:s18+$0x1A80] =	vst v35;
	v41 =	vld [tilespmem:s17+$0xE40]  }
0xb2: {  	v40 =	vbroadcast v24, $0x0;
	[tilespmem:s18+$0x1A90] =	vst v4;
	v45 =	vbroadcast v24, $0x1;
	v43 =	vld [tilespmem:s15+$0x1A80]  }
0xb3: {  	v46 =	vbroadcast v24, $0x2;
	[tilespmem:s18+$0x1AB0] =	vst v42;
	v0 =	vmul.f32 v23, v38;
	v48 =	vld [tilespmem:s15+$0x1A90]  }
0xb4: {  	v47 =	vbroadcast v24, $0x3;
	[tilespmem:s18+$0x1A70] =	vst v6;
	v51 =	vld [tilespmem:s15+$0x1AA0];
	v44 =	vmul.f32 v40, v29  }
0xb5: {  	v50 =	vbroadcast v24, $0x4;
	v54 =	vbroadcast v24, $0x5;
	v53 =	vld [tilespmem:s15+$0x1AB0];
	[tilespmem:s18+$0x1AA0] =	vst v0  }
0xb6: {  	s0 =	sshll.u32 s26, $0x7;
	v56 =	vbroadcast v24, $0x6;
	v49 =	vmul.f32 v45, v32;
	v9 =	vadd.f32 v41, v39;
	[tilespmem:s15+$0x1A40] =	vst v44;
	v52 =	vpop (erf)  }
0xb7: {  	s0 =	sand.u32 $0x3FFFFF80, s0;
	v3 =	vbroadcast v24, $0x7;
	v0 =	vmul.f32 v46, v34;
	[tilespmem:s28+$0x7A40] =	vst v52  }
0xb8: {  	v6 =	vmul.f32 v37, v47;
	[tilespmem:s15+$0x1A50] =	vst v49;
	v57 =	vmul.f32 $2.000000030e-01, v9;
	v55 =	vld [tilespmem:s0+$0x1A40]  }
0xb9: {  	v2 =	vmul.f32 v43, v50;
	v58 =	vmul.f32 v48, v54;
	[tilespmem:s15+$0x1A60] =	vst v0;
	vm4 =	vgt.f32 v9, $0.0e+00;
	v59 =	vld [tilespmem:s0+$0x1A50]  }
0xba: {  	v1 =	vmul.f32 v51, v56;
	v62 =	vmul.f32 v53, v3;
	[tilespmem:s15+$0x1A70] =	vst v6;
	v9 =	vsel vm4, v9, v57;
	v61 =	vld [tilespmem:s0+$0x1A60]  }
0xbb: {  	[tilespmem:s15+$0x1A80] =	vst v2;
	v12 =	vmul.f32 $1.442695020e+00, v9;
	v60 =	vbroadcast v52, $0x0;
	v63 =	vld [tilespmem:s0+$0x1A70]  }
0xbc: {  	[tilespmem:s15+$0x1A90] =	vst v58;
	v15 =	vbroadcast v52, $0x1;
	v17 =	vbroadcast v52, $0x2;
	v16 =	vld [tilespmem:s0+$0x1A80]  }
0xbd: {  	[tilespmem:s15+$0x1AA0] =	vst v1;
	(erf) = vpow2.f32 v12;
	v18 =	vld [tilespmem:s0+$0x1A90];
	v14 =	vmul.f32 v60, v55  }
0xbe: {  	[tilespmem:s15+$0x1AB0] =	vst v62;
	v20 =	vbroadcast v52, $0x3;
	v21 =	vld [tilespmem:s0+$0x1AA0];
	v19 =	vmul.f32 v15, v59  }
0xbf: {  	v23 =	vbroadcast v52, $0x4;
	v24 =	vld [tilespmem:s0+$0x1AB0];
	v22 =	vmul.f32 v17, v61;
	[tilespmem:s0+$0x1A40] =	vst v14  }
0xc0: {  	v26 =	vbroadcast v52, $0x5;
	v25 =	vmul.f32 v63, v20;
	[tilespmem:s0+$0x1A50] =	vst v19  }
0xc1: {  	v28 =	vbroadcast v52, $0x6;
	v27 =	vmul.f32 v16, v23;
	[tilespmem:s0+$0x1A60] =	vst v22  }
0xc2: {  	v30 =	vbroadcast v52, $0x7;
	v29 =	vmul.f32 v18, v26;
	[tilespmem:s0+$0x1A70] =	vst v25  }
0xc3: {  	v31 =	vmul.f32 v21, v28;
	[tilespmem:s0+$0x1A80] =	vst v27  }
0xc4: {  	v32 =	vmul.f32 v24, v30;
	[tilespmem:s0+$0x1A90] =	vst v29  }
0xc5: {  	[tilespmem:s0+$0x1AA0] =	vst v31  }
0xc6: {  	s18 =	sor.u32 $0x9, s21;
	[tilespmem:s0+$0x1AB0] =	vst v32;
	v33 =	vpop (erf)  }
0xc7: {  	s28 =	sshll.u32 s18, $0x4;
	[tilespmem:s17+$0x7A40] =	vst v33  }
0xc8: {  	v37 =	vld [tilespmem:s28+$0x240]  }
0xc9: {  	v38 =	vld [tilespmem:s28+$0xE40];
	_ =	sdelay $0x4  }
0xca: {  	v1 =	vadd.f32 v38, v37;
	_ =	sdelay $0x1  }
0xcb: {  	s11 =	sor.u32 $0xA, s21;
	v2 =	vmul.f32 $2.000000030e-01, v1  }
0xcc: {  	s22 =	sshll.u32 s11, $0x4;
	vm5 =	vgt.f32 v1, $0.0e+00  }
0xcd: {  	s2 =	sshll.u32 s14, $0x7;
	v39 =	vld [tilespmem:s22+$0x240];
	v1 =	vsel vm5, v1, v2  }
0xce: {  	s26 =	sand.u32 $0x3FFFFF80, s2;
	v40 =	vld [tilespmem:s22+$0xE40];
	v1 =	vmul.f32 $1.442695020e+00, v1  }
0xcf: {  	v41 =	vld [tilespmem:s26+$0x1A40]  }
0xd0: {  	v42 =	vld [tilespmem:s26+$0x1A50];
	(erf) = vpow2.f32 v1  }
0xd1: {  	v43 =	vld [tilespmem:s26+$0x1A60]  }
0xd2: {  	v44 =	vld [tilespmem:s26+$0x1A70]  }
0xd3: {  	v45 =	vld [tilespmem:s26+$0x1A80];
	v2 =	vadd.f32 v40, v39  }
0xd4: {  	v47 =	vld [tilespmem:s26+$0x1A90]  }
0xd5: {  	s17 =	sor.u32 $0xB, s21;
	v50 =	vld [tilespmem:s26+$0x1AA0];
	v46 =	vmul.f32 $2.000000030e-01, v2  }
0xd6: {  	s0 =	sshll.u32 s18, $0x7;
	s15 =	sshll.u32 s17, $0x4;
	v51 =	vld [tilespmem:s26+$0x1AB0];
	vm6 =	vgt.f32 v2, $0.0e+00  }
0xd7: {  	s2 =	sshll.u32 s11, $0x7;
	s18 =	sand.u32 $0x3FFFFF80, s0;
	s0 =	sor.u32 $0xD, s21;
	v61 =	vbroadcast v33, $0x1;
	v48 =	vld [tilespmem:s15+$0x240];
	v2 =	vsel vm6, v2, v46  }
0xd8: {  	s14 =	sand.u32 $0x3FFFFF80, s2;
	s2 =	sshll.u32 s0, $0x4;
	v49 =	vld [tilespmem:s15+$0xE40];
	v2 =	vmul.f32 $1.442695020e+00, v2  }
0xd9: {  	v4 =	vmul.f32 v61, v42;
	v42 =	vld [tilespmem:s2+$0xE40];
	v11 =	vpop (erf)  }
0xda: {  	v40 =	vld [tilespmem:s2+$0x240];
	(erf) = vpow2.f32 v2;
	[tilespmem:s28+$0x7A40] =	vst v11  }
0xdb: {  	v52 =	vld [tilespmem:s18+$0x1A40]  }
0xdc: {  	v53 =	vld [tilespmem:s18+$0x1A50]  }
0xdd: {  	v59 =	vbroadcast v33, $0x0;
	v22 =	vbroadcast v33, $0x2;
	v7 =	vadd.f32 v49, v48;
	v54 =	vld [tilespmem:s18+$0x1A60]  }
0xde: {  	v62 =	vbroadcast v33, $0x3;
	v34 =	vbroadcast v33, $0x4;
	v55 =	vld [tilespmem:s18+$0x1A70]  }
0xdf: {  	s1 =	sor.u32 $0xC, s21;
	v35 =	vbroadcast v33, $0x5;
	v57 =	vmul.f32 $2.000000030e-01, v7;
	v56 =	vld [tilespmem:s18+$0x1A80]  }
0xe0: {  	v36 =	vbroadcast v33, $0x6;
	v0 =	vbroadcast v33, $0x7;
	vm7 =	vgt.f32 v7, $0.0e+00;
	s28 =	sshll.u32 s1, $0x4;
	v58 =	vld [tilespmem:s18+$0x1A90]  }
0xe1: {  	v5 =	vmul.f32 v22, v43;
	v3 =	vmul.f32 v44, v62;
	v7 =	vsel vm7, v7, v57;
	v60 =	vld [tilespmem:s28+$0x240]  }
0xe2: {  	v6 =	vmul.f32 v45, v34;
	v7 =	vmul.f32 $1.442695020e+00, v7;
	v19 =	vld [tilespmem:s28+$0xE40]  }
0xe3: {  	v10 =	vmul.f32 v50, v36;
	v0 =	vmul.f32 v51, v0;
	[tilespmem:s26+$0x1A50] =	vst v4;
	v20 =	vld [tilespmem:s18+$0x1AA0];
	v21 =	vpop (erf)  }
0xe4: {  	v1 =	vmul.f32 v59, v41;
	v23 =	vld [tilespmem:s18+$0x1AB0];
	(erf) = vpow2.f32 v7;
	[tilespmem:s22+$0x7A40] =	vst v21  }
0xe5: {  	[tilespmem:s26+$0x1A60] =	vst v5;
	v27 =	vbroadcast v11, $0x0;
	v28 =	vbroadcast v11, $0x1;
	v63 =	vld [tilespmem:s14+$0x1A40]  }
0xe6: {  	[tilespmem:s26+$0x1A70] =	vst v3;
	v29 =	vbroadcast v11, $0x2;
	v44 =	vbroadcast v11, $0x3;
	v24 =	vld [tilespmem:s14+$0x1A50]  }
0xe7: {  	[tilespmem:s26+$0x1A80] =	vst v6;
	v31 =	vbroadcast v11, $0x4;
	v45 =	vbroadcast v11, $0x5;
	v16 =	vadd.f32 v19, v60;
	v25 =	vld [tilespmem:s14+$0x1A60]  }
0xe8: {  	[tilespmem:s26+$0x1AA0] =	vst v10;
	v50 =	vbroadcast v11, $0x6;
	v51 =	vbroadcast v11, $0x7;
	v37 =	vld [tilespmem:s14+$0x1A70]  }
0xe9: {  	[tilespmem:s26+$0x1AB0] =	vst v0;
	v2 =	vmul.f32 v27, v52;
	v26 =	vmul.f32 $2.000000030e-01, v16;
	v38 =	vld [tilespmem:s14+$0x1A80]  }
0xea: {  	s11 =	sshll.u32 s17, $0x7;
	[tilespmem:s26+$0x1A40] =	vst v1;
	v13 =	vmul.f32 v28, v53;
	v14 =	vmul.f32 v29, v54;
	vm8 =	vgt.f32 v16, $0.0e+00;
	v39 =	vld [tilespmem:s14+$0x1A90]  }
0xeb: {  	v46 =	vmul.f32 v55, v44;
	v49 =	vmul.f32 v58, v45;
	[tilespmem:s18+$0x1A40] =	vst v2;
	s22 =	sand.u32 $0x3FFFFF80, s11;
	s11 =	sor.u32 $0xE, s21;
	v16 =	vsel vm8, v16, v26;
	v43 =	vld [tilespmem:s14+$0x1AA0]  }
0xec: {  	v52 =	vmul.f32 v20, v50;
	[tilespmem:s18+$0x1A50] =	vst v13;
	v30 =	vld [tilespmem:s14+$0x1AB0];
	s17 =	sshll.u32 s11, $0x4;
	v41 =	vmul.f32 $1.442695020e+00, v16  }
0xed: {  	v5 =	vmul.f32 v23, v51;
	v7 =	vmul.f32 v47, v35;
	[tilespmem:s18+$0x1A60] =	vst v14;
	v55 =	vld [tilespmem:s17+$0x240];
	v28 =	vpop (erf)  }
0xee: {  	v48 =	vadd.f32 v42, v40;
	v47 =	vmul.f32 v56, v31;
	v57 =	vld [tilespmem:s17+$0xE40];
	(erf) = vpow2.f32 v41;
	[tilespmem:s15+$0x7A40] =	vst v28  }
0xef: {  	[tilespmem:s18+$0x1A70] =	vst v46;
	v53 =	vbroadcast v21, $0x0;
	v54 =	vbroadcast v21, $0x1;
	v32 =	vld [tilespmem:s22+$0x1A40]  }
0xf0: {  	[tilespmem:s18+$0x1A90] =	vst v49;
	v58 =	vbroadcast v21, $0x2;
	v26 =	vmul.f32 $2.000000030e-01, v48;
	v33 =	vld [tilespmem:s22+$0x1A50]  }
0xf1: {  	vm9 =	vgt.f32 v48, $0.0e+00;
	[tilespmem:s18+$0x1AA0] =	vst v52;
	v60 =	vbroadcast v21, $0x3;
	v62 =	vbroadcast v21, $0x4;
	v31 =	vld [tilespmem:s22+$0x1A60]  }
0xf2: {  	[tilespmem:s18+$0x1AB0] =	vst v5;
	v34 =	vbroadcast v21, $0x5;
	v36 =	vbroadcast v21, $0x6;
	v15 =	vsel vm9, v48, v26;
	v17 =	vld [tilespmem:s22+$0x1A70]  }
0xf3: {  	[tilespmem:s26+$0x1A90] =	vst v7;
	v15 =	vmul.f32 $1.442695020e+00, v15;
	v56 =	vmul.f32 v53, v63;
	v11 =	vld [tilespmem:s22+$0x1A80]  }
0xf4: {  	s26 =	sor.u32 $0xF, s21;
	[tilespmem:s18+$0x1A80] =	vst v47;
	v6 =	vmul.f32 v54, v24;
	v61 =	vmul.f32 v58, v25;
	v20 =	vld [tilespmem:s22+$0x1A90]  }
0xf5: {  	v8 =	vmul.f32 v38, v62;
	v38 =	vbroadcast v21, $0x7;
	[tilespmem:s14+$0x1A40] =	vst v56;
	s15 =	sshll.u32 s1, $0x7;
	s1 =	sshll.u32 s26, $0x4;
	v59 =	vld [tilespmem:s22+$0x1AA0]  }
0xf6: {  	v63 =	vmul.f32 v37, v60;
	v37 =	vmul.f32 v39, v34;
	v16 =	vadd.f32 v57, v55;
	[tilespmem:s14+$0x1A50] =	vst v6;
	v45 =	vld [tilespmem:s1+$0x240]  }
0xf7: {  	v39 =	vmul.f32 v43, v36;
	v41 =	vmul.f32 v30, v38;
	[tilespmem:s14+$0x1A60] =	vst v61;
	v47 =	vld [tilespmem:s1+$0xE40];
	v24 =	vpop (erf)  }
0xf8: {  	v40 =	vmul.f32 $2.000000030e-01, v16;
	(erf) = vpow2.f32 v15;
	v15 =	vld [tilespmem:s22+$0x1AB0];
	[tilespmem:s28+$0x7A40] =	vst v24;
	s28 =	sand.u32 $0x3FFFFF80, s15  }
0xf9: {  	[tilespmem:s14+$0x1A70] =	vst v63;
	v42 =	vbroadcast v28, $0x0;
	v43 =	vbroadcast v28, $0x1;
	v25 =	vld [tilespmem:s28+$0x1A40]  }
0xfa: {  	[tilespmem:s14+$0x1A80] =	vst v8;
	v44 =	vbroadcast v28, $0x2;
	v50 =	vbroadcast v28, $0x3;
	v35 =	vld [tilespmem:s28+$0x1A50]  }
0xfb: {  	[tilespmem:s14+$0x1A90] =	vst v37;
	v51 =	vbroadcast v28, $0x4;
	v52 =	vbroadcast v28, $0x5;
	v13 =	vld [tilespmem:s28+$0x1A60]  }
0xfc: {  	[tilespmem:s14+$0x1AA0] =	vst v39;
	vm10 =	vgt.f32 v16, $0.0e+00;
	v55 =	vbroadcast v28, $0x6;
	v46 =	vmul.f32 v42, v32;
	v21 =	vld [tilespmem:s28+$0x1A70]  }
0xfd: {  	v60 =	vbroadcast v28, $0x7;
	[tilespmem:s14+$0x1AB0] =	vst v41;
	v16 =	vsel vm10, v16, v40;
	v4 =	vmul.f32 v43, v33;
	v10 =	vld [tilespmem:s28+$0x1A80]  }
0xfe: {  	v16 =	vmul.f32 $1.442695020e+00, v16;
	v48 =	vmul.f32 v44, v31;
	[tilespmem:s22+$0x1A40] =	vst v46;
	v23 =	vld [tilespmem:s28+$0x1A90]  }
0xff: {  	s0 =	sshll.u32 s0, $0x7;
	v54 =	vmul.f32 v17, v50;
	v56 =	vmul.f32 v11, v51;
	v58 =	vadd.f32 v47, v45;
	[tilespmem:s22+$0x1A50] =	vst v4;
	s15 =	sor.u32 $0x10, s21;
	v49 =	vld [tilespmem:s28+$0x1AA0]  }
0x100: {  	s18 =	sand.u32 $0x3FFFFF80, s0;
	v57 =	vmul.f32 v20, v52;
	v59 =	vmul.f32 v59, v55;
	[tilespmem:s22+$0x1A60] =	vst v48;
	v30 =	vld [tilespmem:s28+$0x1AB0];
	s0 =	sshll.u32 s15, $0x4  }
0x101: {  	v62 =	vmul.f32 $2.000000030e-01, v58;
	[tilespmem:s22+$0x1A70] =	vst v54;
	v61 =	vbroadcast v24, $0x0;
	v34 =	vld [tilespmem:s0+$0x240];
	v27 =	vpop (erf)  }
0x102: {  	v28 =	vbroadcast v24, $0x1;
	v37 =	vld [tilespmem:s0+$0xE40];
	(erf) = vpow2.f32 v16;
	[tilespmem:s2+$0x7A40] =	vst v27  }
0x103: {  	[tilespmem:s22+$0x1A80] =	vst v56;
	v33 =	vbroadcast v24, $0x2;
	v39 =	vbroadcast v24, $0x3;
	v53 =	vld [tilespmem:s18+$0x1A40]  }
0x104: {  	[tilespmem:s22+$0x1A90] =	vst v57;
	v41 =	vbroadcast v24, $0x4;
	v63 =	vmul.f32 v15, v60;
	v29 =	vld [tilespmem:s18+$0x1A50]  }
0x105: {  	[tilespmem:s22+$0x1AA0] =	vst v59;
	v44 =	vbroadcast v24, $0x5;
	v32 =	vmul.f32 v61, v25;
	v11 =	vld [tilespmem:s18+$0x1A60]  }
0x106: {  	v46 =	vbroadcast v24, $0x6;
	v35 =	vmul.f32 v28, v35;
	[tilespmem:s22+$0x1AB0] =	vst v63;
	v18 =	vld [tilespmem:s18+$0x1A70]  }
0x107: {  	v48 =	vbroadcast v24, $0x7;
	v38 =	vmul.f32 v33, v13;
	[tilespmem:s28+$0x1A40] =	vst v32;
	v19 =	vld [tilespmem:s18+$0x1A80]  }
0x108: {  	vm11 =	vgt.f32 v58, $0.0e+00;
	v43 =	vmul.f32 v21, v39;
	v45 =	vmul.f32 v10, v41;
	[tilespmem:s28+$0x1A50] =	vst v35;
	v17 =	vld [tilespmem:s18+$0x1A90]  }
0x109: {  	s14 =	sshll.u32 s11, $0x7;
	s11 =	sor.u32 $0x11, s21;
	v47 =	vmul.f32 v23, v44;
	v49 =	vmul.f32 v49, v46;
	v16 =	vsel vm11, v58, v62;
	[tilespmem:s28+$0x1A60] =	vst v38;
	v40 =	vld [tilespmem:s18+$0x1AA0]  }
0x10a: {  	v51 =	vmul.f32 v30, v48;
	[tilespmem:s28+$0x1A70] =	vst v43;
	v36 =	vmul.f32 $1.442695020e+00, v16;
	s2 =	sshll.u32 s11, $0x4;
	v42 =	vld [tilespmem:s18+$0x1AB0]  }
0x10b: {  	[tilespmem:s28+$0x1A80] =	vst v45;
	v16 =	vadd.f32 v37, v34;
	v50 =	vbroadcast v27, $0x0;
	v54 =	vbroadcast v27, $0x2;
	v56 =	vld [tilespmem:s2+$0x240];
	v22 =	vpop (erf)  }
0x10c: {  	s14 =	sand.u32 $0x3FFFFF80, s14;
	v55 =	vbroadcast v27, $0x3;
	v59 =	vld [tilespmem:s2+$0xE40];
	(erf) = vpow2.f32 v36;
	[tilespmem:s17+$0x7A40] =	vst v22  }
0x10d: {  	[tilespmem:s28+$0x1A90] =	vst v47;
	v63 =	vbroadcast v27, $0x4;
	v20 =	vmul.f32 $2.000000030e-01, v16;
	v21 =	vld [tilespmem:s14+$0x1A40]  }
0x10e: {  	[tilespmem:s28+$0x1AA0] =	vst v49;
	v32 =	vbroadcast v27, $0x5;
	vm12 =	vgt.f32 v16, $0.0e+00;
	v52 =	vmul.f32 v50, v53;
	v25 =	vld [tilespmem:s14+$0x1A50]  }
0x10f: {  	[tilespmem:s28+$0x1AB0] =	vst v51;
	v33 =	vbroadcast v27, $0x6;
	v16 =	vsel vm12, v16, v20;
	v60 =	vmul.f32 v54, v11;
	v23 =	vld [tilespmem:s14+$0x1A60]  }
0x110: {  	v58 =	vmul.f32 $1.442695020e+00, v16;
	v61 =	vmul.f32 v18, v55;
	[tilespmem:s18+$0x1A40] =	vst v52;
	v12 =	vld [tilespmem:s14+$0x1A70]  }
0x111: {  	v53 =	vbroadcast v27, $0x1;
	v35 =	vmul.f32 v19, v63;
	[tilespmem:s18+$0x1A60] =	vst v60;
	v8 =	vld [tilespmem:s14+$0x1A80]  }
0x112: {  	s26 =	sshll.u32 s26, $0x7;
	v3 =	vmul.f32 v17, v32;
	v38 =	vmul.f32 v40, v33;
	v40 =	vadd.f32 v59, v56;
	[tilespmem:s18+$0x1A70] =	vst v61;
	v24 =	vld [tilespmem:s14+$0x1A90]  }
0x113: {  	s22 =	sand.u32 $0x3FFFFF80, s26;
	s26 =	sor.u32 $0x12, s21;
	v57 =	vmul.f32 v53, v29;
	v36 =	vbroadcast v27, $0x7;
	[tilespmem:s18+$0x1A80] =	vst v35;
	v62 =	vld [tilespmem:s14+$0x1AA0]  }
0x114: {  	v46 =	vmul.f32 $2.000000030e-01, v40;
	[tilespmem:s18+$0x1A90] =	vst v3;
	v44 =	vbroadcast v22, $0x1;
	s17 =	sshll.u32 s26, $0x4;
	v28 =	vld [tilespmem:s14+$0x1AB0]  }
0x115: {  	[tilespmem:s18+$0x1AA0] =	vst v38;
	v41 =	vmul.f32 v42, v36;
	v42 =	vbroadcast v22, $0x0;
	v50 =	vld [tilespmem:s17+$0x240];
	v18 =	vpop (erf)  }
0x116: {  	v48 =	vbroadcast v22, $0x2;
	v52 =	vld [tilespmem:s17+$0xE40];
	(erf) = vpow2.f32 v58;
	[tilespmem:s1+$0x7A40] =	vst v18  }
0x117: {  	v49 =	vbroadcast v22, $0x3;
	[tilespmem:s18+$0x1A50] =	vst v57;
	v47 =	vmul.f32 v42, v21;
	v34 =	vld [tilespmem:s22+$0x1A40]  }
0x118: {  	v53 =	vbroadcast v22, $0x4;
	[tilespmem:s18+$0x1AB0] =	vst v41;
	v0 =	vmul.f32 v44, v25;
	v37 =	vld [tilespmem:s22+$0x1A50]  }
0x119: {  	v55 =	vbroadcast v22, $0x5;
	v51 =	vmul.f32 v48, v23;
	[tilespmem:s14+$0x1A40] =	vst v47;
	v39 =	vld [tilespmem:s22+$0x1A60]  }
0x11a: {  	vm13 =	vgt.f32 v40, $0.0e+00;
	v57 =	vbroadcast v22, $0x6;
	v2 =	vmul.f32 v12, v49;
	[tilespmem:s14+$0x1A50] =	vst v0;
	v43 =	vld [tilespmem:s22+$0x1A70]  }
0x11b: {  	v13 =	vsel vm13, v40, v46;
	v22 =	vbroadcast v22, $0x7;
	v8 =	vmul.f32 v8, v53;
	[tilespmem:s14+$0x1A60] =	vst v51;
	v45 =	vld [tilespmem:s22+$0x1A80]  }
0x11c: {  	s15 =	sshll.u32 s15, $0x7;
	v13 =	vmul.f32 $1.442695020e+00, v13;
	v59 =	vmul.f32 v24, v55;
	v15 =	vadd.f32 v52, v50;
	[tilespmem:s14+$0x1A70] =	vst v2;
	v20 =	vld [tilespmem:s22+$0x1A90]  }
0x11d: {  	s28 =	sand.u32 $0x3FFFFF80, s15;
	s15 =	sor.u32 $0x13, s21;
	v61 =	vmul.f32 v62, v57;
	v28 =	vmul.f32 v28, v22;
	[tilespmem:s14+$0x1A80] =	vst v8;
	v54 =	vld [tilespmem:s22+$0x1AA0]  }
0x11e: {  	v33 =	vmul.f32 $2.000000030e-01, v15;
	[tilespmem:s14+$0x1A90] =	vst v59;
	v62 =	vbroadcast v18, $0x0;
	s1 =	sshll.u32 s15, $0x4;
	v56 =	vld [tilespmem:s22+$0x1AB0]  }
0x11f: {  	[tilespmem:s14+$0x1AA0] =	vst v61;
	v30 =	vbroadcast v18, $0x1;
	v35 =	vbroadcast v18, $0x2;
	v38 =	vld [tilespmem:s1+$0x240];
	v21 =	vpop (erf)  }
0x120: {  	v41 =	vld [tilespmem:s1+$0xE40];
	v32 =	vmul.f32 v62, v34;
	(erf) = vpow2.f32 v13;
	[tilespmem:s0+$0x7A40] =	vst v21  }
0x121: {  	[tilespmem:s14+$0x1AB0] =	vst v28;
	v36 =	vbroadcast v18, $0x3;
	v34 =	vmul.f32 v30, v37;
	v58 =	vld [tilespmem:s28+$0x1A40]  }
0x122: {  	v44 =	vbroadcast v18, $0x5;
	v39 =	vmul.f32 v35, v39;
	[tilespmem:s22+$0x1A40] =	vst v32;
	v60 =	vld [tilespmem:s28+$0x1A50]  }
0x123: {  	v46 =	vbroadcast v18, $0x6;
	v0 =	vmul.f32 v43, v36;
	[tilespmem:s22+$0x1A50] =	vst v34;
	v63 =	vld [tilespmem:s28+$0x1A60]  }
0x124: {  	vm14 =	vgt.f32 v15, $0.0e+00;
	v47 =	vbroadcast v18, $0x7;
	v49 =	vmul.f32 v20, v44;
	[tilespmem:s22+$0x1A60] =	vst v39;
	v31 =	vld [tilespmem:s28+$0x1A70]  }
0x125: {  	v15 =	vsel vm14, v15, v33;
	v37 =	vbroadcast v18, $0x4;
	v52 =	vmul.f32 v54, v46;
	[tilespmem:s22+$0x1A70] =	vst v0;
	v9 =	vld [tilespmem:s28+$0x1A80]  }
0x126: {  	v40 =	vmul.f32 $1.442695020e+00, v15;
	v53 =	vmul.f32 v56, v47;
	[tilespmem:s22+$0x1A90] =	vst v49;
	v25 =	vld [tilespmem:s28+$0x1A90]  }
0x127: {  	s18 =	sshll.u32 s11, $0x7;
	s11 =	sor.u32 $0x14, s21;
	v42 =	vmul.f32 v45, v37;
	[tilespmem:s22+$0x1AA0] =	vst v52;
	v50 =	vbroadcast v21, $0x0;
	v43 =	vld [tilespmem:s28+$0x1AA0]  }
0x128: {  	[tilespmem:s22+$0x1AB0] =	vst v53;
	v57 =	vbroadcast v21, $0x1;
	v61 =	vbroadcast v21, $0x3;
	s0 =	sshll.u32 s11, $0x4;
	v45 =	vld [tilespmem:s28+$0x1AB0]  }
0x129: {  	v28 =	vbroadcast v21, $0x4;
	v29 =	vld [tilespmem:s0+$0x240];
	[tilespmem:s22+$0x1A80] =	vst v42;
	v56 =	vmul.f32 v50, v58;
	v17 =	vpop (erf)  }
0x12a: {  	s18 =	sand.u32 $0x3FFFFF80, s18;
	v32 =	vld [tilespmem:s0+$0xE40];
	v60 =	vmul.f32 v57, v60;
	(erf) = vpow2.f32 v40;
	[tilespmem:s2+$0x7A40] =	vst v17  }
0x12b: {  	v34 =	vbroadcast v21, $0x5;
	v30 =	vmul.f32 v31, v61;
	[tilespmem:s28+$0x1A40] =	vst v56;
	v48 =	vld [tilespmem:s18+$0x1A40]  }
0x12c: {  	v36 =	vbroadcast v21, $0x6;
	v33 =	vmul.f32 v9, v28;
	[tilespmem:s28+$0x1A50] =	vst v60;
	v51 =	vld [tilespmem:s18+$0x1A50]  }
0x12d: {  	v55 =	vadd.f32 v41, v38;
	v39 =	vbroadcast v21, $0x7;
	v38 =	vmul.f32 v25, v34;
	[tilespmem:s28+$0x1A70] =	vst v30;
	v54 =	vld [tilespmem:s18+$0x1A60]  }
0x12e: {  	v58 =	vbroadcast v21, $0x2;
	v41 =	vmul.f32 v43, v36;
	[tilespmem:s28+$0x1A80] =	vst v33;
	v13 =	vld [tilespmem:s18+$0x1A70]  }
0x12f: {  	v6 =	vmul.f32 v45, v39;
	[tilespmem:s28+$0x1A90] =	vst v38;
	v44 =	vbroadcast v17, $0x1;
	v15 =	vld [tilespmem:s18+$0x1A80]  }
0x130: {  	s15 =	sshll.u32 s15, $0x7;
	v59 =	vmul.f32 $2.000000030e-01, v55;
	v63 =	vmul.f32 v58, v63;
	[tilespmem:s28+$0x1AA0] =	vst v41;
	v62 =	vld [tilespmem:s18+$0x1A90]  }
0x131: {  	vm15 =	vgt.f32 v55, $0.0e+00;
	s22 =	sand.u32 $0x3FFFFF80, s15;
	s15 =	sor.u32 $0x16, s21;
	[tilespmem:s28+$0x1AB0] =	vst v6;
	v47 =	vbroadcast v17, $0x2;
	v35 =	vld [tilespmem:s18+$0x1AA0];
	v49 =	vmul.f32 v44, v51  }
0x132: {  	v12 =	vsel vm15, v55, v59;
	v37 =	vld [tilespmem:s18+$0x1AB0];
	[tilespmem:s28+$0x1A60] =	vst v63;
	s28 =	sshll.u32 s15, $0x4  }
0x133: {  	s26 =	sshll.u32 s26, $0x7;
	v31 =	vmul.f32 $1.442695020e+00, v12;
	v52 =	vmul.f32 v47, v54;
	v47 =	vld [tilespmem:s28+$0x240];
	v19 =	vpop (erf);
	[tilespmem:s18+$0x1A50] =	vst v49  }
0x134: {  	s14 =	sand.u32 $0x3FFFFF80, s26;
	v42 =	vbroadcast v17, $0x0;
	v49 =	vld [tilespmem:s28+$0xE40];
	[tilespmem:s17+$0x7A40] =	vst v19  }
0x135: {  	(erf) = vpow2.f32 v31;
	v40 =	vld [tilespmem:s14+$0x1A40]  }
0x136: {  	v53 =	vbroadcast v17, $0x3;
	v46 =	vmul.f32 v42, v48;
	v43 =	vld [tilespmem:s14+$0x1A50]  }
0x137: {  	v12 =	vadd.f32 v32, v29;
	v55 =	vbroadcast v17, $0x4;
	v56 =	vbroadcast v17, $0x5;
	v45 =	vld [tilespmem:s14+$0x1A60]  }
0x138: {  	v63 =	vbroadcast v17, $0x6;
	v58 =	vmul.f32 v13, v53;
	[tilespmem:s18+$0x1A40] =	vst v46;
	s17 =	sor.u32 $0x15, s21;
	v48 =	vld [tilespmem:s14+$0x1A70]  }
0x139: {  	v51 =	vmul.f32 $2.000000030e-01, v12;
	v0 =	vmul.f32 v15, v55;
	[tilespmem:s18+$0x1A60] =	vst v52;
	v50 =	vld [tilespmem:s14+$0x1A80];
	s2 =	sshll.u32 s17, $0x4  }
0x13a: {  	vm4 =	vgt.f32 v12, $0.0e+00;
	v26 =	vbroadcast v17, $0x7;
	v61 =	vmul.f32 v62, v56;
	[tilespmem:s18+$0x1A70] =	vst v58;
	v57 =	vld [tilespmem:s2+$0x240]  }
0x13b: {  	v29 =	vmul.f32 v35, v63;
	v12 =	vsel vm4, v12, v51;
	[tilespmem:s18+$0x1A80] =	vst v0;
	v60 =	vld [tilespmem:s2+$0xE40]  }
0x13c: {  	s11 =	sshll.u32 s11, $0x7;
	v3 =	vmul.f32 v37, v26;
	[tilespmem:s18+$0x1A90] =	vst v61;
	v59 =	vmul.f32 $1.442695020e+00, v12;
	v54 =	vld [tilespmem:s14+$0x1A90]  }
0x13d: {  	s26 =	sand.u32 $0x3FFFFF80, s11;
	s11 =	sor.u32 $0x17, s21;
	[tilespmem:s18+$0x1AA0] =	vst v29;
	v36 =	vbroadcast v19, $0x2;
	v62 =	vld [tilespmem:s14+$0x1AA0]  }
0x13e: {  	[tilespmem:s18+$0x1AB0] =	vst v3;
	s18 =	sshll.u32 s11, $0x4;
	v25 =	vld [tilespmem:s14+$0x1AB0];
	v15 =	vpop (erf);
	(erf) = vpow2.f32 v59  }
0x13f: {  	v41 =	vmul.f32 v36, v45;
	v36 =	vld [tilespmem:s18+$0xE40];
	[tilespmem:s1+$0x7A40] =	vst v15  }
0x140: {  	v27 =	vbroadcast v19, $0x0;
	v30 =	vbroadcast v19, $0x1;
	v34 =	vadd.f32 v60, v57;
	v28 =	vld [tilespmem:s22+$0x1A40]  }
0x141: {  	v38 =	vbroadcast v19, $0x3;
	v42 =	vbroadcast v19, $0x4;
	v31 =	vld [tilespmem:s22+$0x1A50]  }
0x142: {  	v32 =	vmul.f32 v27, v40;
	v40 =	vmul.f32 $2.000000030e-01, v34;
	v33 =	vld [tilespmem:s22+$0x1A60]  }
0x143: {  	v46 =	vbroadcast v19, $0x5;
	v51 =	vbroadcast v19, $0x6;
	vm5 =	vgt.f32 v34, $0.0e+00;
	v37 =	vld [tilespmem:s22+$0x1A70]  }
0x144: {  	v19 =	vbroadcast v19, $0x7;
	v35 =	vmul.f32 v30, v43;
	v39 =	vld [tilespmem:s22+$0x1A80];
	v45 =	vsel vm5, v34, v40  }
0x145: {  	v44 =	vmul.f32 v48, v38;
	v43 =	vld [tilespmem:s22+$0x1A90];
	v1 =	vmul.f32 $1.442695020e+00, v45  }
0x146: {  	v48 =	vmul.f32 v50, v42;
	v50 =	vmul.f32 v54, v46;
	v52 =	vld [tilespmem:s22+$0x1AA0]  }
0x147: {  	v54 =	vmul.f32 v62, v51;
	[tilespmem:s14+$0x1A40] =	vst v32;
	v53 =	vld [tilespmem:s22+$0x1AB0];
	v14 =	vpop (erf);
	(erf) = vpow2.f32 v1  }
0x148: {  	v57 =	vmul.f32 v25, v19;
	v55 =	vbroadcast v15, $0x0;
	v34 =	vld [tilespmem:s18+$0x240];
	[tilespmem:s0+$0x7A40] =	vst v14  }
0x149: {  	v8 =	vadd.f32 v49, v47;
	[tilespmem:s14+$0x1A50] =	vst v35;
	v58 =	vbroadcast v15, $0x1;
	v61 =	vbroadcast v15, $0x2;
	v56 =	vld [tilespmem:s26+$0x1A40]  }
0x14a: {  	[tilespmem:s14+$0x1A60] =	vst v41;
	v24 =	vbroadcast v15, $0x3;
	v30 =	vbroadcast v15, $0x4;
	v59 =	vld [tilespmem:s26+$0x1A50]  }
0x14b: {  	[tilespmem:s14+$0x1A70] =	vst v44;
	v60 =	vmul.f32 v55, v28;
	v28 =	vmul.f32 $2.000000030e-01, v8;
	v62 =	vld [tilespmem:s26+$0x1A60]  }
0x14c: {  	vm6 =	vgt.f32 v8, $0.0e+00;
	[tilespmem:s14+$0x1A80] =	vst v48;
	v32 =	vbroadcast v15, $0x5;
	v63 =	vmul.f32 v58, v31;
	v25 =	vld [tilespmem:s26+$0x1A70]  }
0x14d: {  	[tilespmem:s14+$0x1A90] =	vst v50;
	v26 =	vmul.f32 v61, v33;
	v29 =	vmul.f32 v37, v24;
	v8 =	vsel vm6, v8, v28;
	v27 =	vld [tilespmem:s26+$0x1A80]  }
0x14e: {  	s17 =	sshll.u32 s17, $0x7;
	[tilespmem:s14+$0x1AA0] =	vst v54;
	v33 =	vbroadcast v15, $0x6;
	v8 =	vmul.f32 $1.442695020e+00, v8;
	v31 =	vld [tilespmem:s26+$0x1A90]  }
0x14f: {  	[tilespmem:s14+$0x1AB0] =	vst v57;
	s14 =	sand.u32 $0x3FFFFF80, s17;
	s17 =	sor.u32 $0x18, s21;
	v35 =	vmul.f32 v39, v30;
	v15 =	vbroadcast v15, $0x7;
	v39 =	vld [tilespmem:s26+$0x1AA0]  }
0x150: {  	v37 =	vmul.f32 v43, v32;
	s0 =	sshll.u32 s17, $0x4;
	v40 =	vld [tilespmem:s26+$0x1AB0];
	v11 =	vpop (erf);
	(erf) = vpow2.f32 v8  }
0x151: {  	v38 =	vmul.f32 v52, v33;
	[tilespmem:s22+$0x1A40] =	vst v60;
	v1 =	vmul.f32 v53, v15;
	v57 =	vld [tilespmem:s0+$0x240]  }
0x152: {  	v12 =	vadd.f32 v36, v34;
	v41 =	vbroadcast v14, $0x0;
	v42 =	vbroadcast v14, $0x1;
	v60 =	vld [tilespmem:s0+$0xE40];
	[tilespmem:s2+$0x7A40] =	vst v11  }
0x153: {  	[tilespmem:s22+$0x1A50] =	vst v63;
	v44 =	vbroadcast v14, $0x2;
	v49 =	vbroadcast v14, $0x3;
	v43 =	vld [tilespmem:s14+$0x1A40]  }
0x154: {  	[tilespmem:s22+$0x1A60] =	vst v26;
	v51 =	vbroadcast v14, $0x4;
	v19 =	vmul.f32 $2.000000030e-01, v12;
	v45 =	vld [tilespmem:s14+$0x1A50]  }
0x155: {  	[tilespmem:s22+$0x1A70] =	vst v29;
	v53 =	vbroadcast v14, $0x5;
	v46 =	vmul.f32 v41, v56;
	v48 =	vld [tilespmem:s14+$0x1A60]  }
0x156: {  	[tilespmem:s22+$0x1A80] =	vst v35;
	vm7 =	vgt.f32 v12, $0.0e+00;
	v47 =	vmul.f32 v42, v59;
	v2 =	vmul.f32 v44, v62;
	v50 =	vld [tilespmem:s14+$0x1A70]  }
0x157: {  	[tilespmem:s22+$0x1A90] =	vst v37;
	v55 =	vsel vm7, v12, v19;
	v4 =	vmul.f32 v25, v49;
	v3 =	vmul.f32 v27, v51;
	v52 =	vld [tilespmem:s14+$0x1A80]  }
0x158: {  	[tilespmem:s22+$0x1AA0] =	vst v38;
	v56 =	vbroadcast v14, $0x6;
	v59 =	vmul.f32 $1.442695020e+00, v55;
	v54 =	vld [tilespmem:s14+$0x1A90]  }
0x159: {  	[tilespmem:s22+$0x1AB0] =	vst v1;
	s22 =	sshll.u32 s15, $0x7;
	v58 =	vmul.f32 v31, v53;
	v62 =	vbroadcast v14, $0x7;
	v6 =	vadd.f32 v60, v57;
	v63 =	vld [tilespmem:s14+$0x1AA0];
	v14 =	vpop (erf)  }
0x15a: {  	s1 =	sand.u32 $0x3FFFFF80, s22;
	v61 =	vmul.f32 v39, v56;
	v25 =	vld [tilespmem:s14+$0x1AB0];
	(erf) = vpow2.f32 v59;
	[tilespmem:s28+$0x7A40] =	vst v14  }
0x15b: {  	[tilespmem:s26+$0x1A40] =	vst v46;
	v26 =	vmul.f32 v40, v62;
	v40 =	vmul.f32 $2.000000030e-01, v6;
	v28 =	vld [tilespmem:s1+$0x1A40]  }
0x15c: {  	[tilespmem:s26+$0x1A50] =	vst v47;
	v24 =	vbroadcast v11, $0x0;
	v27 =	vbroadcast v11, $0x1;
	v31 =	vld [tilespmem:s1+$0x1A50]  }
0x15d: {  	[tilespmem:s26+$0x1A60] =	vst v2;
	v30 =	vbroadcast v11, $0x2;
	v33 =	vbroadcast v11, $0x3;
	v34 =	vld [tilespmem:s1+$0x1A60]  }
0x15e: {  	[tilespmem:s26+$0x1A70] =	vst v4;
	vm8 =	vgt.f32 v6, $0.0e+00;
	v36 =	vbroadcast v11, $0x4;
	v42 =	vbroadcast v11, $0x5;
	v37 =	vld [tilespmem:s1+$0x1A70]  }
0x15f: {  	[tilespmem:s26+$0x1A80] =	vst v3;
	v44 =	vbroadcast v11, $0x6;
	v11 =	vbroadcast v11, $0x7;
	v6 =	vsel vm8, v6, v40;
	v39 =	vld [tilespmem:s1+$0x1A80]  }
0x160: {  	[tilespmem:s26+$0x1A90] =	vst v58;
	v6 =	vmul.f32 $1.442695020e+00, v6;
	v29 =	vmul.f32 v24, v43;
	v43 =	vld [tilespmem:s1+$0x1A90]  }
0x161: {  	[tilespmem:s26+$0x1AA0] =	vst v61;
	v32 =	vmul.f32 v27, v45;
	v35 =	vmul.f32 v30, v48;
	s28 =	sor.u32 $0x19, s21;
	v49 =	vld [tilespmem:s1+$0x1AA0]  }
0x162: {  	[tilespmem:s26+$0x1AB0] =	vst v26;
	v38 =	vmul.f32 v50, v33;
	v41 =	vmul.f32 v52, v36;
	s2 =	sshll.u32 s28, $0x4;
	v51 =	vld [tilespmem:s1+$0x1AB0]  }
0x163: {  	s11 =	sshll.u32 s11, $0x7;
	v46 =	vmul.f32 v54, v42;
	v48 =	vmul.f32 v63, v44;
	[tilespmem:s14+$0x1A40] =	vst v29;
	v45 =	vld [tilespmem:s2+$0x240];
	v10 =	vpop (erf)  }
0x164: {  	s22 =	sand.u32 $0x3FFFFF80, s11;
	v5 =	vmul.f32 v25, v11;
	v47 =	vld [tilespmem:s2+$0xE40];
	(erf) = vpow2.f32 v6;
	[tilespmem:s18+$0x7A40] =	vst v10  }
0x165: {  	[tilespmem:s14+$0x1A50] =	vst v32;
	v50 =	vbroadcast v14, $0x0;
	v52 =	vbroadcast v14, $0x1;
	v54 =	vld [tilespmem:s22+$0x1A40]  }
0x166: {  	[tilespmem:s14+$0x1A60] =	vst v35;
	v53 =	vbroadcast v14, $0x2;
	v56 =	vbroadcast v14, $0x3;
	v57 =	vld [tilespmem:s22+$0x1A50]  }
0x167: {  	[tilespmem:s14+$0x1A70] =	vst v38;
	v62 =	vbroadcast v14, $0x4;
	v21 =	vbroadcast v14, $0x5;
	v60 =	vld [tilespmem:s22+$0x1A60]  }
0x168: {  	[tilespmem:s14+$0x1A80] =	vst v41;
	v25 =	vbroadcast v14, $0x6;
	v55 =	vmul.f32 v50, v28;
	v63 =	vld [tilespmem:s22+$0x1A70]  }
0x169: {  	s11 =	sor.u32 $0x1A, s21;
	[tilespmem:s14+$0x1A90] =	vst v46;
	v58 =	vmul.f32 v52, v31;
	v59 =	vmul.f32 v53, v34;
	v8 =	vadd.f32 v47, v45;
	v22 =	vld [tilespmem:s22+$0x1A80]  }
0x16a: {  	[tilespmem:s14+$0x1AA0] =	vst v48;
	v61 =	vmul.f32 v37, v56;
	v24 =	vmul.f32 v39, v62;
	s18 =	sshll.u32 s11, $0x4;
	v26 =	vld [tilespmem:s22+$0x1A90]  }
0x16b: {  	[tilespmem:s14+$0x1AB0] =	vst v5;
	v28 =	vbroadcast v14, $0x7;
	v23 =	vmul.f32 $2.000000030e-01, v8;
	v29 =	vld [tilespmem:s18+$0x240]  }
0x16c: {  	v27 =	vmul.f32 v43, v21;
	v30 =	vmul.f32 v49, v25;
	[tilespmem:s1+$0x1A40] =	vst v55;
	vm9 =	vgt.f32 v8, $0.0e+00;
	v32 =	vld [tilespmem:s18+$0xE40]  }
0x16d: {  	s26 =	sshll.u32 s17, $0x7;
	[tilespmem:s1+$0x1A50] =	vst v58;
	v33 =	vmul.f32 v51, v28;
	v34 =	vbroadcast v10, $0x0;
	v35 =	vld [tilespmem:s22+$0x1AA0];
	v8 =	vsel vm9, v8, v23;
	v15 =	vpop (erf)  }
0x16e: {  	s26 =	sand.u32 $0x3FFFFF80, s26;
	v36 =	vbroadcast v10, $0x1;
	v37 =	vld [tilespmem:s22+$0x1AB0];
	v31 =	vmul.f32 $1.442695020e+00, v8;
	[tilespmem:s0+$0x7A40] =	vst v15  }
0x16f: {  	[tilespmem:s1+$0x1A60] =	vst v59;
	v39 =	vbroadcast v10, $0x2;
	v42 =	vbroadcast v10, $0x3;
	v40 =	vld [tilespmem:s26+$0x1A40]  }
0x170: {  	[tilespmem:s1+$0x1A70] =	vst v61;
	v45 =	vbroadcast v10, $0x4;
	(erf) = vpow2.f32 v31;
	v43 =	vld [tilespmem:s26+$0x1A50]  }
0x171: {  	[tilespmem:s1+$0x1A80] =	vst v24;
	v48 =	vbroadcast v10, $0x5;
	v56 =	vbroadcast v10, $0x7;
	v46 =	vld [tilespmem:s26+$0x1A60]  }
0x172: {  	[tilespmem:s1+$0x1A90] =	vst v27;
	v38 =	vmul.f32 v34, v54;
	v41 =	vmul.f32 v36, v57;
	v49 =	vld [tilespmem:s26+$0x1A70]  }
0x173: {  	s14 =	sor.u32 $0x1B, s21;
	[tilespmem:s1+$0x1AA0] =	vst v30;
	v44 =	vmul.f32 v39, v60;
	v8 =	vadd.f32 v32, v29;
	v47 =	vmul.f32 v63, v42;
	v51 =	vld [tilespmem:s26+$0x1A80]  }
0x174: {  	[tilespmem:s1+$0x1AB0] =	vst v33;
	v50 =	vmul.f32 v22, v45;
	v54 =	vbroadcast v10, $0x6;
	s0 =	sshll.u32 s14, $0x4;
	v55 =	vld [tilespmem:s26+$0x1A90]  }
0x175: {  	v53 =	vmul.f32 v26, v48;
	v52 =	vmul.f32 $2.000000030e-01, v8;
	[tilespmem:s22+$0x1A40] =	vst v38;
	v58 =	vld [tilespmem:s0+$0x240]  }
0x176: {  	v61 =	vmul.f32 v37, v56;
	vm10 =	vgt.f32 v8, $0.0e+00;
	[tilespmem:s22+$0x1A50] =	vst v41;
	v59 =	vmul.f32 v35, v54;
	v60 =	vld [tilespmem:s0+$0xE40]  }
0x177: {  	s17 =	sor.u32 $0x1C, s21;
	s28 =	sshll.u32 s28, $0x7;
	[tilespmem:s22+$0x1A60] =	vst v44;
	v57 =	vbroadcast v15, $0x0;
	v20 =	vbroadcast v15, $0x1;
	v8 =	vsel vm10, v8, v52;
	v63 =	vld [tilespmem:s26+$0x1AA0]  }
0x178: {  	s15 =	sand.u32 $0x3FFFFF80, s28;
	s28 =	sshll.u32 s17, $0x4;
	[tilespmem:s22+$0x1A70] =	vst v47;
	v22 =	vbroadcast v15, $0x2;
	v21 =	vld [tilespmem:s26+$0x1AB0];
	v8 =	vmul.f32 $1.442695020e+00, v8  }
0x179: {  	[tilespmem:s22+$0x1A80] =	vst v50;
	v23 =	vbroadcast v15, $0x3;
	v25 =	vmul.f32 v20, v43;
	v43 =	vld [tilespmem:s28+$0x240];
	v10 =	vpop (erf)  }
0x17a: {  	v28 =	vmul.f32 v22, v46;
	v46 =	vld [tilespmem:s28+$0xE40];
	(erf) = vpow2.f32 v8;
	[tilespmem:s2+$0x7A40] =	vst v10  }
0x17b: {  	[tilespmem:s22+$0x1A90] =	vst v53;
	v26 =	vbroadcast v15, $0x4;
	v33 =	vbroadcast v15, $0x5;
	v24 =	vld [tilespmem:s15+$0x1A40]  }
0x17c: {  	[tilespmem:s22+$0x1AB0] =	vst v61;
	v35 =	vbroadcast v15, $0x6;
	v62 =	vmul.f32 v57, v40;
	v27 =	vld [tilespmem:s15+$0x1A50]  }
0x17d: {  	v38 =	vbroadcast v15, $0x7;
	[tilespmem:s22+$0x1AA0] =	vst v59;
	v29 =	vmul.f32 v49, v23;
	v30 =	vld [tilespmem:s15+$0x1A60]  }
0x17e: {  	v31 =	vadd.f32 v60, v58;
	v32 =	vmul.f32 v51, v26;
	v37 =	vmul.f32 v55, v33;
	[tilespmem:s26+$0x1A40] =	vst v62;
	v49 =	vld [tilespmem:s15+$0x1AA0]  }
0x17f: {  	v40 =	vmul.f32 v63, v35;
	v44 =	vmul.f32 v21, v38;
	[tilespmem:s26+$0x1A50] =	vst v25;
	v52 =	vld [tilespmem:s15+$0x1AB0]  }
0x180: {  	s14 =	sshll.u32 s14, $0x7;
	s22 =	sshll.u32 s11, $0x7;
	v13 =	vmul.f32 $2.000000030e-01, v31;
	[tilespmem:s26+$0x1A60] =	vst v28;
	v41 =	vbroadcast v10, $0x0;
	v34 =	vld [tilespmem:s15+$0x1A70]  }
0x181: {  	s11 =	sand.u32 $0x3FFFFF80, s22;
	s22 =	sand.u32 $0x3FFFFF80, s14;
	s14 =	sor.u32 $0x1E, s21;
	vm11 =	vgt.f32 v31, $0.0e+00;
	[tilespmem:s26+$0x1A70] =	vst v29;
	v48 =	vbroadcast v10, $0x1;
	v62 =	vbroadcast v10, $0x6;
	v36 =	vld [tilespmem:s15+$0x1A80]  }
0x182: {  	[tilespmem:s26+$0x1A80] =	vst v32;
	v51 =	vbroadcast v10, $0x2;
	v20 =	vbroadcast v10, $0x7;
	s2 =	sshll.u32 s14, $0x4;
	v39 =	vld [tilespmem:s15+$0x1A90];
	v42 =	vsel vm11, v31, v13  }
0x183: {  	[tilespmem:s26+$0x1A90] =	vst v37;
	v45 =	vmul.f32 $1.442695020e+00, v42;
	v25 =	vmul.f32 v49, v62;
	v49 =	vld [tilespmem:s2+$0x240];
	v50 =	vpop (erf)  }
0x184: {  	v53 =	vbroadcast v10, $0x3;
	v1 =	vmul.f32 v52, v20;
	v52 =	vld [tilespmem:s2+$0xE40];
	[tilespmem:s18+$0x7A40] =	vst v50  }
0x185: {  	[tilespmem:s26+$0x1AA0] =	vst v40;
	v7 =	vadd.f32 v46, v43;
	v47 =	vmul.f32 v41, v24;
	(erf) = vpow2.f32 v45;
	v55 =	vld [tilespmem:s11+$0x1A40]  }
0x186: {  	[tilespmem:s26+$0x1AB0] =	vst v44;
	v54 =	vbroadcast v10, $0x4;
	v56 =	vmul.f32 v48, v27;
	v58 =	vld [tilespmem:s11+$0x1A50]  }
0x187: {  	v22 =	vmul.f32 $2.000000030e-01, v7;
	v57 =	vmul.f32 v51, v30;
	[tilespmem:s15+$0x1A40] =	vst v47;
	v60 =	vld [tilespmem:s11+$0x1A60]  }
0x188: {  	v61 =	vbroadcast v10, $0x5;
	vm12 =	vgt.f32 v7, $0.0e+00;
	v2 =	vmul.f32 v34, v53;
	[tilespmem:s15+$0x1A50] =	vst v56;
	v63 =	vld [tilespmem:s11+$0x1A70]  }
0x189: {  	v59 =	vmul.f32 v36, v54;
	v7 =	vsel vm12, v7, v22;
	[tilespmem:s15+$0x1A60] =	vst v57;
	s18 =	sor.u32 $0x1D, s21;
	v21 =	vld [tilespmem:s11+$0x1A80]  }
0x18a: {  	v0 =	vmul.f32 v39, v61;
	v28 =	vmul.f32 $1.442695020e+00, v7;
	[tilespmem:s15+$0x1A70] =	vst v2;
	v24 =	vld [tilespmem:s11+$0x1A90];
	s1 =	sshll.u32 s18, $0x4  }
0x18b: {  	[tilespmem:s15+$0x1A80] =	vst v59;
	v23 =	vbroadcast v50, $0x0;
	v30 =	vbroadcast v50, $0x1;
	v26 =	vld [tilespmem:s1+$0x240]  }
0x18c: {  	[tilespmem:s15+$0x1A90] =	vst v0;
	v31 =	vbroadcast v50, $0x2;
	v34 =	vbroadcast v50, $0x3;
	v29 =	vld [tilespmem:s1+$0xE40]  }
0x18d: {  	[tilespmem:s15+$0x1AA0] =	vst v25;
	v36 =	vbroadcast v50, $0x4;
	v35 =	vld [tilespmem:s11+$0x1AB0];
	v27 =	vmul.f32 v23, v55  }
0x18e: {  	[tilespmem:s15+$0x1AB0] =	vst v1;
	v41 =	vbroadcast v50, $0x5;
	v33 =	vpop (erf);
	(erf) = vpow2.f32 v28  }
0x18f: {  	v43 =	vbroadcast v50, $0x6;
	v32 =	vld [tilespmem:s11+$0x1AA0];
	v0 =	vmul.f32 v30, v58;
	[tilespmem:s11+$0x1A40] =	vst v27  }
0x190: {  	v44 =	vbroadcast v50, $0x7;
	v4 =	vadd.f32 v52, v49;
	v38 =	vmul.f32 v31, v60;
	[tilespmem:s0+$0x7A40] =	vst v33  }
0x191: {  	v39 =	vmul.f32 v63, v34;
	v2 =	vmul.f32 v21, v36;
	v7 =	vadd.f32 v29, v26;
	[tilespmem:s11+$0x1A50] =	vst v0;
	v37 =	vld [tilespmem:s22+$0x1A40]  }
0x192: {  	v3 =	vmul.f32 v24, v41;
	v50 =	vmul.f32 v35, v44;
	[tilespmem:s11+$0x1A60] =	vst v38;
	v40 =	vld [tilespmem:s22+$0x1A50]  }
0x193: {  	v24 =	vmul.f32 $2.000000030e-01, v4;
	[tilespmem:s11+$0x1A70] =	vst v39;
	v48 =	vmul.f32 $2.000000030e-01, v7;
	v42 =	vld [tilespmem:s22+$0x1A60]  }
0x194: {  	v0 =	vmul.f32 v32, v43;
	[tilespmem:s11+$0x1A80] =	vst v2;
	v46 =	vbroadcast v33, $0x0;
	vm13 =	vgt.f32 v7, $0.0e+00;
	v45 =	vld [tilespmem:s22+$0x1A70]  }
0x195: {  	[tilespmem:s11+$0x1A90] =	vst v3;
	v53 =	vbroadcast v33, $0x1;
	v55 =	vbroadcast v33, $0x2;
	v47 =	vld [tilespmem:s22+$0x1A80];
	v51 =	vsel vm13, v7, v48  }
0x196: {  	[tilespmem:s11+$0x1AB0] =	vst v50;
	v56 =	vbroadcast v33, $0x3;
	v54 =	vld [tilespmem:s22+$0x1A90];
	v5 =	vmul.f32 $1.442695020e+00, v51  }
0x197: {  	s26 =	sshll.u32 s17, $0x7;
	v59 =	vbroadcast v33, $0x4;
	[tilespmem:s11+$0x1AA0] =	vst v0;
	v57 =	vld [tilespmem:s22+$0x1AA0];
	v1 =	vmul.f32 v46, v37;
	v58 =	vpop (erf)  }
0x198: {  	s15 =	sand.u32 $0x3FFFFF80, s26;
	v60 =	vld [tilespmem:s22+$0x1AB0];
	v61 =	vmul.f32 v53, v40;
	(erf) = vpow2.f32 v5;
	[tilespmem:s28+$0x7A40] =	vst v58  }
0x199: {  	v19 =	vbroadcast v33, $0x5;
	v0 =	vmul.f32 v55, v42;
	[tilespmem:s22+$0x1A40] =	vst v1;
	v62 =	vld [tilespmem:s15+$0x1A40]  }
0x19a: {  	vm14 =	vgt.f32 v4, $0.0e+00;
	v20 =	vbroadcast v33, $0x6;
	v63 =	vmul.f32 v45, v56;
	[tilespmem:s22+$0x1A50] =	vst v61;
	v18 =	vld [tilespmem:s15+$0x1A50]  }
0x19b: {  	v4 =	vsel vm14, v4, v24;
	v22 =	vbroadcast v33, $0x7;
	v17 =	vmul.f32 v47, v59;
	[tilespmem:s22+$0x1A60] =	vst v0;
	s28 =	sor.u32 $0x1F, s21;
	v21 =	vld [tilespmem:s15+$0x1A60]  }
0x19c: {  	v31 =	vmul.f32 $1.442695020e+00, v4;
	v25 =	vmul.f32 v54, v19;
	[tilespmem:s22+$0x1A70] =	vst v63;
	v23 =	vld [tilespmem:s15+$0x1A70];
	s17 =	sshll.u32 s28, $0x4  }
0x19d: {  	v6 =	vmul.f32 v57, v20;
	[tilespmem:s22+$0x1A80] =	vst v17;
	v26 =	vbroadcast v58, $0x0;
	v27 =	vld [tilespmem:s17+$0x240]  }
0x19e: {  	v0 =	vmul.f32 v60, v22;
	[tilespmem:s22+$0x1A90] =	vst v25;
	v32 =	vbroadcast v58, $0x1;
	v28 =	vld [tilespmem:s17+$0xE40]  }
0x19f: {  	[tilespmem:s22+$0x1AA0] =	vst v6;
	v33 =	vbroadcast v58, $0x2;
	v30 =	vld [tilespmem:s15+$0x1A80];
	v29 =	vmul.f32 v26, v62  }
0x1a0: {  	v34 =	vbroadcast v58, $0x3;
	v38 =	vbroadcast v58, $0x4;
	[tilespmem:s22+$0x1AB0] =	vst v0;
	v35 =	vld [tilespmem:s15+$0x1A90]  }
0x1a1: {  	v39 =	vld [tilespmem:s15+$0x1AA0];
	s22 =	sshll.u32 s18, $0x7;
	v37 =	vmul.f32 v32, v18;
	v36 =	vpop (erf);
	(erf) = vpow2.f32 v31;
	[tilespmem:s15+$0x1A40] =	vst v29  }
0x1a2: {  	v42 =	vbroadcast v58, $0x5;
	v41 =	vld [tilespmem:s15+$0x1AB0];
	v40 =	vmul.f32 v33, v21;
	[tilespmem:s1+$0x7A40] =	vst v36;
	s1 =	sand.u32 $0x3FFFFF80, s22  }
0x1a3: {  	v44 =	vbroadcast v58, $0x6;
	v0 =	vmul.f32 v23, v34;
	v5 =	vadd.f32 v28, v27;
	[tilespmem:s15+$0x1A50] =	vst v37;
	v43 =	vld [tilespmem:s1+$0x1A40]  }
0x1a4: {  	v46 =	vbroadcast v58, $0x7;
	v2 =	vmul.f32 v30, v38;
	[tilespmem:s15+$0x1A60] =	vst v40  }
0x1a5: {  	v45 =	vmul.f32 v35, v42;
	[tilespmem:s15+$0x1A70] =	vst v0;
	v7 =	vmul.f32 $2.000000030e-01, v5;
	v47 =	vld [tilespmem:s1+$0x1A50]  }
0x1a6: {  	v1 =	vmul.f32 v39, v44;
	[tilespmem:s15+$0x1A80] =	vst v2;
	vm15 =	vgt.f32 v5, $0.0e+00;
	v48 =	vbroadcast v36, $0x0;
	v49 =	vld [tilespmem:s1+$0x1A60]  }
0x1a7: {  	v50 =	vmul.f32 v41, v46;
	[tilespmem:s15+$0x1A90] =	vst v45;
	v53 =	vbroadcast v36, $0x1;
	v51 =	vld [tilespmem:s1+$0x1A70];
	v5 =	vsel vm15, v5, v7  }
0x1a8: {  	[tilespmem:s15+$0x1AA0] =	vst v1;
	v54 =	vld [tilespmem:s1+$0x1A80];
	v5 =	vmul.f32 $1.442695020e+00, v5;
	v52 =	vmul.f32 v48, v43  }
0x1a9: {  	[tilespmem:s15+$0x1AB0] =	vst v50;
	v55 =	vbroadcast v36, $0x2;
	v58 =	vbroadcast v36, $0x3;
	v56 =	vld [tilespmem:s1+$0x1A90]  }
0x1aa: {  	s26 =	sshll.u32 s14, $0x7;
	v59 =	vld [tilespmem:s1+$0x1AA0];
	v2 =	vmul.f32 v53, v47;
	v57 =	vpop (erf);
	(erf) = vpow2.f32 v5;
	[tilespmem:s1+$0x1A40] =	vst v52  }
0x1ab: {  	v60 =	vbroadcast v36, $0x4;
	v61 =	vld [tilespmem:s1+$0x1AB0];
	v0 =	vmul.f32 v55, v49;
	[tilespmem:s2+$0x7A40] =	vst v57;
	s2 =	sand.u32 $0x3FFFFF80, s26  }
0x1ac: {  	v63 =	vbroadcast v36, $0x5;
	v62 =	vmul.f32 v51, v58;
	[tilespmem:s1+$0x1A50] =	vst v2;
	v13 =	vld [tilespmem:s2+$0x1A40]  }
0x1ad: {  	v11 =	vbroadcast v36, $0x6;
	v10 =	vmul.f32 v54, v60;
	[tilespmem:s1+$0x1A60] =	vst v0  }
0x1ae: {  	v15 =	vbroadcast v36, $0x7;
	v14 =	vmul.f32 v56, v63;
	[tilespmem:s1+$0x1A70] =	vst v62;
	v16 =	vld [tilespmem:s2+$0x1A50]  }
0x1af: {  	v17 =	vmul.f32 v59, v11;
	[tilespmem:s1+$0x1A80] =	vst v10;
	v20 =	vbroadcast v57, $0x0;
	v18 =	vld [tilespmem:s2+$0x1A60]  }
0x1b0: {  	v19 =	vmul.f32 v61, v15;
	[tilespmem:s1+$0x1A90] =	vst v14;
	v21 =	vld [tilespmem:s2+$0x1A70]  }
0x1b1: {  	[tilespmem:s1+$0x1AA0] =	vst v17;
	v22 =	vbroadcast v57, $0x1;
	v23 =	vld [tilespmem:s2+$0x1A80];
	v24 =	vmul.f32 v20, v13  }
0x1b2: {  	[tilespmem:s1+$0x1AB0] =	vst v19;
	v25 =	vbroadcast v57, $0x2;
	v26 =	vld [tilespmem:s2+$0x1A90]  }
0x1b3: {  	s0 =	sshll.u32 s28, $0x7;
	v28 =	vbroadcast v57, $0x3;
	v29 =	vld [tilespmem:s2+$0x1AA0];
	v0 =	vmul.f32 v22, v16;
	v27 =	vpop (erf);
	[tilespmem:s2+$0x1A40] =	vst v24  }
0x1b4: {  	s0 =	sand.u32 $0x3FFFFF80, s0;
	v30 =	vbroadcast v57, $0x4;
	v31 =	vld [tilespmem:s2+$0x1AB0];
	v1 =	vmul.f32 v25, v18;
	[tilespmem:s17+$0x7A40] =	vst v27  }
0x1b5: {  	v33 =	vbroadcast v57, $0x5;
	v32 =	vmul.f32 v21, v28;
	[tilespmem:s2+$0x1A50] =	vst v0;
	v34 =	vld [tilespmem:s0+$0x1A40]  }
0x1b6: {  	v36 =	vbroadcast v57, $0x6;
	v35 =	vmul.f32 v23, v30;
	[tilespmem:s2+$0x1A60] =	vst v1;
	v37 =	vld [tilespmem:s0+$0x1A50]  }
0x1b7: {  	v39 =	vbroadcast v57, $0x7;
	v38 =	vmul.f32 v26, v33;
	[tilespmem:s2+$0x1A70] =	vst v32;
	v40 =	vld [tilespmem:s0+$0x1A60]  }
0x1b8: {  	v41 =	vmul.f32 v29, v36;
	[tilespmem:s2+$0x1A80] =	vst v35;
	v42 =	vbroadcast v27, $0x0;
	v43 =	vld [tilespmem:s0+$0x1A70]  }
0x1b9: {  	v44 =	vmul.f32 v31, v39;
	[tilespmem:s2+$0x1A90] =	vst v38;
	v45 =	vbroadcast v27, $0x1;
	v46 =	vld [tilespmem:s0+$0x1A80]  }
0x1ba: {  	[tilespmem:s2+$0x1AA0] =	vst v41;
	v48 =	vbroadcast v27, $0x2;
	v49 =	vld [tilespmem:s0+$0x1A90];
	v47 =	vmul.f32 v42, v34  }
0x1bb: {  	[tilespmem:s2+$0x1AB0] =	vst v44;
	v51 =	vbroadcast v27, $0x3;
	v52 =	vld [tilespmem:s0+$0x1AA0];
	v50 =	vmul.f32 v45, v37  }
0x1bc: {  	v54 =	vbroadcast v27, $0x4;
	v55 =	vld [tilespmem:s0+$0x1AB0];
	v53 =	vmul.f32 v48, v40;
	[tilespmem:s0+$0x1A40] =	vst v47  }
0x1bd: {  	v57 =	vbroadcast v27, $0x5;
	v56 =	vmul.f32 v43, v51;
	[tilespmem:s0+$0x1A50] =	vst v50  }
0x1be: {  	p0 =	slt.u32 s21, $0x40;
	v59 =	vbroadcast v27, $0x6;
	v58 =	vmul.f32 v46, v54;
	[tilespmem:s0+$0x1A60] =	vst v53  }
.Ltmp0:
0x1bf: {  	v61 =	vbroadcast v27, $0x7;
	v60 =	vmul.f32 v49, v57;
	[tilespmem:s0+$0x1A70] =	vst v56;
	(pc) =	sbr.rel @p0 .LBB2_3-.Ltmp0, $4  }
0x1c0: {  	v62 =	vmul.f32 v52, v59;
	[tilespmem:s0+$0x1A80] =	vst v58  }
0x1c1: {  	v63 =	vmul.f32 v55, v61;
	[tilespmem:s0+$0x1A90] =	vst v60  }
0x1c2: {  	s28 =	sadd.s32 $0x20, s21;
	[tilespmem:s0+$0x1AA0] =	vst v62  }
0x1c3: {  	s21 =	smov.u32 s28;
	[tilespmem:s0+$0x1AB0] =	vst v63  }
0x1c4: {  	s0 =	simm.s32 $0x1A40  }
0x1c5: {  	[spmem:s19] =	stream.indirect.scatter.add.f32 [tilespmem:s0], [sflag:$0x5], $0x80, s25, s29, $0xb8;
	[tilespmem:$0x1E9C0] =	vst v63  }
0x1c6: {  	_ =	swait.ge [sflag:s24], $0x3000  }
0x1c7: {  	p0 =	seq.s32 s23, $0x35;
	[sflag:s24] =	ssyncset.done $0x0;
	s0 =	rddreg [dreg:$0xe]  }
0x1c8: {  	s26 =	simm.s32 $0x7A40;
	[sflag:s24] =	ssyncadd.s32 $0xFFFFD000;
	s0 =	sadd.s32 @!p0 s4, s0  }
0x1c9: {  	[spmem:s20] =	stream.indirect.scatter.add.f32 [tilespmem:s26], [sflag:$0x5], $0x10, s25, s29, $0xb8;
	[tilespmem:$0x1E9C0] =	vst v63  }
0x1ca: {  	s0 =	smul.u32 @!p0 $0xC, s0;
	_ =	swait.ge [sflag:s24], $0x600  }
0x1cb: {  	[sflag:s24] =	ssyncset.done $0x0  }
0x1cc: {  	s2 =	simm.s32 @!p0 $0x0;
	s1 =	sadd.s32 @!p0 s5, s0;
	[sflag:s24] =	ssyncadd.s32 $0xFFFFFA00  }
0x1cd: {  	[tilespmem:s2], [sflag:$0x1] =	stream.linear.gather @!p0 [hbm4b:s1+s2], $0x60, $0x38;
	[tilespmem:$0x1E9C0] =	vst v63  }
0x1ce: {  	s4 =	simm.s32 @!p0 $0xC0;
	s1 =	sadd.s32 @!p0 s6, s0  }
0x1cf: {  	[tilespmem:s4], [sflag:$0x1] =	stream.linear.gather @!p0 [hbm4b:s1+s2], $0x60, $0x38;
	[tilespmem:$0x1E9C0] =	vst v63  }
0x1d0: {  	s0 =	sadd.s32 @!p0 s7, s0;
	s1 =	simm.s32 @!p0 $0x180  }
0x1d1: {  	[tilespmem:s1], [sflag:$0x1] =	stream.linear.gather @!p0 [hbm4b:s0+s2], $0x60, $0x38;
	[tilespmem:$0x1E9C0] =	vst v63  }
0x1d2: {  	s0 =	simm.s32 @!p0 $0x1  }
0x1d3: {  	_ =	swait.ge @!p0 [sflag:s0], $0x60  }
0x1d4: {  	[sflag:s0] =	ssyncset.done @!p0 $0x0  }
0x1d5: {  	[sflag:s0] =	ssyncadd.s32 @!p0 $0xFFFFFFA0  }
0x1d6: {  	_ =	swait.ge @!p0 [sflag:s0], $0x60  }
0x1d7: {  	[sflag:s0] =	ssyncset.done @!p0 $0x0  }
0x1d8: {  	[sflag:s0] =	ssyncadd.s32 @!p0 $0xFFFFFFA0  }
0x1d9: {  	_ =	swait.ge @!p0 [sflag:s0], $0x60  }
0x1da: {  	[sflag:s0] =	ssyncset.done @!p0 $0x0  }
0x1db: {  	s4 =	simm.s32 @!p0 $0x240;
	[sflag:s0] =	ssyncadd.s32 @!p0 $0xFFFFFFA0;
	s0 =	simm.s32 @!p0 $0x60  }
0x1dc: {  	[tilespmem:s4], [sflag:$0x3] =	stream.indirect.gather @!p0 [hbm4b:s9+s0], $0x10, s1, s0, $0xb8;
	[tilespmem:$0x1E9C0] =	vst v63  }
0x1dd: {  	s1 =	simm.s32 @!p0 $0xE40  }
0x1de: {  	[tilespmem:s1], [sflag:$0x3] =	stream.indirect.gather @!p0 [hbm4b:s10+s0], $0x10, s2, s0, $0xb8;
	[tilespmem:$0x1E9C0] =	vst v63  }
0x1df: {  	s1 =	simm.s32 @!p0 $0x1A40  }
0x1e0: {  	[tilespmem:s1], [sflag:$0x3] =	stream.indirect.gather @!p0 [hbm4b:s8+s0], $0x80, s2, s0, $0xb8;
	[tilespmem:$0x1E9C0] =	vst v63  }
0x1e1: {  	_ =	swait.ge [sflag:s16], $0x600  }
0x1e2: {  	[sflag:s16] =	ssyncset.done $0x0  }
0x1e3: {  	[sflag:s16] =	ssyncadd.s32 $0xFFFFFA00  }
0x1e4: {  	_ =	swait.ge [sflag:s16], $0x600  }
0x1e5: {  	[sflag:s16] =	ssyncset.done $0x0  }
0x1e6: {  	[sflag:s16] =	ssyncadd.s32 $0xFFFFFA00  }
0x1e7: {  	_ =	swait.ge [sflag:s16], $0x3000  }
0x1e8: {  	[sflag:s16] =	ssyncset.done $0x0  }
0x1e9: {  	s28 =	smov.u32 s19;
	s4 =	simm.s32 $0x0;
	[sflag:s16] =	ssyncadd.s32 $0xFFFFD000  }
.LBB2_5:
0x1ea: {  	s0 =	sshll.u32 s4, $0x4  }
0x1eb: {  	v0 =	vld [tilespmem:s0+$0x840]  }
0x1ec: {  	v1 =	vld [tilespmem:s0+$0x1440];
	_ =	sdelay $0x4  }
0x1ed: {  	s1 =	sor.u32 $0x1, s4;
	v0 =	vadd.f32 v1, v0  }
0x1ee: {  	s11 =	sshll.u32 s1, $0x4  }
0x1ef: {  	v35 =	vld [tilespmem:s11+$0x840];
	v1 =	vmul.f32 $2.000000030e-01, v0  }
0x1f0: {  	v2 =	vld [tilespmem:s11+$0x1440];
	vm0 =	vgt.f32 v0, $0.0e+00  }
0x1f1: {  	v0 =	vsel vm0, v0, v1  }
0x1f2: {  	s17 =	sor.u32 $0x2, s4;
	v0 =	vmul.f32 $1.442695020e+00, v0  }
0x1f3: {  	s14 =	sshll.u32 s17, $0x4  }
0x1f4: {  	v37 =	vld [tilespmem:s14+$0x840];
	(erf) = vpow2.f32 v0  }
0x1f5: {  	v38 =	vld [tilespmem:s14+$0x1440];
	v36 =	vadd.f32 v2, v35  }
0x1f6: {  	s22 =	sor.u32 $0x3, s4  }
0x1f7: {  	s15 =	sshll.u32 s22, $0x4;
	v1 =	vmul.f32 $2.000000030e-01, v36  }
0x1f8: {  	v41 =	vld [tilespmem:s15+$0x840];
	vm9 =	vgt.f32 v36, $0.0e+00  }
0x1f9: {  	v9 =	vld [tilespmem:s15+$0x1440];
	v0 =	vsel vm9, v36, v1  }
0x1fa: {  	s1 =	sshll.u32 s1, $0x7;
	v1 =	vadd.f32 v38, v37;
	v0 =	vmul.f32 $1.442695020e+00, v0  }
0x1fb: {  	s18 =	sand.u32 $0x3FFFFF80, s1;
	s1 =	sor.u32 $0x4, s4  }
0x1fc: {  	s26 =	sshll.u32 s1, $0x4;
	v7 =	vmul.f32 $2.000000030e-01, v1;
	(erf) = vpow2.f32 v0  }
0x1fd: {  	s2 =	sshll.u32 s4, $0x7;
	v53 =	vld [tilespmem:s26+$0x840];
	vm10 =	vgt.f32 v1, $0.0e+00;
	v3 =	vpop (erf)  }
0x1fe: {  	s21 =	sand.u32 $0x3FFFFF80, s2;
	v55 =	vld [tilespmem:s26+$0x1440];
	v1 =	vsel vm10, v1, v7;
	v7 =	vadd.f32 v9, v41;
	[tilespmem:s0+$0x8040] =	vst v3  }
0x1ff: {  	v39 =	vld [tilespmem:s21+$0x4A40]  }
0x200: {  	v17 =	vmul.f32 $2.000000030e-01, v7;
	v4 =	vld [tilespmem:s21+$0x4A50]  }
0x201: {  	vm11 =	vgt.f32 v7, $0.0e+00;
	v5 =	vld [tilespmem:s21+$0x4A60]  }
0x202: {  	v1 =	vmul.f32 $1.442695020e+00, v1;
	v7 =	vsel vm11, v7, v17;
	v40 =	vld [tilespmem:s21+$0x4A70]  }
0x203: {  	v7 =	vmul.f32 $1.442695020e+00, v7;
	v10 =	vbroadcast v3, $0x0;
	v6 =	vld [tilespmem:s21+$0x4A80]  }
0x204: {  	v13 =	vbroadcast v3, $0x1;
	v42 =	vbroadcast v3, $0x2;
	v8 =	vld [tilespmem:s21+$0x4A90]  }
0x205: {  	v44 =	vbroadcast v3, $0x3;
	v45 =	vbroadcast v3, $0x4;
	v11 =	vld [tilespmem:s21+$0x4AA0];
	v12 =	vpop (erf)  }
0x206: {  	v46 =	vbroadcast v3, $0x5;
	v14 =	vld [tilespmem:s21+$0x4AB0];
	(erf) = vpow2.f32 v1;
	[tilespmem:s11+$0x8040] =	vst v12  }
0x207: {  	v50 =	vbroadcast v3, $0x6;
	s0 =	sor.u32 $0x5, s4;
	v43 =	vld [tilespmem:s18+$0x4A40];
	v0 =	vmul.f32 v10, v39  }
0x208: {  	v3 =	vbroadcast v3, $0x7;
	s19 =	sshll.u32 s0, $0x4;
	v15 =	vld [tilespmem:s18+$0x4A50];
	v4 =	vmul.f32 v13, v4  }
0x209: {  	v41 =	vld [tilespmem:s19+$0x1440];
	v52 =	vbroadcast v12, $0x0;
	v1 =	vmul.f32 v42, v5;
	[tilespmem:s21+$0x4A40] =	vst v0  }
0x20a: {  	v60 =	vbroadcast v12, $0x1;
	v16 =	vld [tilespmem:s18+$0x4A60];
	v2 =	vmul.f32 v40, v44;
	[tilespmem:s21+$0x4A50] =	vst v4  }
0x20b: {  	v62 =	vbroadcast v12, $0x2;
	v47 =	vld [tilespmem:s18+$0x4A70];
	v5 =	vmul.f32 v6, v45;
	[tilespmem:s21+$0x4A60] =	vst v1  }
0x20c: {  	v63 =	vbroadcast v12, $0x3;
	v48 =	vld [tilespmem:s18+$0x4A80];
	[tilespmem:s21+$0x4A70] =	vst v2;
	v57 =	vmul.f32 v52, v43  }
0x20d: {  	v22 =	vbroadcast v12, $0x4;
	v51 =	vld [tilespmem:s18+$0x4A90];
	[tilespmem:s21+$0x4A80] =	vst v5;
	v21 =	vmul.f32 v60, v15  }
0x20e: {  	v28 =	vbroadcast v12, $0x5;
	v30 =	vbroadcast v12, $0x6;
	v58 =	vld [tilespmem:s18+$0x4AA0];
	[tilespmem:s18+$0x4A40] =	vst v57  }
0x20f: {  	s17 =	sshll.u32 s17, $0x7;
	v61 =	vld [tilespmem:s18+$0x4AB0];
	v24 =	vmul.f32 v62, v16;
	v59 =	vpop (erf);
	(erf) = vpow2.f32 v7;
	[tilespmem:s18+$0x4A50] =	vst v21  }
0x210: {  	s17 =	sand.u32 $0x3FFFFF80, s17;
	v49 =	vmul.f32 v8, v46;
	v8 =	vadd.f32 v55, v53;
	v39 =	vld [tilespmem:s19+$0x840];
	v25 =	vmul.f32 v47, v63;
	[tilespmem:s14+$0x8040] =	vst v59  }
0x211: {  	v34 =	vbroadcast v12, $0x7;
	v27 =	vmul.f32 v48, v22;
	[tilespmem:s18+$0x4A60] =	vst v24;
	v18 =	vld [tilespmem:s17+$0x4A40]  }
0x212: {  	v32 =	vmul.f32 $2.000000030e-01, v8;
	v33 =	vmul.f32 v51, v28;
	[tilespmem:s18+$0x4A70] =	vst v25;
	v23 =	vld [tilespmem:s17+$0x4A50]  }
0x213: {  	v54 =	vmul.f32 v11, v50;
	vm12 =	vgt.f32 v8, $0.0e+00;
	v36 =	vmul.f32 v58, v30;
	[tilespmem:s18+$0x4A80] =	vst v27;
	v26 =	vld [tilespmem:s17+$0x4A60]  }
0x214: {  	v56 =	vmul.f32 v14, v3;
	v40 =	vmul.f32 v61, v34;
	v38 =	vsel vm12, v8, v32;
	[tilespmem:s18+$0x4A90] =	vst v33;
	v29 =	vld [tilespmem:s17+$0x4A70]  }
0x215: {  	v4 =	vmul.f32 $1.442695020e+00, v38;
	[tilespmem:s18+$0x4AA0] =	vst v36;
	v37 =	vbroadcast v59, $0x0;
	v31 =	vld [tilespmem:s17+$0x4A80]  }
0x216: {  	[tilespmem:s18+$0x4AB0] =	vst v40;
	s18 =	sor.u32 $0x6, s4;
	v43 =	vbroadcast v59, $0x1;
	v46 =	vbroadcast v59, $0x2;
	v35 =	vld [tilespmem:s17+$0x4A90]  }
0x217: {  	s2 =	sshll.u32 s22, $0x7;
	[tilespmem:s21+$0x4A90] =	vst v49;
	v48 =	vbroadcast v59, $0x3;
	v49 =	vbroadcast v59, $0x4;
	s22 =	sshll.u32 s18, $0x4;
	v44 =	vld [tilespmem:s17+$0x4AA0]  }
0x218: {  	[tilespmem:s21+$0x4AA0] =	vst v54;
	v6 =	vadd.f32 v41, v39;
	v55 =	vbroadcast v59, $0x5;
	v60 =	vld [tilespmem:s22+$0x840];
	v45 =	vpop (erf);
	(erf) = vpow2.f32 v4  }
0x219: {  	[tilespmem:s21+$0x4AB0] =	vst v56;
	v56 =	vbroadcast v59, $0x6;
	v58 =	vbroadcast v59, $0x7;
	v62 =	vld [tilespmem:s22+$0x1440]  }
0x21a: {  	s21 =	sand.u32 $0x3FFFFF80, s2;
	v47 =	vld [tilespmem:s17+$0x4AB0];
	v59 =	vmul.f32 $2.000000030e-01, v6;
	v42 =	vmul.f32 v37, v18;
	[tilespmem:s15+$0x8040] =	vst v45  }
0x21b: {  	vm13 =	vgt.f32 v6, $0.0e+00;
	v51 =	vmul.f32 v43, v23;
	v50 =	vld [tilespmem:s21+$0x4A40]  }
0x21c: {  	v6 =	vsel vm13, v6, v59;
	v52 =	vmul.f32 v46, v26;
	[tilespmem:s17+$0x4A40] =	vst v42;
	v53 =	vld [tilespmem:s21+$0x4A50]  }
0x21d: {  	v6 =	vmul.f32 $1.442695020e+00, v6;
	v0 =	vmul.f32 v29, v48;
	[tilespmem:s17+$0x4A50] =	vst v51;
	v54 =	vld [tilespmem:s21+$0x4A60]  }
0x21e: {  	v2 =	vmul.f32 v35, v55;
	v61 =	vmul.f32 v44, v56;
	v29 =	vadd.f32 v62, v60;
	[tilespmem:s17+$0x4A60] =	vst v52;
	v57 =	vld [tilespmem:s21+$0x4A70]  }
0x21f: {  	v63 =	vmul.f32 v47, v58;
	v4 =	vmul.f32 v31, v49;
	[tilespmem:s17+$0x4A70] =	vst v0;
	v20 =	vld [tilespmem:s21+$0x4A80]  }
0x220: {  	[tilespmem:s17+$0x4A90] =	vst v2;
	v35 =	vmul.f32 $2.000000030e-01, v29;
	v19 =	vbroadcast v45, $0x0;
	v22 =	vld [tilespmem:s21+$0x4A90]  }
0x221: {  	s11 =	sshll.u32 s1, $0x7;
	[tilespmem:s17+$0x4AA0] =	vst v61;
	v21 =	vbroadcast v45, $0x1;
	v23 =	vbroadcast v45, $0x2;
	v24 =	vld [tilespmem:s21+$0x4AA0];
	v25 =	vpop (erf)  }
0x222: {  	(erf) = vpow2.f32 v6;
	v27 =	vbroadcast v45, $0x3;
	v26 =	vld [tilespmem:s21+$0x4AB0];
	[tilespmem:s26+$0x8040] =	vst v25;
	s26 =	sand.u32 $0x3FFFFF80, s11  }
0x223: {  	[tilespmem:s17+$0x4AB0] =	vst v63;
	v30 =	vbroadcast v45, $0x4;
	v1 =	vmul.f32 v19, v50;
	v28 =	vld [tilespmem:s26+$0x4A40]  }
0x224: {  	v31 =	vbroadcast v45, $0x5;
	[tilespmem:s17+$0x4A80] =	vst v4;
	v4 =	vmul.f32 v21, v53;
	v32 =	vld [tilespmem:s26+$0x4A50]  }
0x225: {  	vm14 =	vgt.f32 v29, $0.0e+00;
	v38 =	vbroadcast v45, $0x6;
	v2 =	vmul.f32 v23, v54;
	[tilespmem:s21+$0x4A40] =	vst v1;
	v34 =	vld [tilespmem:s26+$0x4A60]  }
0x226: {  	s1 =	sor.u32 $0x7, s4;
	v39 =	vbroadcast v45, $0x7;
	v6 =	vsel vm14, v29, v35;
	v33 =	vmul.f32 v57, v27;
	[tilespmem:s21+$0x4A50] =	vst v4;
	v37 =	vld [tilespmem:s26+$0x4A70]  }
0x227: {  	v6 =	vmul.f32 $1.442695020e+00, v6;
	v0 =	vmul.f32 v20, v30;
	[tilespmem:s21+$0x4A60] =	vst v2;
	s11 =	sshll.u32 s1, $0x4;
	v40 =	vld [tilespmem:s26+$0x4A80]  }
0x228: {  	v36 =	vmul.f32 v22, v31;
	v43 =	vmul.f32 v24, v38;
	[tilespmem:s21+$0x4A70] =	vst v33;
	v42 =	vld [tilespmem:s11+$0x840]  }
0x229: {  	v44 =	vmul.f32 v26, v39;
	[tilespmem:s21+$0x4A80] =	vst v0;
	(erf) = vpow2.f32 v6;
	v45 =	vld [tilespmem:s11+$0x1440]  }
0x22a: {  	[tilespmem:s21+$0x4A90] =	vst v36;
	v41 =	vbroadcast v25, $0x0;
	v48 =	vbroadcast v25, $0x1;
	v46 =	vld [tilespmem:s26+$0x4A90]  }
0x22b: {  	s14 =	sshll.u32 s0, $0x7;
	[tilespmem:s21+$0x4AA0] =	vst v43;
	v47 =	vpop (erf);
	v49 =	vbroadcast v25, $0x2;
	v51 =	vbroadcast v25, $0x3;
	v50 =	vld [tilespmem:s26+$0x4AA0]  }
0x22c: {  	v52 =	vbroadcast v25, $0x4;
	v53 =	vld [tilespmem:s26+$0x4AB0];
	[tilespmem:s19+$0x8040] =	vst v47;
	s19 =	sand.u32 $0x3FFFFF80, s14;
	v1 =	vmul.f32 v41, v28  }
0x22d: {  	[tilespmem:s21+$0x4AB0] =	vst v44;
	v59 =	vbroadcast v25, $0x5;
	v55 =	vld [tilespmem:s19+$0x4A40];
	v0 =	vmul.f32 v48, v32  }
0x22e: {  	v60 =	vbroadcast v25, $0x6;
	v58 =	vld [tilespmem:s19+$0x4A50];
	v54 =	vmul.f32 v49, v34;
	[tilespmem:s26+$0x4A40] =	vst v1  }
0x22f: {  	v62 =	vbroadcast v25, $0x7;
	v61 =	vld [tilespmem:s19+$0x4A60];
	v56 =	vmul.f32 v37, v51;
	v7 =	vadd.f32 v45, v42;
	[tilespmem:s26+$0x4A50] =	vst v0  }
0x230: {  	v18 =	vbroadcast v47, $0x0;
	v63 =	vld [tilespmem:s19+$0x4A70];
	v57 =	vmul.f32 v40, v52;
	[tilespmem:s26+$0x4A60] =	vst v54  }
0x231: {  	v19 =	vld [tilespmem:s19+$0x4A80];
	v20 =	vmul.f32 v50, v60;
	v17 =	vmul.f32 $2.000000030e-01, v7;
	[tilespmem:s26+$0x4A70] =	vst v56  }
0x232: {  	v25 =	vbroadcast v47, $0x1;
	v26 =	vbroadcast v47, $0x2;
	v21 =	vld [tilespmem:s19+$0x4A90];
	vm15 =	vgt.f32 v7, $0.0e+00;
	[tilespmem:s26+$0x4A80] =	vst v57  }
0x233: {  	s21 =	sshll.u32 s18, $0x7;
	v31 =	vbroadcast v47, $0x4;
	v23 =	vld [tilespmem:s19+$0x4AA0];
	v2 =	vmul.f32 v53, v62;
	v24 =	vpop (erf);
	[tilespmem:s26+$0x4AA0] =	vst v20;
	v7 =	vsel vm15, v7, v17  }
0x234: {  	v27 =	vld [tilespmem:s19+$0x4AB0];
	v22 =	vmul.f32 v18, v55;
	[tilespmem:s22+$0x8040] =	vst v24;
	s22 =	sand.u32 $0x3FFFFF80, s21;
	v7 =	vmul.f32 $1.442695020e+00, v7  }
0x235: {  	v36 =	vbroadcast v47, $0x5;
	v0 =	vmul.f32 v46, v59;
	[tilespmem:s26+$0x4AB0] =	vst v2;
	v29 =	vld [tilespmem:s22+$0x4A40]  }
0x236: {  	v30 =	vmul.f32 v25, v58;
	[tilespmem:s19+$0x4A40] =	vst v22;
	v32 =	vld [tilespmem:s22+$0x4A50];
	(erf) = vpow2.f32 v7  }
0x237: {  	v5 =	vbroadcast v47, $0x7;
	v33 =	vmul.f32 v26, v61;
	[tilespmem:s26+$0x4A90] =	vst v0;
	v34 =	vld [tilespmem:s22+$0x4A60];
	s26 =	sor.u32 $0x8, s4  }
0x238: {  	v28 =	vbroadcast v47, $0x3;
	v35 =	vmul.f32 v19, v31;
	[tilespmem:s19+$0x4A50] =	vst v30;
	v37 =	vld [tilespmem:s22+$0x4A70];
	s15 =	sshll.u32 s26, $0x4  }
0x239: {  	v38 =	vbroadcast v47, $0x6;
	v4 =	vmul.f32 v21, v36;
	[tilespmem:s19+$0x4A60] =	vst v33;
	v39 =	vld [tilespmem:s15+$0x840]  }
0x23a: {  	v42 =	vmul.f32 v27, v5;
	v6 =	vmul.f32 v63, v28;
	[tilespmem:s19+$0x4A80] =	vst v35;
	v41 =	vld [tilespmem:s15+$0x1440]  }
0x23b: {  	v40 =	vbroadcast v24, $0x0;
	[tilespmem:s19+$0x4A90] =	vst v4;
	v45 =	vbroadcast v24, $0x1;
	v43 =	vld [tilespmem:s22+$0x4A80]  }
0x23c: {  	v46 =	vbroadcast v24, $0x2;
	[tilespmem:s19+$0x4AB0] =	vst v42;
	v0 =	vmul.f32 v23, v38;
	v48 =	vld [tilespmem:s22+$0x4A90]  }
0x23d: {  	v47 =	vbroadcast v24, $0x3;
	[tilespmem:s19+$0x4A70] =	vst v6;
	v51 =	vld [tilespmem:s22+$0x4AA0];
	v44 =	vmul.f32 v40, v29  }
0x23e: {  	v50 =	vbroadcast v24, $0x4;
	v54 =	vbroadcast v24, $0x5;
	v53 =	vld [tilespmem:s22+$0x4AB0];
	[tilespmem:s19+$0x4AA0] =	vst v0  }
0x23f: {  	s1 =	sshll.u32 s1, $0x7;
	v56 =	vbroadcast v24, $0x6;
	v49 =	vmul.f32 v45, v32;
	v9 =	vadd.f32 v41, v39;
	[tilespmem:s22+$0x4A40] =	vst v44;
	v52 =	vpop (erf)  }
0x240: {  	s1 =	sand.u32 $0x3FFFFF80, s1;
	v3 =	vbroadcast v24, $0x7;
	v0 =	vmul.f32 v46, v34;
	[tilespmem:s11+$0x8040] =	vst v52  }
0x241: {  	v6 =	vmul.f32 v37, v47;
	[tilespmem:s22+$0x4A50] =	vst v49;
	v57 =	vmul.f32 $2.000000030e-01, v9;
	v55 =	vld [tilespmem:s1+$0x4A40]  }
0x242: {  	v2 =	vmul.f32 v43, v50;
	v58 =	vmul.f32 v48, v54;
	[tilespmem:s22+$0x4A60] =	vst v0;
	vm4 =	vgt.f32 v9, $0.0e+00;
	v59 =	vld [tilespmem:s1+$0x4A50]  }
0x243: {  	v1 =	vmul.f32 v51, v56;
	v62 =	vmul.f32 v53, v3;
	[tilespmem:s22+$0x4A70] =	vst v6;
	v9 =	vsel vm4, v9, v57;
	v61 =	vld [tilespmem:s1+$0x4A60]  }
0x244: {  	[tilespmem:s22+$0x4A80] =	vst v2;
	v12 =	vmul.f32 $1.442695020e+00, v9;
	v60 =	vbroadcast v52, $0x0;
	v63 =	vld [tilespmem:s1+$0x4A70]  }
0x245: {  	[tilespmem:s22+$0x4A90] =	vst v58;
	v15 =	vbroadcast v52, $0x1;
	v17 =	vbroadcast v52, $0x2;
	v16 =	vld [tilespmem:s1+$0x4A80]  }
0x246: {  	[tilespmem:s22+$0x4AA0] =	vst v1;
	v18 =	vld [tilespmem:s1+$0x4A90];
	(erf) = vpow2.f32 v12;
	v14 =	vmul.f32 v60, v55  }
0x247: {  	[tilespmem:s22+$0x4AB0] =	vst v62;
	v20 =	vbroadcast v52, $0x3;
	v21 =	vld [tilespmem:s1+$0x4AA0];
	v19 =	vmul.f32 v15, v59  }
0x248: {  	v23 =	vbroadcast v52, $0x4;
	v24 =	vld [tilespmem:s1+$0x4AB0];
	v22 =	vmul.f32 v17, v61;
	[tilespmem:s1+$0x4A40] =	vst v14  }
0x249: {  	v26 =	vbroadcast v52, $0x5;
	v25 =	vmul.f32 v63, v20;
	[tilespmem:s1+$0x4A50] =	vst v19  }
0x24a: {  	v28 =	vbroadcast v52, $0x6;
	v27 =	vmul.f32 v16, v23;
	[tilespmem:s1+$0x4A60] =	vst v22  }
0x24b: {  	v30 =	vbroadcast v52, $0x7;
	v29 =	vmul.f32 v18, v26;
	[tilespmem:s1+$0x4A70] =	vst v25  }
0x24c: {  	v31 =	vmul.f32 v21, v28;
	[tilespmem:s1+$0x4A80] =	vst v27  }
0x24d: {  	v32 =	vmul.f32 v24, v30;
	[tilespmem:s1+$0x4A90] =	vst v29  }
0x24e: {  	[tilespmem:s1+$0x4AA0] =	vst v31  }
0x24f: {  	s18 =	sor.u32 $0x9, s4;
	[tilespmem:s1+$0x4AB0] =	vst v32;
	v33 =	vpop (erf)  }
0x250: {  	s22 =	sshll.u32 s18, $0x4;
	[tilespmem:s15+$0x8040] =	vst v33  }
0x251: {  	v37 =	vld [tilespmem:s22+$0x840]  }
0x252: {  	v38 =	vld [tilespmem:s22+$0x1440];
	_ =	sdelay $0x4  }
0x253: {  	v1 =	vadd.f32 v38, v37  }
0x254: {  	s11 =	sor.u32 $0xA, s4  }
0x255: {  	s15 =	sshll.u32 s11, $0x4;
	v2 =	vmul.f32 $2.000000030e-01, v1  }
0x256: {  	v39 =	vld [tilespmem:s15+$0x840];
	vm5 =	vgt.f32 v1, $0.0e+00  }
0x257: {  	s0 =	sshll.u32 s26, $0x7;
	v40 =	vld [tilespmem:s15+$0x1440];
	v1 =	vsel vm5, v1, v2  }
0x258: {  	s26 =	sand.u32 $0x3FFFFF80, s0;
	v1 =	vmul.f32 $1.442695020e+00, v1  }
0x259: {  	v41 =	vld [tilespmem:s26+$0x4A40]  }
0x25a: {  	v42 =	vld [tilespmem:s26+$0x4A50];
	(erf) = vpow2.f32 v1  }
0x25b: {  	v43 =	vld [tilespmem:s26+$0x4A60]  }
0x25c: {  	v44 =	vld [tilespmem:s26+$0x4A70];
	v2 =	vadd.f32 v40, v39  }
0x25d: {  	s19 =	sor.u32 $0xB, s4;
	v45 =	vld [tilespmem:s26+$0x4A80]  }
0x25e: {  	s21 =	sshll.u32 s19, $0x4;
	v47 =	vld [tilespmem:s26+$0x4A90];
	v46 =	vmul.f32 $2.000000030e-01, v2  }
0x25f: {  	v48 =	vld [tilespmem:s21+$0x840];
	vm6 =	vgt.f32 v2, $0.0e+00  }
0x260: {  	v49 =	vld [tilespmem:s21+$0x1440];
	v2 =	vsel vm6, v2, v46  }
0x261: {  	s2 =	sor.u32 $0xD, s4;
	v61 =	vbroadcast v33, $0x1;
	v50 =	vld [tilespmem:s26+$0x4AA0];
	v2 =	vmul.f32 $1.442695020e+00, v2  }
0x262: {  	s17 =	sshll.u32 s2, $0x4;
	v51 =	vld [tilespmem:s26+$0x4AB0]  }
0x263: {  	s1 =	sshll.u32 s18, $0x7;
	v4 =	vmul.f32 v61, v42;
	v42 =	vld [tilespmem:s17+$0x1440];
	v11 =	vpop (erf);
	(erf) = vpow2.f32 v2  }
0x264: {  	s18 =	sand.u32 $0x3FFFFF80, s1;
	v40 =	vld [tilespmem:s17+$0x840];
	[tilespmem:s22+$0x8040] =	vst v11  }
0x265: {  	v7 =	vadd.f32 v49, v48;
	v52 =	vld [tilespmem:s18+$0x4A40]  }
0x266: {  	v53 =	vld [tilespmem:s18+$0x4A50]  }
0x267: {  	v57 =	vmul.f32 $2.000000030e-01, v7;
	v54 =	vld [tilespmem:s18+$0x4A60]  }
0x268: {  	s1 =	sor.u32 $0xC, s4;
	v59 =	vbroadcast v33, $0x0;
	vm7 =	vgt.f32 v7, $0.0e+00;
	v55 =	vld [tilespmem:s18+$0x4A70]  }
0x269: {  	v22 =	vbroadcast v33, $0x2;
	v62 =	vbroadcast v33, $0x3;
	v7 =	vsel vm7, v7, v57;
	s22 =	sshll.u32 s1, $0x4;
	v56 =	vld [tilespmem:s18+$0x4A80]  }
0x26a: {  	v34 =	vbroadcast v33, $0x4;
	v7 =	vmul.f32 $1.442695020e+00, v7;
	v60 =	vld [tilespmem:s22+$0x840]  }
0x26b: {  	v35 =	vbroadcast v33, $0x5;
	v36 =	vbroadcast v33, $0x6;
	v19 =	vld [tilespmem:s22+$0x1440]  }
0x26c: {  	v0 =	vbroadcast v33, $0x7;
	v58 =	vld [tilespmem:s18+$0x4A90];
	v21 =	vpop (erf);
	(erf) = vpow2.f32 v7  }
0x26d: {  	s14 =	sshll.u32 s11, $0x7;
	v5 =	vmul.f32 v22, v43;
	v3 =	vmul.f32 v44, v62;
	v20 =	vld [tilespmem:s18+$0x4AA0]  }
0x26e: {  	s14 =	sand.u32 $0x3FFFFF80, s14;
	v6 =	vmul.f32 v45, v34;
	v10 =	vmul.f32 v50, v36;
	v23 =	vld [tilespmem:s18+$0x4AB0];
	[tilespmem:s15+$0x8040] =	vst v21  }
0x26f: {  	v0 =	vmul.f32 v51, v0;
	v1 =	vmul.f32 v59, v41;
	v63 =	vld [tilespmem:s14+$0x4A40]  }
0x270: {  	v27 =	vbroadcast v11, $0x0;
	v28 =	vbroadcast v11, $0x1;
	v16 =	vadd.f32 v19, v60;
	v24 =	vld [tilespmem:s14+$0x4A50]  }
0x271: {  	v29 =	vbroadcast v11, $0x2;
	v44 =	vbroadcast v11, $0x3;
	v25 =	vld [tilespmem:s14+$0x4A60]  }
0x272: {  	[tilespmem:s26+$0x4A50] =	vst v4;
	v31 =	vbroadcast v11, $0x4;
	v26 =	vmul.f32 $2.000000030e-01, v16;
	v37 =	vld [tilespmem:s14+$0x4A70]  }
0x273: {  	[tilespmem:s26+$0x4A60] =	vst v5;
	v45 =	vbroadcast v11, $0x5;
	v50 =	vbroadcast v11, $0x6;
	vm8 =	vgt.f32 v16, $0.0e+00;
	v38 =	vld [tilespmem:s14+$0x4A80]  }
0x274: {  	[tilespmem:s26+$0x4A70] =	vst v3;
	v51 =	vbroadcast v11, $0x7;
	v2 =	vmul.f32 v27, v52;
	v39 =	vld [tilespmem:s14+$0x4A90];
	v16 =	vsel vm8, v16, v26  }
0x275: {  	s0 =	sshll.u32 s19, $0x7;
	[tilespmem:s26+$0x4A80] =	vst v6;
	v13 =	vmul.f32 v28, v53;
	v43 =	vld [tilespmem:s14+$0x4AA0];
	v41 =	vmul.f32 $1.442695020e+00, v16;
	v28 =	vpop (erf)  }
0x276: {  	v14 =	vmul.f32 v29, v54;
	v46 =	vmul.f32 v55, v44;
	v30 =	vld [tilespmem:s14+$0x4AB0];
	[tilespmem:s21+$0x8040] =	vst v28;
	s21 =	sand.u32 $0x3FFFFF80, s0  }
0x277: {  	v49 =	vmul.f32 v58, v45;
	[tilespmem:s18+$0x4A40] =	vst v2;
	(erf) = vpow2.f32 v41;
	v32 =	vld [tilespmem:s21+$0x4A40]  }
0x278: {  	v52 =	vmul.f32 v20, v50;
	v5 =	vmul.f32 v23, v51;
	[tilespmem:s18+$0x4A50] =	vst v13;
	v33 =	vld [tilespmem:s21+$0x4A50]  }
0x279: {  	v48 =	vadd.f32 v42, v40;
	v7 =	vmul.f32 v47, v35;
	v47 =	vmul.f32 v56, v31;
	[tilespmem:s18+$0x4A60] =	vst v14;
	v11 =	vld [tilespmem:s21+$0x4A80]  }
0x27a: {  	[tilespmem:s18+$0x4A70] =	vst v46;
	v53 =	vbroadcast v21, $0x0;
	v54 =	vbroadcast v21, $0x1;
	v31 =	vld [tilespmem:s21+$0x4A60]  }
0x27b: {  	s19 =	sor.u32 $0xE, s4;
	[tilespmem:s18+$0x4A90] =	vst v49;
	v58 =	vbroadcast v21, $0x2;
	v26 =	vmul.f32 $2.000000030e-01, v48;
	v17 =	vld [tilespmem:s21+$0x4A70]  }
0x27c: {  	vm9 =	vgt.f32 v48, $0.0e+00;
	[tilespmem:s18+$0x4AA0] =	vst v52;
	v56 =	vmul.f32 v53, v63;
	s0 =	sshll.u32 s19, $0x4;
	v51 =	vbroadcast v28, $0x4;
	v20 =	vld [tilespmem:s21+$0x4A90]  }
0x27d: {  	[tilespmem:s18+$0x4AB0] =	vst v5;
	v60 =	vbroadcast v21, $0x3;
	v62 =	vbroadcast v21, $0x4;
	v15 =	vsel vm9, v48, v26;
	v55 =	vld [tilespmem:s0+$0x840]  }
0x27e: {  	v15 =	vmul.f32 $1.442695020e+00, v15;
	[tilespmem:s14+$0x4A40] =	vst v56;
	v57 =	vld [tilespmem:s0+$0x1440];
	v56 =	vmul.f32 v11, v51  }
0x27f: {  	s2 =	sshll.u32 s2, $0x7;
	s11 =	sor.u32 $0x11, s4;
	v34 =	vbroadcast v21, $0x5;
	v36 =	vbroadcast v21, $0x6;
	[tilespmem:s18+$0x4A80] =	vst v47;
	v59 =	vld [tilespmem:s21+$0x4AA0]  }
0x280: {  	s15 =	sshll.u32 s1, $0x7;
	s18 =	sand.u32 $0x3FFFFF80, s2;
	s2 =	sshll.u32 s11, $0x4;
	v6 =	vmul.f32 v54, v24;
	v24 =	vpop (erf);
	(erf) = vpow2.f32 v15;
	v15 =	vld [tilespmem:s21+$0x4AB0];
	[tilespmem:s21+$0x4A80] =	vst v56  }
0x281: {  	v61 =	vmul.f32 v58, v25;
	v63 =	vmul.f32 v37, v60;
	v56 =	vld [tilespmem:s2+$0x840];
	[tilespmem:s22+$0x8040] =	vst v24;
	s22 =	sand.u32 $0x3FFFFF80, s15  }
0x282: {  	[tilespmem:s26+$0x4AA0] =	vst v10;
	v8 =	vmul.f32 v38, v62;
	v38 =	vbroadcast v21, $0x7;
	v25 =	vld [tilespmem:s22+$0x4A40]  }
0x283: {  	[tilespmem:s26+$0x4AB0] =	vst v0;
	v37 =	vmul.f32 v39, v34;
	v39 =	vmul.f32 v43, v36;
	v35 =	vld [tilespmem:s22+$0x4A50]  }
0x284: {  	[tilespmem:s26+$0x4A40] =	vst v1;
	v41 =	vmul.f32 v30, v38;
	v42 =	vbroadcast v28, $0x0;
	v13 =	vld [tilespmem:s22+$0x4A60]  }
0x285: {  	[tilespmem:s26+$0x4A90] =	vst v7;
	v43 =	vbroadcast v28, $0x1;
	v44 =	vbroadcast v28, $0x2;
	v16 =	vadd.f32 v57, v55;
	v21 =	vld [tilespmem:s22+$0x4A70]  }
0x286: {  	[tilespmem:s14+$0x4A50] =	vst v6;
	v50 =	vbroadcast v28, $0x3;
	v52 =	vbroadcast v28, $0x5;
	v10 =	vld [tilespmem:s22+$0x4A80]  }
0x287: {  	[tilespmem:s14+$0x4A60] =	vst v61;
	v55 =	vbroadcast v28, $0x6;
	v40 =	vmul.f32 $2.000000030e-01, v16;
	s15 =	sor.u32 $0xF, s4;
	v23 =	vld [tilespmem:s22+$0x4A90]  }
0x288: {  	[tilespmem:s14+$0x4A70] =	vst v63;
	v60 =	vbroadcast v28, $0x7;
	v46 =	vmul.f32 v42, v32;
	vm10 =	vgt.f32 v16, $0.0e+00;
	s1 =	sshll.u32 s15, $0x4;
	v49 =	vld [tilespmem:s22+$0x4AA0]  }
0x289: {  	[tilespmem:s14+$0x4A80] =	vst v8;
	v4 =	vmul.f32 v43, v33;
	v59 =	vmul.f32 v59, v55;
	v16 =	vsel vm10, v16, v40;
	v45 =	vld [tilespmem:s1+$0x840]  }
0x28a: {  	[tilespmem:s14+$0x4A90] =	vst v37;
	v48 =	vmul.f32 v44, v31;
	v16 =	vmul.f32 $1.442695020e+00, v16;
	v47 =	vld [tilespmem:s1+$0x1440]  }
0x28b: {  	v54 =	vmul.f32 v17, v50;
	v57 =	vmul.f32 v20, v52;
	v30 =	vld [tilespmem:s22+$0x4AB0];
	[tilespmem:s21+$0x4AA0] =	vst v59;
	v27 =	vpop (erf)  }
0x28c: {  	v61 =	vbroadcast v24, $0x0;
	v59 =	vld [tilespmem:s2+$0x1440];
	(erf) = vpow2.f32 v16;
	[tilespmem:s17+$0x8040] =	vst v27  }
0x28d: {  	[tilespmem:s14+$0x4AA0] =	vst v39;
	v28 =	vbroadcast v24, $0x1;
	v33 =	vbroadcast v24, $0x2;
	v53 =	vld [tilespmem:s18+$0x4A40]  }
0x28e: {  	[tilespmem:s14+$0x4AB0] =	vst v41;
	v39 =	vbroadcast v24, $0x3;
	v41 =	vbroadcast v24, $0x4;
	v29 =	vld [tilespmem:s18+$0x4A50]  }
0x28f: {  	[tilespmem:s21+$0x4A40] =	vst v46;
	v44 =	vbroadcast v24, $0x5;
	v46 =	vbroadcast v24, $0x6;
	v58 =	vadd.f32 v47, v45;
	v11 =	vld [tilespmem:s18+$0x4A60]  }
0x290: {  	[tilespmem:s21+$0x4A60] =	vst v48;
	v48 =	vbroadcast v24, $0x7;
	v63 =	vmul.f32 v15, v60;
	v18 =	vld [tilespmem:s18+$0x4A70]  }
0x291: {  	[tilespmem:s21+$0x4A50] =	vst v4;
	v32 =	vmul.f32 v61, v25;
	v62 =	vmul.f32 $2.000000030e-01, v58;
	s17 =	sor.u32 $0x10, s4;
	v19 =	vld [tilespmem:s18+$0x4A80]  }
0x292: {  	[tilespmem:s21+$0x4A70] =	vst v54;
	v35 =	vmul.f32 v28, v35;
	v38 =	vmul.f32 v33, v13;
	vm11 =	vgt.f32 v58, $0.0e+00;
	v17 =	vld [tilespmem:s18+$0x4A90];
	s26 =	sshll.u32 s17, $0x4  }
0x293: {  	[tilespmem:s21+$0x4A90] =	vst v57;
	v43 =	vmul.f32 v21, v39;
	v49 =	vmul.f32 v49, v46;
	v16 =	vsel vm11, v58, v62;
	v34 =	vld [tilespmem:s26+$0x840]  }
0x294: {  	v51 =	vmul.f32 v30, v48;
	[tilespmem:s21+$0x4AB0] =	vst v63;
	v37 =	vld [tilespmem:s26+$0x1440];
	v36 =	vmul.f32 $1.442695020e+00, v16  }
0x295: {  	s19 =	sshll.u32 s19, $0x7;
	v45 =	vmul.f32 v10, v41;
	v47 =	vmul.f32 v23, v44;
	[tilespmem:s22+$0x4A40] =	vst v32;
	v40 =	vld [tilespmem:s18+$0x4AA0];
	v22 =	vpop (erf)  }
0x296: {  	s14 =	sand.u32 $0x3FFFFF80, s19;
	v50 =	vbroadcast v27, $0x0;
	v42 =	vld [tilespmem:s18+$0x4AB0];
	(erf) = vpow2.f32 v36;
	[tilespmem:s0+$0x8040] =	vst v22  }
0x297: {  	[tilespmem:s22+$0x4A50] =	vst v35;
	v54 =	vbroadcast v27, $0x2;
	v55 =	vbroadcast v27, $0x3;
	v21 =	vld [tilespmem:s14+$0x4A40]  }
0x298: {  	[tilespmem:s22+$0x4A60] =	vst v38;
	v63 =	vbroadcast v27, $0x4;
	v32 =	vbroadcast v27, $0x5;
	v25 =	vld [tilespmem:s14+$0x4A50]  }
0x299: {  	[tilespmem:s22+$0x4A70] =	vst v43;
	v33 =	vbroadcast v27, $0x6;
	v52 =	vmul.f32 v50, v53;
	v16 =	vadd.f32 v37, v34;
	v23 =	vld [tilespmem:s14+$0x4A60]  }
0x29a: {  	[tilespmem:s22+$0x4AA0] =	vst v49;
	v53 =	vbroadcast v27, $0x1;
	v60 =	vmul.f32 v54, v11;
	v12 =	vld [tilespmem:s14+$0x4A70]  }
0x29b: {  	[tilespmem:s22+$0x4AB0] =	vst v51;
	v61 =	vmul.f32 v18, v55;
	v20 =	vmul.f32 $2.000000030e-01, v16;
	v8 =	vld [tilespmem:s14+$0x4A80]  }
0x29c: {  	[tilespmem:s22+$0x4A80] =	vst v45;
	v35 =	vmul.f32 v19, v63;
	v3 =	vmul.f32 v17, v32;
	vm12 =	vgt.f32 v16, $0.0e+00;
	v24 =	vld [tilespmem:s14+$0x4A90]  }
0x29d: {  	[tilespmem:s22+$0x4A90] =	vst v47;
	v38 =	vmul.f32 v40, v33;
	v40 =	vadd.f32 v59, v56;
	s0 =	sor.u32 $0x12, s4;
	v62 =	vld [tilespmem:s14+$0x4AA0];
	v16 =	vsel vm12, v16, v20  }
0x29e: {  	v57 =	vmul.f32 v53, v29;
	[tilespmem:s18+$0x4A40] =	vst v52;
	v28 =	vld [tilespmem:s14+$0x4AB0];
	s19 =	sshll.u32 s0, $0x4;
	v58 =	vmul.f32 $1.442695020e+00, v16  }
0x29f: {  	s21 =	sshll.u32 s15, $0x7;
	v36 =	vbroadcast v27, $0x7;
	v46 =	vmul.f32 $2.000000030e-01, v40;
	[tilespmem:s18+$0x4A60] =	vst v60;
	v50 =	vld [tilespmem:s19+$0x840];
	v18 =	vpop (erf)  }
0x2a0: {  	s21 =	sand.u32 $0x3FFFFF80, s21;
	v44 =	vbroadcast v22, $0x1;
	v52 =	vld [tilespmem:s19+$0x1440];
	(erf) = vpow2.f32 v58;
	[tilespmem:s1+$0x8040] =	vst v18  }
0x2a1: {  	[tilespmem:s18+$0x4A70] =	vst v61;
	v48 =	vbroadcast v22, $0x2;
	v49 =	vbroadcast v22, $0x3;
	v34 =	vld [tilespmem:s21+$0x4A40]  }
0x2a2: {  	[tilespmem:s18+$0x4A80] =	vst v35;
	v53 =	vbroadcast v22, $0x4;
	v55 =	vbroadcast v22, $0x5;
	v37 =	vld [tilespmem:s21+$0x4A50]  }
0x2a3: {  	vm13 =	vgt.f32 v40, $0.0e+00;
	[tilespmem:s18+$0x4A90] =	vst v3;
	v41 =	vmul.f32 v42, v36;
	v42 =	vbroadcast v22, $0x0;
	v39 =	vld [tilespmem:s21+$0x4A60]  }
0x2a4: {  	v13 =	vsel vm13, v40, v46;
	[tilespmem:s18+$0x4A50] =	vst v57;
	v57 =	vbroadcast v22, $0x6;
	v22 =	vbroadcast v22, $0x7;
	v43 =	vld [tilespmem:s21+$0x4A70]  }
0x2a5: {  	[tilespmem:s18+$0x4AA0] =	vst v38;
	v13 =	vmul.f32 $1.442695020e+00, v13;
	v47 =	vmul.f32 v42, v21;
	v45 =	vld [tilespmem:s21+$0x4A80]  }
0x2a6: {  	[tilespmem:s18+$0x4AB0] =	vst v41;
	v0 =	vmul.f32 v44, v25;
	v51 =	vmul.f32 v48, v23;
	v20 =	vld [tilespmem:s21+$0x4A90]  }
0x2a7: {  	s22 =	sshll.u32 s17, $0x7;
	s17 =	sor.u32 $0x13, s4;
	v2 =	vmul.f32 v12, v49;
	v8 =	vmul.f32 v8, v53;
	[tilespmem:s14+$0x4A40] =	vst v47;
	v54 =	vld [tilespmem:s21+$0x4AA0]  }
0x2a8: {  	v59 =	vmul.f32 v24, v55;
	v61 =	vmul.f32 v62, v57;
	[tilespmem:s14+$0x4A50] =	vst v0;
	s1 =	sshll.u32 s17, $0x4;
	v56 =	vld [tilespmem:s21+$0x4AB0]  }
0x2a9: {  	v28 =	vmul.f32 v28, v22;
	v15 =	vadd.f32 v52, v50;
	[tilespmem:s14+$0x4A60] =	vst v51;
	v62 =	vbroadcast v18, $0x0;
	v38 =	vld [tilespmem:s1+$0x840];
	v21 =	vpop (erf)  }
0x2aa: {  	s22 =	sand.u32 $0x3FFFFF80, s22;
	v30 =	vbroadcast v18, $0x1;
	v41 =	vld [tilespmem:s1+$0x1440];
	(erf) = vpow2.f32 v13;
	[tilespmem:s26+$0x8040] =	vst v21  }
0x2ab: {  	[tilespmem:s14+$0x4A70] =	vst v2;
	v33 =	vmul.f32 $2.000000030e-01, v15;
	v35 =	vbroadcast v18, $0x2;
	v58 =	vld [tilespmem:s22+$0x4A40]  }
0x2ac: {  	[tilespmem:s14+$0x4A80] =	vst v8;
	vm14 =	vgt.f32 v15, $0.0e+00;
	v36 =	vbroadcast v18, $0x3;
	v44 =	vbroadcast v18, $0x5;
	v60 =	vld [tilespmem:s22+$0x4A50]  }
0x2ad: {  	[tilespmem:s14+$0x4A90] =	vst v59;
	v46 =	vbroadcast v18, $0x6;
	v47 =	vbroadcast v18, $0x7;
	v15 =	vsel vm14, v15, v33;
	v63 =	vld [tilespmem:s22+$0x4A60]  }
0x2ae: {  	[tilespmem:s14+$0x4AA0] =	vst v61;
	v40 =	vmul.f32 $1.442695020e+00, v15;
	v32 =	vmul.f32 v62, v34;
	v31 =	vld [tilespmem:s22+$0x4A70]  }
0x2af: {  	[tilespmem:s14+$0x4AB0] =	vst v28;
	v34 =	vmul.f32 v30, v37;
	v37 =	vbroadcast v18, $0x4;
	v9 =	vld [tilespmem:s22+$0x4A80]  }
0x2b0: {  	s11 =	sshll.u32 s11, $0x7;
	v39 =	vmul.f32 v35, v39;
	v0 =	vmul.f32 v43, v36;
	[tilespmem:s21+$0x4A40] =	vst v32;
	v25 =	vld [tilespmem:s22+$0x4A90]  }
0x2b1: {  	s18 =	sand.u32 $0x3FFFFF80, s11;
	s11 =	sor.u32 $0x14, s4;
	v49 =	vmul.f32 v20, v44;
	v52 =	vmul.f32 v54, v46;
	v55 =	vadd.f32 v41, v38;
	[tilespmem:s21+$0x4A50] =	vst v34;
	v43 =	vld [tilespmem:s22+$0x4AA0]  }
0x2b2: {  	v53 =	vmul.f32 v56, v47;
	v42 =	vmul.f32 v45, v37;
	[tilespmem:s21+$0x4A60] =	vst v39;
	s26 =	sshll.u32 s11, $0x4;
	v45 =	vld [tilespmem:s22+$0x4AB0]  }
0x2b3: {  	v59 =	vmul.f32 $2.000000030e-01, v55;
	[tilespmem:s21+$0x4A70] =	vst v0;
	v50 =	vbroadcast v21, $0x0;
	v29 =	vld [tilespmem:s26+$0x840];
	v17 =	vpop (erf)  }
0x2b4: {  	v57 =	vbroadcast v21, $0x1;
	v32 =	vld [tilespmem:s26+$0x1440];
	(erf) = vpow2.f32 v40;
	[tilespmem:s2+$0x8040] =	vst v17  }
0x2b5: {  	[tilespmem:s21+$0x4A90] =	vst v49;
	v61 =	vbroadcast v21, $0x3;
	v28 =	vbroadcast v21, $0x4;
	v48 =	vld [tilespmem:s18+$0x4A40]  }
0x2b6: {  	[tilespmem:s21+$0x4AA0] =	vst v52;
	v34 =	vbroadcast v21, $0x5;
	v36 =	vbroadcast v21, $0x6;
	v51 =	vld [tilespmem:s18+$0x4A50]  }
0x2b7: {  	[tilespmem:s21+$0x4AB0] =	vst v53;
	v39 =	vbroadcast v21, $0x7;
	v56 =	vmul.f32 v50, v58;
	v54 =	vld [tilespmem:s18+$0x4A60]  }
0x2b8: {  	vm15 =	vgt.f32 v55, $0.0e+00;
	[tilespmem:s21+$0x4A80] =	vst v42;
	v58 =	vbroadcast v21, $0x2;
	v60 =	vmul.f32 v57, v60;
	v13 =	vld [tilespmem:s18+$0x4A70]  }
0x2b9: {  	v12 =	vsel vm15, v55, v59;
	v30 =	vmul.f32 v31, v61;
	[tilespmem:s22+$0x4A40] =	vst v56;
	v44 =	vbroadcast v17, $0x1;
	v15 =	vld [tilespmem:s18+$0x4A80]  }
0x2ba: {  	v31 =	vmul.f32 $1.442695020e+00, v12;
	v33 =	vmul.f32 v9, v28;
	[tilespmem:s22+$0x4A50] =	vst v60;
	v62 =	vld [tilespmem:s18+$0x4A90]  }
0x2bb: {  	s21 =	sshll.u32 s17, $0x7;
	s17 =	sor.u32 $0x16, s4;
	[tilespmem:s22+$0x4A70] =	vst v30;
	v47 =	vbroadcast v17, $0x2;
	v35 =	vld [tilespmem:s18+$0x4AA0];
	v49 =	vmul.f32 v44, v51  }
0x2bc: {  	s14 =	sshll.u32 s0, $0x7;
	s0 =	sshll.u32 s17, $0x4;
	v38 =	vmul.f32 v25, v34;
	v41 =	vmul.f32 v43, v36;
	[tilespmem:s22+$0x4A80] =	vst v33;
	v37 =	vld [tilespmem:s18+$0x4AB0]  }
0x2bd: {  	v6 =	vmul.f32 v45, v39;
	v52 =	vmul.f32 v47, v54;
	v47 =	vld [tilespmem:s0+$0x840];
	v19 =	vpop (erf);
	[tilespmem:s18+$0x4A50] =	vst v49  }
0x2be: {  	s15 =	sand.u32 $0x3FFFFF80, s14;
	v63 =	vmul.f32 v58, v63;
	(erf) = vpow2.f32 v31;
	v49 =	vld [tilespmem:s0+$0x1440];
	[tilespmem:s19+$0x8040] =	vst v19  }
0x2bf: {  	[tilespmem:s22+$0x4A90] =	vst v38;
	v42 =	vbroadcast v17, $0x0;
	v53 =	vbroadcast v17, $0x3;
	v40 =	vld [tilespmem:s15+$0x4A40]  }
0x2c0: {  	v12 =	vadd.f32 v32, v29;
	[tilespmem:s22+$0x4AA0] =	vst v41;
	v55 =	vbroadcast v17, $0x4;
	v56 =	vbroadcast v17, $0x5;
	v43 =	vld [tilespmem:s15+$0x4A50]  }
0x2c1: {  	[tilespmem:s22+$0x4AB0] =	vst v6;
	v26 =	vbroadcast v17, $0x7;
	v46 =	vmul.f32 v42, v48;
	v45 =	vld [tilespmem:s15+$0x4A60]  }
0x2c2: {  	[tilespmem:s22+$0x4A60] =	vst v63;
	v63 =	vbroadcast v17, $0x6;
	v51 =	vmul.f32 $2.000000030e-01, v12;
	v48 =	vld [tilespmem:s15+$0x4A70]  }
0x2c3: {  	vm4 =	vgt.f32 v12, $0.0e+00;
	v58 =	vmul.f32 v13, v53;
	v0 =	vmul.f32 v15, v55;
	[tilespmem:s18+$0x4A40] =	vst v46;
	s19 =	sor.u32 $0x15, s4;
	v50 =	vld [tilespmem:s15+$0x4A80]  }
0x2c4: {  	v61 =	vmul.f32 v62, v56;
	v29 =	vmul.f32 v35, v63;
	v12 =	vsel vm4, v12, v51;
	[tilespmem:s18+$0x4A60] =	vst v52;
	v54 =	vld [tilespmem:s15+$0x4A90];
	s2 =	sshll.u32 s19, $0x4  }
0x2c5: {  	v3 =	vmul.f32 v37, v26;
	[tilespmem:s18+$0x4A70] =	vst v58;
	v59 =	vmul.f32 $1.442695020e+00, v12;
	v57 =	vld [tilespmem:s2+$0x840]  }
0x2c6: {  	[tilespmem:s18+$0x4A80] =	vst v0;
	v27 =	vbroadcast v19, $0x0;
	v30 =	vbroadcast v19, $0x1;
	v60 =	vld [tilespmem:s2+$0x1440]  }
0x2c7: {  	[tilespmem:s18+$0x4A90] =	vst v61;
	v36 =	vbroadcast v19, $0x2;
	v38 =	vbroadcast v19, $0x3;
	v62 =	vld [tilespmem:s15+$0x4AA0];
	v15 =	vpop (erf)  }
0x2c8: {  	s21 =	sand.u32 $0x3FFFFF80, s21;
	v42 =	vbroadcast v19, $0x4;
	v25 =	vld [tilespmem:s15+$0x4AB0];
	v32 =	vmul.f32 v27, v40;
	[tilespmem:s1+$0x8040] =	vst v15  }
0x2c9: {  	[tilespmem:s18+$0x4AA0] =	vst v29;
	v35 =	vmul.f32 v30, v43;
	(erf) = vpow2.f32 v59;
	v28 =	vld [tilespmem:s21+$0x4A40]  }
0x2ca: {  	v46 =	vbroadcast v19, $0x5;
	v41 =	vmul.f32 v36, v45;
	[tilespmem:s15+$0x4A40] =	vst v32;
	v31 =	vld [tilespmem:s21+$0x4A50]  }
0x2cb: {  	v51 =	vbroadcast v19, $0x6;
	v44 =	vmul.f32 v48, v38;
	v34 =	vadd.f32 v60, v57;
	[tilespmem:s15+$0x4A50] =	vst v35;
	v33 =	vld [tilespmem:s21+$0x4A60]  }
0x2cc: {  	v19 =	vbroadcast v19, $0x7;
	v48 =	vmul.f32 v50, v42;
	[tilespmem:s15+$0x4A60] =	vst v41;
	v37 =	vld [tilespmem:s21+$0x4A70]  }
0x2cd: {  	v50 =	vmul.f32 v54, v46;
	[tilespmem:s15+$0x4A70] =	vst v44;
	v40 =	vmul.f32 $2.000000030e-01, v34;
	v39 =	vld [tilespmem:s21+$0x4A80]  }
0x2ce: {  	s11 =	sshll.u32 s11, $0x7;
	v54 =	vmul.f32 v62, v51;
	[tilespmem:s15+$0x4A80] =	vst v48;
	vm5 =	vgt.f32 v34, $0.0e+00;
	v43 =	vld [tilespmem:s21+$0x4A90]  }
0x2cf: {  	s22 =	sand.u32 $0x3FFFFF80, s11;
	s11 =	sor.u32 $0x17, s4;
	v57 =	vmul.f32 v25, v19;
	[tilespmem:s15+$0x4A90] =	vst v50;
	v55 =	vbroadcast v15, $0x0;
	v52 =	vld [tilespmem:s21+$0x4AA0];
	v45 =	vsel vm5, v34, v40  }
0x2d0: {  	[tilespmem:s15+$0x4AA0] =	vst v54;
	s1 =	sshll.u32 s11, $0x4;
	v53 =	vld [tilespmem:s21+$0x4AB0];
	v1 =	vmul.f32 $1.442695020e+00, v45  }
0x2d1: {  	v58 =	vbroadcast v15, $0x1;
	[tilespmem:s15+$0x4AB0] =	vst v57;
	s15 =	sor.u32 $0x18, s4;
	v36 =	vld [tilespmem:s1+$0x1440];
	v60 =	vmul.f32 v55, v28  }
0x2d2: {  	[tilespmem:s18+$0x4AB0] =	vst v3;
	v61 =	vbroadcast v15, $0x2;
	s18 =	sshll.u32 s15, $0x4;
	v34 =	vld [tilespmem:s1+$0x840];
	v14 =	vpop (erf);
	(erf) = vpow2.f32 v1  }
0x2d3: {  	v8 =	vadd.f32 v49, v47;
	v24 =	vbroadcast v15, $0x3;
	v30 =	vbroadcast v15, $0x4;
	v57 =	vld [tilespmem:s18+$0x840];
	[tilespmem:s21+$0x4A40] =	vst v60  }
0x2d4: {  	v32 =	vbroadcast v15, $0x5;
	v63 =	vmul.f32 v58, v31;
	v60 =	vld [tilespmem:s18+$0x1440];
	[tilespmem:s26+$0x8040] =	vst v14  }
0x2d5: {  	v26 =	vmul.f32 v61, v33;
	v28 =	vmul.f32 $2.000000030e-01, v8;
	v56 =	vld [tilespmem:s22+$0x4A40]  }
0x2d6: {  	v29 =	vmul.f32 v37, v24;
	v33 =	vbroadcast v15, $0x6;
	v59 =	vld [tilespmem:s22+$0x4A50]  }
0x2d7: {  	vm6 =	vgt.f32 v8, $0.0e+00;
	v35 =	vmul.f32 v39, v30;
	v15 =	vbroadcast v15, $0x7;
	v62 =	vld [tilespmem:s22+$0x4A60]  }
0x2d8: {  	v37 =	vmul.f32 v43, v32;
	v8 =	vsel vm6, v8, v28;
	v38 =	vmul.f32 v52, v33;
	v25 =	vld [tilespmem:s22+$0x4A70]  }
0x2d9: {  	v1 =	vmul.f32 v53, v15;
	v8 =	vmul.f32 $1.442695020e+00, v8;
	v27 =	vld [tilespmem:s22+$0x4A80]  }
0x2da: {  	[tilespmem:s21+$0x4A50] =	vst v63;
	v41 =	vbroadcast v14, $0x0;
	v42 =	vbroadcast v14, $0x1;
	v31 =	vld [tilespmem:s22+$0x4A90]  }
0x2db: {  	s19 =	sshll.u32 s19, $0x7;
	v12 =	vadd.f32 v36, v34;
	[tilespmem:s21+$0x4A60] =	vst v26;
	v44 =	vbroadcast v14, $0x2;
	v49 =	vbroadcast v14, $0x3;
	v39 =	vld [tilespmem:s22+$0x4AA0];
	v11 =	vpop (erf)  }
0x2dc: {  	s14 =	sand.u32 $0x3FFFFF80, s19;
	v51 =	vbroadcast v14, $0x4;
	v40 =	vld [tilespmem:s22+$0x4AB0];
	(erf) = vpow2.f32 v8;
	[tilespmem:s2+$0x8040] =	vst v11  }
0x2dd: {  	[tilespmem:s21+$0x4A70] =	vst v29;
	v19 =	vmul.f32 $2.000000030e-01, v12;
	v53 =	vbroadcast v14, $0x5;
	v43 =	vld [tilespmem:s14+$0x4A40]  }
0x2de: {  	[tilespmem:s21+$0x4A80] =	vst v35;
	v46 =	vmul.f32 v41, v56;
	v47 =	vmul.f32 v42, v59;
	v45 =	vld [tilespmem:s14+$0x4A50]  }
0x2df: {  	[tilespmem:s21+$0x4A90] =	vst v37;
	vm7 =	vgt.f32 v12, $0.0e+00;
	v2 =	vmul.f32 v44, v62;
	v4 =	vmul.f32 v25, v49;
	v48 =	vld [tilespmem:s14+$0x4A60]  }
0x2e0: {  	[tilespmem:s21+$0x4AA0] =	vst v38;
	v55 =	vsel vm7, v12, v19;
	v3 =	vmul.f32 v27, v51;
	v56 =	vbroadcast v14, $0x6;
	v50 =	vld [tilespmem:s14+$0x4A70]  }
0x2e1: {  	[tilespmem:s21+$0x4AB0] =	vst v1;
	v6 =	vadd.f32 v60, v57;
	v58 =	vmul.f32 v31, v53;
	v62 =	vbroadcast v14, $0x7;
	v52 =	vld [tilespmem:s14+$0x4A80]  }
0x2e2: {  	v59 =	vmul.f32 $1.442695020e+00, v55;
	[tilespmem:s22+$0x4A40] =	vst v46;
	v61 =	vmul.f32 v39, v56;
	v54 =	vld [tilespmem:s14+$0x4A90]  }
0x2e3: {  	[tilespmem:s22+$0x4A50] =	vst v47;
	v26 =	vmul.f32 v40, v62;
	v40 =	vmul.f32 $2.000000030e-01, v6;
	s2 =	sor.u32 $0x19, s4;
	v63 =	vld [tilespmem:s14+$0x4AA0]  }
0x2e4: {  	[tilespmem:s22+$0x4A60] =	vst v2;
	v24 =	vbroadcast v11, $0x0;
	v27 =	vbroadcast v11, $0x1;
	v25 =	vld [tilespmem:s14+$0x4AB0];
	s21 =	sshll.u32 s2, $0x4  }
0x2e5: {  	s26 =	sshll.u32 s17, $0x7;
	[tilespmem:s22+$0x4A70] =	vst v4;
	v30 =	vbroadcast v11, $0x2;
	v47 =	vld [tilespmem:s21+$0x1440];
	v14 =	vpop (erf);
	(erf) = vpow2.f32 v59  }
0x2e6: {  	s17 =	sand.u32 $0x3FFFFF80, s26;
	v33 =	vbroadcast v11, $0x3;
	v32 =	vmul.f32 v27, v45;
	v45 =	vld [tilespmem:s21+$0x840];
	[tilespmem:s0+$0x8040] =	vst v14  }
0x2e7: {  	vm8 =	vgt.f32 v6, $0.0e+00;
	[tilespmem:s22+$0x4A80] =	vst v3;
	v36 =	vbroadcast v11, $0x4;
	v42 =	vbroadcast v11, $0x5;
	v31 =	vld [tilespmem:s17+$0x4A50]  }
0x2e8: {  	[tilespmem:s22+$0x4A90] =	vst v58;
	v44 =	vbroadcast v11, $0x6;
	v11 =	vbroadcast v11, $0x7;
	v6 =	vsel vm8, v6, v40;
	v28 =	vld [tilespmem:s17+$0x4A40]  }
0x2e9: {  	[tilespmem:s22+$0x4AA0] =	vst v61;
	v6 =	vmul.f32 $1.442695020e+00, v6;
	v29 =	vmul.f32 v24, v43;
	v34 =	vld [tilespmem:s17+$0x4A60]  }
0x2ea: {  	[tilespmem:s22+$0x4AB0] =	vst v26;
	v41 =	vmul.f32 v52, v36;
	v52 =	vbroadcast v14, $0x1;
	v37 =	vld [tilespmem:s17+$0x4A70]  }
0x2eb: {  	v35 =	vmul.f32 v30, v48;
	v38 =	vmul.f32 v50, v33;
	[tilespmem:s14+$0x4A40] =	vst v29;
	v39 =	vld [tilespmem:s17+$0x4A80]  }
0x2ec: {  	v46 =	vmul.f32 v54, v42;
	[tilespmem:s14+$0x4A50] =	vst v32;
	v43 =	vld [tilespmem:s17+$0x4A90];
	v58 =	vmul.f32 v52, v31  }
0x2ed: {  	v48 =	vmul.f32 v63, v44;
	v5 =	vmul.f32 v25, v11;
	[tilespmem:s14+$0x4A60] =	vst v35;
	s0 =	sor.u32 $0x1B, s4;
	v49 =	vld [tilespmem:s17+$0x4AA0]  }
0x2ee: {  	s11 =	sshll.u32 s11, $0x7;
	v50 =	vbroadcast v14, $0x0;
	v53 =	vbroadcast v14, $0x2;
	v51 =	vld [tilespmem:s17+$0x4AB0];
	s22 =	sshll.u32 s0, $0x4;
	v10 =	vpop (erf);
	[tilespmem:s17+$0x4A50] =	vst v58  }
0x2ef: {  	s19 =	sand.u32 $0x3FFFFF80, s11;
	v56 =	vbroadcast v14, $0x3;
	v8 =	vadd.f32 v47, v45;
	(erf) = vpow2.f32 v6;
	v58 =	vld [tilespmem:s22+$0x840];
	[tilespmem:s1+$0x8040] =	vst v10  }
0x2f0: {  	[tilespmem:s14+$0x4A70] =	vst v38;
	v62 =	vbroadcast v14, $0x4;
	v21 =	vbroadcast v14, $0x5;
	v54 =	vld [tilespmem:s19+$0x4A40]  }
0x2f1: {  	[tilespmem:s14+$0x4A80] =	vst v41;
	v25 =	vbroadcast v14, $0x6;
	v23 =	vmul.f32 $2.000000030e-01, v8;
	v57 =	vld [tilespmem:s19+$0x4A50]  }
0x2f2: {  	[tilespmem:s14+$0x4A90] =	vst v46;
	v55 =	vmul.f32 v50, v28;
	v59 =	vmul.f32 v53, v34;
	v60 =	vld [tilespmem:s19+$0x4A60]  }
0x2f3: {  	s11 =	sor.u32 $0x1A, s4;
	[tilespmem:s14+$0x4AA0] =	vst v48;
	vm9 =	vgt.f32 v8, $0.0e+00;
	v61 =	vmul.f32 v37, v56;
	v24 =	vmul.f32 v39, v62;
	v63 =	vld [tilespmem:s19+$0x4A70]  }
0x2f4: {  	[tilespmem:s14+$0x4AB0] =	vst v5;
	v27 =	vmul.f32 v43, v21;
	v28 =	vbroadcast v14, $0x7;
	v8 =	vsel vm9, v8, v23;
	s1 =	sshll.u32 s11, $0x4;
	v22 =	vld [tilespmem:s19+$0x4A80]  }
0x2f5: {  	v30 =	vmul.f32 v49, v25;
	v31 =	vmul.f32 $1.442695020e+00, v8;
	[tilespmem:s17+$0x4A40] =	vst v55;
	v29 =	vld [tilespmem:s1+$0x840]  }
0x2f6: {  	[tilespmem:s17+$0x4A60] =	vst v59;
	v33 =	vmul.f32 v51, v28;
	v34 =	vbroadcast v10, $0x0;
	v32 =	vld [tilespmem:s1+$0x1440]  }
0x2f7: {  	[tilespmem:s17+$0x4A70] =	vst v61;
	v36 =	vbroadcast v10, $0x1;
	v39 =	vbroadcast v10, $0x2;
	v26 =	vld [tilespmem:s19+$0x4A90]  }
0x2f8: {  	[tilespmem:s17+$0x4A80] =	vst v24;
	v42 =	vbroadcast v10, $0x3;
	v35 =	vld [tilespmem:s19+$0x4AA0];
	v15 =	vpop (erf);
	(erf) = vpow2.f32 v31  }
0x2f9: {  	s26 =	sshll.u32 s15, $0x7;
	[tilespmem:s17+$0x4A90] =	vst v27;
	v45 =	vbroadcast v10, $0x4;
	v48 =	vbroadcast v10, $0x5;
	v37 =	vld [tilespmem:s19+$0x4AB0]  }
0x2fa: {  	s14 =	sand.u32 $0x3FFFFF80, s26;
	v56 =	vbroadcast v10, $0x7;
	v44 =	vmul.f32 v39, v60;
	v60 =	vld [tilespmem:s22+$0x1440];
	[tilespmem:s18+$0x8040] =	vst v15  }
0x2fb: {  	[tilespmem:s17+$0x4AA0] =	vst v30;
	v38 =	vmul.f32 v34, v54;
	v41 =	vmul.f32 v36, v57;
	v8 =	vadd.f32 v32, v29;
	v40 =	vld [tilespmem:s14+$0x4A40]  }
0x2fc: {  	[tilespmem:s17+$0x4AB0] =	vst v33;
	v47 =	vmul.f32 v63, v42;
	v50 =	vmul.f32 v22, v45;
	v43 =	vld [tilespmem:s14+$0x4A50]  }
0x2fd: {  	v54 =	vbroadcast v10, $0x6;
	v52 =	vmul.f32 $2.000000030e-01, v8;
	[tilespmem:s19+$0x4A40] =	vst v38;
	v46 =	vld [tilespmem:s14+$0x4A60]  }
0x2fe: {  	v53 =	vmul.f32 v26, v48;
	v61 =	vmul.f32 v37, v56;
	vm10 =	vgt.f32 v8, $0.0e+00;
	[tilespmem:s19+$0x4A50] =	vst v41;
	v49 =	vld [tilespmem:s14+$0x4A70]  }
0x2ff: {  	[tilespmem:s19+$0x4A60] =	vst v44;
	v59 =	vmul.f32 v35, v54;
	v57 =	vbroadcast v15, $0x0;
	v51 =	vld [tilespmem:s14+$0x4A80];
	v8 =	vsel vm10, v8, v52  }
0x300: {  	[tilespmem:s19+$0x4A70] =	vst v47;
	v20 =	vbroadcast v15, $0x1;
	v55 =	vld [tilespmem:s14+$0x4A90];
	v8 =	vmul.f32 $1.442695020e+00, v8  }
0x301: {  	s26 =	sshll.u32 s2, $0x7;
	[tilespmem:s19+$0x4A80] =	vst v50;
	v22 =	vbroadcast v15, $0x2;
	v23 =	vbroadcast v15, $0x3;
	v63 =	vld [tilespmem:s14+$0x4AA0];
	v10 =	vpop (erf)  }
0x302: {  	s17 =	sand.u32 $0x3FFFFF80, s26;
	v26 =	vbroadcast v15, $0x4;
	v21 =	vld [tilespmem:s14+$0x4AB0];
	(erf) = vpow2.f32 v8;
	[tilespmem:s21+$0x8040] =	vst v10  }
0x303: {  	[tilespmem:s19+$0x4A90] =	vst v53;
	v33 =	vbroadcast v15, $0x5;
	v35 =	vbroadcast v15, $0x6;
	v31 =	vadd.f32 v60, v58;
	v24 =	vld [tilespmem:s17+$0x4A40]  }
0x304: {  	[tilespmem:s19+$0x4AB0] =	vst v61;
	v38 =	vbroadcast v15, $0x7;
	v62 =	vmul.f32 v57, v40;
	v27 =	vld [tilespmem:s17+$0x4A50]  }
0x305: {  	[tilespmem:s19+$0x4AA0] =	vst v59;
	v13 =	vmul.f32 $2.000000030e-01, v31;
	v25 =	vmul.f32 v20, v43;
	v30 =	vld [tilespmem:s17+$0x4A60]  }
0x306: {  	v28 =	vmul.f32 v22, v46;
	v29 =	vmul.f32 v49, v23;
	[tilespmem:s14+$0x4A40] =	vst v62;
	v34 =	vld [tilespmem:s17+$0x4A70]  }
0x307: {  	s19 =	sor.u32 $0x1C, s4;
	vm11 =	vgt.f32 v31, $0.0e+00;
	v32 =	vmul.f32 v51, v26;
	v37 =	vmul.f32 v55, v33;
	[tilespmem:s14+$0x4A50] =	vst v25;
	v36 =	vld [tilespmem:s17+$0x4A80]  }
0x308: {  	v40 =	vmul.f32 v63, v35;
	v42 =	vsel vm11, v31, v13;
	v44 =	vmul.f32 v21, v38;
	[tilespmem:s14+$0x4A60] =	vst v28;
	s21 =	sshll.u32 s19, $0x4;
	v39 =	vld [tilespmem:s17+$0x4A90]  }
0x309: {  	v45 =	vmul.f32 $1.442695020e+00, v42;
	[tilespmem:s14+$0x4A70] =	vst v29;
	v41 =	vbroadcast v10, $0x0;
	v43 =	vld [tilespmem:s21+$0x840]  }
0x30a: {  	[tilespmem:s14+$0x4A80] =	vst v32;
	v48 =	vbroadcast v10, $0x1;
	v51 =	vbroadcast v10, $0x2;
	v46 =	vld [tilespmem:s21+$0x1440]  }
0x30b: {  	s11 =	sshll.u32 s11, $0x7;
	[tilespmem:s14+$0x4A90] =	vst v37;
	v53 =	vbroadcast v10, $0x3;
	v54 =	vbroadcast v10, $0x4;
	v49 =	vld [tilespmem:s17+$0x4AA0];
	v50 =	vpop (erf)  }
0x30c: {  	s11 =	sand.u32 $0x3FFFFF80, s11;
	v61 =	vbroadcast v10, $0x5;
	v52 =	vld [tilespmem:s17+$0x4AB0];
	(erf) = vpow2.f32 v45;
	[tilespmem:s1+$0x8040] =	vst v50  }
0x30d: {  	[tilespmem:s14+$0x4AA0] =	vst v40;
	v62 =	vbroadcast v10, $0x6;
	v47 =	vmul.f32 v41, v24;
	v55 =	vld [tilespmem:s11+$0x4A40]  }
0x30e: {  	[tilespmem:s14+$0x4AB0] =	vst v44;
	v20 =	vbroadcast v10, $0x7;
	v56 =	vmul.f32 v48, v27;
	v58 =	vld [tilespmem:s11+$0x4A50]  }
0x30f: {  	v57 =	vmul.f32 v51, v30;
	v2 =	vmul.f32 v34, v53;
	[tilespmem:s17+$0x4A40] =	vst v47;
	v60 =	vld [tilespmem:s11+$0x4A60]  }
0x310: {  	v59 =	vmul.f32 v36, v54;
	v7 =	vadd.f32 v46, v43;
	v0 =	vmul.f32 v39, v61;
	[tilespmem:s17+$0x4A50] =	vst v56;
	v63 =	vld [tilespmem:s11+$0x4A70]  }
0x311: {  	s18 =	sor.u32 $0x1D, s4;
	v25 =	vmul.f32 v49, v62;
	v1 =	vmul.f32 v52, v20;
	[tilespmem:s17+$0x4A60] =	vst v57;
	v21 =	vld [tilespmem:s11+$0x4A80]  }
0x312: {  	v22 =	vmul.f32 $2.000000030e-01, v7;
	[tilespmem:s17+$0x4A70] =	vst v2;
	v23 =	vbroadcast v50, $0x0;
	s1 =	sshll.u32 s18, $0x4;
	v24 =	vld [tilespmem:s11+$0x4A90]  }
0x313: {  	vm12 =	vgt.f32 v7, $0.0e+00;
	[tilespmem:s17+$0x4A80] =	vst v59;
	v30 =	vbroadcast v50, $0x1;
	v31 =	vbroadcast v50, $0x2;
	v26 =	vld [tilespmem:s1+$0x840]  }
0x314: {  	[tilespmem:s17+$0x4A90] =	vst v0;
	v34 =	vbroadcast v50, $0x3;
	v36 =	vbroadcast v50, $0x4;
	v7 =	vsel vm12, v7, v22;
	v29 =	vld [tilespmem:s1+$0x1440]  }
0x315: {  	s14 =	sshll.u32 s0, $0x7;
	[tilespmem:s17+$0x4AA0] =	vst v25;
	v41 =	vbroadcast v50, $0x5;
	v35 =	vld [tilespmem:s11+$0x4AB0];
	v28 =	vmul.f32 $1.442695020e+00, v7;
	v33 =	vpop (erf)  }
0x316: {  	s14 =	sand.u32 $0x3FFFFF80, s14;
	v43 =	vbroadcast v50, $0x6;
	v32 =	vld [tilespmem:s11+$0x4AA0];
	v27 =	vmul.f32 v23, v55;
	[tilespmem:s22+$0x8040] =	vst v33  }
0x317: {  	[tilespmem:s17+$0x4AB0] =	vst v1;
	v0 =	vmul.f32 v30, v58;
	(erf) = vpow2.f32 v28;
	v37 =	vld [tilespmem:s14+$0x4A40]  }
0x318: {  	v44 =	vbroadcast v50, $0x7;
	v38 =	vmul.f32 v31, v60;
	[tilespmem:s11+$0x4A40] =	vst v27;
	v40 =	vld [tilespmem:s14+$0x4A50]  }
0x319: {  	v39 =	vmul.f32 v63, v34;
	v2 =	vmul.f32 v21, v36;
	v7 =	vadd.f32 v29, v26;
	[tilespmem:s11+$0x4A50] =	vst v0;
	v42 =	vld [tilespmem:s14+$0x4A60]  }
0x31a: {  	v3 =	vmul.f32 v24, v41;
	v50 =	vmul.f32 v35, v44;
	[tilespmem:s11+$0x4A60] =	vst v38;
	s22 =	sor.u32 $0x1E, s4;
	v45 =	vld [tilespmem:s14+$0x4A70]  }
0x31b: {  	v48 =	vmul.f32 $2.000000030e-01, v7;
	[tilespmem:s11+$0x4A70] =	vst v39;
	v0 =	vmul.f32 v32, v43;
	v47 =	vld [tilespmem:s14+$0x4A80];
	s26 =	sshll.u32 s22, $0x4  }
0x31c: {  	vm13 =	vgt.f32 v7, $0.0e+00;
	[tilespmem:s11+$0x4A80] =	vst v2;
	v46 =	vbroadcast v33, $0x0;
	v53 =	vbroadcast v33, $0x1;
	v49 =	vld [tilespmem:s26+$0x840]  }
0x31d: {  	[tilespmem:s11+$0x4A90] =	vst v3;
	v55 =	vbroadcast v33, $0x2;
	v56 =	vbroadcast v33, $0x3;
	v51 =	vsel vm13, v7, v48;
	v52 =	vld [tilespmem:s26+$0x1440]  }
0x31e: {  	[tilespmem:s11+$0x4AB0] =	vst v50;
	v54 =	vld [tilespmem:s14+$0x4A90];
	v5 =	vmul.f32 $1.442695020e+00, v51;
	v1 =	vmul.f32 v46, v37  }
0x31f: {  	s17 =	sor.u32 $0x1F, s4;
	v59 =	vbroadcast v33, $0x4;
	v19 =	vbroadcast v33, $0x5;
	[tilespmem:s11+$0x4AA0] =	vst v0;
	v57 =	vld [tilespmem:s14+$0x4AA0]  }
0x320: {  	s15 =	sshll.u32 s19, $0x7;
	s19 =	sshll.u32 s17, $0x4;
	v60 =	vld [tilespmem:s14+$0x4AB0];
	v61 =	vmul.f32 v53, v40;
	v58 =	vpop (erf);
	(erf) = vpow2.f32 v5;
	[tilespmem:s14+$0x4A40] =	vst v1  }
0x321: {  	s15 =	sand.u32 $0x3FFFFF80, s15;
	v27 =	vld [tilespmem:s19+$0x840];
	v20 =	vbroadcast v33, $0x6;
	v0 =	vmul.f32 v55, v42;
	[tilespmem:s21+$0x8040] =	vst v58  }
0x322: {  	v22 =	vbroadcast v33, $0x7;
	v63 =	vmul.f32 v45, v56;
	v4 =	vadd.f32 v52, v49;
	[tilespmem:s14+$0x4A50] =	vst v61;
	v62 =	vld [tilespmem:s15+$0x4A40]  }
0x323: {  	v28 =	vld [tilespmem:s19+$0x1440];
	v17 =	vmul.f32 v47, v59;
	v25 =	vmul.f32 v54, v19;
	[tilespmem:s14+$0x4A60] =	vst v0  }
0x324: {  	v6 =	vmul.f32 v57, v20;
	[tilespmem:s14+$0x4A70] =	vst v63;
	v24 =	vmul.f32 $2.000000030e-01, v4;
	v18 =	vld [tilespmem:s15+$0x4A50]  }
0x325: {  	[tilespmem:s14+$0x4A80] =	vst v17;
	v0 =	vmul.f32 v60, v22;
	v26 =	vbroadcast v58, $0x0;
	vm14 =	vgt.f32 v4, $0.0e+00;
	v21 =	vld [tilespmem:s15+$0x4A60]  }
0x326: {  	[tilespmem:s14+$0x4A90] =	vst v25;
	v32 =	vbroadcast v58, $0x1;
	v33 =	vbroadcast v58, $0x2;
	v23 =	vld [tilespmem:s15+$0x4A70];
	v4 =	vsel vm14, v4, v24  }
0x327: {  	[tilespmem:s14+$0x4AA0] =	vst v6;
	v30 =	vld [tilespmem:s15+$0x4A80];
	v31 =	vmul.f32 $1.442695020e+00, v4;
	v29 =	vmul.f32 v26, v62  }
0x328: {  	v34 =	vbroadcast v58, $0x3;
	v38 =	vbroadcast v58, $0x4;
	[tilespmem:s14+$0x4AB0] =	vst v0;
	v35 =	vld [tilespmem:s15+$0x4A90]  }
0x329: {  	s21 =	sshll.u32 s18, $0x7;
	v39 =	vld [tilespmem:s15+$0x4AA0];
	v37 =	vmul.f32 v32, v18;
	v36 =	vpop (erf);
	(erf) = vpow2.f32 v31;
	[tilespmem:s15+$0x4A40] =	vst v29  }
0x32a: {  	v5 =	vadd.f32 v28, v27;
	v42 =	vbroadcast v58, $0x5;
	v41 =	vld [tilespmem:s15+$0x4AB0];
	v40 =	vmul.f32 v33, v21;
	[tilespmem:s1+$0x8040] =	vst v36;
	s1 =	sand.u32 $0x3FFFFF80, s21  }
0x32b: {  	v44 =	vbroadcast v58, $0x6;
	v0 =	vmul.f32 v23, v34;
	[tilespmem:s15+$0x4A50] =	vst v37;
	v43 =	vld [tilespmem:s1+$0x4A40]  }
0x32c: {  	v7 =	vmul.f32 $2.000000030e-01, v5;
	v2 =	vmul.f32 v30, v38;
	[tilespmem:s15+$0x4A60] =	vst v40  }
0x32d: {  	v46 =	vbroadcast v58, $0x7;
	vm15 =	vgt.f32 v5, $0.0e+00;
	v45 =	vmul.f32 v35, v42;
	[tilespmem:s15+$0x4A70] =	vst v0;
	v47 =	vld [tilespmem:s1+$0x4A50]  }
0x32e: {  	v5 =	vsel vm15, v5, v7;
	v1 =	vmul.f32 v39, v44;
	[tilespmem:s15+$0x4A80] =	vst v2;
	v48 =	vbroadcast v36, $0x0;
	v49 =	vld [tilespmem:s1+$0x4A60]  }
0x32f: {  	v5 =	vmul.f32 $1.442695020e+00, v5;
	v50 =	vmul.f32 v41, v46;
	[tilespmem:s15+$0x4A90] =	vst v45;
	v51 =	vld [tilespmem:s1+$0x4A70]  }
0x330: {  	[tilespmem:s15+$0x4AA0] =	vst v1;
	v53 =	vbroadcast v36, $0x1;
	v54 =	vld [tilespmem:s1+$0x4A80];
	v52 =	vmul.f32 v48, v43  }
0x331: {  	[tilespmem:s15+$0x4AB0] =	vst v50;
	v55 =	vbroadcast v36, $0x2;
	v58 =	vbroadcast v36, $0x3;
	v56 =	vld [tilespmem:s1+$0x4A90]  }
0x332: {  	s22 =	sshll.u32 s22, $0x7;
	v59 =	vld [tilespmem:s1+$0x4AA0];
	v2 =	vmul.f32 v53, v47;
	v57 =	vpop (erf);
	(erf) = vpow2.f32 v5;
	[tilespmem:s1+$0x4A40] =	vst v52  }
0x333: {  	s2 =	sand.u32 $0x3FFFFF80, s22;
	v60 =	vbroadcast v36, $0x4;
	v61 =	vld [tilespmem:s1+$0x4AB0];
	v0 =	vmul.f32 v55, v49;
	[tilespmem:s26+$0x8040] =	vst v57  }
0x334: {  	v63 =	vbroadcast v36, $0x5;
	v62 =	vmul.f32 v51, v58;
	[tilespmem:s1+$0x4A50] =	vst v2;
	v13 =	vld [tilespmem:s2+$0x4A40]  }
0x335: {  	v11 =	vbroadcast v36, $0x6;
	v10 =	vmul.f32 v54, v60;
	[tilespmem:s1+$0x4A60] =	vst v0  }
0x336: {  	v15 =	vbroadcast v36, $0x7;
	v14 =	vmul.f32 v56, v63;
	[tilespmem:s1+$0x4A70] =	vst v62;
	v16 =	vld [tilespmem:s2+$0x4A50]  }
0x337: {  	v17 =	vmul.f32 v59, v11;
	[tilespmem:s1+$0x4A80] =	vst v10;
	v20 =	vbroadcast v57, $0x0;
	v18 =	vld [tilespmem:s2+$0x4A60]  }
0x338: {  	v19 =	vmul.f32 v61, v15;
	[tilespmem:s1+$0x4A90] =	vst v14;
	v21 =	vld [tilespmem:s2+$0x4A70]  }
0x339: {  	[tilespmem:s1+$0x4AA0] =	vst v17;
	v22 =	vbroadcast v57, $0x1;
	v23 =	vld [tilespmem:s2+$0x4A80];
	v24 =	vmul.f32 v20, v13  }
0x33a: {  	[tilespmem:s1+$0x4AB0] =	vst v19;
	v25 =	vbroadcast v57, $0x2;
	v26 =	vld [tilespmem:s2+$0x4A90]  }
0x33b: {  	s0 =	sshll.u32 s17, $0x7;
	v28 =	vbroadcast v57, $0x3;
	v29 =	vld [tilespmem:s2+$0x4AA0];
	v0 =	vmul.f32 v22, v16;
	v27 =	vpop (erf);
	[tilespmem:s2+$0x4A40] =	vst v24  }
0x33c: {  	s0 =	sand.u32 $0x3FFFFF80, s0;
	v30 =	vbroadcast v57, $0x4;
	v31 =	vld [tilespmem:s2+$0x4AB0];
	v1 =	vmul.f32 v25, v18;
	[tilespmem:s19+$0x8040] =	vst v27  }
0x33d: {  	v33 =	vbroadcast v57, $0x5;
	v32 =	vmul.f32 v21, v28;
	[tilespmem:s2+$0x4A50] =	vst v0;
	v34 =	vld [tilespmem:s0+$0x4A40]  }
0x33e: {  	v36 =	vbroadcast v57, $0x6;
	v35 =	vmul.f32 v23, v30;
	[tilespmem:s2+$0x4A60] =	vst v1;
	v37 =	vld [tilespmem:s0+$0x4A50]  }
0x33f: {  	v39 =	vbroadcast v57, $0x7;
	v38 =	vmul.f32 v26, v33;
	[tilespmem:s2+$0x4A70] =	vst v32;
	v40 =	vld [tilespmem:s0+$0x4A60]  }
0x340: {  	v41 =	vmul.f32 v29, v36;
	[tilespmem:s2+$0x4A80] =	vst v35;
	v42 =	vbroadcast v27, $0x0;
	v43 =	vld [tilespmem:s0+$0x4A70]  }
0x341: {  	v44 =	vmul.f32 v31, v39;
	[tilespmem:s2+$0x4A90] =	vst v38;
	v45 =	vbroadcast v27, $0x1;
	v46 =	vld [tilespmem:s0+$0x4A80]  }
0x342: {  	[tilespmem:s2+$0x4AA0] =	vst v41;
	v48 =	vbroadcast v27, $0x2;
	v49 =	vld [tilespmem:s0+$0x4A90];
	v47 =	vmul.f32 v42, v34  }
0x343: {  	[tilespmem:s2+$0x4AB0] =	vst v44;
	v51 =	vbroadcast v27, $0x3;
	v52 =	vld [tilespmem:s0+$0x4AA0];
	v50 =	vmul.f32 v45, v37  }
0x344: {  	v54 =	vbroadcast v27, $0x4;
	v55 =	vld [tilespmem:s0+$0x4AB0];
	v53 =	vmul.f32 v48, v40;
	[tilespmem:s0+$0x4A40] =	vst v47  }
0x345: {  	v57 =	vbroadcast v27, $0x5;
	v56 =	vmul.f32 v43, v51;
	[tilespmem:s0+$0x4A50] =	vst v50  }
0x346: {  	p0 =	slt.u32 s4, $0x40;
	v59 =	vbroadcast v27, $0x6;
	v58 =	vmul.f32 v46, v54;
	[tilespmem:s0+$0x4A60] =	vst v53  }
.Ltmp1:
0x347: {  	v61 =	vbroadcast v27, $0x7;
	v60 =	vmul.f32 v49, v57;
	[tilespmem:s0+$0x4A70] =	vst v56;
	(pc) =	sbr.rel @p0 .LBB2_5-.Ltmp1, $4  }
0x348: {  	v62 =	vmul.f32 v52, v59;
	[tilespmem:s0+$0x4A80] =	vst v58  }
0x349: {  	v63 =	vmul.f32 v55, v61;
	[tilespmem:s0+$0x4A90] =	vst v60  }
0x34a: {  	s26 =	sadd.s32 $0x20, s4;
	[tilespmem:s0+$0x4AA0] =	vst v62  }
0x34b: {  	s4 =	smov.u32 s26;
	[tilespmem:s0+$0x4AB0] =	vst v63  }
0x34c: {  	[spmem:s28] =	stream.indirect.scatter.add.f32 [tilespmem:s12], [sflag:$0x5], $0x80, s3, s29, $0xb8;
	[tilespmem:$0x1E9C0] =	vst v63  }
0x34d: {  	s23 =	sadd.s32 $0x1, s23;
	_ =	swait.ge [sflag:s24], $0x3000  }
0x34e: {  	p0 =	sne.s32 s23, $0x36;
	[sflag:s24] =	ssyncset.done $0x0  }
.Ltmp2:
0x34f: {  	s0 =	simm.s32 $0x8040;
	[sflag:s24] =	ssyncadd.s32 $0xFFFFD000;
	(pc) =	sbr.rel @p0 .LBB2_2-.Ltmp2, $4  }
0x350: {  	[spmem:s20] =	stream.indirect.scatter.add.f32 [tilespmem:s0], [sflag:$0x5], $0x10, s3, s29, $0xb8;
	[tilespmem:$0x1E9C0] =	vst v63  }
0x351: {  	_ =	swait.ge [sflag:s24], $0x600  }
0x352: {  	[sflag:s24] =	ssyncset.done $0x0  }
0x353: {  	[sflag:s24] =	ssyncadd.s32 $0xFFFFFA00  }
0x354: {  	[bflag:$0x0] =	sbarrier.arrive $0xFFFF  }
0x355: {  	s15 =	rddreg [dreg:$0x8]  }
0x356: {  	s0 =	rddreg [dreg:$0xf]  }
0x357: {  	s1 =	rddreg [dreg:$0x13]  }
0x358: {  	[hbm:s0], [sflag:s15] =	dma.local [spmem:s1], $0x2780  }
0x359: {  	_ =	swait.ge [sflag:s24], $0x2780  }
0x35a: {  	[sflag:s24] =	ssyncset.done $0x0;
	s21 =	rddreg [dreg:$0x10]  }
0x35b: {  	s22 =	rddreg [dreg:$0x14];
	[sflag:s24] =	ssyncadd.s32 $0xFFFFD880  }
0x35c: {  	[hbm:s21], [sflag:s15] =	dma.local [spmem:s22], $0x4F0  }
0x35d: {  	_ =	swait.ge [sflag:s24], $0x4F0  }
0x35e: {  	s23 =	rddreg [dreg:$0x12]  }
0x35f: {  	s26 =	rddreg [dreg:$0x11];
	s1 =	sadd.s32 $0x1, s23  }
0x360: {  	p0 =	sne.s32 s1, s26  }
.Ltmp3:
0x361: {  	_ = 	snop;
	(pc) =	sbr.rel @p0 .LBB2_1-.Ltmp3, $3  }
0x362: {  	_ =	sdelay $0x1  }
0x363: {  	[sflag:s24] =	ssyncset.done $0x0  }
0x364: {  	[sflag:s24] =	ssyncadd.s32 $0xFFFFFB10  }
0x365: {  	_ =	sfence.sel $0x180000  }
0x366: {  	[bflag:$0x0] =	sbarrier.arrive $0xFFFF  }
0x367: {  	_ =	strace $0x90000047  }
0x368: {  	s0 =	stileid.u32;
	[bflag:$0x2] =	sbarrier.arrive $0xFFFF  }
0x369: {  	p0 =	sne.s32 s0, $0x0;
	s0 =	rddreg [dreg:$0x4]  }
0x36a: {  	s0 =	sadd.s32 @!p0 $0x100000, s0  }
0x36b: {  	[sflag:s0] =	ssyncadd.tile.s32 @!p0 $0x1;
	_ =	shalt  }
.Lfunc_end2:
_tile_overlayer_lowered:
.L_overlay_start_2:
0x36c: {  	(tag) =	ssettag $0x2  }
0x36d: {  	s0 =	rddreg [dreg:$0x0];
	s2 =	stileid.u32  }
0x36e: {  	s1 =	rddreg [dreg:$0x1];
	p0 =	sne.s32 s2, $0x0  }
0x36f: {  	s3 =	rddreg [dreg:$0x2];
	[bflag:$0x3] =	sbarrier.arrive $0xFFFF;
	s2 =	simm.s32 @!p0 $0x1C05  }
0x370: {  	[timem:s3], [sflag:s2] =	dma.local @!p0 [hbm:s0], s1  }
0x371: {  	s0 =	simm.s32 @!p0 $0x5  }
0x372: {  	_ =	swait.ge @!p0 [sflag:s0], s1  }
0x373: {  	s1 =	ssub.s32 @!p0 $0x0, s1;
	[sflag:s0] =	ssyncset.done @!p0 $0x0  }
0x374: {  	[sflag:s0] =	ssyncadd.s32 @!p0 s1  }
0x375: {  	[bflag:$0x3] =	sbarrier.arrive $0xFFFF  }
0x376: {  	_ =	shalt  }

</sc_bundles>
